<compile_context>
chip_gen: v7x
topology: tpu7x:2x2x1
jax: 0.10.2.dev20260603
libtpu: 0.0.44.dev20260713+nightly
codegen_flags: <defaults>
</compile_context>

<pallas_src>
import functools

import jax
import jax.numpy as jnp
from jax import lax
from jax.experimental import pallas as pl
from jax.experimental.pallas import tpu as pltpu
from jax.experimental.pallas import tpu_sc as plsc

N = 10000
E = 320000
D = 128

NC = 2
NS = 16
NW = NC * NS
EW = E // NW
CHUNK = 80
NCHUNK = 125
EWP = NCHUNK * CHUNK
NPAD = 10240
ROWS_PER_TILE = NPAD // NS
NZ = ROWS_PER_TILE // CHUNK
DEG_LANES = 16

_SC_MESH = dict(core_axis_name="c", subcore_axis_name="s")


def _fill_identity(ridx_v, s):
    for z in range(NZ):
        for q in range(CHUNK // 16):
            base = s * ROWS_PER_TILE + z * CHUNK + q * 16
            ridx_v[z, pl.ds(q * 16, 16)] = base + lax.iota(jnp.int32, 16)


@functools.partial(
    pl.kernel,
    out_type=jax.ShapeDtypeStruct((NC, NPAD, DEG_LANES), jnp.float32),
    mesh=plsc.VectorSubcoreMesh(**_SC_MESH),
    scratch_types=[
        pltpu.VMEM((NCHUNK, CHUNK), jnp.int32),
        pltpu.VMEM((CHUNK, DEG_LANES), jnp.float32),
        pltpu.VMEM((NZ, CHUNK), jnp.int32),
        pltpu.VMEM((CHUNK, DEG_LANES), jnp.float32),
        pltpu.VMEM_SHARED((NPAD, DEG_LANES), jnp.float32),
    ],
)
def _sc_degree(row_hbm, out_hbm, idx_v, ones_v, ridx_v, stage_v, acc_sh):
    c = lax.axis_index("c")
    s = lax.axis_index("s")

    def fill_ones(i, carry):
        ones_v[i] = jnp.ones((DEG_LANES,), jnp.float32)
        return carry

    lax.fori_loop(0, CHUNK, fill_ones, 0)

    def fill_stage(i, carry):
        stage_v[i] = jnp.zeros((DEG_LANES,), jnp.float32)
        return carry

    lax.fori_loop(0, CHUNK, fill_stage, 0)
    _fill_identity(ridx_v, s)

    pltpu.sync_copy(row_hbm.at[c, s], idx_v)

    for z in range(NZ):
        pltpu.sync_copy(stage_v, acc_sh.at[ridx_v.at[z]])
    plsc.subcore_barrier()

    def body(j, carry):
        pltpu.sync_copy(ones_v, acc_sh.at[idx_v.at[j]], add=True)
        return carry

    lax.fori_loop(0, NCHUNK, body, 0)
    plsc.subcore_barrier()

    for z in range(NZ):
        pltpu.sync_copy(acc_sh.at[ridx_v.at[z]], stage_v)
        pltpu.sync_copy(
            stage_v,
            out_hbm.at[c, pl.ds(s * ROWS_PER_TILE + z * CHUNK, CHUNK)])


@functools.partial(
    pl.kernel,
    out_type=jax.ShapeDtypeStruct((NC, NPAD, D), jnp.float32),
    mesh=plsc.VectorSubcoreMesh(**_SC_MESH),
    scratch_types=[
        pltpu.VMEM((NCHUNK, CHUNK), jnp.int32),
        pltpu.VMEM((NCHUNK, CHUNK), jnp.int32),
        pltpu.VMEM((CHUNK, D), jnp.float32),
        pltpu.VMEM((NZ, CHUNK), jnp.int32),
        pltpu.VMEM_SHARED((NPAD, D), jnp.float32),
        pltpu.SemaphoreType.DMA,
    ],
)
def _sc_scatter(u_hbm, row_hbm, col_hbm, out_hbm,
                row_v, col_v, buf_a, ridx_v, acc_sh, gsem_a):
    c = lax.axis_index("c")
    s = lax.axis_index("s")

    def fill_zeros(i, carry):
        r = i // (D // 16)
        k = i % (D // 16)
        buf_a[r, pl.ds(k * 16, 16)] = jnp.zeros((16,), jnp.float32)
        return carry

    lax.fori_loop(0, CHUNK * (D // 16), fill_zeros, 0)
    _fill_identity(ridx_v, s)

    pltpu.sync_copy(row_hbm.at[c, s], row_v)
    pltpu.sync_copy(col_hbm.at[c, s], col_v)

    for z in range(NZ):
        pltpu.sync_copy(buf_a, acc_sh.at[ridx_v.at[z]])
    plsc.subcore_barrier()

    def body(j, carry):
        pltpu.async_copy(u_hbm.at[row_v.at[j]], buf_a, gsem_a).wait()
        pltpu.sync_copy(buf_a, acc_sh.at[col_v.at[j]], add=True)
        return carry

    lax.fori_loop(0, NCHUNK, body, 0)

    plsc.subcore_barrier()
    for z in range(NZ):
        base = s * ROWS_PER_TILE + z * CHUNK
        pltpu.sync_copy(acc_sh.at[ridx_v.at[z]], buf_a)
        pltpu.sync_copy(buf_a, out_hbm.at[c, pl.ds(base, CHUNK)])


BLK = 1000


def _dis_from_deg(deg_ref):
    deg = deg_ref[0, :, 0:1] + deg_ref[1, :, 0:1] + 1.0
    return lax.rsqrt(deg)


def _tc_encoder_body(x_ref, deg_ref, w1_ref, b1_ref, w2_ref, b2_ref,
                     wc1_ref, bc1_ref, u1_ref, hl1_ref):
    t = jnp.maximum(jnp.dot(x_ref[...], w1_ref[...],
                            preferred_element_type=jnp.float32) + b1_ref[...], 0.0)
    h = jnp.dot(t, w2_ref[...], preferred_element_type=jnp.float32) + b2_ref[...]
    hl1 = jnp.dot(h, wc1_ref[...], preferred_element_type=jnp.float32) + bc1_ref[...]
    dis = _dis_from_deg(deg_ref)
    hl1_ref[...] = hl1
    u1_ref[...] = dis * hl1


def _tc_mid_body(sp_ref, deg_ref, hl1_ref, wc2_ref, bc2_ref, u2_ref, hl2_ref):
    dis = _dis_from_deg(deg_ref)
    ssum = sp_ref[0] + sp_ref[1]
    out1 = jnp.maximum(dis * ssum + dis * dis * hl1_ref[...], 0.0)
    hl2 = jnp.dot(out1, wc2_ref[...], preferred_element_type=jnp.float32) + bc2_ref[...]
    hl2_ref[...] = hl2
    u2_ref[...] = dis * hl2


def _tc_final_body(sp_ref, deg_ref, hl2_ref, ao1_ref, gsum_ref, ns_ref):
    dis = _dis_from_deg(deg_ref)
    ssum = sp_ref[0] + sp_ref[1]
    out2 = jnp.maximum(dis * ssum + dis * dis * hl2_ref[...], 0.0)

    @pl.when(pl.program_id(0) == 0)
    def _():
        gsum_ref[...] = jnp.zeros_like(gsum_ref)

    gsum_ref[...] += jnp.sum(out2, axis=0, keepdims=True)
    ns_ref[...] = jnp.dot(out2, ao1_ref[...], preferred_element_type=jnp.float32)


def _tc_heads_body(gsum_ref, ns_ref, gew_ref, geb_ref, ao1_ref, ao2_ref,
                   aob_ref, vow_ref, vob_ref,
                   scores_ref, end_ref, sv_ref):
    g = gsum_ref[...] * (1.0 / N)
    g2 = jnp.maximum(jnp.dot(g, gew_ref[...],
                             preferred_element_type=jnp.float32) + geb_ref[...], 0.0)
    c2s = jnp.dot(g2, ao2_ref[...], preferred_element_type=jnp.float32) + aob_ref[...]
    end_ref[...] = jnp.dot(g2, ao1_ref[...], preferred_element_type=jnp.float32) + c2s
    sv_ref[...] = jnp.dot(g2, vow_ref[...], preferred_element_type=jnp.float32) + vob_ref[...]
    scores_ref[...] = ns_ref[...] + c2s


def _full_spec(shape):
    return pl.BlockSpec(shape, lambda i, _s=len(shape): (0,) * _s)


_ROW_SPEC = pl.BlockSpec((BLK, D), lambda i: (i, 0))
_DEG_SPEC = pl.BlockSpec((NC, BLK, DEG_LANES), lambda i: (0, i, 0))
_SP_SPEC = pl.BlockSpec((NC, BLK, D), lambda i: (0, i, 0))
_W_SPEC = _full_spec((D, D))
_B_SPEC = _full_spec((1, D))


def _pad_edges(arr, fill):
    a = arr.reshape(NC, NS, EW)
    a = jnp.pad(a, ((0, 0), (0, 0), (0, EWP - EW)), constant_values=fill)
    return a.reshape(NC, NS, NCHUNK, CHUNK)


def kernel(x, edge_index, ne1_W, ne1_b, ne2_W, ne2_b, c1_W, c1_b, c2_W, c2_b,
           ge_W, ge_b, ao_W, ao_b, vo_W, vo_b):
    f32 = jnp.float32
    row_deg = _pad_edges(edge_index[0], NPAD - 1)
    row_sc = _pad_edges(edge_index[0], 0)
    col_sc = _pad_edges(edge_index[1], NPAD - 1)

    w1t, w2t, wc1t, wc2t, gewt = (w.T for w in (ne1_W, ne2_W, c1_W, c2_W, ge_W))
    b1, b2, bc1, bc2, geb = (b.reshape(1, D) for b in (ne1_b, ne2_b, c1_b, c2_b, ge_b))
    ao1t = ao_W[:, :D].T
    ao2t = ao_W[:, D:].T
    aob = ao_b.reshape(1, 1)
    vowt = vo_W.T
    vob = vo_b.reshape(1, 1)

    degp = _sc_degree(row_deg)

    grid = N // BLK
    u1, hl1 = pl.pallas_call(
        _tc_encoder_body,
        grid=(grid,),
        in_specs=[_ROW_SPEC, _DEG_SPEC] + [_W_SPEC, _B_SPEC] * 3,
        out_specs=[_ROW_SPEC, _ROW_SPEC],
        out_shape=[jax.ShapeDtypeStruct((N, D), f32)] * 2,
    )(x, degp, w1t, b1, w2t, b2, wc1t, bc1)

    s1p = _sc_scatter(u1, row_sc, col_sc)

    u2, hl2 = pl.pallas_call(
        _tc_mid_body,
        grid=(grid,),
        in_specs=[_SP_SPEC, _DEG_SPEC, _ROW_SPEC, _W_SPEC, _B_SPEC],
        out_specs=[_ROW_SPEC, _ROW_SPEC],
        out_shape=[jax.ShapeDtypeStruct((N, D), f32)] * 2,
    )(s1p, degp, hl1, wc2t, bc2)

    s2p = _sc_scatter(u2, row_sc, col_sc)

    gsum, ns = pl.pallas_call(
        _tc_final_body,
        grid=(grid,),
        in_specs=[_SP_SPEC, _DEG_SPEC, _ROW_SPEC, _full_spec((D, 1))],
        out_specs=[pl.BlockSpec((1, D), lambda i: (0, 0)),
                   pl.BlockSpec((BLK, 1), lambda i: (i, 0))],
        out_shape=[jax.ShapeDtypeStruct((1, D), f32),
                   jax.ShapeDtypeStruct((N, 1), f32)],
    )(s2p, degp, hl2, ao1t)

    scores, end, sv = pl.pallas_call(
        _tc_heads_body,
        grid=(1,),
        in_specs=[_full_spec((1, D)), _full_spec((N, 1)), _full_spec((D, D)),
                  _full_spec((1, D)), _full_spec((D, 1)), _full_spec((D, 1)),
                  _full_spec((1, 1)), _full_spec((D, 1)), _full_spec((1, 1))],
        out_specs=[_full_spec((N, 1)), _full_spec((1, 1)), _full_spec((1, 1))],
        out_shape=[jax.ShapeDtypeStruct((N, 1), f32),
                   jax.ShapeDtypeStruct((1, 1), f32),
                   jax.ShapeDtypeStruct((1, 1), f32)],
    )(gsum, ns, gewt, geb, ao1t, ao2t, aob, vowt, vob)

    action_scores = jnp.concatenate([scores.reshape(-1), end.reshape(-1)])
    return (action_scores, sv)

# --- scband reference (transcript-rebuilt; emitter-appended) ---
"""Pipeline reference for scband-policy-network-32255204393673 (READ-ONLY COPY).

The authoritative reference and input builder live on the scoring server;
editing this copy changes nothing except your own understanding.
"""

import jax, jax.numpy as jnp
import numpy as np

N = 10000
E = 320000
D = 128
H = 128


def _linear_params(key, out_dim, in_dim):
    k1, k2 = jax.random.split(key)
    bound = 1.0 / np.sqrt(in_dim)
    W = jax.random.uniform(k1, (out_dim, in_dim), minval=-bound, maxval=bound, dtype=jnp.float32)
    b = jax.random.uniform(k2, (out_dim,), minval=-bound, maxval=bound, dtype=jnp.float32)
    return W, b


def setup_inputs(seed: int = 0):
    key = jax.random.key(seed)
    ks = jax.random.split(key, 12)
    x = jax.random.normal(ks[0], (N, D), dtype=jnp.float32)
    edge_index = jax.random.randint(ks[1], (2, E), 0, N)
    ne1_W, ne1_b = _linear_params(ks[2], H, D)
    ne2_W, ne2_b = _linear_params(ks[3], H, H)
    c1_W, c1_b = _linear_params(ks[4], H, H)
    c2_W, c2_b = _linear_params(ks[5], H, H)
    ge_W, ge_b = _linear_params(ks[6], H, H)
    ao_W, ao_b = _linear_params(ks[7], 1, 2 * H)
    vo_W, vo_b = _linear_params(ks[8], 1, H)
    return {"x": x, "edge_index": edge_index, "ne1_W": ne1_W, "ne1_b": ne1_b, "ne2_W": ne2_W, "ne2_b": ne2_b, "c1_W": c1_W, "c1_b": c1_b, "c2_W": c2_W, "c2_b": c2_b, "ge_W": ge_W, "ge_b": ge_b, "ao_W": ao_W, "ao_b": ao_b, "vo_W": vo_W, "vo_b": vo_b}


def _gcn_conv(h, edge_index, W, b):
    n = h.shape[0]
    loops = jnp.arange(n, dtype=edge_index.dtype)
    ei = jnp.concatenate([edge_index, jnp.stack([loops, loops])], axis=1)
    h = h @ W.T + b
    row, col = ei[0], ei[1]
    deg = jnp.zeros((n,), h.dtype).at[row].add(1.0)
    deg_inv_sqrt = jnp.where(deg > 0, deg ** -0.5, 0.0)
    norm = deg_inv_sqrt[row] * deg_inv_sqrt[col]
    msg = norm[:, None] * h[row]
    return jnp.zeros_like(h).at[col].add(msg)


def reference(x, edge_index, ne1_W, ne1_b, ne2_W, ne2_b, c1_W, c1_b, c2_W, c2_b, ge_W, ge_b, ao_W, ao_b, vo_W, vo_b):
    h = jax.nn.relu(x @ ne1_W.T + ne1_b) @ ne2_W.T + ne2_b
    h = jax.nn.relu(_gcn_conv(h, edge_index, c1_W, c1_b))
    h = jax.nn.relu(_gcn_conv(h, edge_index, c2_W, c2_b))
    g = jnp.mean(h, axis=0)
    g = jax.nn.relu(g @ ge_W.T + ge_b)
    combined = jnp.concatenate([h, jnp.broadcast_to(g, (h.shape[0], g.shape[0]))], axis=-1)
    node_scores = (combined @ ao_W.T + ao_b).reshape(-1)
    end_score = (jnp.concatenate([g, g]) @ ao_W.T + ao_b).reshape(-1)
    action_scores = jnp.concatenate([node_scores, end_score])
    state_value = g[None, :] @ vo_W.T + vo_b
    return (action_scores, state_value)

if __name__ == "__main__":
    import jax
    _d = setup_inputs()
    print(jax.jit(kernel)(*tuple(_d.values())))

</pallas_src>

<mosaic_0001>
#map = affine_map<(d0, d1) -> (0, 0, 0, 0)>
#map1 = affine_map<(d0, d1) -> (0, 0, 0)>
module attributes {stable_mosaic.version = 14 : i64} {
  func.func @_sc_degree(%arg0: i32, %arg1: i32, %arg2: memref<2x16x125x80xi32, #tpu.memory_space<hbm>>, %arg3: memref<2x10240x16xf32, #tpu.memory_space<hbm>>, %arg4: memref<125x80xi32, #tpu.memory_space<vmem>>, %arg5: memref<80x16xf32, #tpu.memory_space<vmem>>, %arg6: memref<8x80xi32, #tpu.memory_space<vmem>>, %arg7: memref<80x16xf32, #tpu.memory_space<vmem>>, %arg8: memref<10240x16xf32, #tpu.memory_space<vmem_shared>>) attributes {dimension_semantics = [#tpu.dimension_semantics<core_parallel>, #tpu.dimension_semantics<subcore_parallel>], iteration_bounds = array<i64: 2, 16>, scalar_prefetch = 0 : i64, scratch_operands = 5 : i64, tpu.core_type = #tpu.core_type<sc_vector_subcore>, window_params = [{transform_indices = #map}, {transform_indices = #map1}]} {
    %scan3A = arith.constant 0 : i32
    %scan3A_0 = arith.constant 0 : i32
    %scan3A_1 = arith.constant 80 : i32
    %scan3A_2 = arith.addi %scan3A_0, %scan3A_1 : i32
    %scan3A_3 = arith.constant 1 : i32
    scf.for %scan3A_661 = %scan3A_0 to %scan3A_2 step %scan3A_3  : i32 {
      %broadcast_in_dim3A = arith.constant 1.000000e+00 : f32
      %broadcast_in_dim3A_662 = vector.broadcast %broadcast_in_dim3A : f32 to vector<16xf32>
      %swap3A_663 = arith.index_cast %scan3A_661 : i32 to index
      %swap3A_664 = arith.constant 0 : index
      %swap3A_665 = tpu.vector_load %arg5[%swap3A_663, %swap3A_664] {strides = array<i32>} : memref<80x16xf32, #tpu.memory_space<vmem>>, vector<1x16xf32>,
      %swap3A_666 = vector.shape_cast %swap3A_665 : vector<1x16xf32> to vector<16xf32>
      %swap3A_667 = vector.shape_cast %broadcast_in_dim3A_662 : vector<16xf32> to vector<1x16xf32>
      tpu.vector_store %arg5[%swap3A_663, %swap3A_664], %swap3A_667 {strides = array<i32>} : memref<80x16xf32, #tpu.memory_space<vmem>>, vector<1x16xf32>,
    }
    %scan3A_4 = arith.constant 80 : i32
    %scan3A_5 = arith.constant 0 : i32
    %scan3A_6 = arith.constant 0 : i32
    %scan3A_7 = arith.constant 80 : i32
    %scan3A_8 = arith.addi %scan3A_6, %scan3A_7 : i32
    %scan3A_9 = arith.constant 1 : i32
    scf.for %scan3A_661 = %scan3A_6 to %scan3A_8 step %scan3A_9  : i32 {
      %broadcast_in_dim3A = arith.constant 0.000000e+00 : f32
      %broadcast_in_dim3A_662 = vector.broadcast %broadcast_in_dim3A : f32 to vector<16xf32>
      %swap3A_663 = arith.index_cast %scan3A_661 : i32 to index
      %swap3A_664 = arith.constant 0 : index
      %swap3A_665 = tpu.vector_load %arg7[%swap3A_663, %swap3A_664] {strides = array<i32>} : memref<80x16xf32, #tpu.memory_space<vmem>>, vector<1x16xf32>,
      %swap3A_666 = vector.shape_cast %swap3A_665 : vector<1x16xf32> to vector<16xf32>
      %swap3A_667 = vector.shape_cast %broadcast_in_dim3A_662 : vector<16xf32> to vector<1x16xf32>
      tpu.vector_store %arg7[%swap3A_663, %swap3A_664], %swap3A_667 {strides = array<i32>} : memref<80x16xf32, #tpu.memory_space<vmem>>, vector<1x16xf32>,
    }
    %scan3A_10 = arith.constant 80 : i32
    %mul3A = arith.constant 640 : i32
    %mul3A_11 = arith.muli %arg1, %mul3A : i32
    %add3A = arith.constant 0 : i32
    %add3A_12 = arith.addi %mul3A_11, %add3A : i32
    %add3A_13 = arith.constant 0 : i32
    %add3A_14 = arith.addi %add3A_12, %add3A_13 : i32
    %iota3A = tpu.iota {dimensions = array<i32: 0>} : vector<16xi32>
    %add3A_15 = vector.broadcast %add3A_14 : i32 to vector<16xi32>
    %add3A_16 = arith.addi %add3A_15, %iota3A : vector<16xi32>
    %swap3A = arith.constant 0 : i32
    %swap3A_17 = arith.index_cast %swap3A : i32 to index
    %swap3A_18 = arith.constant 0 : index
    %swap3A_19 = tpu.vector_load %arg6[%swap3A_17, %swap3A_18] {strides = array<i32>} : memref<8x80xi32, #tpu.memory_space<vmem>>, vector<1x16xi32>,
    %swap3A_20 = vector.shape_cast %swap3A_19 : vector<1x16xi32> to vector<16xi32>
    %swap3A_21 = vector.shape_cast %add3A_16 : vector<16xi32> to vector<1x16xi32>
    tpu.vector_store %arg6[%swap3A_17, %swap3A_18], %swap3A_21 {strides = array<i32>} : memref<8x80xi32, #tpu.memory_space<vmem>>, vector<1x16xi32>,
    %mul3A_22 = arith.constant 640 : i32
    %mul3A_23 = arith.muli %arg1, %mul3A_22 : i32
    %add3A_24 = arith.constant 0 : i32
    %add3A_25 = arith.addi %mul3A_23, %add3A_24 : i32
    %add3A_26 = arith.constant 16 : i32
    %add3A_27 = arith.addi %add3A_25, %add3A_26 : i32
    %iota3A_28 = tpu.iota {dimensions = array<i32: 0>} : vector<16xi32>
    %add3A_29 = vector.broadcast %add3A_27 : i32 to vector<16xi32>
    %add3A_30 = arith.addi %add3A_29, %iota3A_28 : vector<16xi32>
    %swap3A_31 = arith.constant 0 : i32
    %swap3A_32 = arith.index_cast %swap3A_31 : i32 to index
    %swap3A_33 = arith.constant 16 : index
    %swap3A_34 = tpu.vector_load %arg6[%swap3A_32, %swap3A_33] {strides = array<i32>} : memref<8x80xi32, #tpu.memory_space<vmem>>, vector<1x16xi32>,
    %swap3A_35 = vector.shape_cast %swap3A_34 : vector<1x16xi32> to vector<16xi32>
    %swap3A_36 = vector.shape_cast %add3A_30 : vector<16xi32> to vector<1x16xi32>
    tpu.vector_store %arg6[%swap3A_32, %swap3A_33], %swap3A_36 {strides = array<i32>} : memref<8x80xi32, #tpu.memory_space<vmem>>, vector<1x16xi32>,
    %mul3A_37 = arith.constant 640 : i32
    %mul3A_38 = arith.muli %arg1, %mul3A_37 : i32
    %add3A_39 = arith.constant 0 : i32
    %add3A_40 = arith.addi %mul3A_38, %add3A_39 : i32
    %add3A_41 = arith.constant 32 : i32
    %add3A_42 = arith.addi %add3A_40, %add3A_41 : i32
    %iota3A_43 = tpu.iota {dimensions = array<i32: 0>} : vector<16xi32>
    %add3A_44 = vector.broadcast %add3A_42 : i32 to vector<16xi32>
    %add3A_45 = arith.addi %add3A_44, %iota3A_43 : vector<16xi32>
    %swap3A_46 = arith.constant 0 : i32
    %swap3A_47 = arith.index_cast %swap3A_46 : i32 to index
    %swap3A_48 = arith.constant 32 : index
    %swap3A_49 = tpu.vector_load %arg6[%swap3A_47, %swap3A_48] {strides = array<i32>} : memref<8x80xi32, #tpu.memory_space<vmem>>, vector<1x16xi32>,
    %swap3A_50 = vector.shape_cast %swap3A_49 : vector<1x16xi32> to vector<16xi32>
    %swap3A_51 = vector.shape_cast %add3A_45 : vector<16xi32> to vector<1x16xi32>
    tpu.vector_store %arg6[%swap3A_47, %swap3A_48], %swap3A_51 {strides = array<i32>} : memref<8x80xi32, #tpu.memory_space<vmem>>, vector<1x16xi32>,
    %mul3A_52 = arith.constant 640 : i32
    %mul3A_53 = arith.muli %arg1, %mul3A_52 : i32
    %add3A_54 = arith.constant 0 : i32
    %add3A_55 = arith.addi %mul3A_53, %add3A_54 : i32
    %add3A_56 = arith.constant 48 : i32
    %add3A_57 = arith.addi %add3A_55, %add3A_56 : i32
    %iota3A_58 = tpu.iota {dimensions = array<i32: 0>} : vector<16xi32>
    %add3A_59 = vector.broadcast %add3A_57 : i32 to vector<16xi32>
    %add3A_60 = arith.addi %add3A_59, %iota3A_58 : vector<16xi32>
    %swap3A_61 = arith.constant 0 : i32
    %swap3A_62 = arith.index_cast %swap3A_61 : i32 to index
    %swap3A_63 = arith.constant 48 : index
    %swap3A_64 = tpu.vector_load %arg6[%swap3A_62, %swap3A_63] {strides = array<i32>} : memref<8x80xi32, #tpu.memory_space<vmem>>, vector<1x16xi32>,
    %swap3A_65 = vector.shape_cast %swap3A_64 : vector<1x16xi32> to vector<16xi32>
    %swap3A_66 = vector.shape_cast %add3A_60 : vector<16xi32> to vector<1x16xi32>
    tpu.vector_store %arg6[%swap3A_62, %swap3A_63], %swap3A_66 {strides = array<i32>} : memref<8x80xi32, #tpu.memory_space<vmem>>, vector<1x16xi32>,
    %mul3A_67 = arith.constant 640 : i32
    %mul3A_68 = arith.muli %arg1, %mul3A_67 : i32
    %add3A_69 = arith.constant 0 : i32
    %add3A_70 = arith.addi %mul3A_68, %add3A_69 : i32
    %add3A_71 = arith.constant 64 : i32
    %add3A_72 = arith.addi %add3A_70, %add3A_71 : i32
    %iota3A_73 = tpu.iota {dimensions = array<i32: 0>} : vector<16xi32>
    %add3A_74 = vector.broadcast %add3A_72 : i32 to vector<16xi32>
    %add3A_75 = arith.addi %add3A_74, %iota3A_73 : vector<16xi32>
    %swap3A_76 = arith.constant 0 : i32
    %swap3A_77 = arith.index_cast %swap3A_76 : i32 to index
    %swap3A_78 = arith.constant 64 : index
    %swap3A_79 = tpu.vector_load %arg6[%swap3A_77, %swap3A_78] {strides = array<i32>} : memref<8x80xi32, #tpu.memory_space<vmem>>, vector<1x16xi32>,
    %swap3A_80 = vector.shape_cast %swap3A_79 : vector<1x16xi32> to vector<16xi32>
    %swap3A_81 = vector.shape_cast %add3A_75 : vector<16xi32> to vector<1x16xi32>
    tpu.vector_store %arg6[%swap3A_77, %swap3A_78], %swap3A_81 {strides = array<i32>} : memref<8x80xi32, #tpu.memory_space<vmem>>, vector<1x16xi32>,
    %mul3A_82 = arith.constant 640 : i32
    %mul3A_83 = arith.muli %arg1, %mul3A_82 : i32
    %add3A_84 = arith.constant 80 : i32
    %add3A_85 = arith.addi %mul3A_83, %add3A_84 : i32
    %add3A_86 = arith.constant 0 : i32
    %add3A_87 = arith.addi %add3A_85, %add3A_86 : i32
    %iota3A_88 = tpu.iota {dimensions = array<i32: 0>} : vector<16xi32>
    %add3A_89 = vector.broadcast %add3A_87 : i32 to vector<16xi32>
    %add3A_90 = arith.addi %add3A_89, %iota3A_88 : vector<16xi32>
    %swap3A_91 = arith.constant 1 : i32
    %swap3A_92 = arith.index_cast %swap3A_91 : i32 to index
    %swap3A_93 = arith.constant 0 : index
    %swap3A_94 = tpu.vector_load %arg6[%swap3A_92, %swap3A_93] {strides = array<i32>} : memref<8x80xi32, #tpu.memory_space<vmem>>, vector<1x16xi32>,
    %swap3A_95 = vector.shape_cast %swap3A_94 : vector<1x16xi32> to vector<16xi32>
    %swap3A_96 = vector.shape_cast %add3A_90 : vector<16xi32> to vector<1x16xi32>
    tpu.vector_store %arg6[%swap3A_92, %swap3A_93], %swap3A_96 {strides = array<i32>} : memref<8x80xi32, #tpu.memory_space<vmem>>, vector<1x16xi32>,
    %mul3A_97 = arith.constant 640 : i32
    %mul3A_98 = arith.muli %arg1, %mul3A_97 : i32
    %add3A_99 = arith.constant 80 : i32
    %add3A_100 = arith.addi %mul3A_98, %add3A_99 : i32
    %add3A_101 = arith.constant 16 : i32
    %add3A_102 = arith.addi %add3A_100, %add3A_101 : i32
    %iota3A_103 = tpu.iota {dimensions = array<i32: 0>} : vector<16xi32>
    %add3A_104 = vector.broadcast %add3A_102 : i32 to vector<16xi32>
    %add3A_105 = arith.addi %add3A_104, %iota3A_103 : vector<16xi32>
    %swap3A_106 = arith.constant 1 : i32
    %swap3A_107 = arith.index_cast %swap3A_106 : i32 to index
    %swap3A_108 = arith.constant 16 : index
    %swap3A_109 = tpu.vector_load %arg6[%swap3A_107, %swap3A_108] {strides = array<i32>} : memref<8x80xi32, #tpu.memory_space<vmem>>, vector<1x16xi32>,
    %swap3A_110 = vector.shape_cast %swap3A_109 : vector<1x16xi32> to vector<16xi32>
    %swap3A_111 = vector.shape_cast %add3A_105 : vector<16xi32> to vector<1x16xi32>
    tpu.vector_store %arg6[%swap3A_107, %swap3A_108], %swap3A_111 {strides = array<i32>} : memref<8x80xi32, #tpu.memory_space<vmem>>, vector<1x16xi32>,
    %mul3A_112 = arith.constant 640 : i32
    %mul3A_113 = arith.muli %arg1, %mul3A_112 : i32
    %add3A_114 = arith.constant 80 : i32
    %add3A_115 = arith.addi %mul3A_113, %add3A_114 : i32
    %add3A_116 = arith.constant 32 : i32
    %add3A_117 = arith.addi %add3A_115, %add3A_116 : i32
    %iota3A_118 = tpu.iota {dimensions = array<i32: 0>} : vector<16xi32>
    %add3A_119 = vector.broadcast %add3A_117 : i32 to vector<16xi32>
    %add3A_120 = arith.addi %add3A_119, %iota3A_118 : vector<16xi32>
    %swap3A_121 = arith.constant 1 : i32
    %swap3A_122 = arith.index_cast %swap3A_121 : i32 to index
    %swap3A_123 = arith.constant 32 : index
    %swap3A_124 = tpu.vector_load %arg6[%swap3A_122, %swap3A_123] {strides = array<i32>} : memref<8x80xi32, #tpu.memory_space<vmem>>, vector<1x16xi32>,
    %swap3A_125 = vector.shape_cast %swap3A_124 : vector<1x16xi32> to vector<16xi32>
    %swap3A_126 = vector.shape_cast %add3A_120 : vector<16xi32> to vector<1x16xi32>
    tpu.vector_store %arg6[%swap3A_122, %swap3A_123], %swap3A_126 {strides = array<i32>} : memref<8x80xi32, #tpu.memory_space<vmem>>, vector<1x16xi32>,
    %mul3A_127 = arith.constant 640 : i32
    %mul3A_128 = arith.muli %arg1, %mul3A_127 : i32
    %add3A_129 = arith.constant 80 : i32
    %add3A_130 = arith.addi %mul3A_128, %add3A_129 : i32
    %add3A_131 = arith.constant 48 : i32
    %add3A_132 = arith.addi %add3A_130, %add3A_131 : i32
    %iota3A_133 = tpu.iota {dimensions = array<i32: 0>} : vector<16xi32>
    %add3A_134 = vector.broadcast %add3A_132 : i32 to vector<16xi32>
    %add3A_135 = arith.addi %add3A_134, %iota3A_133 : vector<16xi32>
    %swap3A_136 = arith.constant 1 : i32
    %swap3A_137 = arith.index_cast %swap3A_136 : i32 to index
    %swap3A_138 = arith.constant 48 : index
    %swap3A_139 = tpu.vector_load %arg6[%swap3A_137, %swap3A_138] {strides = array<i32>} : memref<8x80xi32, #tpu.memory_space<vmem>>, vector<1x16xi32>,
    %swap3A_140 = vector.shape_cast %swap3A_139 : vector<1x16xi32> to vector<16xi32>
    %swap3A_141 = vector.shape_cast %add3A_135 : vector<16xi32> to vector<1x16xi32>
    tpu.vector_store %arg6[%swap3A_137, %swap3A_138], %swap3A_141 {strides = array<i32>} : memref<8x80xi32, #tpu.memory_space<vmem>>, vector<1x16xi32>,
    %mul3A_142 = arith.constant 640 : i32
    %mul3A_143 = arith.muli %arg1, %mul3A_142 : i32
    %add3A_144 = arith.constant 80 : i32
    %add3A_145 = arith.addi %mul3A_143, %add3A_144 : i32
    %add3A_146 = arith.constant 64 : i32
    %add3A_147 = arith.addi %add3A_145, %add3A_146 : i32
    %iota3A_148 = tpu.iota {dimensions = array<i32: 0>} : vector<16xi32>
    %add3A_149 = vector.broadcast %add3A_147 : i32 to vector<16xi32>
    %add3A_150 = arith.addi %add3A_149, %iota3A_148 : vector<16xi32>
    %swap3A_151 = arith.constant 1 : i32
    %swap3A_152 = arith.index_cast %swap3A_151 : i32 to index
    %swap3A_153 = arith.constant 64 : index
    %swap3A_154 = tpu.vector_load %arg6[%swap3A_152, %swap3A_153] {strides = array<i32>} : memref<8x80xi32, #tpu.memory_space<vmem>>, vector<1x16xi32>,
    %swap3A_155 = vector.shape_cast %swap3A_154 : vector<1x16xi32> to vector<16xi32>
    %swap3A_156 = vector.shape_cast %add3A_150 : vector<16xi32> to vector<1x16xi32>
    tpu.vector_store %arg6[%swap3A_152, %swap3A_153], %swap3A_156 {strides = array<i32>} : memref<8x80xi32, #tpu.memory_space<vmem>>, vector<1x16xi32>,
    %mul3A_157 = arith.constant 640 : i32
    %mul3A_158 = arith.muli %arg1, %mul3A_157 : i32
    %add3A_159 = arith.constant 160 : i32
    %add3A_160 = arith.addi %mul3A_158, %add3A_159 : i32
    %add3A_161 = arith.constant 0 : i32
    %add3A_162 = arith.addi %add3A_160, %add3A_161 : i32
    %iota3A_163 = tpu.iota {dimensions = array<i32: 0>} : vector<16xi32>
    %add3A_164 = vector.broadcast %add3A_162 : i32 to vector<16xi32>
    %add3A_165 = arith.addi %add3A_164, %iota3A_163 : vector<16xi32>
    %swap3A_166 = arith.constant 2 : i32
    %swap3A_167 = arith.index_cast %swap3A_166 : i32 to index
    %swap3A_168 = arith.constant 0 : index
    %swap3A_169 = tpu.vector_load %arg6[%swap3A_167, %swap3A_168] {strides = array<i32>} : memref<8x80xi32, #tpu.memory_space<vmem>>, vector<1x16xi32>,
    %swap3A_170 = vector.shape_cast %swap3A_169 : vector<1x16xi32> to vector<16xi32>
    %swap3A_171 = vector.shape_cast %add3A_165 : vector<16xi32> to vector<1x16xi32>
    tpu.vector_store %arg6[%swap3A_167, %swap3A_168], %swap3A_171 {strides = array<i32>} : memref<8x80xi32, #tpu.memory_space<vmem>>, vector<1x16xi32>,
    %mul3A_172 = arith.constant 640 : i32
    %mul3A_173 = arith.muli %arg1, %mul3A_172 : i32
    %add3A_174 = arith.constant 160 : i32
    %add3A_175 = arith.addi %mul3A_173, %add3A_174 : i32
    %add3A_176 = arith.constant 16 : i32
    %add3A_177 = arith.addi %add3A_175, %add3A_176 : i32
    %iota3A_178 = tpu.iota {dimensions = array<i32: 0>} : vector<16xi32>
    %add3A_179 = vector.broadcast %add3A_177 : i32 to vector<16xi32>
    %add3A_180 = arith.addi %add3A_179, %iota3A_178 : vector<16xi32>
    %swap3A_181 = arith.constant 2 : i32
    %swap3A_182 = arith.index_cast %swap3A_181 : i32 to index
    %swap3A_183 = arith.constant 16 : index
    %swap3A_184 = tpu.vector_load %arg6[%swap3A_182, %swap3A_183] {strides = array<i32>} : memref<8x80xi32, #tpu.memory_space<vmem>>, vector<1x16xi32>,
    %swap3A_185 = vector.shape_cast %swap3A_184 : vector<1x16xi32> to vector<16xi32>
    %swap3A_186 = vector.shape_cast %add3A_180 : vector<16xi32> to vector<1x16xi32>
    tpu.vector_store %arg6[%swap3A_182, %swap3A_183], %swap3A_186 {strides = array<i32>} : memref<8x80xi32, #tpu.memory_space<vmem>>, vector<1x16xi32>,
    %mul3A_187 = arith.constant 640 : i32
    %mul3A_188 = arith.muli %arg1, %mul3A_187 : i32
    %add3A_189 = arith.constant 160 : i32
    %add3A_190 = arith.addi %mul3A_188, %add3A_189 : i32
    %add3A_191 = arith.constant 32 : i32
    %add3A_192 = arith.addi %add3A_190, %add3A_191 : i32
    %iota3A_193 = tpu.iota {dimensions = array<i32: 0>} : vector<16xi32>
    %add3A_194 = vector.broadcast %add3A_192 : i32 to vector<16xi32>
    %add3A_195 = arith.addi %add3A_194, %iota3A_193 : vector<16xi32>
    %swap3A_196 = arith.constant 2 : i32
    %swap3A_197 = arith.index_cast %swap3A_196 : i32 to index
    %swap3A_198 = arith.constant 32 : index
    %swap3A_199 = tpu.vector_load %arg6[%swap3A_197, %swap3A_198] {strides = array<i32>} : memref<8x80xi32, #tpu.memory_space<vmem>>, vector<1x16xi32>,
    %swap3A_200 = vector.shape_cast %swap3A_199 : vector<1x16xi32> to vector<16xi32>
    %swap3A_201 = vector.shape_cast %add3A_195 : vector<16xi32> to vector<1x16xi32>
    tpu.vector_store %arg6[%swap3A_197, %swap3A_198], %swap3A_201 {strides = array<i32>} : memref<8x80xi32, #tpu.memory_space<vmem>>, vector<1x16xi32>,
    %mul3A_202 = arith.constant 640 : i32
    %mul3A_203 = arith.muli %arg1, %mul3A_202 : i32
    %add3A_204 = arith.constant 160 : i32
    %add3A_205 = arith.addi %mul3A_203, %add3A_204 : i32
    %add3A_206 = arith.constant 48 : i32
    %add3A_207 = arith.addi %add3A_205, %add3A_206 : i32
    %iota3A_208 = tpu.iota {dimensions = array<i32: 0>} : vector<16xi32>
    %add3A_209 = vector.broadcast %add3A_207 : i32 to vector<16xi32>
    %add3A_210 = arith.addi %add3A_209, %iota3A_208 : vector<16xi32>
    %swap3A_211 = arith.constant 2 : i32
    %swap3A_212 = arith.index_cast %swap3A_211 : i32 to index
    %swap3A_213 = arith.constant 48 : index
    %swap3A_214 = tpu.vector_load %arg6[%swap3A_212, %swap3A_213] {strides = array<i32>} : memref<8x80xi32, #tpu.memory_space<vmem>>, vector<1x16xi32>,
    %swap3A_215 = vector.shape_cast %swap3A_214 : vector<1x16xi32> to vector<16xi32>
    %swap3A_216 = vector.shape_cast %add3A_210 : vector<16xi32> to vector<1x16xi32>
    tpu.vector_store %arg6[%swap3A_212, %swap3A_213], %swap3A_216 {strides = array<i32>} : memref<8x80xi32, #tpu.memory_space<vmem>>, vector<1x16xi32>,
    %mul3A_217 = arith.constant 640 : i32
    %mul3A_218 = arith.muli %arg1, %mul3A_217 : i32
    %add3A_219 = arith.constant 160 : i32
    %add3A_220 = arith.addi %mul3A_218, %add3A_219 : i32
    %add3A_221 = arith.constant 64 : i32
    %add3A_222 = arith.addi %add3A_220, %add3A_221 : i32
    %iota3A_223 = tpu.iota {dimensions = array<i32: 0>} : vector<16xi32>
    %add3A_224 = vector.broadcast %add3A_222 : i32 to vector<16xi32>
    %add3A_225 = arith.addi %add3A_224, %iota3A_223 : vector<16xi32>
    %swap3A_226 = arith.constant 2 : i32
    %swap3A_227 = arith.index_cast %swap3A_226 : i32 to index
    %swap3A_228 = arith.constant 64 : index
    %swap3A_229 = tpu.vector_load %arg6[%swap3A_227, %swap3A_228] {strides = array<i32>} : memref<8x80xi32, #tpu.memory_space<vmem>>, vector<1x16xi32>,
    %swap3A_230 = vector.shape_cast %swap3A_229 : vector<1x16xi32> to vector<16xi32>
    %swap3A_231 = vector.shape_cast %add3A_225 : vector<16xi32> to vector<1x16xi32>
    tpu.vector_store %arg6[%swap3A_227, %swap3A_228], %swap3A_231 {strides = array<i32>} : memref<8x80xi32, #tpu.memory_space<vmem>>, vector<1x16xi32>,
    %mul3A_232 = arith.constant 640 : i32
    %mul3A_233 = arith.muli %arg1, %mul3A_232 : i32
    %add3A_234 = arith.constant 240 : i32
    %add3A_235 = arith.addi %mul3A_233, %add3A_234 : i32
    %add3A_236 = arith.constant 0 : i32
    %add3A_237 = arith.addi %add3A_235, %add3A_236 : i32
    %iota3A_238 = tpu.iota {dimensions = array<i32: 0>} : vector<16xi32>
    %add3A_239 = vector.broadcast %add3A_237 : i32 to vector<16xi32>
    %add3A_240 = arith.addi %add3A_239, %iota3A_238 : vector<16xi32>
    %swap3A_241 = arith.constant 3 : i32
    %swap3A_242 = arith.index_cast %swap3A_241 : i32 to index
    %swap3A_243 = arith.constant 0 : index
    %swap3A_244 = tpu.vector_load %arg6[%swap3A_242, %swap3A_243] {strides = array<i32>} : memref<8x80xi32, #tpu.memory_space<vmem>>, vector<1x16xi32>,
    %swap3A_245 = vector.shape_cast %swap3A_244 : vector<1x16xi32> to vector<16xi32>
    %swap3A_246 = vector.shape_cast %add3A_240 : vector<16xi32> to vector<1x16xi32>
    tpu.vector_store %arg6[%swap3A_242, %swap3A_243], %swap3A_246 {strides = array<i32>} : memref<8x80xi32, #tpu.memory_space<vmem>>, vector<1x16xi32>,
    %mul3A_247 = arith.constant 640 : i32
    %mul3A_248 = arith.muli %arg1, %mul3A_247 : i32
    %add3A_249 = arith.constant 240 : i32
    %add3A_250 = arith.addi %mul3A_248, %add3A_249 : i32
    %add3A_251 = arith.constant 16 : i32
    %add3A_252 = arith.addi %add3A_250, %add3A_251 : i32
    %iota3A_253 = tpu.iota {dimensions = array<i32: 0>} : vector<16xi32>
    %add3A_254 = vector.broadcast %add3A_252 : i32 to vector<16xi32>
    %add3A_255 = arith.addi %add3A_254, %iota3A_253 : vector<16xi32>
    %swap3A_256 = arith.constant 3 : i32
    %swap3A_257 = arith.index_cast %swap3A_256 : i32 to index
    %swap3A_258 = arith.constant 16 : index
    %swap3A_259 = tpu.vector_load %arg6[%swap3A_257, %swap3A_258] {strides = array<i32>} : memref<8x80xi32, #tpu.memory_space<vmem>>, vector<1x16xi32>,
    %swap3A_260 = vector.shape_cast %swap3A_259 : vector<1x16xi32> to vector<16xi32>
    %swap3A_261 = vector.shape_cast %add3A_255 : vector<16xi32> to vector<1x16xi32>
    tpu.vector_store %arg6[%swap3A_257, %swap3A_258], %swap3A_261 {strides = array<i32>} : memref<8x80xi32, #tpu.memory_space<vmem>>, vector<1x16xi32>,
    %mul3A_262 = arith.constant 640 : i32
    %mul3A_263 = arith.muli %arg1, %mul3A_262 : i32
    %add3A_264 = arith.constant 240 : i32
    %add3A_265 = arith.addi %mul3A_263, %add3A_264 : i32
    %add3A_266 = arith.constant 32 : i32
    %add3A_267 = arith.addi %add3A_265, %add3A_266 : i32
    %iota3A_268 = tpu.iota {dimensions = array<i32: 0>} : vector<16xi32>
    %add3A_269 = vector.broadcast %add3A_267 : i32 to vector<16xi32>
    %add3A_270 = arith.addi %add3A_269, %iota3A_268 : vector<16xi32>
    %swap3A_271 = arith.constant 3 : i32
    %swap3A_272 = arith.index_cast %swap3A_271 : i32 to index
    %swap3A_273 = arith.constant 32 : index
    %swap3A_274 = tpu.vector_load %arg6[%swap3A_272, %swap3A_273] {strides = array<i32>} : memref<8x80xi32, #tpu.memory_space<vmem>>, vector<1x16xi32>,
    %swap3A_275 = vector.shape_cast %swap3A_274 : vector<1x16xi32> to vector<16xi32>
    %swap3A_276 = vector.shape_cast %add3A_270 : vector<16xi32> to vector<1x16xi32>
    tpu.vector_store %arg6[%swap3A_272, %swap3A_273], %swap3A_276 {strides = array<i32>} : memref<8x80xi32, #tpu.memory_space<vmem>>, vector<1x16xi32>,
    %mul3A_277 = arith.constant 640 : i32
    %mul3A_278 = arith.muli %arg1, %mul3A_277 : i32
    %add3A_279 = arith.constant 240 : i32
    %add3A_280 = arith.addi %mul3A_278, %add3A_279 : i32
    %add3A_281 = arith.constant 48 : i32
    %add3A_282 = arith.addi %add3A_280, %add3A_281 : i32
    %iota3A_283 = tpu.iota {dimensions = array<i32: 0>} : vector<16xi32>
    %add3A_284 = vector.broadcast %add3A_282 : i32 to vector<16xi32>
    %add3A_285 = arith.addi %add3A_284, %iota3A_283 : vector<16xi32>
    %swap3A_286 = arith.constant 3 : i32
    %swap3A_287 = arith.index_cast %swap3A_286 : i32 to index
    %swap3A_288 = arith.constant 48 : index
    %swap3A_289 = tpu.vector_load %arg6[%swap3A_287, %swap3A_288] {strides = array<i32>} : memref<8x80xi32, #tpu.memory_space<vmem>>, vector<1x16xi32>,
    %swap3A_290 = vector.shape_cast %swap3A_289 : vector<1x16xi32> to vector<16xi32>
    %swap3A_291 = vector.shape_cast %add3A_285 : vector<16xi32> to vector<1x16xi32>
    tpu.vector_store %arg6[%swap3A_287, %swap3A_288], %swap3A_291 {strides = array<i32>} : memref<8x80xi32, #tpu.memory_space<vmem>>, vector<1x16xi32>,
    %mul3A_292 = arith.constant 640 : i32
    %mul3A_293 = arith.muli %arg1, %mul3A_292 : i32
    %add3A_294 = arith.constant 240 : i32
    %add3A_295 = arith.addi %mul3A_293, %add3A_294 : i32
    %add3A_296 = arith.constant 64 : i32
    %add3A_297 = arith.addi %add3A_295, %add3A_296 : i32
    %iota3A_298 = tpu.iota {dimensions = array<i32: 0>} : vector<16xi32>
    %add3A_299 = vector.broadcast %add3A_297 : i32 to vector<16xi32>
    %add3A_300 = arith.addi %add3A_299, %iota3A_298 : vector<16xi32>
    %swap3A_301 = arith.constant 3 : i32
    %swap3A_302 = arith.index_cast %swap3A_301 : i32 to index
    %swap3A_303 = arith.constant 64 : index
    %swap3A_304 = tpu.vector_load %arg6[%swap3A_302, %swap3A_303] {strides = array<i32>} : memref<8x80xi32, #tpu.memory_space<vmem>>, vector<1x16xi32>,
    %swap3A_305 = vector.shape_cast %swap3A_304 : vector<1x16xi32> to vector<16xi32>
    %swap3A_306 = vector.shape_cast %add3A_300 : vector<16xi32> to vector<1x16xi32>
    tpu.vector_store %arg6[%swap3A_302, %swap3A_303], %swap3A_306 {strides = array<i32>} : memref<8x80xi32, #tpu.memory_space<vmem>>, vector<1x16xi32>,
    %mul3A_307 = arith.constant 640 : i32
    %mul3A_308 = arith.muli %arg1, %mul3A_307 : i32
    %add3A_309 = arith.constant 320 : i32
    %add3A_310 = arith.addi %mul3A_308, %add3A_309 : i32
    %add3A_311 = arith.constant 0 : i32
    %add3A_312 = arith.addi %add3A_310, %add3A_311 : i32
    %iota3A_313 = tpu.iota {dimensions = array<i32: 0>} : vector<16xi32>
    %add3A_314 = vector.broadcast %add3A_312 : i32 to vector<16xi32>
    %add3A_315 = arith.addi %add3A_314, %iota3A_313 : vector<16xi32>
    %swap3A_316 = arith.constant 4 : i32
    %swap3A_317 = arith.index_cast %swap3A_316 : i32 to index
    %swap3A_318 = arith.constant 0 : index
    %swap3A_319 = tpu.vector_load %arg6[%swap3A_317, %swap3A_318] {strides = array<i32>} : memref<8x80xi32, #tpu.memory_space<vmem>>, vector<1x16xi32>,
    %swap3A_320 = vector.shape_cast %swap3A_319 : vector<1x16xi32> to vector<16xi32>
    %swap3A_321 = vector.shape_cast %add3A_315 : vector<16xi32> to vector<1x16xi32>
    tpu.vector_store %arg6[%swap3A_317, %swap3A_318], %swap3A_321 {strides = array<i32>} : memref<8x80xi32, #tpu.memory_space<vmem>>, vector<1x16xi32>,
    %mul3A_322 = arith.constant 640 : i32
    %mul3A_323 = arith.muli %arg1, %mul3A_322 : i32
    %add3A_324 = arith.constant 320 : i32
    %add3A_325 = arith.addi %mul3A_323, %add3A_324 : i32
    %add3A_326 = arith.constant 16 : i32
    %add3A_327 = arith.addi %add3A_325, %add3A_326 : i32
    %iota3A_328 = tpu.iota {dimensions = array<i32: 0>} : vector<16xi32>
    %add3A_329 = vector.broadcast %add3A_327 : i32 to vector<16xi32>
    %add3A_330 = arith.addi %add3A_329, %iota3A_328 : vector<16xi32>
    %swap3A_331 = arith.constant 4 : i32
    %swap3A_332 = arith.index_cast %swap3A_331 : i32 to index
    %swap3A_333 = arith.constant 16 : index
    %swap3A_334 = tpu.vector_load %arg6[%swap3A_332, %swap3A_333] {strides = array<i32>} : memref<8x80xi32, #tpu.memory_space<vmem>>, vector<1x16xi32>,
    %swap3A_335 = vector.shape_cast %swap3A_334 : vector<1x16xi32> to vector<16xi32>
    %swap3A_336 = vector.shape_cast %add3A_330 : vector<16xi32> to vector<1x16xi32>
    tpu.vector_store %arg6[%swap3A_332, %swap3A_333], %swap3A_336 {strides = array<i32>} : memref<8x80xi32, #tpu.memory_space<vmem>>, vector<1x16xi32>,
    %mul3A_337 = arith.constant 640 : i32
    %mul3A_338 = arith.muli %arg1, %mul3A_337 : i32
    %add3A_339 = arith.constant 320 : i32
    %add3A_340 = arith.addi %mul3A_338, %add3A_339 : i32
    %add3A_341 = arith.constant 32 : i32
    %add3A_342 = arith.addi %add3A_340, %add3A_341 : i32
    %iota3A_343 = tpu.iota {dimensions = array<i32: 0>} : vector<16xi32>
    %add3A_344 = vector.broadcast %add3A_342 : i32 to vector<16xi32>
    %add3A_345 = arith.addi %add3A_344, %iota3A_343 : vector<16xi32>
    %swap3A_346 = arith.constant 4 : i32
    %swap3A_347 = arith.index_cast %swap3A_346 : i32 to index
    %swap3A_348 = arith.constant 32 : index
    %swap3A_349 = tpu.vector_load %arg6[%swap3A_347, %swap3A_348] {strides = array<i32>} : memref<8x80xi32, #tpu.memory_space<vmem>>, vector<1x16xi32>,
    %swap3A_350 = vector.shape_cast %swap3A_349 : vector<1x16xi32> to vector<16xi32>
    %swap3A_351 = vector.shape_cast %add3A_345 : vector<16xi32> to vector<1x16xi32>
    tpu.vector_store %arg6[%swap3A_347, %swap3A_348], %swap3A_351 {strides = array<i32>} : memref<8x80xi32, #tpu.memory_space<vmem>>, vector<1x16xi32>,
    %mul3A_352 = arith.constant 640 : i32
    %mul3A_353 = arith.muli %arg1, %mul3A_352 : i32
    %add3A_354 = arith.constant 320 : i32
    %add3A_355 = arith.addi %mul3A_353, %add3A_354 : i32
    %add3A_356 = arith.constant 48 : i32
    %add3A_357 = arith.addi %add3A_355, %add3A_356 : i32
    %iota3A_358 = tpu.iota {dimensions = array<i32: 0>} : vector<16xi32>
    %add3A_359 = vector.broadcast %add3A_357 : i32 to vector<16xi32>
    %add3A_360 = arith.addi %add3A_359, %iota3A_358 : vector<16xi32>
    %swap3A_361 = arith.constant 4 : i32
    %swap3A_362 = arith.index_cast %swap3A_361 : i32 to index
    %swap3A_363 = arith.constant 48 : index
    %swap3A_364 = tpu.vector_load %arg6[%swap3A_362, %swap3A_363] {strides = array<i32>} : memref<8x80xi32, #tpu.memory_space<vmem>>, vector<1x16xi32>,
    %swap3A_365 = vector.shape_cast %swap3A_364 : vector<1x16xi32> to vector<16xi32>
    %swap3A_366 = vector.shape_cast %add3A_360 : vector<16xi32> to vector<1x16xi32>
    tpu.vector_store %arg6[%swap3A_362, %swap3A_363], %swap3A_366 {strides = array<i32>} : memref<8x80xi32, #tpu.memory_space<vmem>>, vector<1x16xi32>,
    %mul3A_367 = arith.constant 640 : i32
    %mul3A_368 = arith.muli %arg1, %mul3A_367 : i32
    %add3A_369 = arith.constant 320 : i32
    %add3A_370 = arith.addi %mul3A_368, %add3A_369 : i32
    %add3A_371 = arith.constant 64 : i32
    %add3A_372 = arith.addi %add3A_370, %add3A_371 : i32
    %iota3A_373 = tpu.iota {dimensions = array<i32: 0>} : vector<16xi32>
    %add3A_374 = vector.broadcast %add3A_372 : i32 to vector<16xi32>
    %add3A_375 = arith.addi %add3A_374, %iota3A_373 : vector<16xi32>
    %swap3A_376 = arith.constant 4 : i32
    %swap3A_377 = arith.index_cast %swap3A_376 : i32 to index
    %swap3A_378 = arith.constant 64 : index
    %swap3A_379 = tpu.vector_load %arg6[%swap3A_377, %swap3A_378] {strides = array<i32>} : memref<8x80xi32, #tpu.memory_space<vmem>>, vector<1x16xi32>,
    %swap3A_380 = vector.shape_cast %swap3A_379 : vector<1x16xi32> to vector<16xi32>
    %swap3A_381 = vector.shape_cast %add3A_375 : vector<16xi32> to vector<1x16xi32>
    tpu.vector_store %arg6[%swap3A_377, %swap3A_378], %swap3A_381 {strides = array<i32>} : memref<8x80xi32, #tpu.memory_space<vmem>>, vector<1x16xi32>,
    %mul3A_382 = arith.constant 640 : i32
    %mul3A_383 = arith.muli %arg1, %mul3A_382 : i32
    %add3A_384 = arith.constant 400 : i32
    %add3A_385 = arith.addi %mul3A_383, %add3A_384 : i32
    %add3A_386 = arith.constant 0 : i32
    %add3A_387 = arith.addi %add3A_385, %add3A_386 : i32
    %iota3A_388 = tpu.iota {dimensions = array<i32: 0>} : vector<16xi32>
    %add3A_389 = vector.broadcast %add3A_387 : i32 to vector<16xi32>
    %add3A_390 = arith.addi %add3A_389, %iota3A_388 : vector<16xi32>
    %swap3A_391 = arith.constant 5 : i32
    %swap3A_392 = arith.index_cast %swap3A_391 : i32 to index
    %swap3A_393 = arith.constant 0 : index
    %swap3A_394 = tpu.vector_load %arg6[%swap3A_392, %swap3A_393] {strides = array<i32>} : memref<8x80xi32, #tpu.memory_space<vmem>>, vector<1x16xi32>,
    %swap3A_395 = vector.shape_cast %swap3A_394 : vector<1x16xi32> to vector<16xi32>
    %swap3A_396 = vector.shape_cast %add3A_390 : vector<16xi32> to vector<1x16xi32>
    tpu.vector_store %arg6[%swap3A_392, %swap3A_393], %swap3A_396 {strides = array<i32>} : memref<8x80xi32, #tpu.memory_space<vmem>>, vector<1x16xi32>,
    %mul3A_397 = arith.constant 640 : i32
    %mul3A_398 = arith.muli %arg1, %mul3A_397 : i32
    %add3A_399 = arith.constant 400 : i32
    %add3A_400 = arith.addi %mul3A_398, %add3A_399 : i32
    %add3A_401 = arith.constant 16 : i32
    %add3A_402 = arith.addi %add3A_400, %add3A_401 : i32
    %iota3A_403 = tpu.iota {dimensions = array<i32: 0>} : vector<16xi32>
    %add3A_404 = vector.broadcast %add3A_402 : i32 to vector<16xi32>
    %add3A_405 = arith.addi %add3A_404, %iota3A_403 : vector<16xi32>
    %swap3A_406 = arith.constant 5 : i32
    %swap3A_407 = arith.index_cast %swap3A_406 : i32 to index
    %swap3A_408 = arith.constant 16 : index
    %swap3A_409 = tpu.vector_load %arg6[%swap3A_407, %swap3A_408] {strides = array<i32>} : memref<8x80xi32, #tpu.memory_space<vmem>>, vector<1x16xi32>,
    %swap3A_410 = vector.shape_cast %swap3A_409 : vector<1x16xi32> to vector<16xi32>
    %swap3A_411 = vector.shape_cast %add3A_405 : vector<16xi32> to vector<1x16xi32>
    tpu.vector_store %arg6[%swap3A_407, %swap3A_408], %swap3A_411 {strides = array<i32>} : memref<8x80xi32, #tpu.memory_space<vmem>>, vector<1x16xi32>,
    %mul3A_412 = arith.constant 640 : i32
    %mul3A_413 = arith.muli %arg1, %mul3A_412 : i32
    %add3A_414 = arith.constant 400 : i32
    %add3A_415 = arith.addi %mul3A_413, %add3A_414 : i32
    %add3A_416 = arith.constant 32 : i32
    %add3A_417 = arith.addi %add3A_415, %add3A_416 : i32
    %iota3A_418 = tpu.iota {dimensions = array<i32: 0>} : vector<16xi32>
    %add3A_419 = vector.broadcast %add3A_417 : i32 to vector<16xi32>
    %add3A_420 = arith.addi %add3A_419, %iota3A_418 : vector<16xi32>
    %swap3A_421 = arith.constant 5 : i32
    %swap3A_422 = arith.index_cast %swap3A_421 : i32 to index
    %swap3A_423 = arith.constant 32 : index
    %swap3A_424 = tpu.vector_load %arg6[%swap3A_422, %swap3A_423] {strides = array<i32>} : memref<8x80xi32, #tpu.memory_space<vmem>>, vector<1x16xi32>,
    %swap3A_425 = vector.shape_cast %swap3A_424 : vector<1x16xi32> to vector<16xi32>
    %swap3A_426 = vector.shape_cast %add3A_420 : vector<16xi32> to vector<1x16xi32>
    tpu.vector_store %arg6[%swap3A_422, %swap3A_423], %swap3A_426 {strides = array<i32>} : memref<8x80xi32, #tpu.memory_space<vmem>>, vector<1x16xi32>,
    %mul3A_427 = arith.constant 640 : i32
    %mul3A_428 = arith.muli %arg1, %mul3A_427 : i32
    %add3A_429 = arith.constant 400 : i32
    %add3A_430 = arith.addi %mul3A_428, %add3A_429 : i32
    %add3A_431 = arith.constant 48 : i32
    %add3A_432 = arith.addi %add3A_430, %add3A_431 : i32
    %iota3A_433 = tpu.iota {dimensions = array<i32: 0>} : vector<16xi32>
    %add3A_434 = vector.broadcast %add3A_432 : i32 to vector<16xi32>
    %add3A_435 = arith.addi %add3A_434, %iota3A_433 : vector<16xi32>
    %swap3A_436 = arith.constant 5 : i32
    %swap3A_437 = arith.index_cast %swap3A_436 : i32 to index
    %swap3A_438 = arith.constant 48 : index
    %swap3A_439 = tpu.vector_load %arg6[%swap3A_437, %swap3A_438] {strides = array<i32>} : memref<8x80xi32, #tpu.memory_space<vmem>>, vector<1x16xi32>,
    %swap3A_440 = vector.shape_cast %swap3A_439 : vector<1x16xi32> to vector<16xi32>
    %swap3A_441 = vector.shape_cast %add3A_435 : vector<16xi32> to vector<1x16xi32>
    tpu.vector_store %arg6[%swap3A_437, %swap3A_438], %swap3A_441 {strides = array<i32>} : memref<8x80xi32, #tpu.memory_space<vmem>>, vector<1x16xi32>,
    %mul3A_442 = arith.constant 640 : i32
    %mul3A_443 = arith.muli %arg1, %mul3A_442 : i32
    %add3A_444 = arith.constant 400 : i32
    %add3A_445 = arith.addi %mul3A_443, %add3A_444 : i32
    %add3A_446 = arith.constant 64 : i32
    %add3A_447 = arith.addi %add3A_445, %add3A_446 : i32
    %iota3A_448 = tpu.iota {dimensions = array<i32: 0>} : vector<16xi32>
    %add3A_449 = vector.broadcast %add3A_447 : i32 to vector<16xi32>
    %add3A_450 = arith.addi %add3A_449, %iota3A_448 : vector<16xi32>
    %swap3A_451 = arith.constant 5 : i32
    %swap3A_452 = arith.index_cast %swap3A_451 : i32 to index
    %swap3A_453 = arith.constant 64 : index
    %swap3A_454 = tpu.vector_load %arg6[%swap3A_452, %swap3A_453] {strides = array<i32>} : memref<8x80xi32, #tpu.memory_space<vmem>>, vector<1x16xi32>,
    %swap3A_455 = vector.shape_cast %swap3A_454 : vector<1x16xi32> to vector<16xi32>
    %swap3A_456 = vector.shape_cast %add3A_450 : vector<16xi32> to vector<1x16xi32>
    tpu.vector_store %arg6[%swap3A_452, %swap3A_453], %swap3A_456 {strides = array<i32>} : memref<8x80xi32, #tpu.memory_space<vmem>>, vector<1x16xi32>,
    %mul3A_457 = arith.constant 640 : i32
    %mul3A_458 = arith.muli %arg1, %mul3A_457 : i32
    %add3A_459 = arith.constant 480 : i32
    %add3A_460 = arith.addi %mul3A_458, %add3A_459 : i32
    %add3A_461 = arith.constant 0 : i32
    %add3A_462 = arith.addi %add3A_460, %add3A_461 : i32
    %iota3A_463 = tpu.iota {dimensions = array<i32: 0>} : vector<16xi32>
    %add3A_464 = vector.broadcast %add3A_462 : i32 to vector<16xi32>
    %add3A_465 = arith.addi %add3A_464, %iota3A_463 : vector<16xi32>
    %swap3A_466 = arith.constant 6 : i32
    %swap3A_467 = arith.index_cast %swap3A_466 : i32 to index
    %swap3A_468 = arith.constant 0 : index
    %swap3A_469 = tpu.vector_load %arg6[%swap3A_467, %swap3A_468] {strides = array<i32>} : memref<8x80xi32, #tpu.memory_space<vmem>>, vector<1x16xi32>,
    %swap3A_470 = vector.shape_cast %swap3A_469 : vector<1x16xi32> to vector<16xi32>
    %swap3A_471 = vector.shape_cast %add3A_465 : vector<16xi32> to vector<1x16xi32>
    tpu.vector_store %arg6[%swap3A_467, %swap3A_468], %swap3A_471 {strides = array<i32>} : memref<8x80xi32, #tpu.memory_space<vmem>>, vector<1x16xi32>,
    %mul3A_472 = arith.constant 640 : i32
    %mul3A_473 = arith.muli %arg1, %mul3A_472 : i32
    %add3A_474 = arith.constant 480 : i32
    %add3A_475 = arith.addi %mul3A_473, %add3A_474 : i32
    %add3A_476 = arith.constant 16 : i32
    %add3A_477 = arith.addi %add3A_475, %add3A_476 : i32
    %iota3A_478 = tpu.iota {dimensions = array<i32: 0>} : vector<16xi32>
    %add3A_479 = vector.broadcast %add3A_477 : i32 to vector<16xi32>
    %add3A_480 = arith.addi %add3A_479, %iota3A_478 : vector<16xi32>
    %swap3A_481 = arith.constant 6 : i32
    %swap3A_482 = arith.index_cast %swap3A_481 : i32 to index
    %swap3A_483 = arith.constant 16 : index
    %swap3A_484 = tpu.vector_load %arg6[%swap3A_482, %swap3A_483] {strides = array<i32>} : memref<8x80xi32, #tpu.memory_space<vmem>>, vector<1x16xi32>,
    %swap3A_485 = vector.shape_cast %swap3A_484 : vector<1x16xi32> to vector<16xi32>
    %swap3A_486 = vector.shape_cast %add3A_480 : vector<16xi32> to vector<1x16xi32>
    tpu.vector_store %arg6[%swap3A_482, %swap3A_483], %swap3A_486 {strides = array<i32>} : memref<8x80xi32, #tpu.memory_space<vmem>>, vector<1x16xi32>,
    %mul3A_487 = arith.constant 640 : i32
    %mul3A_488 = arith.muli %arg1, %mul3A_487 : i32
    %add3A_489 = arith.constant 480 : i32
    %add3A_490 = arith.addi %mul3A_488, %add3A_489 : i32
    %add3A_491 = arith.constant 32 : i32
    %add3A_492 = arith.addi %add3A_490, %add3A_491 : i32
    %iota3A_493 = tpu.iota {dimensions = array<i32: 0>} : vector<16xi32>
    %add3A_494 = vector.broadcast %add3A_492 : i32 to vector<16xi32>
    %add3A_495 = arith.addi %add3A_494, %iota3A_493 : vector<16xi32>
    %swap3A_496 = arith.constant 6 : i32
    %swap3A_497 = arith.index_cast %swap3A_496 : i32 to index
    %swap3A_498 = arith.constant 32 : index
    %swap3A_499 = tpu.vector_load %arg6[%swap3A_497, %swap3A_498] {strides = array<i32>} : memref<8x80xi32, #tpu.memory_space<vmem>>, vector<1x16xi32>,
    %swap3A_500 = vector.shape_cast %swap3A_499 : vector<1x16xi32> to vector<16xi32>
    %swap3A_501 = vector.shape_cast %add3A_495 : vector<16xi32> to vector<1x16xi32>
    tpu.vector_store %arg6[%swap3A_497, %swap3A_498], %swap3A_501 {strides = array<i32>} : memref<8x80xi32, #tpu.memory_space<vmem>>, vector<1x16xi32>,
    %mul3A_502 = arith.constant 640 : i32
    %mul3A_503 = arith.muli %arg1, %mul3A_502 : i32
    %add3A_504 = arith.constant 480 : i32
    %add3A_505 = arith.addi %mul3A_503, %add3A_504 : i32
    %add3A_506 = arith.constant 48 : i32
    %add3A_507 = arith.addi %add3A_505, %add3A_506 : i32
    %iota3A_508 = tpu.iota {dimensions = array<i32: 0>} : vector<16xi32>
    %add3A_509 = vector.broadcast %add3A_507 : i32 to vector<16xi32>
    %add3A_510 = arith.addi %add3A_509, %iota3A_508 : vector<16xi32>
    %swap3A_511 = arith.constant 6 : i32
    %swap3A_512 = arith.index_cast %swap3A_511 : i32 to index
    %swap3A_513 = arith.constant 48 : index
    %swap3A_514 = tpu.vector_load %arg6[%swap3A_512, %swap3A_513] {strides = array<i32>} : memref<8x80xi32, #tpu.memory_space<vmem>>, vector<1x16xi32>,
    %swap3A_515 = vector.shape_cast %swap3A_514 : vector<1x16xi32> to vector<16xi32>
    %swap3A_516 = vector.shape_cast %add3A_510 : vector<16xi32> to vector<1x16xi32>
    tpu.vector_store %arg6[%swap3A_512, %swap3A_513], %swap3A_516 {strides = array<i32>} : memref<8x80xi32, #tpu.memory_space<vmem>>, vector<1x16xi32>,
    %mul3A_517 = arith.constant 640 : i32
    %mul3A_518 = arith.muli %arg1, %mul3A_517 : i32
    %add3A_519 = arith.constant 480 : i32
    %add3A_520 = arith.addi %mul3A_518, %add3A_519 : i32
    %add3A_521 = arith.constant 64 : i32
    %add3A_522 = arith.addi %add3A_520, %add3A_521 : i32
    %iota3A_523 = tpu.iota {dimensions = array<i32: 0>} : vector<16xi32>
    %add3A_524 = vector.broadcast %add3A_522 : i32 to vector<16xi32>
    %add3A_525 = arith.addi %add3A_524, %iota3A_523 : vector<16xi32>
    %swap3A_526 = arith.constant 6 : i32
    %swap3A_527 = arith.index_cast %swap3A_526 : i32 to index
    %swap3A_528 = arith.constant 64 : index
    %swap3A_529 = tpu.vector_load %arg6[%swap3A_527, %swap3A_528] {strides = array<i32>} : memref<8x80xi32, #tpu.memory_space<vmem>>, vector<1x16xi32>,
    %swap3A_530 = vector.shape_cast %swap3A_529 : vector<1x16xi32> to vector<16xi32>
    %swap3A_531 = vector.shape_cast %add3A_525 : vector<16xi32> to vector<1x16xi32>
    tpu.vector_store %arg6[%swap3A_527, %swap3A_528], %swap3A_531 {strides = array<i32>} : memref<8x80xi32, #tpu.memory_space<vmem>>, vector<1x16xi32>,
    %mul3A_532 = arith.constant 640 : i32
    %mul3A_533 = arith.muli %arg1, %mul3A_532 : i32
    %add3A_534 = arith.constant 560 : i32
    %add3A_535 = arith.addi %mul3A_533, %add3A_534 : i32
    %add3A_536 = arith.constant 0 : i32
    %add3A_537 = arith.addi %add3A_535, %add3A_536 : i32
    %iota3A_538 = tpu.iota {dimensions = array<i32: 0>} : vector<16xi32>
    %add3A_539 = vector.broadcast %add3A_537 : i32 to vector<16xi32>
    %add3A_540 = arith.addi %add3A_539, %iota3A_538 : vector<16xi32>
    %swap3A_541 = arith.constant 7 : i32
    %swap3A_542 = arith.index_cast %swap3A_541 : i32 to index
    %swap3A_543 = arith.constant 0 : index
    %swap3A_544 = tpu.vector_load %arg6[%swap3A_542, %swap3A_543] {strides = array<i32>} : memref<8x80xi32, #tpu.memory_space<vmem>>, vector<1x16xi32>,
    %swap3A_545 = vector.shape_cast %swap3A_544 : vector<1x16xi32> to vector<16xi32>
    %swap3A_546 = vector.shape_cast %add3A_540 : vector<16xi32> to vector<1x16xi32>
    tpu.vector_store %arg6[%swap3A_542, %swap3A_543], %swap3A_546 {strides = array<i32>} : memref<8x80xi32, #tpu.memory_space<vmem>>, vector<1x16xi32>,
    %mul3A_547 = arith.constant 640 : i32
    %mul3A_548 = arith.muli %arg1, %mul3A_547 : i32
    %add3A_549 = arith.constant 560 : i32
    %add3A_550 = arith.addi %mul3A_548, %add3A_549 : i32
    %add3A_551 = arith.constant 16 : i32
    %add3A_552 = arith.addi %add3A_550, %add3A_551 : i32
    %iota3A_553 = tpu.iota {dimensions = array<i32: 0>} : vector<16xi32>
    %add3A_554 = vector.broadcast %add3A_552 : i32 to vector<16xi32>
    %add3A_555 = arith.addi %add3A_554, %iota3A_553 : vector<16xi32>
    %swap3A_556 = arith.constant 7 : i32
    %swap3A_557 = arith.index_cast %swap3A_556 : i32 to index
    %swap3A_558 = arith.constant 16 : index
    %swap3A_559 = tpu.vector_load %arg6[%swap3A_557, %swap3A_558] {strides = array<i32>} : memref<8x80xi32, #tpu.memory_space<vmem>>, vector<1x16xi32>,
    %swap3A_560 = vector.shape_cast %swap3A_559 : vector<1x16xi32> to vector<16xi32>
    %swap3A_561 = vector.shape_cast %add3A_555 : vector<16xi32> to vector<1x16xi32>
    tpu.vector_store %arg6[%swap3A_557, %swap3A_558], %swap3A_561 {strides = array<i32>} : memref<8x80xi32, #tpu.memory_space<vmem>>, vector<1x16xi32>,
    %mul3A_562 = arith.constant 640 : i32
    %mul3A_563 = arith.muli %arg1, %mul3A_562 : i32
    %add3A_564 = arith.constant 560 : i32
    %add3A_565 = arith.addi %mul3A_563, %add3A_564 : i32
    %add3A_566 = arith.constant 32 : i32
    %add3A_567 = arith.addi %add3A_565, %add3A_566 : i32
    %iota3A_568 = tpu.iota {dimensions = array<i32: 0>} : vector<16xi32>
    %add3A_569 = vector.broadcast %add3A_567 : i32 to vector<16xi32>
    %add3A_570 = arith.addi %add3A_569, %iota3A_568 : vector<16xi32>
    %swap3A_571 = arith.constant 7 : i32
    %swap3A_572 = arith.index_cast %swap3A_571 : i32 to index
    %swap3A_573 = arith.constant 32 : index
    %swap3A_574 = tpu.vector_load %arg6[%swap3A_572, %swap3A_573] {strides = array<i32>} : memref<8x80xi32, #tpu.memory_space<vmem>>, vector<1x16xi32>,
    %swap3A_575 = vector.shape_cast %swap3A_574 : vector<1x16xi32> to vector<16xi32>
    %swap3A_576 = vector.shape_cast %add3A_570 : vector<16xi32> to vector<1x16xi32>
    tpu.vector_store %arg6[%swap3A_572, %swap3A_573], %swap3A_576 {strides = array<i32>} : memref<8x80xi32, #tpu.memory_space<vmem>>, vector<1x16xi32>,
    %mul3A_577 = arith.constant 640 : i32
    %mul3A_578 = arith.muli %arg1, %mul3A_577 : i32
    %add3A_579 = arith.constant 560 : i32
    %add3A_580 = arith.addi %mul3A_578, %add3A_579 : i32
    %add3A_581 = arith.constant 48 : i32
    %add3A_582 = arith.addi %add3A_580, %add3A_581 : i32
    %iota3A_583 = tpu.iota {dimensions = array<i32: 0>} : vector<16xi32>
    %add3A_584 = vector.broadcast %add3A_582 : i32 to vector<16xi32>
    %add3A_585 = arith.addi %add3A_584, %iota3A_583 : vector<16xi32>
    %swap3A_586 = arith.constant 7 : i32
    %swap3A_587 = arith.index_cast %swap3A_586 : i32 to index
    %swap3A_588 = arith.constant 48 : index
    %swap3A_589 = tpu.vector_load %arg6[%swap3A_587, %swap3A_588] {strides = array<i32>} : memref<8x80xi32, #tpu.memory_space<vmem>>, vector<1x16xi32>,
    %swap3A_590 = vector.shape_cast %swap3A_589 : vector<1x16xi32> to vector<16xi32>
    %swap3A_591 = vector.shape_cast %add3A_585 : vector<16xi32> to vector<1x16xi32>
    tpu.vector_store %arg6[%swap3A_587, %swap3A_588], %swap3A_591 {strides = array<i32>} : memref<8x80xi32, #tpu.memory_space<vmem>>, vector<1x16xi32>,
    %mul3A_592 = arith.constant 640 : i32
    %mul3A_593 = arith.muli %arg1, %mul3A_592 : i32
    %add3A_594 = arith.constant 560 : i32
    %add3A_595 = arith.addi %mul3A_593, %add3A_594 : i32
    %add3A_596 = arith.constant 64 : i32
    %add3A_597 = arith.addi %add3A_595, %add3A_596 : i32
    %iota3A_598 = tpu.iota {dimensions = array<i32: 0>} : vector<16xi32>
    %add3A_599 = vector.broadcast %add3A_597 : i32 to vector<16xi32>
    %add3A_600 = arith.addi %add3A_599, %iota3A_598 : vector<16xi32>
    %swap3A_601 = arith.constant 7 : i32
    %swap3A_602 = arith.index_cast %swap3A_601 : i32 to index
    %swap3A_603 = arith.constant 64 : index
    %swap3A_604 = tpu.vector_load %arg6[%swap3A_602, %swap3A_603] {strides = array<i32>} : memref<8x80xi32, #tpu.memory_space<vmem>>, vector<1x16xi32>,
    %swap3A_605 = vector.shape_cast %swap3A_604 : vector<1x16xi32> to vector<16xi32>
    %swap3A_606 = vector.shape_cast %add3A_600 : vector<16xi32> to vector<1x16xi32>
    tpu.vector_store %arg6[%swap3A_602, %swap3A_603], %swap3A_606 {strides = array<i32>} : memref<8x80xi32, #tpu.memory_space<vmem>>, vector<1x16xi32>,
    "tpu.region"() ({
      %run_scoped3A_661 = tpu.sem_alloc : memref<!tpu.dma_semaphore, #tpu.memory_space<semaphore_mem>>
      %dma_start3A = arith.constant 0 : i32
      %dma_start3A_662 = arith.constant 0 : i32
      %dma_start3A_663 = tpu.memref_slice %arg2[%arg0, %arg1, %dma_start3A, %dma_start3A_662] : memref<2x16x125x80xi32, #tpu.memory_space<hbm>> -> memref<1x1x125x80xi32, #tpu.memory_space<hbm>>
      %dma_start3A_664 = tpu.memref_squeeze %dma_start3A_663 : memref<1x1x125x80xi32, #tpu.memory_space<hbm>> -> memref<125x80xi32, #tpu.memory_space<hbm>>
      %dma_start3A_665 = arith.constant 0 : i32
      %dma_start3A_666 = arith.constant 0 : i32
      %dma_start3A_667 = tpu.memref_slice %arg2[%arg0, %arg1, %dma_start3A_665, %dma_start3A_666] : memref<2x16x125x80xi32, #tpu.memory_space<hbm>> -> memref<1x1x125x80xi32, #tpu.memory_space<hbm>>
      %dma_start3A_668 = tpu.memref_squeeze %dma_start3A_667 : memref<1x1x125x80xi32, #tpu.memory_space<hbm>> -> memref<125x80xi32, #tpu.memory_space<hbm>>
      tpu.enqueue_dma source(%dma_start3A_668 : memref<125x80xi32, #tpu.memory_space<hbm>>) target(%arg4 : memref<125x80xi32, #tpu.memory_space<vmem>>) target_semaphore(%run_scoped3A_661 : memref<!tpu.dma_semaphore, #tpu.memory_space<semaphore_mem>>)
      %dma_wait3A = arith.constant 0 : i32
      %dma_wait3A_669 = arith.constant 0 : i32
      %dma_wait3A_670 = tpu.memref_slice %arg2[%arg0, %arg1, %dma_wait3A, %dma_wait3A_669] : memref<2x16x125x80xi32, #tpu.memory_space<hbm>> -> memref<1x1x125x80xi32, #tpu.memory_space<hbm>>
      %dma_wait3A_671 = tpu.memref_squeeze %dma_wait3A_670 : memref<1x1x125x80xi32, #tpu.memory_space<hbm>> -> memref<125x80xi32, #tpu.memory_space<hbm>>
      %dma_wait3A_672 = arith.constant 0 : i32
      %dma_wait3A_673 = arith.constant 0 : i32
      %dma_wait3A_674 = tpu.memref_slice %arg2[%arg0, %arg1, %dma_wait3A_672, %dma_wait3A_673] : memref<2x16x125x80xi32, #tpu.memory_space<hbm>> -> memref<1x1x125x80xi32, #tpu.memory_space<hbm>>
      %dma_wait3A_675 = tpu.memref_squeeze %dma_wait3A_674 : memref<1x1x125x80xi32, #tpu.memory_space<hbm>> -> memref<125x80xi32, #tpu.memory_space<hbm>>
      tpu.wait_dma2 semaphore(%run_scoped3A_661 : memref<!tpu.dma_semaphore, #tpu.memory_space<semaphore_mem>>) src(%dma_wait3A_675 : memref<125x80xi32, #tpu.memory_space<hbm>>) dst(%arg4 : memref<125x80xi32, #tpu.memory_space<vmem>>)
      tpu.yield
    }) : () -> ()
    %run_scoped3A = arith.constant 0 : i32
    "tpu.region"() ({
      %run_scoped3A_661 = tpu.sem_alloc : memref<!tpu.dma_semaphore, #tpu.memory_space<semaphore_mem>>
      %dma_start3A = arith.constant 0 : i32
      %dma_start3A_662 = tpu.memref_slice %arg6[%run_scoped3A, %dma_start3A] : memref<8x80xi32, #tpu.memory_space<vmem>> -> memref<1x80xi32, #tpu.memory_space<vmem>>
      %dma_start3A_663 = tpu.memref_squeeze %dma_start3A_662 : memref<1x80xi32, #tpu.memory_space<vmem>> -> memref<80xi32, #tpu.memory_space<vmem>>
      %dma_start3A_664 = arith.constant 0 : i32
      %dma_start3A_665 = arith.constant 0 : i32
      %dma_start3A_666 = tpu.memref_slice %arg8[%dma_start3A_664, %dma_start3A_665] : memref<10240x16xf32, #tpu.memory_space<vmem_shared>> -> memref<10240x16xf32, #tpu.memory_space<vmem_shared>>
      tpu.enqueue_indirect_dma source(%arg7 : memref<80x16xf32, #tpu.memory_space<vmem>>) target(%dma_start3A_666 : memref<10240x16xf32, #tpu.memory_space<vmem_shared>>) offsets(%dma_start3A_663 : memref<80xi32, #tpu.memory_space<vmem>>) semaphore(%run_scoped3A_661 : memref<!tpu.dma_semaphore, #tpu.memory_space<semaphore_mem>>)
      %dma_wait3A = arith.constant 0 : i32
      %dma_wait3A_667 = tpu.memref_slice %arg6[%run_scoped3A, %dma_wait3A] : memref<8x80xi32, #tpu.memory_space<vmem>> -> memref<1x80xi32, #tpu.memory_space<vmem>>
      %dma_wait3A_668 = tpu.memref_squeeze %dma_wait3A_667 : memref<1x80xi32, #tpu.memory_space<vmem>> -> memref<80xi32, #tpu.memory_space<vmem>>
      %dma_wait3A_669 = arith.constant 0 : i32
      %dma_wait3A_670 = arith.constant 0 : i32
      %dma_wait3A_671 = tpu.memref_slice %arg8[%dma_wait3A_669, %dma_wait3A_670] : memref<10240x16xf32, #tpu.memory_space<vmem_shared>> -> memref<10240x16xf32, #tpu.memory_space<vmem_shared>>
      tpu.wait_indirect_dma semaphore(%run_scoped3A_661 : memref<!tpu.dma_semaphore, #tpu.memory_space<semaphore_mem>>) src(%arg7 : memref<80x16xf32, #tpu.memory_space<vmem>>) dst(%dma_wait3A_671 : memref<10240x16xf32, #tpu.memory_space<vmem_shared>>)
      tpu.yield
    }) : () -> ()
    %run_scoped3A_607 = arith.constant 1 : i32
    "tpu.region"() ({
      %run_scoped3A_661 = tpu.sem_alloc : memref<!tpu.dma_semaphore, #tpu.memory_space<semaphore_mem>>
      %dma_start3A = arith.constant 0 : i32
      %dma_start3A_662 = tpu.memref_slice %arg6[%run_scoped3A_607, %dma_start3A] : memref<8x80xi32, #tpu.memory_space<vmem>> -> memref<1x80xi32, #tpu.memory_space<vmem>>
      %dma_start3A_663 = tpu.memref_squeeze %dma_start3A_662 : memref<1x80xi32, #tpu.memory_space<vmem>> -> memref<80xi32, #tpu.memory_space<vmem>>
      %dma_start3A_664 = arith.constant 0 : i32
      %dma_start3A_665 = arith.constant 0 : i32
      %dma_start3A_666 = tpu.memref_slice %arg8[%dma_start3A_664, %dma_start3A_665] : memref<10240x16xf32, #tpu.memory_space<vmem_shared>> -> memref<10240x16xf32, #tpu.memory_space<vmem_shared>>
      tpu.enqueue_indirect_dma source(%arg7 : memref<80x16xf32, #tpu.memory_space<vmem>>) target(%dma_start3A_666 : memref<10240x16xf32, #tpu.memory_space<vmem_shared>>) offsets(%dma_start3A_663 : memref<80xi32, #tpu.memory_space<vmem>>) semaphore(%run_scoped3A_661 : memref<!tpu.dma_semaphore, #tpu.memory_space<semaphore_mem>>)
      %dma_wait3A = arith.constant 0 : i32
      %dma_wait3A_667 = tpu.memref_slice %arg6[%run_scoped3A_607, %dma_wait3A] : memref<8x80xi32, #tpu.memory_space<vmem>> -> memref<1x80xi32, #tpu.memory_space<vmem>>
      %dma_wait3A_668 = tpu.memref_squeeze %dma_wait3A_667 : memref<1x80xi32, #tpu.memory_space<vmem>> -> memref<80xi32, #tpu.memory_space<vmem>>
      %dma_wait3A_669 = arith.constant 0 : i32
      %dma_wait3A_670 = arith.constant 0 : i32
      %dma_wait3A_671 = tpu.memref_slice %arg8[%dma_wait3A_669, %dma_wait3A_670] : memref<10240x16xf32, #tpu.memory_space<vmem_shared>> -> memref<10240x16xf32, #tpu.memory_space<vmem_shared>>
      tpu.wait_indirect_dma semaphore(%run_scoped3A_661 : memref<!tpu.dma_semaphore, #tpu.memory_space<semaphore_mem>>) src(%arg7 : memref<80x16xf32, #tpu.memory_space<vmem>>) dst(%dma_wait3A_671 : memref<10240x16xf32, #tpu.memory_space<vmem_shared>>)
      tpu.yield
    }) : () -> ()
    %run_scoped3A_608 = arith.constant 2 : i32
    "tpu.region"() ({
      %run_scoped3A_661 = tpu.sem_alloc : memref<!tpu.dma_semaphore, #tpu.memory_space<semaphore_mem>>
      %dma_start3A = arith.constant 0 : i32
      %dma_start3A_662 = tpu.memref_slice %arg6[%run_scoped3A_608, %dma_start3A] : memref<8x80xi32, #tpu.memory_space<vmem>> -> memref<1x80xi32, #tpu.memory_space<vmem>>
      %dma_start3A_663 = tpu.memref_squeeze %dma_start3A_662 : memref<1x80xi32, #tpu.memory_space<vmem>> -> memref<80xi32, #tpu.memory_space<vmem>>
      %dma_start3A_664 = arith.constant 0 : i32
      %dma_start3A_665 = arith.constant 0 : i32
      %dma_start3A_666 = tpu.memref_slice %arg8[%dma_start3A_664, %dma_start3A_665] : memref<10240x16xf32, #tpu.memory_space<vmem_shared>> -> memref<10240x16xf32, #tpu.memory_space<vmem_shared>>
      tpu.enqueue_indirect_dma source(%arg7 : memref<80x16xf32, #tpu.memory_space<vmem>>) target(%dma_start3A_666 : memref<10240x16xf32, #tpu.memory_space<vmem_shared>>) offsets(%dma_start3A_663 : memref<80xi32, #tpu.memory_space<vmem>>) semaphore(%run_scoped3A_661 : memref<!tpu.dma_semaphore, #tpu.memory_space<semaphore_mem>>)
      %dma_wait3A = arith.constant 0 : i32
      %dma_wait3A_667 = tpu.memref_slice %arg6[%run_scoped3A_608, %dma_wait3A] : memref<8x80xi32, #tpu.memory_space<vmem>> -> memref<1x80xi32, #tpu.memory_space<vmem>>
      %dma_wait3A_668 = tpu.memref_squeeze %dma_wait3A_667 : memref<1x80xi32, #tpu.memory_space<vmem>> -> memref<80xi32, #tpu.memory_space<vmem>>
      %dma_wait3A_669 = arith.constant 0 : i32
      %dma_wait3A_670 = arith.constant 0 : i32
      %dma_wait3A_671 = tpu.memref_slice %arg8[%dma_wait3A_669, %dma_wait3A_670] : memref<10240x16xf32, #tpu.memory_space<vmem_shared>> -> memref<10240x16xf32, #tpu.memory_space<vmem_shared>>
      tpu.wait_indirect_dma semaphore(%run_scoped3A_661 : memref<!tpu.dma_semaphore, #tpu.memory_space<semaphore_mem>>) src(%arg7 : memref<80x16xf32, #tpu.memory_space<vmem>>) dst(%dma_wait3A_671 : memref<10240x16xf32, #tpu.memory_space<vmem_shared>>)
      tpu.yield
    }) : () -> ()
    %run_scoped3A_609 = arith.constant 3 : i32
    "tpu.region"() ({
      %run_scoped3A_661 = tpu.sem_alloc : memref<!tpu.dma_semaphore, #tpu.memory_space<semaphore_mem>>
      %dma_start3A = arith.constant 0 : i32
      %dma_start3A_662 = tpu.memref_slice %arg6[%run_scoped3A_609, %dma_start3A] : memref<8x80xi32, #tpu.memory_space<vmem>> -> memref<1x80xi32, #tpu.memory_space<vmem>>
      %dma_start3A_663 = tpu.memref_squeeze %dma_start3A_662 : memref<1x80xi32, #tpu.memory_space<vmem>> -> memref<80xi32, #tpu.memory_space<vmem>>
      %dma_start3A_664 = arith.constant 0 : i32
      %dma_start3A_665 = arith.constant 0 : i32
      %dma_start3A_666 = tpu.memref_slice %arg8[%dma_start3A_664, %dma_start3A_665] : memref<10240x16xf32, #tpu.memory_space<vmem_shared>> -> memref<10240x16xf32, #tpu.memory_space<vmem_shared>>
      tpu.enqueue_indirect_dma source(%arg7 : memref<80x16xf32, #tpu.memory_space<vmem>>) target(%dma_start3A_666 : memref<10240x16xf32, #tpu.memory_space<vmem_shared>>) offsets(%dma_start3A_663 : memref<80xi32, #tpu.memory_space<vmem>>) semaphore(%run_scoped3A_661 : memref<!tpu.dma_semaphore, #tpu.memory_space<semaphore_mem>>)
      %dma_wait3A = arith.constant 0 : i32
      %dma_wait3A_667 = tpu.memref_slice %arg6[%run_scoped3A_609, %dma_wait3A] : memref<8x80xi32, #tpu.memory_space<vmem>> -> memref<1x80xi32, #tpu.memory_space<vmem>>
      %dma_wait3A_668 = tpu.memref_squeeze %dma_wait3A_667 : memref<1x80xi32, #tpu.memory_space<vmem>> -> memref<80xi32, #tpu.memory_space<vmem>>
      %dma_wait3A_669 = arith.constant 0 : i32
      %dma_wait3A_670 = arith.constant 0 : i32
      %dma_wait3A_671 = tpu.memref_slice %arg8[%dma_wait3A_669, %dma_wait3A_670] : memref<10240x16xf32, #tpu.memory_space<vmem_shared>> -> memref<10240x16xf32, #tpu.memory_space<vmem_shared>>
      tpu.wait_indirect_dma semaphore(%run_scoped3A_661 : memref<!tpu.dma_semaphore, #tpu.memory_space<semaphore_mem>>) src(%arg7 : memref<80x16xf32, #tpu.memory_space<vmem>>) dst(%dma_wait3A_671 : memref<10240x16xf32, #tpu.memory_space<vmem_shared>>)
      tpu.yield
    }) : () -> ()
    %run_scoped3A_610 = arith.constant 4 : i32
    "tpu.region"() ({
      %run_scoped3A_661 = tpu.sem_alloc : memref<!tpu.dma_semaphore, #tpu.memory_space<semaphore_mem>>
      %dma_start3A = arith.constant 0 : i32
      %dma_start3A_662 = tpu.memref_slice %arg6[%run_scoped3A_610, %dma_start3A] : memref<8x80xi32, #tpu.memory_space<vmem>> -> memref<1x80xi32, #tpu.memory_space<vmem>>
      %dma_start3A_663 = tpu.memref_squeeze %dma_start3A_662 : memref<1x80xi32, #tpu.memory_space<vmem>> -> memref<80xi32, #tpu.memory_space<vmem>>
      %dma_start3A_664 = arith.constant 0 : i32
      %dma_start3A_665 = arith.constant 0 : i32
      %dma_start3A_666 = tpu.memref_slice %arg8[%dma_start3A_664, %dma_start3A_665] : memref<10240x16xf32, #tpu.memory_space<vmem_shared>> -> memref<10240x16xf32, #tpu.memory_space<vmem_shared>>
      tpu.enqueue_indirect_dma source(%arg7 : memref<80x16xf32, #tpu.memory_space<vmem>>) target(%dma_start3A_666 : memref<10240x16xf32, #tpu.memory_space<vmem_shared>>) offsets(%dma_start3A_663 : memref<80xi32, #tpu.memory_space<vmem>>) semaphore(%run_scoped3A_661 : memref<!tpu.dma_semaphore, #tpu.memory_space<semaphore_mem>>)
      %dma_wait3A = arith.constant 0 : i32
      %dma_wait3A_667 = tpu.memref_slice %arg6[%run_scoped3A_610, %dma_wait3A] : memref<8x80xi32, #tpu.memory_space<vmem>> -> memref<1x80xi32, #tpu.memory_space<vmem>>
      %dma_wait3A_668 = tpu.memref_squeeze %dma_wait3A_667 : memref<1x80xi32, #tpu.memory_space<vmem>> -> memref<80xi32, #tpu.memory_space<vmem>>
      %dma_wait3A_669 = arith.constant 0 : i32
      %dma_wait3A_670 = arith.constant 0 : i32
      %dma_wait3A_671 = tpu.memref_slice %arg8[%dma_wait3A_669, %dma_wait3A_670] : memref<10240x16xf32, #tpu.memory_space<vmem_shared>> -> memref<10240x16xf32, #tpu.memory_space<vmem_shared>>
      tpu.wait_indirect_dma semaphore(%run_scoped3A_661 : memref<!tpu.dma_semaphore, #tpu.memory_space<semaphore_mem>>) src(%arg7 : memref<80x16xf32, #tpu.memory_space<vmem>>) dst(%dma_wait3A_671 : memref<10240x16xf32, #tpu.memory_space<vmem_shared>>)
      tpu.yield
    }) : () -> ()
    %run_scoped3A_611 = arith.constant 5 : i32
    "tpu.region"() ({
      %run_scoped3A_661 = tpu.sem_alloc : memref<!tpu.dma_semaphore, #tpu.memory_space<semaphore_mem>>
      %dma_start3A = arith.constant 0 : i32
      %dma_start3A_662 = tpu.memref_slice %arg6[%run_scoped3A_611, %dma_start3A] : memref<8x80xi32, #tpu.memory_space<vmem>> -> memref<1x80xi32, #tpu.memory_space<vmem>>
      %dma_start3A_663 = tpu.memref_squeeze %dma_start3A_662 : memref<1x80xi32, #tpu.memory_space<vmem>> -> memref<80xi32, #tpu.memory_space<vmem>>
      %dma_start3A_664 = arith.constant 0 : i32
      %dma_start3A_665 = arith.constant 0 : i32
      %dma_start3A_666 = tpu.memref_slice %arg8[%dma_start3A_664, %dma_start3A_665] : memref<10240x16xf32, #tpu.memory_space<vmem_shared>> -> memref<10240x16xf32, #tpu.memory_space<vmem_shared>>
      tpu.enqueue_indirect_dma source(%arg7 : memref<80x16xf32, #tpu.memory_space<vmem>>) target(%dma_start3A_666 : memref<10240x16xf32, #tpu.memory_space<vmem_shared>>) offsets(%dma_start3A_663 : memref<80xi32, #tpu.memory_space<vmem>>) semaphore(%run_scoped3A_661 : memref<!tpu.dma_semaphore, #tpu.memory_space<semaphore_mem>>)
      %dma_wait3A = arith.constant 0 : i32
      %dma_wait3A_667 = tpu.memref_slice %arg6[%run_scoped3A_611, %dma_wait3A] : memref<8x80xi32, #tpu.memory_space<vmem>> -> memref<1x80xi32, #tpu.memory_space<vmem>>
      %dma_wait3A_668 = tpu.memref_squeeze %dma_wait3A_667 : memref<1x80xi32, #tpu.memory_space<vmem>> -> memref<80xi32, #tpu.memory_space<vmem>>
      %dma_wait3A_669 = arith.constant 0 : i32
      %dma_wait3A_670 = arith.constant 0 : i32
      %dma_wait3A_671 = tpu.memref_slice %arg8[%dma_wait3A_669, %dma_wait3A_670] : memref<10240x16xf32, #tpu.memory_space<vmem_shared>> -> memref<10240x16xf32, #tpu.memory_space<vmem_shared>>
      tpu.wait_indirect_dma semaphore(%run_scoped3A_661 : memref<!tpu.dma_semaphore, #tpu.memory_space<semaphore_mem>>) src(%arg7 : memref<80x16xf32, #tpu.memory_space<vmem>>) dst(%dma_wait3A_671 : memref<10240x16xf32, #tpu.memory_space<vmem_shared>>)
      tpu.yield
    }) : () -> ()
    %run_scoped3A_612 = arith.constant 6 : i32
    "tpu.region"() ({
      %run_scoped3A_661 = tpu.sem_alloc : memref<!tpu.dma_semaphore, #tpu.memory_space<semaphore_mem>>
      %dma_start3A = arith.constant 0 : i32
      %dma_start3A_662 = tpu.memref_slice %arg6[%run_scoped3A_612, %dma_start3A] : memref<8x80xi32, #tpu.memory_space<vmem>> -> memref<1x80xi32, #tpu.memory_space<vmem>>
      %dma_start3A_663 = tpu.memref_squeeze %dma_start3A_662 : memref<1x80xi32, #tpu.memory_space<vmem>> -> memref<80xi32, #tpu.memory_space<vmem>>
      %dma_start3A_664 = arith.constant 0 : i32
      %dma_start3A_665 = arith.constant 0 : i32
      %dma_start3A_666 = tpu.memref_slice %arg8[%dma_start3A_664, %dma_start3A_665] : memref<10240x16xf32, #tpu.memory_space<vmem_shared>> -> memref<10240x16xf32, #tpu.memory_space<vmem_shared>>
      tpu.enqueue_indirect_dma source(%arg7 : memref<80x16xf32, #tpu.memory_space<vmem>>) target(%dma_start3A_666 : memref<10240x16xf32, #tpu.memory_space<vmem_shared>>) offsets(%dma_start3A_663 : memref<80xi32, #tpu.memory_space<vmem>>) semaphore(%run_scoped3A_661 : memref<!tpu.dma_semaphore, #tpu.memory_space<semaphore_mem>>)
      %dma_wait3A = arith.constant 0 : i32
      %dma_wait3A_667 = tpu.memref_slice %arg6[%run_scoped3A_612, %dma_wait3A] : memref<8x80xi32, #tpu.memory_space<vmem>> -> memref<1x80xi32, #tpu.memory_space<vmem>>
      %dma_wait3A_668 = tpu.memref_squeeze %dma_wait3A_667 : memref<1x80xi32, #tpu.memory_space<vmem>> -> memref<80xi32, #tpu.memory_space<vmem>>
      %dma_wait3A_669 = arith.constant 0 : i32
      %dma_wait3A_670 = arith.constant 0 : i32
      %dma_wait3A_671 = tpu.memref_slice %arg8[%dma_wait3A_669, %dma_wait3A_670] : memref<10240x16xf32, #tpu.memory_space<vmem_shared>> -> memref<10240x16xf32, #tpu.memory_space<vmem_shared>>
      tpu.wait_indirect_dma semaphore(%run_scoped3A_661 : memref<!tpu.dma_semaphore, #tpu.memory_space<semaphore_mem>>) src(%arg7 : memref<80x16xf32, #tpu.memory_space<vmem>>) dst(%dma_wait3A_671 : memref<10240x16xf32, #tpu.memory_space<vmem_shared>>)
      tpu.yield
    }) : () -> ()
    %run_scoped3A_613 = arith.constant 7 : i32
    "tpu.region"() ({
      %run_scoped3A_661 = tpu.sem_alloc : memref<!tpu.dma_semaphore, #tpu.memory_space<semaphore_mem>>
      %dma_start3A = arith.constant 0 : i32
      %dma_start3A_662 = tpu.memref_slice %arg6[%run_scoped3A_613, %dma_start3A] : memref<8x80xi32, #tpu.memory_space<vmem>> -> memref<1x80xi32, #tpu.memory_space<vmem>>
      %dma_start3A_663 = tpu.memref_squeeze %dma_start3A_662 : memref<1x80xi32, #tpu.memory_space<vmem>> -> memref<80xi32, #tpu.memory_space<vmem>>
      %dma_start3A_664 = arith.constant 0 : i32
      %dma_start3A_665 = arith.constant 0 : i32
      %dma_start3A_666 = tpu.memref_slice %arg8[%dma_start3A_664, %dma_start3A_665] : memref<10240x16xf32, #tpu.memory_space<vmem_shared>> -> memref<10240x16xf32, #tpu.memory_space<vmem_shared>>
      tpu.enqueue_indirect_dma source(%arg7 : memref<80x16xf32, #tpu.memory_space<vmem>>) target(%dma_start3A_666 : memref<10240x16xf32, #tpu.memory_space<vmem_shared>>) offsets(%dma_start3A_663 : memref<80xi32, #tpu.memory_space<vmem>>) semaphore(%run_scoped3A_661 : memref<!tpu.dma_semaphore, #tpu.memory_space<semaphore_mem>>)
      %dma_wait3A = arith.constant 0 : i32
      %dma_wait3A_667 = tpu.memref_slice %arg6[%run_scoped3A_613, %dma_wait3A] : memref<8x80xi32, #tpu.memory_space<vmem>> -> memref<1x80xi32, #tpu.memory_space<vmem>>
      %dma_wait3A_668 = tpu.memref_squeeze %dma_wait3A_667 : memref<1x80xi32, #tpu.memory_space<vmem>> -> memref<80xi32, #tpu.memory_space<vmem>>
      %dma_wait3A_669 = arith.constant 0 : i32
      %dma_wait3A_670 = arith.constant 0 : i32
      %dma_wait3A_671 = tpu.memref_slice %arg8[%dma_wait3A_669, %dma_wait3A_670] : memref<10240x16xf32, #tpu.memory_space<vmem_shared>> -> memref<10240x16xf32, #tpu.memory_space<vmem_shared>>
      tpu.wait_indirect_dma semaphore(%run_scoped3A_661 : memref<!tpu.dma_semaphore, #tpu.memory_space<semaphore_mem>>) src(%arg7 : memref<80x16xf32, #tpu.memory_space<vmem>>) dst(%dma_wait3A_671 : memref<10240x16xf32, #tpu.memory_space<vmem_shared>>)
      tpu.yield
    }) : () -> ()
    %barrier3A = arith.constant 0 : index
    tpu.barrier barrier_id(%barrier3A)
    %scan3A_614 = arith.constant 0 : i32
    %scan3A_615 = arith.constant 0 : i32
    %scan3A_616 = arith.constant 125 : i32
    %scan3A_617 = arith.addi %scan3A_615, %scan3A_616 : i32
    %scan3A_618 = arith.constant 1 : i32
    scf.for %scan3A_661 = %scan3A_615 to %scan3A_617 step %scan3A_618  : i32 {
      "tpu.region"() ({
        %run_scoped3A_662 = tpu.sem_alloc : memref<!tpu.dma_semaphore, #tpu.memory_space<semaphore_mem>>
        %dma_start3A = arith.constant 0 : i32
        %dma_start3A_663 = tpu.memref_slice %arg4[%scan3A_661, %dma_start3A] : memref<125x80xi32, #tpu.memory_space<vmem>> -> memref<1x80xi32, #tpu.memory_space<vmem>>
        %dma_start3A_664 = tpu.memref_squeeze %dma_start3A_663 : memref<1x80xi32, #tpu.memory_space<vmem>> -> memref<80xi32, #tpu.memory_space<vmem>>
        %dma_start3A_665 = arith.constant 0 : i32
        %dma_start3A_666 = arith.constant 0 : i32
        %dma_start3A_667 = tpu.memref_slice %arg8[%dma_start3A_665, %dma_start3A_666] : memref<10240x16xf32, #tpu.memory_space<vmem_shared>> -> memref<10240x16xf32, #tpu.memory_space<vmem_shared>>
        tpu.enqueue_indirect_dma source(%arg5 : memref<80x16xf32, #tpu.memory_space<vmem>>) target(%dma_start3A_667 : memref<10240x16xf32, #tpu.memory_space<vmem_shared>>) offsets(%dma_start3A_664 : memref<80xi32, #tpu.memory_space<vmem>>) semaphore(%run_scoped3A_662 : memref<!tpu.dma_semaphore, #tpu.memory_space<semaphore_mem>>) {add = true}
        %dma_wait3A = arith.constant 0 : i32
        %dma_wait3A_668 = tpu.memref_slice %arg4[%scan3A_661, %dma_wait3A] : memref<125x80xi32, #tpu.memory_space<vmem>> -> memref<1x80xi32, #tpu.memory_space<vmem>>
        %dma_wait3A_669 = tpu.memref_squeeze %dma_wait3A_668 : memref<1x80xi32, #tpu.memory_space<vmem>> -> memref<80xi32, #tpu.memory_space<vmem>>
        %dma_wait3A_670 = arith.constant 0 : i32
        %dma_wait3A_671 = arith.constant 0 : i32
        %dma_wait3A_672 = tpu.memref_slice %arg8[%dma_wait3A_670, %dma_wait3A_671] : memref<10240x16xf32, #tpu.memory_space<vmem_shared>> -> memref<10240x16xf32, #tpu.memory_space<vmem_shared>>
        tpu.wait_indirect_dma semaphore(%run_scoped3A_662 : memref<!tpu.dma_semaphore, #tpu.memory_space<semaphore_mem>>) src(%arg5 : memref<80x16xf32, #tpu.memory_space<vmem>>) dst(%dma_wait3A_672 : memref<10240x16xf32, #tpu.memory_space<vmem_shared>>)
        tpu.yield
      }) : () -> ()
    }
    %scan3A_619 = arith.constant 125 : i32
    %barrier3A_620 = arith.constant 0 : index
    tpu.barrier barrier_id(%barrier3A_620)
    %run_scoped3A_621 = arith.constant 0 : i32
    "tpu.region"() ({
      %run_scoped3A_661 = tpu.sem_alloc : memref<!tpu.dma_semaphore, #tpu.memory_space<semaphore_mem>>
      %dma_start3A = arith.constant 0 : i32
      %dma_start3A_662 = tpu.memref_slice %arg6[%run_scoped3A_621, %dma_start3A] : memref<8x80xi32, #tpu.memory_space<vmem>> -> memref<1x80xi32, #tpu.memory_space<vmem>>
      %dma_start3A_663 = tpu.memref_squeeze %dma_start3A_662 : memref<1x80xi32, #tpu.memory_space<vmem>> -> memref<80xi32, #tpu.memory_space<vmem>>
      %dma_start3A_664 = arith.constant 0 : i32
      %dma_start3A_665 = arith.constant 0 : i32
      %dma_start3A_666 = tpu.memref_slice %arg8[%dma_start3A_664, %dma_start3A_665] : memref<10240x16xf32, #tpu.memory_space<vmem_shared>> -> memref<10240x16xf32, #tpu.memory_space<vmem_shared>>
      tpu.enqueue_indirect_dma source(%dma_start3A_666 : memref<10240x16xf32, #tpu.memory_space<vmem_shared>>) target(%arg7 : memref<80x16xf32, #tpu.memory_space<vmem>>) offsets(%dma_start3A_663 : memref<80xi32, #tpu.memory_space<vmem>>) semaphore(%run_scoped3A_661 : memref<!tpu.dma_semaphore, #tpu.memory_space<semaphore_mem>>)
      %dma_wait3A = arith.constant 0 : i32
      %dma_wait3A_667 = tpu.memref_slice %arg6[%run_scoped3A_621, %dma_wait3A] : memref<8x80xi32, #tpu.memory_space<vmem>> -> memref<1x80xi32, #tpu.memory_space<vmem>>
      %dma_wait3A_668 = tpu.memref_squeeze %dma_wait3A_667 : memref<1x80xi32, #tpu.memory_space<vmem>> -> memref<80xi32, #tpu.memory_space<vmem>>
      %dma_wait3A_669 = arith.constant 0 : i32
      %dma_wait3A_670 = arith.constant 0 : i32
      %dma_wait3A_671 = tpu.memref_slice %arg8[%dma_wait3A_669, %dma_wait3A_670] : memref<10240x16xf32, #tpu.memory_space<vmem_shared>> -> memref<10240x16xf32, #tpu.memory_space<vmem_shared>>
      tpu.wait_indirect_dma semaphore(%run_scoped3A_661 : memref<!tpu.dma_semaphore, #tpu.memory_space<semaphore_mem>>) src(%dma_wait3A_671 : memref<10240x16xf32, #tpu.memory_space<vmem_shared>>) dst(%arg7 : memref<80x16xf32, #tpu.memory_space<vmem>>)
      tpu.yield
    }) : () -> ()
    %mul3A_622 = arith.constant 640 : i32
    %mul3A_623 = arith.muli %arg1, %mul3A_622 : i32
    %add3A_624 = arith.constant 0 : i32
    %add3A_625 = arith.addi %mul3A_623, %add3A_624 : i32
    "tpu.region"() ({
      %run_scoped3A_661 = tpu.sem_alloc : memref<!tpu.dma_semaphore, #tpu.memory_space<semaphore_mem>>
      %dma_start3A = arith.constant 0 : i32
      %dma_start3A_662 = tpu.memref_slice %arg3[%arg0, %add3A_625, %dma_start3A] : memref<2x10240x16xf32, #tpu.memory_space<hbm>> -> memref<1x80x16xf32, #tpu.memory_space<hbm>>
      %dma_start3A_663 = tpu.memref_squeeze %dma_start3A_662 : memref<1x80x16xf32, #tpu.memory_space<hbm>> -> memref<80x16xf32, #tpu.memory_space<hbm>>
      %dma_start3A_664 = arith.constant 0 : i32
      %dma_start3A_665 = tpu.memref_slice %arg3[%arg0, %add3A_625, %dma_start3A_664] : memref<2x10240x16xf32, #tpu.memory_space<hbm>> -> memref<1x80x16xf32, #tpu.memory_space<hbm>>
      %dma_start3A_666 = tpu.memref_squeeze %dma_start3A_665 : memref<1x80x16xf32, #tpu.memory_space<hbm>> -> memref<80x16xf32, #tpu.memory_space<hbm>>
      tpu.enqueue_dma source(%arg7 : memref<80x16xf32, #tpu.memory_space<vmem>>) target(%dma_start3A_666 : memref<80x16xf32, #tpu.memory_space<hbm>>) target_semaphore(%run_scoped3A_661 : memref<!tpu.dma_semaphore, #tpu.memory_space<semaphore_mem>>)
      %dma_wait3A = arith.constant 0 : i32
      %dma_wait3A_667 = tpu.memref_slice %arg3[%arg0, %add3A_625, %dma_wait3A] : memref<2x10240x16xf32, #tpu.memory_space<hbm>> -> memref<1x80x16xf32, #tpu.memory_space<hbm>>
      %dma_wait3A_668 = tpu.memref_squeeze %dma_wait3A_667 : memref<1x80x16xf32, #tpu.memory_space<hbm>> -> memref<80x16xf32, #tpu.memory_space<hbm>>
      %dma_wait3A_669 = arith.constant 0 : i32
      %dma_wait3A_670 = tpu.memref_slice %arg3[%arg0, %add3A_625, %dma_wait3A_669] : memref<2x10240x16xf32, #tpu.memory_space<hbm>> -> memref<1x80x16xf32, #tpu.memory_space<hbm>>
      %dma_wait3A_671 = tpu.memref_squeeze %dma_wait3A_670 : memref<1x80x16xf32, #tpu.memory_space<hbm>> -> memref<80x16xf32, #tpu.memory_space<hbm>>
      tpu.wait_dma2 semaphore(%run_scoped3A_661 : memref<!tpu.dma_semaphore, #tpu.memory_space<semaphore_mem>>) src(%arg7 : memref<80x16xf32, #tpu.memory_space<vmem>>) dst(%dma_wait3A_671 : memref<80x16xf32, #tpu.memory_space<hbm>>)
      tpu.yield
    }) : () -> ()
    %run_scoped3A_626 = arith.constant 1 : i32
    "tpu.region"() ({
      %run_scoped3A_661 = tpu.sem_alloc : memref<!tpu.dma_semaphore, #tpu.memory_space<semaphore_mem>>
      %dma_start3A = arith.constant 0 : i32
      %dma_start3A_662 = tpu.memref_slice %arg6[%run_scoped3A_626, %dma_start3A] : memref<8x80xi32, #tpu.memory_space<vmem>> -> memref<1x80xi32, #tpu.memory_space<vmem>>
      %dma_start3A_663 = tpu.memref_squeeze %dma_start3A_662 : memref<1x80xi32, #tpu.memory_space<vmem>> -> memref<80xi32, #tpu.memory_space<vmem>>
      %dma_start3A_664 = arith.constant 0 : i32
      %dma_start3A_665 = arith.constant 0 : i32
      %dma_start3A_666 = tpu.memref_slice %arg8[%dma_start3A_664, %dma_start3A_665] : memref<10240x16xf32, #tpu.memory_space<vmem_shared>> -> memref<10240x16xf32, #tpu.memory_space<vmem_shared>>
      tpu.enqueue_indirect_dma source(%dma_start3A_666 : memref<10240x16xf32, #tpu.memory_space<vmem_shared>>) target(%arg7 : memref<80x16xf32, #tpu.memory_space<vmem>>) offsets(%dma_start3A_663 : memref<80xi32, #tpu.memory_space<vmem>>) semaphore(%run_scoped3A_661 : memref<!tpu.dma_semaphore, #tpu.memory_space<semaphore_mem>>)
      %dma_wait3A = arith.constant 0 : i32
      %dma_wait3A_667 = tpu.memref_slice %arg6[%run_scoped3A_626, %dma_wait3A] : memref<8x80xi32, #tpu.memory_space<vmem>> -> memref<1x80xi32, #tpu.memory_space<vmem>>
      %dma_wait3A_668 = tpu.memref_squeeze %dma_wait3A_667 : memref<1x80xi32, #tpu.memory_space<vmem>> -> memref<80xi32, #tpu.memory_space<vmem>>
      %dma_wait3A_669 = arith.constant 0 : i32
      %dma_wait3A_670 = arith.constant 0 : i32
      %dma_wait3A_671 = tpu.memref_slice %arg8[%dma_wait3A_669, %dma_wait3A_670] : memref<10240x16xf32, #tpu.memory_space<vmem_shared>> -> memref<10240x16xf32, #tpu.memory_space<vmem_shared>>
      tpu.wait_indirect_dma semaphore(%run_scoped3A_661 : memref<!tpu.dma_semaphore, #tpu.memory_space<semaphore_mem>>) src(%dma_wait3A_671 : memref<10240x16xf32, #tpu.memory_space<vmem_shared>>) dst(%arg7 : memref<80x16xf32, #tpu.memory_space<vmem>>)
      tpu.yield
    }) : () -> ()
    %mul3A_627 = arith.constant 640 : i32
    %mul3A_628 = arith.muli %arg1, %mul3A_627 : i32
    %add3A_629 = arith.constant 80 : i32
    %add3A_630 = arith.addi %mul3A_628, %add3A_629 : i32
    "tpu.region"() ({
      %run_scoped3A_661 = tpu.sem_alloc : memref<!tpu.dma_semaphore, #tpu.memory_space<semaphore_mem>>
      %dma_start3A = arith.constant 0 : i32
      %dma_start3A_662 = tpu.memref_slice %arg3[%arg0, %add3A_630, %dma_start3A] : memref<2x10240x16xf32, #tpu.memory_space<hbm>> -> memref<1x80x16xf32, #tpu.memory_space<hbm>>
      %dma_start3A_663 = tpu.memref_squeeze %dma_start3A_662 : memref<1x80x16xf32, #tpu.memory_space<hbm>> -> memref<80x16xf32, #tpu.memory_space<hbm>>
      %dma_start3A_664 = arith.constant 0 : i32
      %dma_start3A_665 = tpu.memref_slice %arg3[%arg0, %add3A_630, %dma_start3A_664] : memref<2x10240x16xf32, #tpu.memory_space<hbm>> -> memref<1x80x16xf32, #tpu.memory_space<hbm>>
      %dma_start3A_666 = tpu.memref_squeeze %dma_start3A_665 : memref<1x80x16xf32, #tpu.memory_space<hbm>> -> memref<80x16xf32, #tpu.memory_space<hbm>>
      tpu.enqueue_dma source(%arg7 : memref<80x16xf32, #tpu.memory_space<vmem>>) target(%dma_start3A_666 : memref<80x16xf32, #tpu.memory_space<hbm>>) target_semaphore(%run_scoped3A_661 : memref<!tpu.dma_semaphore, #tpu.memory_space<semaphore_mem>>)
      %dma_wait3A = arith.constant 0 : i32
      %dma_wait3A_667 = tpu.memref_slice %arg3[%arg0, %add3A_630, %dma_wait3A] : memref<2x10240x16xf32, #tpu.memory_space<hbm>> -> memref<1x80x16xf32, #tpu.memory_space<hbm>>
      %dma_wait3A_668 = tpu.memref_squeeze %dma_wait3A_667 : memref<1x80x16xf32, #tpu.memory_space<hbm>> -> memref<80x16xf32, #tpu.memory_space<hbm>>
      %dma_wait3A_669 = arith.constant 0 : i32
      %dma_wait3A_670 = tpu.memref_slice %arg3[%arg0, %add3A_630, %dma_wait3A_669] : memref<2x10240x16xf32, #tpu.memory_space<hbm>> -> memref<1x80x16xf32, #tpu.memory_space<hbm>>
      %dma_wait3A_671 = tpu.memref_squeeze %dma_wait3A_670 : memref<1x80x16xf32, #tpu.memory_space<hbm>> -> memref<80x16xf32, #tpu.memory_space<hbm>>
      tpu.wait_dma2 semaphore(%run_scoped3A_661 : memref<!tpu.dma_semaphore, #tpu.memory_space<semaphore_mem>>) src(%arg7 : memref<80x16xf32, #tpu.memory_space<vmem>>) dst(%dma_wait3A_671 : memref<80x16xf32, #tpu.memory_space<hbm>>)
      tpu.yield
    }) : () -> ()
    %run_scoped3A_631 = arith.constant 2 : i32
    "tpu.region"() ({
      %run_scoped3A_661 = tpu.sem_alloc : memref<!tpu.dma_semaphore, #tpu.memory_space<semaphore_mem>>
      %dma_start3A = arith.constant 0 : i32
      %dma_start3A_662 = tpu.memref_slice %arg6[%run_scoped3A_631, %dma_start3A] : memref<8x80xi32, #tpu.memory_space<vmem>> -> memref<1x80xi32, #tpu.memory_space<vmem>>
      %dma_start3A_663 = tpu.memref_squeeze %dma_start3A_662 : memref<1x80xi32, #tpu.memory_space<vmem>> -> memref<80xi32, #tpu.memory_space<vmem>>
      %dma_start3A_664 = arith.constant 0 : i32
      %dma_start3A_665 = arith.constant 0 : i32
      %dma_start3A_666 = tpu.memref_slice %arg8[%dma_start3A_664, %dma_start3A_665] : memref<10240x16xf32, #tpu.memory_space<vmem_shared>> -> memref<10240x16xf32, #tpu.memory_space<vmem_shared>>
      tpu.enqueue_indirect_dma source(%dma_start3A_666 : memref<10240x16xf32, #tpu.memory_space<vmem_shared>>) target(%arg7 : memref<80x16xf32, #tpu.memory_space<vmem>>) offsets(%dma_start3A_663 : memref<80xi32, #tpu.memory_space<vmem>>) semaphore(%run_scoped3A_661 : memref<!tpu.dma_semaphore, #tpu.memory_space<semaphore_mem>>)
      %dma_wait3A = arith.constant 0 : i32
      %dma_wait3A_667 = tpu.memref_slice %arg6[%run_scoped3A_631, %dma_wait3A] : memref<8x80xi32, #tpu.memory_space<vmem>> -> memref<1x80xi32, #tpu.memory_space<vmem>>
      %dma_wait3A_668 = tpu.memref_squeeze %dma_wait3A_667 : memref<1x80xi32, #tpu.memory_space<vmem>> -> memref<80xi32, #tpu.memory_space<vmem>>
      %dma_wait3A_669 = arith.constant 0 : i32
      %dma_wait3A_670 = arith.constant 0 : i32
      %dma_wait3A_671 = tpu.memref_slice %arg8[%dma_wait3A_669, %dma_wait3A_670] : memref<10240x16xf32, #tpu.memory_space<vmem_shared>> -> memref<10240x16xf32, #tpu.memory_space<vmem_shared>>
      tpu.wait_indirect_dma semaphore(%run_scoped3A_661 : memref<!tpu.dma_semaphore, #tpu.memory_space<semaphore_mem>>) src(%dma_wait3A_671 : memref<10240x16xf32, #tpu.memory_space<vmem_shared>>) dst(%arg7 : memref<80x16xf32, #tpu.memory_space<vmem>>)
      tpu.yield
    }) : () -> ()
    %mul3A_632 = arith.constant 640 : i32
    %mul3A_633 = arith.muli %arg1, %mul3A_632 : i32
    %add3A_634 = arith.constant 160 : i32
    %add3A_635 = arith.addi %mul3A_633, %add3A_634 : i32
    "tpu.region"() ({
      %run_scoped3A_661 = tpu.sem_alloc : memref<!tpu.dma_semaphore, #tpu.memory_space<semaphore_mem>>
      %dma_start3A = arith.constant 0 : i32
      %dma_start3A_662 = tpu.memref_slice %arg3[%arg0, %add3A_635, %dma_start3A] : memref<2x10240x16xf32, #tpu.memory_space<hbm>> -> memref<1x80x16xf32, #tpu.memory_space<hbm>>
      %dma_start3A_663 = tpu.memref_squeeze %dma_start3A_662 : memref<1x80x16xf32, #tpu.memory_space<hbm>> -> memref<80x16xf32, #tpu.memory_space<hbm>>
      %dma_start3A_664 = arith.constant 0 : i32
      %dma_start3A_665 = tpu.memref_slice %arg3[%arg0, %add3A_635, %dma_start3A_664] : memref<2x10240x16xf32, #tpu.memory_space<hbm>> -> memref<1x80x16xf32, #tpu.memory_space<hbm>>
      %dma_start3A_666 = tpu.memref_squeeze %dma_start3A_665 : memref<1x80x16xf32, #tpu.memory_space<hbm>> -> memref<80x16xf32, #tpu.memory_space<hbm>>
      tpu.enqueue_dma source(%arg7 : memref<80x16xf32, #tpu.memory_space<vmem>>) target(%dma_start3A_666 : memref<80x16xf32, #tpu.memory_space<hbm>>) target_semaphore(%run_scoped3A_661 : memref<!tpu.dma_semaphore, #tpu.memory_space<semaphore_mem>>)
      %dma_wait3A = arith.constant 0 : i32
      %dma_wait3A_667 = tpu.memref_slice %arg3[%arg0, %add3A_635, %dma_wait3A] : memref<2x10240x16xf32, #tpu.memory_space<hbm>> -> memref<1x80x16xf32, #tpu.memory_space<hbm>>
      %dma_wait3A_668 = tpu.memref_squeeze %dma_wait3A_667 : memref<1x80x16xf32, #tpu.memory_space<hbm>> -> memref<80x16xf32, #tpu.memory_space<hbm>>
      %dma_wait3A_669 = arith.constant 0 : i32
      %dma_wait3A_670 = tpu.memref_slice %arg3[%arg0, %add3A_635, %dma_wait3A_669] : memref<2x10240x16xf32, #tpu.memory_space<hbm>> -> memref<1x80x16xf32, #tpu.memory_space<hbm>>
      %dma_wait3A_671 = tpu.memref_squeeze %dma_wait3A_670 : memref<1x80x16xf32, #tpu.memory_space<hbm>> -> memref<80x16xf32, #tpu.memory_space<hbm>>
      tpu.wait_dma2 semaphore(%run_scoped3A_661 : memref<!tpu.dma_semaphore, #tpu.memory_space<semaphore_mem>>) src(%arg7 : memref<80x16xf32, #tpu.memory_space<vmem>>) dst(%dma_wait3A_671 : memref<80x16xf32, #tpu.memory_space<hbm>>)
      tpu.yield
    }) : () -> ()
    %run_scoped3A_636 = arith.constant 3 : i32
    "tpu.region"() ({
      %run_scoped3A_661 = tpu.sem_alloc : memref<!tpu.dma_semaphore, #tpu.memory_space<semaphore_mem>>
      %dma_start3A = arith.constant 0 : i32
      %dma_start3A_662 = tpu.memref_slice %arg6[%run_scoped3A_636, %dma_start3A] : memref<8x80xi32, #tpu.memory_space<vmem>> -> memref<1x80xi32, #tpu.memory_space<vmem>>
      %dma_start3A_663 = tpu.memref_squeeze %dma_start3A_662 : memref<1x80xi32, #tpu.memory_space<vmem>> -> memref<80xi32, #tpu.memory_space<vmem>>
      %dma_start3A_664 = arith.constant 0 : i32
      %dma_start3A_665 = arith.constant 0 : i32
      %dma_start3A_666 = tpu.memref_slice %arg8[%dma_start3A_664, %dma_start3A_665] : memref<10240x16xf32, #tpu.memory_space<vmem_shared>> -> memref<10240x16xf32, #tpu.memory_space<vmem_shared>>
      tpu.enqueue_indirect_dma source(%dma_start3A_666 : memref<10240x16xf32, #tpu.memory_space<vmem_shared>>) target(%arg7 : memref<80x16xf32, #tpu.memory_space<vmem>>) offsets(%dma_start3A_663 : memref<80xi32, #tpu.memory_space<vmem>>) semaphore(%run_scoped3A_661 : memref<!tpu.dma_semaphore, #tpu.memory_space<semaphore_mem>>)
      %dma_wait3A = arith.constant 0 : i32
      %dma_wait3A_667 = tpu.memref_slice %arg6[%run_scoped3A_636, %dma_wait3A] : memref<8x80xi32, #tpu.memory_space<vmem>> -> memref<1x80xi32, #tpu.memory_space<vmem>>
      %dma_wait3A_668 = tpu.memref_squeeze %dma_wait3A_667 : memref<1x80xi32, #tpu.memory_space<vmem>> -> memref<80xi32, #tpu.memory_space<vmem>>
      %dma_wait3A_669 = arith.constant 0 : i32
      %dma_wait3A_670 = arith.constant 0 : i32
      %dma_wait3A_671 = tpu.memref_slice %arg8[%dma_wait3A_669, %dma_wait3A_670] : memref<10240x16xf32, #tpu.memory_space<vmem_shared>> -> memref<10240x16xf32, #tpu.memory_space<vmem_shared>>
      tpu.wait_indirect_dma semaphore(%run_scoped3A_661 : memref<!tpu.dma_semaphore, #tpu.memory_space<semaphore_mem>>) src(%dma_wait3A_671 : memref<10240x16xf32, #tpu.memory_space<vmem_shared>>) dst(%arg7 : memref<80x16xf32, #tpu.memory_space<vmem>>)
      tpu.yield
    }) : () -> ()
    %mul3A_637 = arith.constant 640 : i32
    %mul3A_638 = arith.muli %arg1, %mul3A_637 : i32
    %add3A_639 = arith.constant 240 : i32
    %add3A_640 = arith.addi %mul3A_638, %add3A_639 : i32
    "tpu.region"() ({
      %run_scoped3A_661 = tpu.sem_alloc : memref<!tpu.dma_semaphore, #tpu.memory_space<semaphore_mem>>
      %dma_start3A = arith.constant 0 : i32
      %dma_start3A_662 = tpu.memref_slice %arg3[%arg0, %add3A_640, %dma_start3A] : memref<2x10240x16xf32, #tpu.memory_space<hbm>> -> memref<1x80x16xf32, #tpu.memory_space<hbm>>
      %dma_start3A_663 = tpu.memref_squeeze %dma_start3A_662 : memref<1x80x16xf32, #tpu.memory_space<hbm>> -> memref<80x16xf32, #tpu.memory_space<hbm>>
      %dma_start3A_664 = arith.constant 0 : i32
      %dma_start3A_665 = tpu.memref_slice %arg3[%arg0, %add3A_640, %dma_start3A_664] : memref<2x10240x16xf32, #tpu.memory_space<hbm>> -> memref<1x80x16xf32, #tpu.memory_space<hbm>>
      %dma_start3A_666 = tpu.memref_squeeze %dma_start3A_665 : memref<1x80x16xf32, #tpu.memory_space<hbm>> -> memref<80x16xf32, #tpu.memory_space<hbm>>
      tpu.enqueue_dma source(%arg7 : memref<80x16xf32, #tpu.memory_space<vmem>>) target(%dma_start3A_666 : memref<80x16xf32, #tpu.memory_space<hbm>>) target_semaphore(%run_scoped3A_661 : memref<!tpu.dma_semaphore, #tpu.memory_space<semaphore_mem>>)
      %dma_wait3A = arith.constant 0 : i32
      %dma_wait3A_667 = tpu.memref_slice %arg3[%arg0, %add3A_640, %dma_wait3A] : memref<2x10240x16xf32, #tpu.memory_space<hbm>> -> memref<1x80x16xf32, #tpu.memory_space<hbm>>
      %dma_wait3A_668 = tpu.memref_squeeze %dma_wait3A_667 : memref<1x80x16xf32, #tpu.memory_space<hbm>> -> memref<80x16xf32, #tpu.memory_space<hbm>>
      %dma_wait3A_669 = arith.constant 0 : i32
      %dma_wait3A_670 = tpu.memref_slice %arg3[%arg0, %add3A_640, %dma_wait3A_669] : memref<2x10240x16xf32, #tpu.memory_space<hbm>> -> memref<1x80x16xf32, #tpu.memory_space<hbm>>
      %dma_wait3A_671 = tpu.memref_squeeze %dma_wait3A_670 : memref<1x80x16xf32, #tpu.memory_space<hbm>> -> memref<80x16xf32, #tpu.memory_space<hbm>>
      tpu.wait_dma2 semaphore(%run_scoped3A_661 : memref<!tpu.dma_semaphore, #tpu.memory_space<semaphore_mem>>) src(%arg7 : memref<80x16xf32, #tpu.memory_space<vmem>>) dst(%dma_wait3A_671 : memref<80x16xf32, #tpu.memory_space<hbm>>)
      tpu.yield
    }) : () -> ()
    %run_scoped3A_641 = arith.constant 4 : i32
    "tpu.region"() ({
      %run_scoped3A_661 = tpu.sem_alloc : memref<!tpu.dma_semaphore, #tpu.memory_space<semaphore_mem>>
      %dma_start3A = arith.constant 0 : i32
      %dma_start3A_662 = tpu.memref_slice %arg6[%run_scoped3A_641, %dma_start3A] : memref<8x80xi32, #tpu.memory_space<vmem>> -> memref<1x80xi32, #tpu.memory_space<vmem>>
      %dma_start3A_663 = tpu.memref_squeeze %dma_start3A_662 : memref<1x80xi32, #tpu.memory_space<vmem>> -> memref<80xi32, #tpu.memory_space<vmem>>
      %dma_start3A_664 = arith.constant 0 : i32
      %dma_start3A_665 = arith.constant 0 : i32
      %dma_start3A_666 = tpu.memref_slice %arg8[%dma_start3A_664, %dma_start3A_665] : memref<10240x16xf32, #tpu.memory_space<vmem_shared>> -> memref<10240x16xf32, #tpu.memory_space<vmem_shared>>
      tpu.enqueue_indirect_dma source(%dma_start3A_666 : memref<10240x16xf32, #tpu.memory_space<vmem_shared>>) target(%arg7 : memref<80x16xf32, #tpu.memory_space<vmem>>) offsets(%dma_start3A_663 : memref<80xi32, #tpu.memory_space<vmem>>) semaphore(%run_scoped3A_661 : memref<!tpu.dma_semaphore, #tpu.memory_space<semaphore_mem>>)
      %dma_wait3A = arith.constant 0 : i32
      %dma_wait3A_667 = tpu.memref_slice %arg6[%run_scoped3A_641, %dma_wait3A] : memref<8x80xi32, #tpu.memory_space<vmem>> -> memref<1x80xi32, #tpu.memory_space<vmem>>
      %dma_wait3A_668 = tpu.memref_squeeze %dma_wait3A_667 : memref<1x80xi32, #tpu.memory_space<vmem>> -> memref<80xi32, #tpu.memory_space<vmem>>
      %dma_wait3A_669 = arith.constant 0 : i32
      %dma_wait3A_670 = arith.constant 0 : i32
      %dma_wait3A_671 = tpu.memref_slice %arg8[%dma_wait3A_669, %dma_wait3A_670] : memref<10240x16xf32, #tpu.memory_space<vmem_shared>> -> memref<10240x16xf32, #tpu.memory_space<vmem_shared>>
      tpu.wait_indirect_dma semaphore(%run_scoped3A_661 : memref<!tpu.dma_semaphore, #tpu.memory_space<semaphore_mem>>) src(%dma_wait3A_671 : memref<10240x16xf32, #tpu.memory_space<vmem_shared>>) dst(%arg7 : memref<80x16xf32, #tpu.memory_space<vmem>>)
      tpu.yield
    }) : () -> ()
    %mul3A_642 = arith.constant 640 : i32
    %mul3A_643 = arith.muli %arg1, %mul3A_642 : i32
    %add3A_644 = arith.constant 320 : i32
    %add3A_645 = arith.addi %mul3A_643, %add3A_644 : i32
    "tpu.region"() ({
      %run_scoped3A_661 = tpu.sem_alloc : memref<!tpu.dma_semaphore, #tpu.memory_space<semaphore_mem>>
      %dma_start3A = arith.constant 0 : i32
      %dma_start3A_662 = tpu.memref_slice %arg3[%arg0, %add3A_645, %dma_start3A] : memref<2x10240x16xf32, #tpu.memory_space<hbm>> -> memref<1x80x16xf32, #tpu.memory_space<hbm>>
      %dma_start3A_663 = tpu.memref_squeeze %dma_start3A_662 : memref<1x80x16xf32, #tpu.memory_space<hbm>> -> memref<80x16xf32, #tpu.memory_space<hbm>>
      %dma_start3A_664 = arith.constant 0 : i32
      %dma_start3A_665 = tpu.memref_slice %arg3[%arg0, %add3A_645, %dma_start3A_664] : memref<2x10240x16xf32, #tpu.memory_space<hbm>> -> memref<1x80x16xf32, #tpu.memory_space<hbm>>
      %dma_start3A_666 = tpu.memref_squeeze %dma_start3A_665 : memref<1x80x16xf32, #tpu.memory_space<hbm>> -> memref<80x16xf32, #tpu.memory_space<hbm>>
      tpu.enqueue_dma source(%arg7 : memref<80x16xf32, #tpu.memory_space<vmem>>) target(%dma_start3A_666 : memref<80x16xf32, #tpu.memory_space<hbm>>) target_semaphore(%run_scoped3A_661 : memref<!tpu.dma_semaphore, #tpu.memory_space<semaphore_mem>>)
      %dma_wait3A = arith.constant 0 : i32
      %dma_wait3A_667 = tpu.memref_slice %arg3[%arg0, %add3A_645, %dma_wait3A] : memref<2x10240x16xf32, #tpu.memory_space<hbm>> -> memref<1x80x16xf32, #tpu.memory_space<hbm>>
      %dma_wait3A_668 = tpu.memref_squeeze %dma_wait3A_667 : memref<1x80x16xf32, #tpu.memory_space<hbm>> -> memref<80x16xf32, #tpu.memory_space<hbm>>
      %dma_wait3A_669 = arith.constant 0 : i32
      %dma_wait3A_670 = tpu.memref_slice %arg3[%arg0, %add3A_645, %dma_wait3A_669] : memref<2x10240x16xf32, #tpu.memory_space<hbm>> -> memref<1x80x16xf32, #tpu.memory_space<hbm>>
      %dma_wait3A_671 = tpu.memref_squeeze %dma_wait3A_670 : memref<1x80x16xf32, #tpu.memory_space<hbm>> -> memref<80x16xf32, #tpu.memory_space<hbm>>
      tpu.wait_dma2 semaphore(%run_scoped3A_661 : memref<!tpu.dma_semaphore, #tpu.memory_space<semaphore_mem>>) src(%arg7 : memref<80x16xf32, #tpu.memory_space<vmem>>) dst(%dma_wait3A_671 : memref<80x16xf32, #tpu.memory_space<hbm>>)
      tpu.yield
    }) : () -> ()
    %run_scoped3A_646 = arith.constant 5 : i32
    "tpu.region"() ({
      %run_scoped3A_661 = tpu.sem_alloc : memref<!tpu.dma_semaphore, #tpu.memory_space<semaphore_mem>>
      %dma_start3A = arith.constant 0 : i32
      %dma_start3A_662 = tpu.memref_slice %arg6[%run_scoped3A_646, %dma_start3A] : memref<8x80xi32, #tpu.memory_space<vmem>> -> memref<1x80xi32, #tpu.memory_space<vmem>>
      %dma_start3A_663 = tpu.memref_squeeze %dma_start3A_662 : memref<1x80xi32, #tpu.memory_space<vmem>> -> memref<80xi32, #tpu.memory_space<vmem>>
      %dma_start3A_664 = arith.constant 0 : i32
      %dma_start3A_665 = arith.constant 0 : i32
      %dma_start3A_666 = tpu.memref_slice %arg8[%dma_start3A_664, %dma_start3A_665] : memref<10240x16xf32, #tpu.memory_space<vmem_shared>> -> memref<10240x16xf32, #tpu.memory_space<vmem_shared>>
      tpu.enqueue_indirect_dma source(%dma_start3A_666 : memref<10240x16xf32, #tpu.memory_space<vmem_shared>>) target(%arg7 : memref<80x16xf32, #tpu.memory_space<vmem>>) offsets(%dma_start3A_663 : memref<80xi32, #tpu.memory_space<vmem>>) semaphore(%run_scoped3A_661 : memref<!tpu.dma_semaphore, #tpu.memory_space<semaphore_mem>>)
      %dma_wait3A = arith.constant 0 : i32
      %dma_wait3A_667 = tpu.memref_slice %arg6[%run_scoped3A_646, %dma_wait3A] : memref<8x80xi32, #tpu.memory_space<vmem>> -> memref<1x80xi32, #tpu.memory_space<vmem>>
      %dma_wait3A_668 = tpu.memref_squeeze %dma_wait3A_667 : memref<1x80xi32, #tpu.memory_space<vmem>> -> memref<80xi32, #tpu.memory_space<vmem>>
      %dma_wait3A_669 = arith.constant 0 : i32
      %dma_wait3A_670 = arith.constant 0 : i32
      %dma_wait3A_671 = tpu.memref_slice %arg8[%dma_wait3A_669, %dma_wait3A_670] : memref<10240x16xf32, #tpu.memory_space<vmem_shared>> -> memref<10240x16xf32, #tpu.memory_space<vmem_shared>>
      tpu.wait_indirect_dma semaphore(%run_scoped3A_661 : memref<!tpu.dma_semaphore, #tpu.memory_space<semaphore_mem>>) src(%dma_wait3A_671 : memref<10240x16xf32, #tpu.memory_space<vmem_shared>>) dst(%arg7 : memref<80x16xf32, #tpu.memory_space<vmem>>)
      tpu.yield
    }) : () -> ()
    %mul3A_647 = arith.constant 640 : i32
    %mul3A_648 = arith.muli %arg1, %mul3A_647 : i32
    %add3A_649 = arith.constant 400 : i32
    %add3A_650 = arith.addi %mul3A_648, %add3A_649 : i32
    "tpu.region"() ({
      %run_scoped3A_661 = tpu.sem_alloc : memref<!tpu.dma_semaphore, #tpu.memory_space<semaphore_mem>>
      %dma_start3A = arith.constant 0 : i32
      %dma_start3A_662 = tpu.memref_slice %arg3[%arg0, %add3A_650, %dma_start3A] : memref<2x10240x16xf32, #tpu.memory_space<hbm>> -> memref<1x80x16xf32, #tpu.memory_space<hbm>>
      %dma_start3A_663 = tpu.memref_squeeze %dma_start3A_662 : memref<1x80x16xf32, #tpu.memory_space<hbm>> -> memref<80x16xf32, #tpu.memory_space<hbm>>
      %dma_start3A_664 = arith.constant 0 : i32
      %dma_start3A_665 = tpu.memref_slice %arg3[%arg0, %add3A_650, %dma_start3A_664] : memref<2x10240x16xf32, #tpu.memory_space<hbm>> -> memref<1x80x16xf32, #tpu.memory_space<hbm>>
      %dma_start3A_666 = tpu.memref_squeeze %dma_start3A_665 : memref<1x80x16xf32, #tpu.memory_space<hbm>> -> memref<80x16xf32, #tpu.memory_space<hbm>>
      tpu.enqueue_dma source(%arg7 : memref<80x16xf32, #tpu.memory_space<vmem>>) target(%dma_start3A_666 : memref<80x16xf32, #tpu.memory_space<hbm>>) target_semaphore(%run_scoped3A_661 : memref<!tpu.dma_semaphore, #tpu.memory_space<semaphore_mem>>)
      %dma_wait3A = arith.constant 0 : i32
      %dma_wait3A_667 = tpu.memref_slice %arg3[%arg0, %add3A_650, %dma_wait3A] : memref<2x10240x16xf32, #tpu.memory_space<hbm>> -> memref<1x80x16xf32, #tpu.memory_space<hbm>>
      %dma_wait3A_668 = tpu.memref_squeeze %dma_wait3A_667 : memref<1x80x16xf32, #tpu.memory_space<hbm>> -> memref<80x16xf32, #tpu.memory_space<hbm>>
      %dma_wait3A_669 = arith.constant 0 : i32
      %dma_wait3A_670 = tpu.memref_slice %arg3[%arg0, %add3A_650, %dma_wait3A_669] : memref<2x10240x16xf32, #tpu.memory_space<hbm>> -> memref<1x80x16xf32, #tpu.memory_space<hbm>>
      %dma_wait3A_671 = tpu.memref_squeeze %dma_wait3A_670 : memref<1x80x16xf32, #tpu.memory_space<hbm>> -> memref<80x16xf32, #tpu.memory_space<hbm>>
      tpu.wait_dma2 semaphore(%run_scoped3A_661 : memref<!tpu.dma_semaphore, #tpu.memory_space<semaphore_mem>>) src(%arg7 : memref<80x16xf32, #tpu.memory_space<vmem>>) dst(%dma_wait3A_671 : memref<80x16xf32, #tpu.memory_space<hbm>>)
      tpu.yield
    }) : () -> ()
    %run_scoped3A_651 = arith.constant 6 : i32
    "tpu.region"() ({
      %run_scoped3A_661 = tpu.sem_alloc : memref<!tpu.dma_semaphore, #tpu.memory_space<semaphore_mem>>
      %dma_start3A = arith.constant 0 : i32
      %dma_start3A_662 = tpu.memref_slice %arg6[%run_scoped3A_651, %dma_start3A] : memref<8x80xi32, #tpu.memory_space<vmem>> -> memref<1x80xi32, #tpu.memory_space<vmem>>
      %dma_start3A_663 = tpu.memref_squeeze %dma_start3A_662 : memref<1x80xi32, #tpu.memory_space<vmem>> -> memref<80xi32, #tpu.memory_space<vmem>>
      %dma_start3A_664 = arith.constant 0 : i32
      %dma_start3A_665 = arith.constant 0 : i32
      %dma_start3A_666 = tpu.memref_slice %arg8[%dma_start3A_664, %dma_start3A_665] : memref<10240x16xf32, #tpu.memory_space<vmem_shared>> -> memref<10240x16xf32, #tpu.memory_space<vmem_shared>>
      tpu.enqueue_indirect_dma source(%dma_start3A_666 : memref<10240x16xf32, #tpu.memory_space<vmem_shared>>) target(%arg7 : memref<80x16xf32, #tpu.memory_space<vmem>>) offsets(%dma_start3A_663 : memref<80xi32, #tpu.memory_space<vmem>>) semaphore(%run_scoped3A_661 : memref<!tpu.dma_semaphore, #tpu.memory_space<semaphore_mem>>)
      %dma_wait3A = arith.constant 0 : i32
      %dma_wait3A_667 = tpu.memref_slice %arg6[%run_scoped3A_651, %dma_wait3A] : memref<8x80xi32, #tpu.memory_space<vmem>> -> memref<1x80xi32, #tpu.memory_space<vmem>>
      %dma_wait3A_668 = tpu.memref_squeeze %dma_wait3A_667 : memref<1x80xi32, #tpu.memory_space<vmem>> -> memref<80xi32, #tpu.memory_space<vmem>>
      %dma_wait3A_669 = arith.constant 0 : i32
      %dma_wait3A_670 = arith.constant 0 : i32
      %dma_wait3A_671 = tpu.memref_slice %arg8[%dma_wait3A_669, %dma_wait3A_670] : memref<10240x16xf32, #tpu.memory_space<vmem_shared>> -> memref<10240x16xf32, #tpu.memory_space<vmem_shared>>
      tpu.wait_indirect_dma semaphore(%run_scoped3A_661 : memref<!tpu.dma_semaphore, #tpu.memory_space<semaphore_mem>>) src(%dma_wait3A_671 : memref<10240x16xf32, #tpu.memory_space<vmem_shared>>) dst(%arg7 : memref<80x16xf32, #tpu.memory_space<vmem>>)
      tpu.yield
    }) : () -> ()
    %mul3A_652 = arith.constant 640 : i32
    %mul3A_653 = arith.muli %arg1, %mul3A_652 : i32
    %add3A_654 = arith.constant 480 : i32
    %add3A_655 = arith.addi %mul3A_653, %add3A_654 : i32
    "tpu.region"() ({
      %run_scoped3A_661 = tpu.sem_alloc : memref<!tpu.dma_semaphore, #tpu.memory_space<semaphore_mem>>
      %dma_start3A = arith.constant 0 : i32
      %dma_start3A_662 = tpu.memref_slice %arg3[%arg0, %add3A_655, %dma_start3A] : memref<2x10240x16xf32, #tpu.memory_space<hbm>> -> memref<1x80x16xf32, #tpu.memory_space<hbm>>
      %dma_start3A_663 = tpu.memref_squeeze %dma_start3A_662 : memref<1x80x16xf32, #tpu.memory_space<hbm>> -> memref<80x16xf32, #tpu.memory_space<hbm>>
      %dma_start3A_664 = arith.constant 0 : i32
      %dma_start3A_665 = tpu.memref_slice %arg3[%arg0, %add3A_655, %dma_start3A_664] : memref<2x10240x16xf32, #tpu.memory_space<hbm>> -> memref<1x80x16xf32, #tpu.memory_space<hbm>>
      %dma_start3A_666 = tpu.memref_squeeze %dma_start3A_665 : memref<1x80x16xf32, #tpu.memory_space<hbm>> -> memref<80x16xf32, #tpu.memory_space<hbm>>
      tpu.enqueue_dma source(%arg7 : memref<80x16xf32, #tpu.memory_space<vmem>>) target(%dma_start3A_666 : memref<80x16xf32, #tpu.memory_space<hbm>>) target_semaphore(%run_scoped3A_661 : memref<!tpu.dma_semaphore, #tpu.memory_space<semaphore_mem>>)
      %dma_wait3A = arith.constant 0 : i32
      %dma_wait3A_667 = tpu.memref_slice %arg3[%arg0, %add3A_655, %dma_wait3A] : memref<2x10240x16xf32, #tpu.memory_space<hbm>> -> memref<1x80x16xf32, #tpu.memory_space<hbm>>
      %dma_wait3A_668 = tpu.memref_squeeze %dma_wait3A_667 : memref<1x80x16xf32, #tpu.memory_space<hbm>> -> memref<80x16xf32, #tpu.memory_space<hbm>>
      %dma_wait3A_669 = arith.constant 0 : i32
      %dma_wait3A_670 = tpu.memref_slice %arg3[%arg0, %add3A_655, %dma_wait3A_669] : memref<2x10240x16xf32, #tpu.memory_space<hbm>> -> memref<1x80x16xf32, #tpu.memory_space<hbm>>
      %dma_wait3A_671 = tpu.memref_squeeze %dma_wait3A_670 : memref<1x80x16xf32, #tpu.memory_space<hbm>> -> memref<80x16xf32, #tpu.memory_space<hbm>>
      tpu.wait_dma2 semaphore(%run_scoped3A_661 : memref<!tpu.dma_semaphore, #tpu.memory_space<semaphore_mem>>) src(%arg7 : memref<80x16xf32, #tpu.memory_space<vmem>>) dst(%dma_wait3A_671 : memref<80x16xf32, #tpu.memory_space<hbm>>)
      tpu.yield
    }) : () -> ()
    %run_scoped3A_656 = arith.constant 7 : i32
    "tpu.region"() ({
      %run_scoped3A_661 = tpu.sem_alloc : memref<!tpu.dma_semaphore, #tpu.memory_space<semaphore_mem>>
      %dma_start3A = arith.constant 0 : i32
      %dma_start3A_662 = tpu.memref_slice %arg6[%run_scoped3A_656, %dma_start3A] : memref<8x80xi32, #tpu.memory_space<vmem>> -> memref<1x80xi32, #tpu.memory_space<vmem>>
      %dma_start3A_663 = tpu.memref_squeeze %dma_start3A_662 : memref<1x80xi32, #tpu.memory_space<vmem>> -> memref<80xi32, #tpu.memory_space<vmem>>
      %dma_start3A_664 = arith.constant 0 : i32
      %dma_start3A_665 = arith.constant 0 : i32
      %dma_start3A_666 = tpu.memref_slice %arg8[%dma_start3A_664, %dma_start3A_665] : memref<10240x16xf32, #tpu.memory_space<vmem_shared>> -> memref<10240x16xf32, #tpu.memory_space<vmem_shared>>
      tpu.enqueue_indirect_dma source(%dma_start3A_666 : memref<10240x16xf32, #tpu.memory_space<vmem_shared>>) target(%arg7 : memref<80x16xf32, #tpu.memory_space<vmem>>) offsets(%dma_start3A_663 : memref<80xi32, #tpu.memory_space<vmem>>) semaphore(%run_scoped3A_661 : memref<!tpu.dma_semaphore, #tpu.memory_space<semaphore_mem>>)
      %dma_wait3A = arith.constant 0 : i32
      %dma_wait3A_667 = tpu.memref_slice %arg6[%run_scoped3A_656, %dma_wait3A] : memref<8x80xi32, #tpu.memory_space<vmem>> -> memref<1x80xi32, #tpu.memory_space<vmem>>
      %dma_wait3A_668 = tpu.memref_squeeze %dma_wait3A_667 : memref<1x80xi32, #tpu.memory_space<vmem>> -> memref<80xi32, #tpu.memory_space<vmem>>
      %dma_wait3A_669 = arith.constant 0 : i32
      %dma_wait3A_670 = arith.constant 0 : i32
      %dma_wait3A_671 = tpu.memref_slice %arg8[%dma_wait3A_669, %dma_wait3A_670] : memref<10240x16xf32, #tpu.memory_space<vmem_shared>> -> memref<10240x16xf32, #tpu.memory_space<vmem_shared>>
      tpu.wait_indirect_dma semaphore(%run_scoped3A_661 : memref<!tpu.dma_semaphore, #tpu.memory_space<semaphore_mem>>) src(%dma_wait3A_671 : memref<10240x16xf32, #tpu.memory_space<vmem_shared>>) dst(%arg7 : memref<80x16xf32, #tpu.memory_space<vmem>>)
      tpu.yield
    }) : () -> ()
    %mul3A_657 = arith.constant 640 : i32
    %mul3A_658 = arith.muli %arg1, %mul3A_657 : i32
    %add3A_659 = arith.constant 560 : i32
    %add3A_660 = arith.addi %mul3A_658, %add3A_659 : i32
    "tpu.region"() ({
      %run_scoped3A_661 = tpu.sem_alloc : memref<!tpu.dma_semaphore, #tpu.memory_space<semaphore_mem>>
      %dma_start3A = arith.constant 0 : i32
      %dma_start3A_662 = tpu.memref_slice %arg3[%arg0, %add3A_660, %dma_start3A] : memref<2x10240x16xf32, #tpu.memory_space<hbm>> -> memref<1x80x16xf32, #tpu.memory_space<hbm>>
      %dma_start3A_663 = tpu.memref_squeeze %dma_start3A_662 : memref<1x80x16xf32, #tpu.memory_space<hbm>> -> memref<80x16xf32, #tpu.memory_space<hbm>>
      %dma_start3A_664 = arith.constant 0 : i32
      %dma_start3A_665 = tpu.memref_slice %arg3[%arg0, %add3A_660, %dma_start3A_664] : memref<2x10240x16xf32, #tpu.memory_space<hbm>> -> memref<1x80x16xf32, #tpu.memory_space<hbm>>
      %dma_start3A_666 = tpu.memref_squeeze %dma_start3A_665 : memref<1x80x16xf32, #tpu.memory_space<hbm>> -> memref<80x16xf32, #tpu.memory_space<hbm>>
      tpu.enqueue_dma source(%arg7 : memref<80x16xf32, #tpu.memory_space<vmem>>) target(%dma_start3A_666 : memref<80x16xf32, #tpu.memory_space<hbm>>) target_semaphore(%run_scoped3A_661 : memref<!tpu.dma_semaphore, #tpu.memory_space<semaphore_mem>>)
      %dma_wait3A = arith.constant 0 : i32
      %dma_wait3A_667 = tpu.memref_slice %arg3[%arg0, %add3A_660, %dma_wait3A] : memref<2x10240x16xf32, #tpu.memory_space<hbm>> -> memref<1x80x16xf32, #tpu.memory_space<hbm>>
      %dma_wait3A_668 = tpu.memref_squeeze %dma_wait3A_667 : memref<1x80x16xf32, #tpu.memory_space<hbm>> -> memref<80x16xf32, #tpu.memory_space<hbm>>
      %dma_wait3A_669 = arith.constant 0 : i32
      %dma_wait3A_670 = tpu.memref_slice %arg3[%arg0, %add3A_660, %dma_wait3A_669] : memref<2x10240x16xf32, #tpu.memory_space<hbm>> -> memref<1x80x16xf32, #tpu.memory_space<hbm>>
      %dma_wait3A_671 = tpu.memref_squeeze %dma_wait3A_670 : memref<1x80x16xf32, #tpu.memory_space<hbm>> -> memref<80x16xf32, #tpu.memory_space<hbm>>
      tpu.wait_dma2 semaphore(%run_scoped3A_661 : memref<!tpu.dma_semaphore, #tpu.memory_space<semaphore_mem>>) src(%arg7 : memref<80x16xf32, #tpu.memory_space<vmem>>) dst(%dma_wait3A_671 : memref<80x16xf32, #tpu.memory_space<hbm>>)
      tpu.yield
    }) : () -> ()
    return
  }
}

#map = affine_map<(d0, d1) -> (0, 0)>
#map1 = affine_map<(d0, d1) -> (0, 0, 0, 0)>
#map2 = affine_map<(d0, d1) -> (0, 0, 0)>
module attributes {stable_mosaic.version = 14 : i64} {
  func.func @_sc_scatter(%arg0: i32, %arg1: i32, %arg2: memref<10000x128xf32, #tpu.memory_space<hbm>>, %arg3: memref<2x16x125x80xi32, #tpu.memory_space<hbm>>, %arg4: memref<2x16x125x80xi32, #tpu.memory_space<hbm>>, %arg5: memref<2x10240x128xf32, #tpu.memory_space<hbm>>, %arg6: memref<125x80xi32, #tpu.memory_space<vmem>>, %arg7: memref<125x80xi32, #tpu.memory_space<vmem>>, %arg8: memref<80x128xf32, #tpu.memory_space<vmem>>, %arg9: memref<8x80xi32, #tpu.memory_space<vmem>>, %arg10: memref<10240x128xf32, #tpu.memory_space<vmem_shared>>, %arg11: memref<!tpu.dma_semaphore, #tpu.memory_space<semaphore_mem>>) attributes {dimension_semantics = [#tpu.dimension_semantics<core_parallel>, #tpu.dimension_semantics<subcore_parallel>], iteration_bounds = array<i64: 2, 16>, scalar_prefetch = 0 : i64, scratch_operands = 6 : i64, tpu.core_type = #tpu.core_type<sc_vector_subcore>, window_params = [{transform_indices = #map}, {transform_indices = #map1}, {transform_indices = #map1}, {transform_indices = #map2}]} {
    %scan3A = arith.constant 0 : i32
    %scan3A_0 = arith.constant 0 : i32
    %scan3A_1 = arith.constant 640 : i32
    %scan3A_2 = arith.addi %scan3A_0, %scan3A_1 : i32
    %scan3A_3 = arith.constant 1 : i32
    scf.for %scan3A_655 = %scan3A_0 to %scan3A_2 step %scan3A_3  : i32 {
      %jit3A = arith.constant 8 : i32
      %div3A = arith.divsi %scan3A_655, %jit3A : i32
      %sign3A = arith.constant 0 : i32
      %sign3A_656 = arith.cmpi sgt, %scan3A_655, %sign3A : i32
      %sign3A_657 = arith.extui %sign3A_656 : i1 to i32
      %sign3A_658 = arith.constant 0 : i32
      %sign3A_659 = arith.cmpi slt, %scan3A_655, %sign3A_658 : i32
      %sign3A_660 = arith.extui %sign3A_659 : i1 to i32
      %sign3A_661 = arith.subi %sign3A_657, %sign3A_660 : i32
      %sign3A_662 = arith.constant 0 : i32
      %sign3A_663 = arith.cmpi sgt, %jit3A, %sign3A_662 : i32
      %sign3A_664 = arith.extui %sign3A_663 : i1 to i32
      %sign3A_665 = arith.constant 0 : i32
      %sign3A_666 = arith.cmpi slt, %jit3A, %sign3A_665 : i32
      %sign3A_667 = arith.extui %sign3A_666 : i1 to i32
      %sign3A_668 = arith.subi %sign3A_664, %sign3A_667 : i32
      %ne3A = arith.cmpi ne, %sign3A_661, %sign3A_668 : i32
      %rem3A = arith.remsi %scan3A_655, %jit3A : i32
      %ne3A_669 = arith.constant 0 : i32
      %ne3A_670 = arith.cmpi ne, %rem3A, %ne3A_669 : i32
      %and3A = arith.andi %ne3A, %ne3A_670 : i1
      %sub3A = arith.constant 1 : i32
      %sub3A_671 = arith.subi %div3A, %sub3A : i32
      %select_n3A = arith.select %and3A, %sub3A_671, %div3A : i32
      %jit3A_672 = arith.constant 8 : i32
      %eq3A = arith.constant 0 : i32
      %eq3A_673 = arith.cmpi eq, %jit3A_672, %eq3A : i32
      %jit3A_674 = arith.constant 1 : i32
      %select_n3A_675 = arith.select %eq3A_673, %jit3A_674, %jit3A_672 : i32
      %rem3A_676 = arith.remsi %scan3A_655, %select_n3A_675 : i32
      %ne3A_677 = arith.constant 0 : i32
      %ne3A_678 = arith.cmpi ne, %rem3A_676, %ne3A_677 : i32
      %lt3A = arith.constant 0 : i32
      %lt3A_679 = arith.cmpi slt, %rem3A_676, %lt3A : i32
      %lt3A_680 = arith.constant 0 : i32
      %lt3A_681 = arith.cmpi slt, %select_n3A_675, %lt3A_680 : i32
      %ne3A_682 = arith.xori %lt3A_679, %lt3A_681 : i1
      %and3A_683 = arith.andi %ne3A_682, %ne3A_678 : i1
      %add3A_684 = arith.addi %rem3A_676, %select_n3A_675 : i32
      %select_n3A_685 = arith.select %and3A_683, %add3A_684, %rem3A_676 : i32
      %broadcast_in_dim3A = arith.constant 0.000000e+00 : f32
      %broadcast_in_dim3A_686 = vector.broadcast %broadcast_in_dim3A : f32 to vector<16xf32>
      %mul3A_687 = arith.constant 16 : i32
      %mul3A_688 = arith.muli %select_n3A_685, %mul3A_687 : i32
      %swap3A_689 = arith.index_cast %select_n3A : i32 to index
      %swap3A_690 = arith.index_cast %mul3A_688 : i32 to index
      %swap3A_691 = tpu.vector_load %arg8[%swap3A_689, %swap3A_690] {strides = array<i32>} : memref<80x128xf32, #tpu.memory_space<vmem>>, vector<1x16xf32>,
      %swap3A_692 = vector.shape_cast %swap3A_691 : vector<1x16xf32> to vector<16xf32>
      %swap3A_693 = vector.shape_cast %broadcast_in_dim3A_686 : vector<16xf32> to vector<1x16xf32>
      tpu.vector_store %arg8[%swap3A_689, %swap3A_690], %swap3A_693 {strides = array<i32>} : memref<80x128xf32, #tpu.memory_space<vmem>>, vector<1x16xf32>,
    }
    %scan3A_4 = arith.constant 640 : i32
    %mul3A = arith.constant 640 : i32
    %mul3A_5 = arith.muli %arg1, %mul3A : i32
    %add3A = arith.constant 0 : i32
    %add3A_6 = arith.addi %mul3A_5, %add3A : i32
    %add3A_7 = arith.constant 0 : i32
    %add3A_8 = arith.addi %add3A_6, %add3A_7 : i32
    %iota3A = tpu.iota {dimensions = array<i32: 0>} : vector<16xi32>
    %add3A_9 = vector.broadcast %add3A_8 : i32 to vector<16xi32>
    %add3A_10 = arith.addi %add3A_9, %iota3A : vector<16xi32>
    %swap3A = arith.constant 0 : i32
    %swap3A_11 = arith.index_cast %swap3A : i32 to index
    %swap3A_12 = arith.constant 0 : index
    %swap3A_13 = tpu.vector_load %arg9[%swap3A_11, %swap3A_12] {strides = array<i32>} : memref<8x80xi32, #tpu.memory_space<vmem>>, vector<1x16xi32>,
    %swap3A_14 = vector.shape_cast %swap3A_13 : vector<1x16xi32> to vector<16xi32>
    %swap3A_15 = vector.shape_cast %add3A_10 : vector<16xi32> to vector<1x16xi32>
    tpu.vector_store %arg9[%swap3A_11, %swap3A_12], %swap3A_15 {strides = array<i32>} : memref<8x80xi32, #tpu.memory_space<vmem>>, vector<1x16xi32>,
    %mul3A_16 = arith.constant 640 : i32
    %mul3A_17 = arith.muli %arg1, %mul3A_16 : i32
    %add3A_18 = arith.constant 0 : i32
    %add3A_19 = arith.addi %mul3A_17, %add3A_18 : i32
    %add3A_20 = arith.constant 16 : i32
    %add3A_21 = arith.addi %add3A_19, %add3A_20 : i32
    %iota3A_22 = tpu.iota {dimensions = array<i32: 0>} : vector<16xi32>
    %add3A_23 = vector.broadcast %add3A_21 : i32 to vector<16xi32>
    %add3A_24 = arith.addi %add3A_23, %iota3A_22 : vector<16xi32>
    %swap3A_25 = arith.constant 0 : i32
    %swap3A_26 = arith.index_cast %swap3A_25 : i32 to index
    %swap3A_27 = arith.constant 16 : index
    %swap3A_28 = tpu.vector_load %arg9[%swap3A_26, %swap3A_27] {strides = array<i32>} : memref<8x80xi32, #tpu.memory_space<vmem>>, vector<1x16xi32>,
    %swap3A_29 = vector.shape_cast %swap3A_28 : vector<1x16xi32> to vector<16xi32>
    %swap3A_30 = vector.shape_cast %add3A_24 : vector<16xi32> to vector<1x16xi32>
    tpu.vector_store %arg9[%swap3A_26, %swap3A_27], %swap3A_30 {strides = array<i32>} : memref<8x80xi32, #tpu.memory_space<vmem>>, vector<1x16xi32>,
    %mul3A_31 = arith.constant 640 : i32
    %mul3A_32 = arith.muli %arg1, %mul3A_31 : i32
    %add3A_33 = arith.constant 0 : i32
    %add3A_34 = arith.addi %mul3A_32, %add3A_33 : i32
    %add3A_35 = arith.constant 32 : i32
    %add3A_36 = arith.addi %add3A_34, %add3A_35 : i32
    %iota3A_37 = tpu.iota {dimensions = array<i32: 0>} : vector<16xi32>
    %add3A_38 = vector.broadcast %add3A_36 : i32 to vector<16xi32>
    %add3A_39 = arith.addi %add3A_38, %iota3A_37 : vector<16xi32>
    %swap3A_40 = arith.constant 0 : i32
    %swap3A_41 = arith.index_cast %swap3A_40 : i32 to index
    %swap3A_42 = arith.constant 32 : index
    %swap3A_43 = tpu.vector_load %arg9[%swap3A_41, %swap3A_42] {strides = array<i32>} : memref<8x80xi32, #tpu.memory_space<vmem>>, vector<1x16xi32>,
    %swap3A_44 = vector.shape_cast %swap3A_43 : vector<1x16xi32> to vector<16xi32>
    %swap3A_45 = vector.shape_cast %add3A_39 : vector<16xi32> to vector<1x16xi32>
    tpu.vector_store %arg9[%swap3A_41, %swap3A_42], %swap3A_45 {strides = array<i32>} : memref<8x80xi32, #tpu.memory_space<vmem>>, vector<1x16xi32>,
    %mul3A_46 = arith.constant 640 : i32
    %mul3A_47 = arith.muli %arg1, %mul3A_46 : i32
    %add3A_48 = arith.constant 0 : i32
    %add3A_49 = arith.addi %mul3A_47, %add3A_48 : i32
    %add3A_50 = arith.constant 48 : i32
    %add3A_51 = arith.addi %add3A_49, %add3A_50 : i32
    %iota3A_52 = tpu.iota {dimensions = array<i32: 0>} : vector<16xi32>
    %add3A_53 = vector.broadcast %add3A_51 : i32 to vector<16xi32>
    %add3A_54 = arith.addi %add3A_53, %iota3A_52 : vector<16xi32>
    %swap3A_55 = arith.constant 0 : i32
    %swap3A_56 = arith.index_cast %swap3A_55 : i32 to index
    %swap3A_57 = arith.constant 48 : index
    %swap3A_58 = tpu.vector_load %arg9[%swap3A_56, %swap3A_57] {strides = array<i32>} : memref<8x80xi32, #tpu.memory_space<vmem>>, vector<1x16xi32>,
    %swap3A_59 = vector.shape_cast %swap3A_58 : vector<1x16xi32> to vector<16xi32>
    %swap3A_60 = vector.shape_cast %add3A_54 : vector<16xi32> to vector<1x16xi32>
    tpu.vector_store %arg9[%swap3A_56, %swap3A_57], %swap3A_60 {strides = array<i32>} : memref<8x80xi32, #tpu.memory_space<vmem>>, vector<1x16xi32>,
    %mul3A_61 = arith.constant 640 : i32
    %mul3A_62 = arith.muli %arg1, %mul3A_61 : i32
    %add3A_63 = arith.constant 0 : i32
    %add3A_64 = arith.addi %mul3A_62, %add3A_63 : i32
    %add3A_65 = arith.constant 64 : i32
    %add3A_66 = arith.addi %add3A_64, %add3A_65 : i32
    %iota3A_67 = tpu.iota {dimensions = array<i32: 0>} : vector<16xi32>
    %add3A_68 = vector.broadcast %add3A_66 : i32 to vector<16xi32>
    %add3A_69 = arith.addi %add3A_68, %iota3A_67 : vector<16xi32>
    %swap3A_70 = arith.constant 0 : i32
    %swap3A_71 = arith.index_cast %swap3A_70 : i32 to index
    %swap3A_72 = arith.constant 64 : index
    %swap3A_73 = tpu.vector_load %arg9[%swap3A_71, %swap3A_72] {strides = array<i32>} : memref<8x80xi32, #tpu.memory_space<vmem>>, vector<1x16xi32>,
    %swap3A_74 = vector.shape_cast %swap3A_73 : vector<1x16xi32> to vector<16xi32>
    %swap3A_75 = vector.shape_cast %add3A_69 : vector<16xi32> to vector<1x16xi32>
    tpu.vector_store %arg9[%swap3A_71, %swap3A_72], %swap3A_75 {strides = array<i32>} : memref<8x80xi32, #tpu.memory_space<vmem>>, vector<1x16xi32>,
    %mul3A_76 = arith.constant 640 : i32
    %mul3A_77 = arith.muli %arg1, %mul3A_76 : i32
    %add3A_78 = arith.constant 80 : i32
    %add3A_79 = arith.addi %mul3A_77, %add3A_78 : i32
    %add3A_80 = arith.constant 0 : i32
    %add3A_81 = arith.addi %add3A_79, %add3A_80 : i32
    %iota3A_82 = tpu.iota {dimensions = array<i32: 0>} : vector<16xi32>
    %add3A_83 = vector.broadcast %add3A_81 : i32 to vector<16xi32>
    %add3A_84 = arith.addi %add3A_83, %iota3A_82 : vector<16xi32>
    %swap3A_85 = arith.constant 1 : i32
    %swap3A_86 = arith.index_cast %swap3A_85 : i32 to index
    %swap3A_87 = arith.constant 0 : index
    %swap3A_88 = tpu.vector_load %arg9[%swap3A_86, %swap3A_87] {strides = array<i32>} : memref<8x80xi32, #tpu.memory_space<vmem>>, vector<1x16xi32>,
    %swap3A_89 = vector.shape_cast %swap3A_88 : vector<1x16xi32> to vector<16xi32>
    %swap3A_90 = vector.shape_cast %add3A_84 : vector<16xi32> to vector<1x16xi32>
    tpu.vector_store %arg9[%swap3A_86, %swap3A_87], %swap3A_90 {strides = array<i32>} : memref<8x80xi32, #tpu.memory_space<vmem>>, vector<1x16xi32>,
    %mul3A_91 = arith.constant 640 : i32
    %mul3A_92 = arith.muli %arg1, %mul3A_91 : i32
    %add3A_93 = arith.constant 80 : i32
    %add3A_94 = arith.addi %mul3A_92, %add3A_93 : i32
    %add3A_95 = arith.constant 16 : i32
    %add3A_96 = arith.addi %add3A_94, %add3A_95 : i32
    %iota3A_97 = tpu.iota {dimensions = array<i32: 0>} : vector<16xi32>
    %add3A_98 = vector.broadcast %add3A_96 : i32 to vector<16xi32>
    %add3A_99 = arith.addi %add3A_98, %iota3A_97 : vector<16xi32>
    %swap3A_100 = arith.constant 1 : i32
    %swap3A_101 = arith.index_cast %swap3A_100 : i32 to index
    %swap3A_102 = arith.constant 16 : index
    %swap3A_103 = tpu.vector_load %arg9[%swap3A_101, %swap3A_102] {strides = array<i32>} : memref<8x80xi32, #tpu.memory_space<vmem>>, vector<1x16xi32>,
    %swap3A_104 = vector.shape_cast %swap3A_103 : vector<1x16xi32> to vector<16xi32>
    %swap3A_105 = vector.shape_cast %add3A_99 : vector<16xi32> to vector<1x16xi32>
    tpu.vector_store %arg9[%swap3A_101, %swap3A_102], %swap3A_105 {strides = array<i32>} : memref<8x80xi32, #tpu.memory_space<vmem>>, vector<1x16xi32>,
    %mul3A_106 = arith.constant 640 : i32
    %mul3A_107 = arith.muli %arg1, %mul3A_106 : i32
    %add3A_108 = arith.constant 80 : i32
    %add3A_109 = arith.addi %mul3A_107, %add3A_108 : i32
    %add3A_110 = arith.constant 32 : i32
    %add3A_111 = arith.addi %add3A_109, %add3A_110 : i32
    %iota3A_112 = tpu.iota {dimensions = array<i32: 0>} : vector<16xi32>
    %add3A_113 = vector.broadcast %add3A_111 : i32 to vector<16xi32>
    %add3A_114 = arith.addi %add3A_113, %iota3A_112 : vector<16xi32>
    %swap3A_115 = arith.constant 1 : i32
    %swap3A_116 = arith.index_cast %swap3A_115 : i32 to index
    %swap3A_117 = arith.constant 32 : index
    %swap3A_118 = tpu.vector_load %arg9[%swap3A_116, %swap3A_117] {strides = array<i32>} : memref<8x80xi32, #tpu.memory_space<vmem>>, vector<1x16xi32>,
    %swap3A_119 = vector.shape_cast %swap3A_118 : vector<1x16xi32> to vector<16xi32>
    %swap3A_120 = vector.shape_cast %add3A_114 : vector<16xi32> to vector<1x16xi32>
    tpu.vector_store %arg9[%swap3A_116, %swap3A_117], %swap3A_120 {strides = array<i32>} : memref<8x80xi32, #tpu.memory_space<vmem>>, vector<1x16xi32>,
    %mul3A_121 = arith.constant 640 : i32
    %mul3A_122 = arith.muli %arg1, %mul3A_121 : i32
    %add3A_123 = arith.constant 80 : i32
    %add3A_124 = arith.addi %mul3A_122, %add3A_123 : i32
    %add3A_125 = arith.constant 48 : i32
    %add3A_126 = arith.addi %add3A_124, %add3A_125 : i32
    %iota3A_127 = tpu.iota {dimensions = array<i32: 0>} : vector<16xi32>
    %add3A_128 = vector.broadcast %add3A_126 : i32 to vector<16xi32>
    %add3A_129 = arith.addi %add3A_128, %iota3A_127 : vector<16xi32>
    %swap3A_130 = arith.constant 1 : i32
    %swap3A_131 = arith.index_cast %swap3A_130 : i32 to index
    %swap3A_132 = arith.constant 48 : index
    %swap3A_133 = tpu.vector_load %arg9[%swap3A_131, %swap3A_132] {strides = array<i32>} : memref<8x80xi32, #tpu.memory_space<vmem>>, vector<1x16xi32>,
    %swap3A_134 = vector.shape_cast %swap3A_133 : vector<1x16xi32> to vector<16xi32>
    %swap3A_135 = vector.shape_cast %add3A_129 : vector<16xi32> to vector<1x16xi32>
    tpu.vector_store %arg9[%swap3A_131, %swap3A_132], %swap3A_135 {strides = array<i32>} : memref<8x80xi32, #tpu.memory_space<vmem>>, vector<1x16xi32>,
    %mul3A_136 = arith.constant 640 : i32
    %mul3A_137 = arith.muli %arg1, %mul3A_136 : i32
    %add3A_138 = arith.constant 80 : i32
    %add3A_139 = arith.addi %mul3A_137, %add3A_138 : i32
    %add3A_140 = arith.constant 64 : i32
    %add3A_141 = arith.addi %add3A_139, %add3A_140 : i32
    %iota3A_142 = tpu.iota {dimensions = array<i32: 0>} : vector<16xi32>
    %add3A_143 = vector.broadcast %add3A_141 : i32 to vector<16xi32>
    %add3A_144 = arith.addi %add3A_143, %iota3A_142 : vector<16xi32>
    %swap3A_145 = arith.constant 1 : i32
    %swap3A_146 = arith.index_cast %swap3A_145 : i32 to index
    %swap3A_147 = arith.constant 64 : index
    %swap3A_148 = tpu.vector_load %arg9[%swap3A_146, %swap3A_147] {strides = array<i32>} : memref<8x80xi32, #tpu.memory_space<vmem>>, vector<1x16xi32>,
    %swap3A_149 = vector.shape_cast %swap3A_148 : vector<1x16xi32> to vector<16xi32>
    %swap3A_150 = vector.shape_cast %add3A_144 : vector<16xi32> to vector<1x16xi32>
    tpu.vector_store %arg9[%swap3A_146, %swap3A_147], %swap3A_150 {strides = array<i32>} : memref<8x80xi32, #tpu.memory_space<vmem>>, vector<1x16xi32>,
    %mul3A_151 = arith.constant 640 : i32
    %mul3A_152 = arith.muli %arg1, %mul3A_151 : i32
    %add3A_153 = arith.constant 160 : i32
    %add3A_154 = arith.addi %mul3A_152, %add3A_153 : i32
    %add3A_155 = arith.constant 0 : i32
    %add3A_156 = arith.addi %add3A_154, %add3A_155 : i32
    %iota3A_157 = tpu.iota {dimensions = array<i32: 0>} : vector<16xi32>
    %add3A_158 = vector.broadcast %add3A_156 : i32 to vector<16xi32>
    %add3A_159 = arith.addi %add3A_158, %iota3A_157 : vector<16xi32>
    %swap3A_160 = arith.constant 2 : i32
    %swap3A_161 = arith.index_cast %swap3A_160 : i32 to index
    %swap3A_162 = arith.constant 0 : index
    %swap3A_163 = tpu.vector_load %arg9[%swap3A_161, %swap3A_162] {strides = array<i32>} : memref<8x80xi32, #tpu.memory_space<vmem>>, vector<1x16xi32>,
    %swap3A_164 = vector.shape_cast %swap3A_163 : vector<1x16xi32> to vector<16xi32>
    %swap3A_165 = vector.shape_cast %add3A_159 : vector<16xi32> to vector<1x16xi32>
    tpu.vector_store %arg9[%swap3A_161, %swap3A_162], %swap3A_165 {strides = array<i32>} : memref<8x80xi32, #tpu.memory_space<vmem>>, vector<1x16xi32>,
    %mul3A_166 = arith.constant 640 : i32
    %mul3A_167 = arith.muli %arg1, %mul3A_166 : i32
    %add3A_168 = arith.constant 160 : i32
    %add3A_169 = arith.addi %mul3A_167, %add3A_168 : i32
    %add3A_170 = arith.constant 16 : i32
    %add3A_171 = arith.addi %add3A_169, %add3A_170 : i32
    %iota3A_172 = tpu.iota {dimensions = array<i32: 0>} : vector<16xi32>
    %add3A_173 = vector.broadcast %add3A_171 : i32 to vector<16xi32>
    %add3A_174 = arith.addi %add3A_173, %iota3A_172 : vector<16xi32>
    %swap3A_175 = arith.constant 2 : i32
    %swap3A_176 = arith.index_cast %swap3A_175 : i32 to index
    %swap3A_177 = arith.constant 16 : index
    %swap3A_178 = tpu.vector_load %arg9[%swap3A_176, %swap3A_177] {strides = array<i32>} : memref<8x80xi32, #tpu.memory_space<vmem>>, vector<1x16xi32>,
    %swap3A_179 = vector.shape_cast %swap3A_178 : vector<1x16xi32> to vector<16xi32>
    %swap3A_180 = vector.shape_cast %add3A_174 : vector<16xi32> to vector<1x16xi32>
    tpu.vector_store %arg9[%swap3A_176, %swap3A_177], %swap3A_180 {strides = array<i32>} : memref<8x80xi32, #tpu.memory_space<vmem>>, vector<1x16xi32>,
    %mul3A_181 = arith.constant 640 : i32
    %mul3A_182 = arith.muli %arg1, %mul3A_181 : i32
    %add3A_183 = arith.constant 160 : i32
    %add3A_184 = arith.addi %mul3A_182, %add3A_183 : i32
    %add3A_185 = arith.constant 32 : i32
    %add3A_186 = arith.addi %add3A_184, %add3A_185 : i32
    %iota3A_187 = tpu.iota {dimensions = array<i32: 0>} : vector<16xi32>
    %add3A_188 = vector.broadcast %add3A_186 : i32 to vector<16xi32>
    %add3A_189 = arith.addi %add3A_188, %iota3A_187 : vector<16xi32>
    %swap3A_190 = arith.constant 2 : i32
    %swap3A_191 = arith.index_cast %swap3A_190 : i32 to index
    %swap3A_192 = arith.constant 32 : index
    %swap3A_193 = tpu.vector_load %arg9[%swap3A_191, %swap3A_192] {strides = array<i32>} : memref<8x80xi32, #tpu.memory_space<vmem>>, vector<1x16xi32>,
    %swap3A_194 = vector.shape_cast %swap3A_193 : vector<1x16xi32> to vector<16xi32>
    %swap3A_195 = vector.shape_cast %add3A_189 : vector<16xi32> to vector<1x16xi32>
    tpu.vector_store %arg9[%swap3A_191, %swap3A_192], %swap3A_195 {strides = array<i32>} : memref<8x80xi32, #tpu.memory_space<vmem>>, vector<1x16xi32>,
    %mul3A_196 = arith.constant 640 : i32
    %mul3A_197 = arith.muli %arg1, %mul3A_196 : i32
    %add3A_198 = arith.constant 160 : i32
    %add3A_199 = arith.addi %mul3A_197, %add3A_198 : i32
    %add3A_200 = arith.constant 48 : i32
    %add3A_201 = arith.addi %add3A_199, %add3A_200 : i32
    %iota3A_202 = tpu.iota {dimensions = array<i32: 0>} : vector<16xi32>
    %add3A_203 = vector.broadcast %add3A_201 : i32 to vector<16xi32>
    %add3A_204 = arith.addi %add3A_203, %iota3A_202 : vector<16xi32>
    %swap3A_205 = arith.constant 2 : i32
    %swap3A_206 = arith.index_cast %swap3A_205 : i32 to index
    %swap3A_207 = arith.constant 48 : index
    %swap3A_208 = tpu.vector_load %arg9[%swap3A_206, %swap3A_207] {strides = array<i32>} : memref<8x80xi32, #tpu.memory_space<vmem>>, vector<1x16xi32>,
    %swap3A_209 = vector.shape_cast %swap3A_208 : vector<1x16xi32> to vector<16xi32>
    %swap3A_210 = vector.shape_cast %add3A_204 : vector<16xi32> to vector<1x16xi32>
    tpu.vector_store %arg9[%swap3A_206, %swap3A_207], %swap3A_210 {strides = array<i32>} : memref<8x80xi32, #tpu.memory_space<vmem>>, vector<1x16xi32>,
    %mul3A_211 = arith.constant 640 : i32
    %mul3A_212 = arith.muli %arg1, %mul3A_211 : i32
    %add3A_213 = arith.constant 160 : i32
    %add3A_214 = arith.addi %mul3A_212, %add3A_213 : i32
    %add3A_215 = arith.constant 64 : i32
    %add3A_216 = arith.addi %add3A_214, %add3A_215 : i32
    %iota3A_217 = tpu.iota {dimensions = array<i32: 0>} : vector<16xi32>
    %add3A_218 = vector.broadcast %add3A_216 : i32 to vector<16xi32>
    %add3A_219 = arith.addi %add3A_218, %iota3A_217 : vector<16xi32>
    %swap3A_220 = arith.constant 2 : i32
    %swap3A_221 = arith.index_cast %swap3A_220 : i32 to index
    %swap3A_222 = arith.constant 64 : index
    %swap3A_223 = tpu.vector_load %arg9[%swap3A_221, %swap3A_222] {strides = array<i32>} : memref<8x80xi32, #tpu.memory_space<vmem>>, vector<1x16xi32>,
    %swap3A_224 = vector.shape_cast %swap3A_223 : vector<1x16xi32> to vector<16xi32>
    %swap3A_225 = vector.shape_cast %add3A_219 : vector<16xi32> to vector<1x16xi32>
    tpu.vector_store %arg9[%swap3A_221, %swap3A_222], %swap3A_225 {strides = array<i32>} : memref<8x80xi32, #tpu.memory_space<vmem>>, vector<1x16xi32>,
    %mul3A_226 = arith.constant 640 : i32
    %mul3A_227 = arith.muli %arg1, %mul3A_226 : i32
    %add3A_228 = arith.constant 240 : i32
    %add3A_229 = arith.addi %mul3A_227, %add3A_228 : i32
    %add3A_230 = arith.constant 0 : i32
    %add3A_231 = arith.addi %add3A_229, %add3A_230 : i32
    %iota3A_232 = tpu.iota {dimensions = array<i32: 0>} : vector<16xi32>
    %add3A_233 = vector.broadcast %add3A_231 : i32 to vector<16xi32>
    %add3A_234 = arith.addi %add3A_233, %iota3A_232 : vector<16xi32>
    %swap3A_235 = arith.constant 3 : i32
    %swap3A_236 = arith.index_cast %swap3A_235 : i32 to index
    %swap3A_237 = arith.constant 0 : index
    %swap3A_238 = tpu.vector_load %arg9[%swap3A_236, %swap3A_237] {strides = array<i32>} : memref<8x80xi32, #tpu.memory_space<vmem>>, vector<1x16xi32>,
    %swap3A_239 = vector.shape_cast %swap3A_238 : vector<1x16xi32> to vector<16xi32>
    %swap3A_240 = vector.shape_cast %add3A_234 : vector<16xi32> to vector<1x16xi32>
    tpu.vector_store %arg9[%swap3A_236, %swap3A_237], %swap3A_240 {strides = array<i32>} : memref<8x80xi32, #tpu.memory_space<vmem>>, vector<1x16xi32>,
    %mul3A_241 = arith.constant 640 : i32
    %mul3A_242 = arith.muli %arg1, %mul3A_241 : i32
    %add3A_243 = arith.constant 240 : i32
    %add3A_244 = arith.addi %mul3A_242, %add3A_243 : i32
    %add3A_245 = arith.constant 16 : i32
    %add3A_246 = arith.addi %add3A_244, %add3A_245 : i32
    %iota3A_247 = tpu.iota {dimensions = array<i32: 0>} : vector<16xi32>
    %add3A_248 = vector.broadcast %add3A_246 : i32 to vector<16xi32>
    %add3A_249 = arith.addi %add3A_248, %iota3A_247 : vector<16xi32>
    %swap3A_250 = arith.constant 3 : i32
    %swap3A_251 = arith.index_cast %swap3A_250 : i32 to index
    %swap3A_252 = arith.constant 16 : index
    %swap3A_253 = tpu.vector_load %arg9[%swap3A_251, %swap3A_252] {strides = array<i32>} : memref<8x80xi32, #tpu.memory_space<vmem>>, vector<1x16xi32>,
    %swap3A_254 = vector.shape_cast %swap3A_253 : vector<1x16xi32> to vector<16xi32>
    %swap3A_255 = vector.shape_cast %add3A_249 : vector<16xi32> to vector<1x16xi32>
    tpu.vector_store %arg9[%swap3A_251, %swap3A_252], %swap3A_255 {strides = array<i32>} : memref<8x80xi32, #tpu.memory_space<vmem>>, vector<1x16xi32>,
    %mul3A_256 = arith.constant 640 : i32
    %mul3A_257 = arith.muli %arg1, %mul3A_256 : i32
    %add3A_258 = arith.constant 240 : i32
    %add3A_259 = arith.addi %mul3A_257, %add3A_258 : i32
    %add3A_260 = arith.constant 32 : i32
    %add3A_261 = arith.addi %add3A_259, %add3A_260 : i32
    %iota3A_262 = tpu.iota {dimensions = array<i32: 0>} : vector<16xi32>
    %add3A_263 = vector.broadcast %add3A_261 : i32 to vector<16xi32>
    %add3A_264 = arith.addi %add3A_263, %iota3A_262 : vector<16xi32>
    %swap3A_265 = arith.constant 3 : i32
    %swap3A_266 = arith.index_cast %swap3A_265 : i32 to index
    %swap3A_267 = arith.constant 32 : index
    %swap3A_268 = tpu.vector_load %arg9[%swap3A_266, %swap3A_267] {strides = array<i32>} : memref<8x80xi32, #tpu.memory_space<vmem>>, vector<1x16xi32>,
    %swap3A_269 = vector.shape_cast %swap3A_268 : vector<1x16xi32> to vector<16xi32>
    %swap3A_270 = vector.shape_cast %add3A_264 : vector<16xi32> to vector<1x16xi32>
    tpu.vector_store %arg9[%swap3A_266, %swap3A_267], %swap3A_270 {strides = array<i32>} : memref<8x80xi32, #tpu.memory_space<vmem>>, vector<1x16xi32>,
    %mul3A_271 = arith.constant 640 : i32
    %mul3A_272 = arith.muli %arg1, %mul3A_271 : i32
    %add3A_273 = arith.constant 240 : i32
    %add3A_274 = arith.addi %mul3A_272, %add3A_273 : i32
    %add3A_275 = arith.constant 48 : i32
    %add3A_276 = arith.addi %add3A_274, %add3A_275 : i32
    %iota3A_277 = tpu.iota {dimensions = array<i32: 0>} : vector<16xi32>
    %add3A_278 = vector.broadcast %add3A_276 : i32 to vector<16xi32>
    %add3A_279 = arith.addi %add3A_278, %iota3A_277 : vector<16xi32>
    %swap3A_280 = arith.constant 3 : i32
    %swap3A_281 = arith.index_cast %swap3A_280 : i32 to index
    %swap3A_282 = arith.constant 48 : index
    %swap3A_283 = tpu.vector_load %arg9[%swap3A_281, %swap3A_282] {strides = array<i32>} : memref<8x80xi32, #tpu.memory_space<vmem>>, vector<1x16xi32>,
    %swap3A_284 = vector.shape_cast %swap3A_283 : vector<1x16xi32> to vector<16xi32>
    %swap3A_285 = vector.shape_cast %add3A_279 : vector<16xi32> to vector<1x16xi32>
    tpu.vector_store %arg9[%swap3A_281, %swap3A_282], %swap3A_285 {strides = array<i32>} : memref<8x80xi32, #tpu.memory_space<vmem>>, vector<1x16xi32>,
    %mul3A_286 = arith.constant 640 : i32
    %mul3A_287 = arith.muli %arg1, %mul3A_286 : i32
    %add3A_288 = arith.constant 240 : i32
    %add3A_289 = arith.addi %mul3A_287, %add3A_288 : i32
    %add3A_290 = arith.constant 64 : i32
    %add3A_291 = arith.addi %add3A_289, %add3A_290 : i32
    %iota3A_292 = tpu.iota {dimensions = array<i32: 0>} : vector<16xi32>
    %add3A_293 = vector.broadcast %add3A_291 : i32 to vector<16xi32>
    %add3A_294 = arith.addi %add3A_293, %iota3A_292 : vector<16xi32>
    %swap3A_295 = arith.constant 3 : i32
    %swap3A_296 = arith.index_cast %swap3A_295 : i32 to index
    %swap3A_297 = arith.constant 64 : index
    %swap3A_298 = tpu.vector_load %arg9[%swap3A_296, %swap3A_297] {strides = array<i32>} : memref<8x80xi32, #tpu.memory_space<vmem>>, vector<1x16xi32>,
    %swap3A_299 = vector.shape_cast %swap3A_298 : vector<1x16xi32> to vector<16xi32>
    %swap3A_300 = vector.shape_cast %add3A_294 : vector<16xi32> to vector<1x16xi32>
    tpu.vector_store %arg9[%swap3A_296, %swap3A_297], %swap3A_300 {strides = array<i32>} : memref<8x80xi32, #tpu.memory_space<vmem>>, vector<1x16xi32>,
    %mul3A_301 = arith.constant 640 : i32
    %mul3A_302 = arith.muli %arg1, %mul3A_301 : i32
    %add3A_303 = arith.constant 320 : i32
    %add3A_304 = arith.addi %mul3A_302, %add3A_303 : i32
    %add3A_305 = arith.constant 0 : i32
    %add3A_306 = arith.addi %add3A_304, %add3A_305 : i32
    %iota3A_307 = tpu.iota {dimensions = array<i32: 0>} : vector<16xi32>
    %add3A_308 = vector.broadcast %add3A_306 : i32 to vector<16xi32>
    %add3A_309 = arith.addi %add3A_308, %iota3A_307 : vector<16xi32>
    %swap3A_310 = arith.constant 4 : i32
    %swap3A_311 = arith.index_cast %swap3A_310 : i32 to index
    %swap3A_312 = arith.constant 0 : index
    %swap3A_313 = tpu.vector_load %arg9[%swap3A_311, %swap3A_312] {strides = array<i32>} : memref<8x80xi32, #tpu.memory_space<vmem>>, vector<1x16xi32>,
    %swap3A_314 = vector.shape_cast %swap3A_313 : vector<1x16xi32> to vector<16xi32>
    %swap3A_315 = vector.shape_cast %add3A_309 : vector<16xi32> to vector<1x16xi32>
    tpu.vector_store %arg9[%swap3A_311, %swap3A_312], %swap3A_315 {strides = array<i32>} : memref<8x80xi32, #tpu.memory_space<vmem>>, vector<1x16xi32>,
    %mul3A_316 = arith.constant 640 : i32
    %mul3A_317 = arith.muli %arg1, %mul3A_316 : i32
    %add3A_318 = arith.constant 320 : i32
    %add3A_319 = arith.addi %mul3A_317, %add3A_318 : i32
    %add3A_320 = arith.constant 16 : i32
    %add3A_321 = arith.addi %add3A_319, %add3A_320 : i32
    %iota3A_322 = tpu.iota {dimensions = array<i32: 0>} : vector<16xi32>
    %add3A_323 = vector.broadcast %add3A_321 : i32 to vector<16xi32>
    %add3A_324 = arith.addi %add3A_323, %iota3A_322 : vector<16xi32>
    %swap3A_325 = arith.constant 4 : i32
    %swap3A_326 = arith.index_cast %swap3A_325 : i32 to index
    %swap3A_327 = arith.constant 16 : index
    %swap3A_328 = tpu.vector_load %arg9[%swap3A_326, %swap3A_327] {strides = array<i32>} : memref<8x80xi32, #tpu.memory_space<vmem>>, vector<1x16xi32>,
    %swap3A_329 = vector.shape_cast %swap3A_328 : vector<1x16xi32> to vector<16xi32>
    %swap3A_330 = vector.shape_cast %add3A_324 : vector<16xi32> to vector<1x16xi32>
    tpu.vector_store %arg9[%swap3A_326, %swap3A_327], %swap3A_330 {strides = array<i32>} : memref<8x80xi32, #tpu.memory_space<vmem>>, vector<1x16xi32>,
    %mul3A_331 = arith.constant 640 : i32
    %mul3A_332 = arith.muli %arg1, %mul3A_331 : i32
    %add3A_333 = arith.constant 320 : i32
    %add3A_334 = arith.addi %mul3A_332, %add3A_333 : i32
    %add3A_335 = arith.constant 32 : i32
    %add3A_336 = arith.addi %add3A_334, %add3A_335 : i32
    %iota3A_337 = tpu.iota {dimensions = array<i32: 0>} : vector<16xi32>
    %add3A_338 = vector.broadcast %add3A_336 : i32 to vector<16xi32>
    %add3A_339 = arith.addi %add3A_338, %iota3A_337 : vector<16xi32>
    %swap3A_340 = arith.constant 4 : i32
    %swap3A_341 = arith.index_cast %swap3A_340 : i32 to index
    %swap3A_342 = arith.constant 32 : index
    %swap3A_343 = tpu.vector_load %arg9[%swap3A_341, %swap3A_342] {strides = array<i32>} : memref<8x80xi32, #tpu.memory_space<vmem>>, vector<1x16xi32>,
    %swap3A_344 = vector.shape_cast %swap3A_343 : vector<1x16xi32> to vector<16xi32>
    %swap3A_345 = vector.shape_cast %add3A_339 : vector<16xi32> to vector<1x16xi32>
    tpu.vector_store %arg9[%swap3A_341, %swap3A_342], %swap3A_345 {strides = array<i32>} : memref<8x80xi32, #tpu.memory_space<vmem>>, vector<1x16xi32>,
    %mul3A_346 = arith.constant 640 : i32
    %mul3A_347 = arith.muli %arg1, %mul3A_346 : i32
    %add3A_348 = arith.constant 320 : i32
    %add3A_349 = arith.addi %mul3A_347, %add3A_348 : i32
    %add3A_350 = arith.constant 48 : i32
    %add3A_351 = arith.addi %add3A_349, %add3A_350 : i32
    %iota3A_352 = tpu.iota {dimensions = array<i32: 0>} : vector<16xi32>
    %add3A_353 = vector.broadcast %add3A_351 : i32 to vector<16xi32>
    %add3A_354 = arith.addi %add3A_353, %iota3A_352 : vector<16xi32>
    %swap3A_355 = arith.constant 4 : i32
    %swap3A_356 = arith.index_cast %swap3A_355 : i32 to index
    %swap3A_357 = arith.constant 48 : index
    %swap3A_358 = tpu.vector_load %arg9[%swap3A_356, %swap3A_357] {strides = array<i32>} : memref<8x80xi32, #tpu.memory_space<vmem>>, vector<1x16xi32>,
    %swap3A_359 = vector.shape_cast %swap3A_358 : vector<1x16xi32> to vector<16xi32>
    %swap3A_360 = vector.shape_cast %add3A_354 : vector<16xi32> to vector<1x16xi32>
    tpu.vector_store %arg9[%swap3A_356, %swap3A_357], %swap3A_360 {strides = array<i32>} : memref<8x80xi32, #tpu.memory_space<vmem>>, vector<1x16xi32>,
    %mul3A_361 = arith.constant 640 : i32
    %mul3A_362 = arith.muli %arg1, %mul3A_361 : i32
    %add3A_363 = arith.constant 320 : i32
    %add3A_364 = arith.addi %mul3A_362, %add3A_363 : i32
    %add3A_365 = arith.constant 64 : i32
    %add3A_366 = arith.addi %add3A_364, %add3A_365 : i32
    %iota3A_367 = tpu.iota {dimensions = array<i32: 0>} : vector<16xi32>
    %add3A_368 = vector.broadcast %add3A_366 : i32 to vector<16xi32>
    %add3A_369 = arith.addi %add3A_368, %iota3A_367 : vector<16xi32>
    %swap3A_370 = arith.constant 4 : i32
    %swap3A_371 = arith.index_cast %swap3A_370 : i32 to index
    %swap3A_372 = arith.constant 64 : index
    %swap3A_373 = tpu.vector_load %arg9[%swap3A_371, %swap3A_372] {strides = array<i32>} : memref<8x80xi32, #tpu.memory_space<vmem>>, vector<1x16xi32>,
    %swap3A_374 = vector.shape_cast %swap3A_373 : vector<1x16xi32> to vector<16xi32>
    %swap3A_375 = vector.shape_cast %add3A_369 : vector<16xi32> to vector<1x16xi32>
    tpu.vector_store %arg9[%swap3A_371, %swap3A_372], %swap3A_375 {strides = array<i32>} : memref<8x80xi32, #tpu.memory_space<vmem>>, vector<1x16xi32>,
    %mul3A_376 = arith.constant 640 : i32
    %mul3A_377 = arith.muli %arg1, %mul3A_376 : i32
    %add3A_378 = arith.constant 400 : i32
    %add3A_379 = arith.addi %mul3A_377, %add3A_378 : i32
    %add3A_380 = arith.constant 0 : i32
    %add3A_381 = arith.addi %add3A_379, %add3A_380 : i32
    %iota3A_382 = tpu.iota {dimensions = array<i32: 0>} : vector<16xi32>
    %add3A_383 = vector.broadcast %add3A_381 : i32 to vector<16xi32>
    %add3A_384 = arith.addi %add3A_383, %iota3A_382 : vector<16xi32>
    %swap3A_385 = arith.constant 5 : i32
    %swap3A_386 = arith.index_cast %swap3A_385 : i32 to index
    %swap3A_387 = arith.constant 0 : index
    %swap3A_388 = tpu.vector_load %arg9[%swap3A_386, %swap3A_387] {strides = array<i32>} : memref<8x80xi32, #tpu.memory_space<vmem>>, vector<1x16xi32>,
    %swap3A_389 = vector.shape_cast %swap3A_388 : vector<1x16xi32> to vector<16xi32>
    %swap3A_390 = vector.shape_cast %add3A_384 : vector<16xi32> to vector<1x16xi32>
    tpu.vector_store %arg9[%swap3A_386, %swap3A_387], %swap3A_390 {strides = array<i32>} : memref<8x80xi32, #tpu.memory_space<vmem>>, vector<1x16xi32>,
    %mul3A_391 = arith.constant 640 : i32
    %mul3A_392 = arith.muli %arg1, %mul3A_391 : i32
    %add3A_393 = arith.constant 400 : i32
    %add3A_394 = arith.addi %mul3A_392, %add3A_393 : i32
    %add3A_395 = arith.constant 16 : i32
    %add3A_396 = arith.addi %add3A_394, %add3A_395 : i32
    %iota3A_397 = tpu.iota {dimensions = array<i32: 0>} : vector<16xi32>
    %add3A_398 = vector.broadcast %add3A_396 : i32 to vector<16xi32>
    %add3A_399 = arith.addi %add3A_398, %iota3A_397 : vector<16xi32>
    %swap3A_400 = arith.constant 5 : i32
    %swap3A_401 = arith.index_cast %swap3A_400 : i32 to index
    %swap3A_402 = arith.constant 16 : index
    %swap3A_403 = tpu.vector_load %arg9[%swap3A_401, %swap3A_402] {strides = array<i32>} : memref<8x80xi32, #tpu.memory_space<vmem>>, vector<1x16xi32>,
    %swap3A_404 = vector.shape_cast %swap3A_403 : vector<1x16xi32> to vector<16xi32>
    %swap3A_405 = vector.shape_cast %add3A_399 : vector<16xi32> to vector<1x16xi32>
    tpu.vector_store %arg9[%swap3A_401, %swap3A_402], %swap3A_405 {strides = array<i32>} : memref<8x80xi32, #tpu.memory_space<vmem>>, vector<1x16xi32>,
    %mul3A_406 = arith.constant 640 : i32
    %mul3A_407 = arith.muli %arg1, %mul3A_406 : i32
    %add3A_408 = arith.constant 400 : i32
    %add3A_409 = arith.addi %mul3A_407, %add3A_408 : i32
    %add3A_410 = arith.constant 32 : i32
    %add3A_411 = arith.addi %add3A_409, %add3A_410 : i32
    %iota3A_412 = tpu.iota {dimensions = array<i32: 0>} : vector<16xi32>
    %add3A_413 = vector.broadcast %add3A_411 : i32 to vector<16xi32>
    %add3A_414 = arith.addi %add3A_413, %iota3A_412 : vector<16xi32>
    %swap3A_415 = arith.constant 5 : i32
    %swap3A_416 = arith.index_cast %swap3A_415 : i32 to index
    %swap3A_417 = arith.constant 32 : index
    %swap3A_418 = tpu.vector_load %arg9[%swap3A_416, %swap3A_417] {strides = array<i32>} : memref<8x80xi32, #tpu.memory_space<vmem>>, vector<1x16xi32>,
    %swap3A_419 = vector.shape_cast %swap3A_418 : vector<1x16xi32> to vector<16xi32>
    %swap3A_420 = vector.shape_cast %add3A_414 : vector<16xi32> to vector<1x16xi32>
    tpu.vector_store %arg9[%swap3A_416, %swap3A_417], %swap3A_420 {strides = array<i32>} : memref<8x80xi32, #tpu.memory_space<vmem>>, vector<1x16xi32>,
    %mul3A_421 = arith.constant 640 : i32
    %mul3A_422 = arith.muli %arg1, %mul3A_421 : i32
    %add3A_423 = arith.constant 400 : i32
    %add3A_424 = arith.addi %mul3A_422, %add3A_423 : i32
    %add3A_425 = arith.constant 48 : i32
    %add3A_426 = arith.addi %add3A_424, %add3A_425 : i32
    %iota3A_427 = tpu.iota {dimensions = array<i32: 0>} : vector<16xi32>
    %add3A_428 = vector.broadcast %add3A_426 : i32 to vector<16xi32>
    %add3A_429 = arith.addi %add3A_428, %iota3A_427 : vector<16xi32>
    %swap3A_430 = arith.constant 5 : i32
    %swap3A_431 = arith.index_cast %swap3A_430 : i32 to index
    %swap3A_432 = arith.constant 48 : index
    %swap3A_433 = tpu.vector_load %arg9[%swap3A_431, %swap3A_432] {strides = array<i32>} : memref<8x80xi32, #tpu.memory_space<vmem>>, vector<1x16xi32>,
    %swap3A_434 = vector.shape_cast %swap3A_433 : vector<1x16xi32> to vector<16xi32>
    %swap3A_435 = vector.shape_cast %add3A_429 : vector<16xi32> to vector<1x16xi32>
    tpu.vector_store %arg9[%swap3A_431, %swap3A_432], %swap3A_435 {strides = array<i32>} : memref<8x80xi32, #tpu.memory_space<vmem>>, vector<1x16xi32>,
    %mul3A_436 = arith.constant 640 : i32
    %mul3A_437 = arith.muli %arg1, %mul3A_436 : i32
    %add3A_438 = arith.constant 400 : i32
    %add3A_439 = arith.addi %mul3A_437, %add3A_438 : i32
    %add3A_440 = arith.constant 64 : i32
    %add3A_441 = arith.addi %add3A_439, %add3A_440 : i32
    %iota3A_442 = tpu.iota {dimensions = array<i32: 0>} : vector<16xi32>
    %add3A_443 = vector.broadcast %add3A_441 : i32 to vector<16xi32>
    %add3A_444 = arith.addi %add3A_443, %iota3A_442 : vector<16xi32>
    %swap3A_445 = arith.constant 5 : i32
    %swap3A_446 = arith.index_cast %swap3A_445 : i32 to index
    %swap3A_447 = arith.constant 64 : index
    %swap3A_448 = tpu.vector_load %arg9[%swap3A_446, %swap3A_447] {strides = array<i32>} : memref<8x80xi32, #tpu.memory_space<vmem>>, vector<1x16xi32>,
    %swap3A_449 = vector.shape_cast %swap3A_448 : vector<1x16xi32> to vector<16xi32>
    %swap3A_450 = vector.shape_cast %add3A_444 : vector<16xi32> to vector<1x16xi32>
    tpu.vector_store %arg9[%swap3A_446, %swap3A_447], %swap3A_450 {strides = array<i32>} : memref<8x80xi32, #tpu.memory_space<vmem>>, vector<1x16xi32>,
    %mul3A_451 = arith.constant 640 : i32
    %mul3A_452 = arith.muli %arg1, %mul3A_451 : i32
    %add3A_453 = arith.constant 480 : i32
    %add3A_454 = arith.addi %mul3A_452, %add3A_453 : i32
    %add3A_455 = arith.constant 0 : i32
    %add3A_456 = arith.addi %add3A_454, %add3A_455 : i32
    %iota3A_457 = tpu.iota {dimensions = array<i32: 0>} : vector<16xi32>
    %add3A_458 = vector.broadcast %add3A_456 : i32 to vector<16xi32>
    %add3A_459 = arith.addi %add3A_458, %iota3A_457 : vector<16xi32>
    %swap3A_460 = arith.constant 6 : i32
    %swap3A_461 = arith.index_cast %swap3A_460 : i32 to index
    %swap3A_462 = arith.constant 0 : index
    %swap3A_463 = tpu.vector_load %arg9[%swap3A_461, %swap3A_462] {strides = array<i32>} : memref<8x80xi32, #tpu.memory_space<vmem>>, vector<1x16xi32>,
    %swap3A_464 = vector.shape_cast %swap3A_463 : vector<1x16xi32> to vector<16xi32>
    %swap3A_465 = vector.shape_cast %add3A_459 : vector<16xi32> to vector<1x16xi32>
    tpu.vector_store %arg9[%swap3A_461, %swap3A_462], %swap3A_465 {strides = array<i32>} : memref<8x80xi32, #tpu.memory_space<vmem>>, vector<1x16xi32>,
    %mul3A_466 = arith.constant 640 : i32
    %mul3A_467 = arith.muli %arg1, %mul3A_466 : i32
    %add3A_468 = arith.constant 480 : i32
    %add3A_469 = arith.addi %mul3A_467, %add3A_468 : i32
    %add3A_470 = arith.constant 16 : i32
    %add3A_471 = arith.addi %add3A_469, %add3A_470 : i32
    %iota3A_472 = tpu.iota {dimensions = array<i32: 0>} : vector<16xi32>
    %add3A_473 = vector.broadcast %add3A_471 : i32 to vector<16xi32>
    %add3A_474 = arith.addi %add3A_473, %iota3A_472 : vector<16xi32>
    %swap3A_475 = arith.constant 6 : i32
    %swap3A_476 = arith.index_cast %swap3A_475 : i32 to index
    %swap3A_477 = arith.constant 16 : index
    %swap3A_478 = tpu.vector_load %arg9[%swap3A_476, %swap3A_477] {strides = array<i32>} : memref<8x80xi32, #tpu.memory_space<vmem>>, vector<1x16xi32>,
    %swap3A_479 = vector.shape_cast %swap3A_478 : vector<1x16xi32> to vector<16xi32>
    %swap3A_480 = vector.shape_cast %add3A_474 : vector<16xi32> to vector<1x16xi32>
    tpu.vector_store %arg9[%swap3A_476, %swap3A_477], %swap3A_480 {strides = array<i32>} : memref<8x80xi32, #tpu.memory_space<vmem>>, vector<1x16xi32>,
    %mul3A_481 = arith.constant 640 : i32
    %mul3A_482 = arith.muli %arg1, %mul3A_481 : i32
    %add3A_483 = arith.constant 480 : i32
    %add3A_484 = arith.addi %mul3A_482, %add3A_483 : i32
    %add3A_485 = arith.constant 32 : i32
    %add3A_486 = arith.addi %add3A_484, %add3A_485 : i32
    %iota3A_487 = tpu.iota {dimensions = array<i32: 0>} : vector<16xi32>
    %add3A_488 = vector.broadcast %add3A_486 : i32 to vector<16xi32>
    %add3A_489 = arith.addi %add3A_488, %iota3A_487 : vector<16xi32>
    %swap3A_490 = arith.constant 6 : i32
    %swap3A_491 = arith.index_cast %swap3A_490 : i32 to index
    %swap3A_492 = arith.constant 32 : index
    %swap3A_493 = tpu.vector_load %arg9[%swap3A_491, %swap3A_492] {strides = array<i32>} : memref<8x80xi32, #tpu.memory_space<vmem>>, vector<1x16xi32>,
    %swap3A_494 = vector.shape_cast %swap3A_493 : vector<1x16xi32> to vector<16xi32>
    %swap3A_495 = vector.shape_cast %add3A_489 : vector<16xi32> to vector<1x16xi32>
    tpu.vector_store %arg9[%swap3A_491, %swap3A_492], %swap3A_495 {strides = array<i32>} : memref<8x80xi32, #tpu.memory_space<vmem>>, vector<1x16xi32>,
    %mul3A_496 = arith.constant 640 : i32
    %mul3A_497 = arith.muli %arg1, %mul3A_496 : i32
    %add3A_498 = arith.constant 480 : i32
    %add3A_499 = arith.addi %mul3A_497, %add3A_498 : i32
    %add3A_500 = arith.constant 48 : i32
    %add3A_501 = arith.addi %add3A_499, %add3A_500 : i32
    %iota3A_502 = tpu.iota {dimensions = array<i32: 0>} : vector<16xi32>
    %add3A_503 = vector.broadcast %add3A_501 : i32 to vector<16xi32>
    %add3A_504 = arith.addi %add3A_503, %iota3A_502 : vector<16xi32>
    %swap3A_505 = arith.constant 6 : i32
    %swap3A_506 = arith.index_cast %swap3A_505 : i32 to index
    %swap3A_507 = arith.constant 48 : index
    %swap3A_508 = tpu.vector_load %arg9[%swap3A_506, %swap3A_507] {strides = array<i32>} : memref<8x80xi32, #tpu.memory_space<vmem>>, vector<1x16xi32>,
    %swap3A_509 = vector.shape_cast %swap3A_508 : vector<1x16xi32> to vector<16xi32>
    %swap3A_510 = vector.shape_cast %add3A_504 : vector<16xi32> to vector<1x16xi32>
    tpu.vector_store %arg9[%swap3A_506, %swap3A_507], %swap3A_510 {strides = array<i32>} : memref<8x80xi32, #tpu.memory_space<vmem>>, vector<1x16xi32>,
    %mul3A_511 = arith.constant 640 : i32
    %mul3A_512 = arith.muli %arg1, %mul3A_511 : i32
    %add3A_513 = arith.constant 480 : i32
    %add3A_514 = arith.addi %mul3A_512, %add3A_513 : i32
    %add3A_515 = arith.constant 64 : i32
    %add3A_516 = arith.addi %add3A_514, %add3A_515 : i32
    %iota3A_517 = tpu.iota {dimensions = array<i32: 0>} : vector<16xi32>
    %add3A_518 = vector.broadcast %add3A_516 : i32 to vector<16xi32>
    %add3A_519 = arith.addi %add3A_518, %iota3A_517 : vector<16xi32>
    %swap3A_520 = arith.constant 6 : i32
    %swap3A_521 = arith.index_cast %swap3A_520 : i32 to index
    %swap3A_522 = arith.constant 64 : index
    %swap3A_523 = tpu.vector_load %arg9[%swap3A_521, %swap3A_522] {strides = array<i32>} : memref<8x80xi32, #tpu.memory_space<vmem>>, vector<1x16xi32>,
    %swap3A_524 = vector.shape_cast %swap3A_523 : vector<1x16xi32> to vector<16xi32>
    %swap3A_525 = vector.shape_cast %add3A_519 : vector<16xi32> to vector<1x16xi32>
    tpu.vector_store %arg9[%swap3A_521, %swap3A_522], %swap3A_525 {strides = array<i32>} : memref<8x80xi32, #tpu.memory_space<vmem>>, vector<1x16xi32>,
    %mul3A_526 = arith.constant 640 : i32
    %mul3A_527 = arith.muli %arg1, %mul3A_526 : i32
    %add3A_528 = arith.constant 560 : i32
    %add3A_529 = arith.addi %mul3A_527, %add3A_528 : i32
    %add3A_530 = arith.constant 0 : i32
    %add3A_531 = arith.addi %add3A_529, %add3A_530 : i32
    %iota3A_532 = tpu.iota {dimensions = array<i32: 0>} : vector<16xi32>
    %add3A_533 = vector.broadcast %add3A_531 : i32 to vector<16xi32>
    %add3A_534 = arith.addi %add3A_533, %iota3A_532 : vector<16xi32>
    %swap3A_535 = arith.constant 7 : i32
    %swap3A_536 = arith.index_cast %swap3A_535 : i32 to index
    %swap3A_537 = arith.constant 0 : index
    %swap3A_538 = tpu.vector_load %arg9[%swap3A_536, %swap3A_537] {strides = array<i32>} : memref<8x80xi32, #tpu.memory_space<vmem>>, vector<1x16xi32>,
    %swap3A_539 = vector.shape_cast %swap3A_538 : vector<1x16xi32> to vector<16xi32>
    %swap3A_540 = vector.shape_cast %add3A_534 : vector<16xi32> to vector<1x16xi32>
    tpu.vector_store %arg9[%swap3A_536, %swap3A_537], %swap3A_540 {strides = array<i32>} : memref<8x80xi32, #tpu.memory_space<vmem>>, vector<1x16xi32>,
    %mul3A_541 = arith.constant 640 : i32
    %mul3A_542 = arith.muli %arg1, %mul3A_541 : i32
    %add3A_543 = arith.constant 560 : i32
    %add3A_544 = arith.addi %mul3A_542, %add3A_543 : i32
    %add3A_545 = arith.constant 16 : i32
    %add3A_546 = arith.addi %add3A_544, %add3A_545 : i32
    %iota3A_547 = tpu.iota {dimensions = array<i32: 0>} : vector<16xi32>
    %add3A_548 = vector.broadcast %add3A_546 : i32 to vector<16xi32>
    %add3A_549 = arith.addi %add3A_548, %iota3A_547 : vector<16xi32>
    %swap3A_550 = arith.constant 7 : i32
    %swap3A_551 = arith.index_cast %swap3A_550 : i32 to index
    %swap3A_552 = arith.constant 16 : index
    %swap3A_553 = tpu.vector_load %arg9[%swap3A_551, %swap3A_552] {strides = array<i32>} : memref<8x80xi32, #tpu.memory_space<vmem>>, vector<1x16xi32>,
    %swap3A_554 = vector.shape_cast %swap3A_553 : vector<1x16xi32> to vector<16xi32>
    %swap3A_555 = vector.shape_cast %add3A_549 : vector<16xi32> to vector<1x16xi32>
    tpu.vector_store %arg9[%swap3A_551, %swap3A_552], %swap3A_555 {strides = array<i32>} : memref<8x80xi32, #tpu.memory_space<vmem>>, vector<1x16xi32>,
    %mul3A_556 = arith.constant 640 : i32
    %mul3A_557 = arith.muli %arg1, %mul3A_556 : i32
    %add3A_558 = arith.constant 560 : i32
    %add3A_559 = arith.addi %mul3A_557, %add3A_558 : i32
    %add3A_560 = arith.constant 32 : i32
    %add3A_561 = arith.addi %add3A_559, %add3A_560 : i32
    %iota3A_562 = tpu.iota {dimensions = array<i32: 0>} : vector<16xi32>
    %add3A_563 = vector.broadcast %add3A_561 : i32 to vector<16xi32>
    %add3A_564 = arith.addi %add3A_563, %iota3A_562 : vector<16xi32>
    %swap3A_565 = arith.constant 7 : i32
    %swap3A_566 = arith.index_cast %swap3A_565 : i32 to index
    %swap3A_567 = arith.constant 32 : index
    %swap3A_568 = tpu.vector_load %arg9[%swap3A_566, %swap3A_567] {strides = array<i32>} : memref<8x80xi32, #tpu.memory_space<vmem>>, vector<1x16xi32>,
    %swap3A_569 = vector.shape_cast %swap3A_568 : vector<1x16xi32> to vector<16xi32>
    %swap3A_570 = vector.shape_cast %add3A_564 : vector<16xi32> to vector<1x16xi32>
    tpu.vector_store %arg9[%swap3A_566, %swap3A_567], %swap3A_570 {strides = array<i32>} : memref<8x80xi32, #tpu.memory_space<vmem>>, vector<1x16xi32>,
    %mul3A_571 = arith.constant 640 : i32
    %mul3A_572 = arith.muli %arg1, %mul3A_571 : i32
    %add3A_573 = arith.constant 560 : i32
    %add3A_574 = arith.addi %mul3A_572, %add3A_573 : i32
    %add3A_575 = arith.constant 48 : i32
    %add3A_576 = arith.addi %add3A_574, %add3A_575 : i32
    %iota3A_577 = tpu.iota {dimensions = array<i32: 0>} : vector<16xi32>
    %add3A_578 = vector.broadcast %add3A_576 : i32 to vector<16xi32>
    %add3A_579 = arith.addi %add3A_578, %iota3A_577 : vector<16xi32>
    %swap3A_580 = arith.constant 7 : i32
    %swap3A_581 = arith.index_cast %swap3A_580 : i32 to index
    %swap3A_582 = arith.constant 48 : index
    %swap3A_583 = tpu.vector_load %arg9[%swap3A_581, %swap3A_582] {strides = array<i32>} : memref<8x80xi32, #tpu.memory_space<vmem>>, vector<1x16xi32>,
    %swap3A_584 = vector.shape_cast %swap3A_583 : vector<1x16xi32> to vector<16xi32>
    %swap3A_585 = vector.shape_cast %add3A_579 : vector<16xi32> to vector<1x16xi32>
    tpu.vector_store %arg9[%swap3A_581, %swap3A_582], %swap3A_585 {strides = array<i32>} : memref<8x80xi32, #tpu.memory_space<vmem>>, vector<1x16xi32>,
    %mul3A_586 = arith.constant 640 : i32
    %mul3A_587 = arith.muli %arg1, %mul3A_586 : i32
    %add3A_588 = arith.constant 560 : i32
    %add3A_589 = arith.addi %mul3A_587, %add3A_588 : i32
    %add3A_590 = arith.constant 64 : i32
    %add3A_591 = arith.addi %add3A_589, %add3A_590 : i32
    %iota3A_592 = tpu.iota {dimensions = array<i32: 0>} : vector<16xi32>
    %add3A_593 = vector.broadcast %add3A_591 : i32 to vector<16xi32>
    %add3A_594 = arith.addi %add3A_593, %iota3A_592 : vector<16xi32>
    %swap3A_595 = arith.constant 7 : i32
    %swap3A_596 = arith.index_cast %swap3A_595 : i32 to index
    %swap3A_597 = arith.constant 64 : index
    %swap3A_598 = tpu.vector_load %arg9[%swap3A_596, %swap3A_597] {strides = array<i32>} : memref<8x80xi32, #tpu.memory_space<vmem>>, vector<1x16xi32>,
    %swap3A_599 = vector.shape_cast %swap3A_598 : vector<1x16xi32> to vector<16xi32>
    %swap3A_600 = vector.shape_cast %add3A_594 : vector<16xi32> to vector<1x16xi32>
    tpu.vector_store %arg9[%swap3A_596, %swap3A_597], %swap3A_600 {strides = array<i32>} : memref<8x80xi32, #tpu.memory_space<vmem>>, vector<1x16xi32>,
    "tpu.region"() ({
      %run_scoped3A_655 = tpu.sem_alloc : memref<!tpu.dma_semaphore, #tpu.memory_space<semaphore_mem>>
      %dma_start3A = arith.constant 0 : i32
      %dma_start3A_656 = arith.constant 0 : i32
      %dma_start3A_657 = tpu.memref_slice %arg3[%arg0, %arg1, %dma_start3A, %dma_start3A_656] : memref<2x16x125x80xi32, #tpu.memory_space<hbm>> -> memref<1x1x125x80xi32, #tpu.memory_space<hbm>>
      %dma_start3A_658 = tpu.memref_squeeze %dma_start3A_657 : memref<1x1x125x80xi32, #tpu.memory_space<hbm>> -> memref<125x80xi32, #tpu.memory_space<hbm>>
      %dma_start3A_659 = arith.constant 0 : i32
      %dma_start3A_660 = arith.constant 0 : i32
      %dma_start3A_661 = tpu.memref_slice %arg3[%arg0, %arg1, %dma_start3A_659, %dma_start3A_660] : memref<2x16x125x80xi32, #tpu.memory_space<hbm>> -> memref<1x1x125x80xi32, #tpu.memory_space<hbm>>
      %dma_start3A_662 = tpu.memref_squeeze %dma_start3A_661 : memref<1x1x125x80xi32, #tpu.memory_space<hbm>> -> memref<125x80xi32, #tpu.memory_space<hbm>>
      tpu.enqueue_dma source(%dma_start3A_662 : memref<125x80xi32, #tpu.memory_space<hbm>>) target(%arg6 : memref<125x80xi32, #tpu.memory_space<vmem>>) target_semaphore(%run_scoped3A_655 : memref<!tpu.dma_semaphore, #tpu.memory_space<semaphore_mem>>)
      %dma_wait3A = arith.constant 0 : i32
      %dma_wait3A_663 = arith.constant 0 : i32
      %dma_wait3A_664 = tpu.memref_slice %arg3[%arg0, %arg1, %dma_wait3A, %dma_wait3A_663] : memref<2x16x125x80xi32, #tpu.memory_space<hbm>> -> memref<1x1x125x80xi32, #tpu.memory_space<hbm>>
      %dma_wait3A_665 = tpu.memref_squeeze %dma_wait3A_664 : memref<1x1x125x80xi32, #tpu.memory_space<hbm>> -> memref<125x80xi32, #tpu.memory_space<hbm>>
      %dma_wait3A_666 = arith.constant 0 : i32
      %dma_wait3A_667 = arith.constant 0 : i32
      %dma_wait3A_668 = tpu.memref_slice %arg3[%arg0, %arg1, %dma_wait3A_666, %dma_wait3A_667] : memref<2x16x125x80xi32, #tpu.memory_space<hbm>> -> memref<1x1x125x80xi32, #tpu.memory_space<hbm>>
      %dma_wait3A_669 = tpu.memref_squeeze %dma_wait3A_668 : memref<1x1x125x80xi32, #tpu.memory_space<hbm>> -> memref<125x80xi32, #tpu.memory_space<hbm>>
      tpu.wait_dma2 semaphore(%run_scoped3A_655 : memref<!tpu.dma_semaphore, #tpu.memory_space<semaphore_mem>>) src(%dma_wait3A_669 : memref<125x80xi32, #tpu.memory_space<hbm>>) dst(%arg6 : memref<125x80xi32, #tpu.memory_space<vmem>>)
      tpu.yield
    }) : () -> ()
    "tpu.region"() ({
      %run_scoped3A_655 = tpu.sem_alloc : memref<!tpu.dma_semaphore, #tpu.memory_space<semaphore_mem>>
      %dma_start3A = arith.constant 0 : i32
      %dma_start3A_656 = arith.constant 0 : i32
      %dma_start3A_657 = tpu.memref_slice %arg4[%arg0, %arg1, %dma_start3A, %dma_start3A_656] : memref<2x16x125x80xi32, #tpu.memory_space<hbm>> -> memref<1x1x125x80xi32, #tpu.memory_space<hbm>>
      %dma_start3A_658 = tpu.memref_squeeze %dma_start3A_657 : memref<1x1x125x80xi32, #tpu.memory_space<hbm>> -> memref<125x80xi32, #tpu.memory_space<hbm>>
      %dma_start3A_659 = arith.constant 0 : i32
      %dma_start3A_660 = arith.constant 0 : i32
      %dma_start3A_661 = tpu.memref_slice %arg4[%arg0, %arg1, %dma_start3A_659, %dma_start3A_660] : memref<2x16x125x80xi32, #tpu.memory_space<hbm>> -> memref<1x1x125x80xi32, #tpu.memory_space<hbm>>
      %dma_start3A_662 = tpu.memref_squeeze %dma_start3A_661 : memref<1x1x125x80xi32, #tpu.memory_space<hbm>> -> memref<125x80xi32, #tpu.memory_space<hbm>>
      tpu.enqueue_dma source(%dma_start3A_662 : memref<125x80xi32, #tpu.memory_space<hbm>>) target(%arg7 : memref<125x80xi32, #tpu.memory_space<vmem>>) target_semaphore(%run_scoped3A_655 : memref<!tpu.dma_semaphore, #tpu.memory_space<semaphore_mem>>)
      %dma_wait3A = arith.constant 0 : i32
      %dma_wait3A_663 = arith.constant 0 : i32
      %dma_wait3A_664 = tpu.memref_slice %arg4[%arg0, %arg1, %dma_wait3A, %dma_wait3A_663] : memref<2x16x125x80xi32, #tpu.memory_space<hbm>> -> memref<1x1x125x80xi32, #tpu.memory_space<hbm>>
      %dma_wait3A_665 = tpu.memref_squeeze %dma_wait3A_664 : memref<1x1x125x80xi32, #tpu.memory_space<hbm>> -> memref<125x80xi32, #tpu.memory_space<hbm>>
      %dma_wait3A_666 = arith.constant 0 : i32
      %dma_wait3A_667 = arith.constant 0 : i32
      %dma_wait3A_668 = tpu.memref_slice %arg4[%arg0, %arg1, %dma_wait3A_666, %dma_wait3A_667] : memref<2x16x125x80xi32, #tpu.memory_space<hbm>> -> memref<1x1x125x80xi32, #tpu.memory_space<hbm>>
      %dma_wait3A_669 = tpu.memref_squeeze %dma_wait3A_668 : memref<1x1x125x80xi32, #tpu.memory_space<hbm>> -> memref<125x80xi32, #tpu.memory_space<hbm>>
      tpu.wait_dma2 semaphore(%run_scoped3A_655 : memref<!tpu.dma_semaphore, #tpu.memory_space<semaphore_mem>>) src(%dma_wait3A_669 : memref<125x80xi32, #tpu.memory_space<hbm>>) dst(%arg7 : memref<125x80xi32, #tpu.memory_space<vmem>>)
      tpu.yield
    }) : () -> ()
    %run_scoped3A = arith.constant 0 : i32
    "tpu.region"() ({
      %run_scoped3A_655 = tpu.sem_alloc : memref<!tpu.dma_semaphore, #tpu.memory_space<semaphore_mem>>
      %dma_start3A = arith.constant 0 : i32
      %dma_start3A_656 = tpu.memref_slice %arg9[%run_scoped3A, %dma_start3A] : memref<8x80xi32, #tpu.memory_space<vmem>> -> memref<1x80xi32, #tpu.memory_space<vmem>>
      %dma_start3A_657 = tpu.memref_squeeze %dma_start3A_656 : memref<1x80xi32, #tpu.memory_space<vmem>> -> memref<80xi32, #tpu.memory_space<vmem>>
      %dma_start3A_658 = arith.constant 0 : i32
      %dma_start3A_659 = arith.constant 0 : i32
      %dma_start3A_660 = tpu.memref_slice %arg10[%dma_start3A_658, %dma_start3A_659] : memref<10240x128xf32, #tpu.memory_space<vmem_shared>> -> memref<10240x128xf32, #tpu.memory_space<vmem_shared>>
      tpu.enqueue_indirect_dma source(%arg8 : memref<80x128xf32, #tpu.memory_space<vmem>>) target(%dma_start3A_660 : memref<10240x128xf32, #tpu.memory_space<vmem_shared>>) offsets(%dma_start3A_657 : memref<80xi32, #tpu.memory_space<vmem>>) semaphore(%run_scoped3A_655 : memref<!tpu.dma_semaphore, #tpu.memory_space<semaphore_mem>>)
      %dma_wait3A = arith.constant 0 : i32
      %dma_wait3A_661 = tpu.memref_slice %arg9[%run_scoped3A, %dma_wait3A] : memref<8x80xi32, #tpu.memory_space<vmem>> -> memref<1x80xi32, #tpu.memory_space<vmem>>
      %dma_wait3A_662 = tpu.memref_squeeze %dma_wait3A_661 : memref<1x80xi32, #tpu.memory_space<vmem>> -> memref<80xi32, #tpu.memory_space<vmem>>
      %dma_wait3A_663 = arith.constant 0 : i32
      %dma_wait3A_664 = arith.constant 0 : i32
      %dma_wait3A_665 = tpu.memref_slice %arg10[%dma_wait3A_663, %dma_wait3A_664] : memref<10240x128xf32, #tpu.memory_space<vmem_shared>> -> memref<10240x128xf32, #tpu.memory_space<vmem_shared>>
      tpu.wait_indirect_dma semaphore(%run_scoped3A_655 : memref<!tpu.dma_semaphore, #tpu.memory_space<semaphore_mem>>) src(%arg8 : memref<80x128xf32, #tpu.memory_space<vmem>>) dst(%dma_wait3A_665 : memref<10240x128xf32, #tpu.memory_space<vmem_shared>>)
      tpu.yield
    }) : () -> ()
    %run_scoped3A_601 = arith.constant 1 : i32
    "tpu.region"() ({
      %run_scoped3A_655 = tpu.sem_alloc : memref<!tpu.dma_semaphore, #tpu.memory_space<semaphore_mem>>
      %dma_start3A = arith.constant 0 : i32
      %dma_start3A_656 = tpu.memref_slice %arg9[%run_scoped3A_601, %dma_start3A] : memref<8x80xi32, #tpu.memory_space<vmem>> -> memref<1x80xi32, #tpu.memory_space<vmem>>
      %dma_start3A_657 = tpu.memref_squeeze %dma_start3A_656 : memref<1x80xi32, #tpu.memory_space<vmem>> -> memref<80xi32, #tpu.memory_space<vmem>>
      %dma_start3A_658 = arith.constant 0 : i32
      %dma_start3A_659 = arith.constant 0 : i32
      %dma_start3A_660 = tpu.memref_slice %arg10[%dma_start3A_658, %dma_start3A_659] : memref<10240x128xf32, #tpu.memory_space<vmem_shared>> -> memref<10240x128xf32, #tpu.memory_space<vmem_shared>>
      tpu.enqueue_indirect_dma source(%arg8 : memref<80x128xf32, #tpu.memory_space<vmem>>) target(%dma_start3A_660 : memref<10240x128xf32, #tpu.memory_space<vmem_shared>>) offsets(%dma_start3A_657 : memref<80xi32, #tpu.memory_space<vmem>>) semaphore(%run_scoped3A_655 : memref<!tpu.dma_semaphore, #tpu.memory_space<semaphore_mem>>)
      %dma_wait3A = arith.constant 0 : i32
      %dma_wait3A_661 = tpu.memref_slice %arg9[%run_scoped3A_601, %dma_wait3A] : memref<8x80xi32, #tpu.memory_space<vmem>> -> memref<1x80xi32, #tpu.memory_space<vmem>>
      %dma_wait3A_662 = tpu.memref_squeeze %dma_wait3A_661 : memref<1x80xi32, #tpu.memory_space<vmem>> -> memref<80xi32, #tpu.memory_space<vmem>>
      %dma_wait3A_663 = arith.constant 0 : i32
      %dma_wait3A_664 = arith.constant 0 : i32
      %dma_wait3A_665 = tpu.memref_slice %arg10[%dma_wait3A_663, %dma_wait3A_664] : memref<10240x128xf32, #tpu.memory_space<vmem_shared>> -> memref<10240x128xf32, #tpu.memory_space<vmem_shared>>
      tpu.wait_indirect_dma semaphore(%run_scoped3A_655 : memref<!tpu.dma_semaphore, #tpu.memory_space<semaphore_mem>>) src(%arg8 : memref<80x128xf32, #tpu.memory_space<vmem>>) dst(%dma_wait3A_665 : memref<10240x128xf32, #tpu.memory_space<vmem_shared>>)
      tpu.yield
    }) : () -> ()
    %run_scoped3A_602 = arith.constant 2 : i32
    "tpu.region"() ({
      %run_scoped3A_655 = tpu.sem_alloc : memref<!tpu.dma_semaphore, #tpu.memory_space<semaphore_mem>>
      %dma_start3A = arith.constant 0 : i32
      %dma_start3A_656 = tpu.memref_slice %arg9[%run_scoped3A_602, %dma_start3A] : memref<8x80xi32, #tpu.memory_space<vmem>> -> memref<1x80xi32, #tpu.memory_space<vmem>>
      %dma_start3A_657 = tpu.memref_squeeze %dma_start3A_656 : memref<1x80xi32, #tpu.memory_space<vmem>> -> memref<80xi32, #tpu.memory_space<vmem>>
      %dma_start3A_658 = arith.constant 0 : i32
      %dma_start3A_659 = arith.constant 0 : i32
      %dma_start3A_660 = tpu.memref_slice %arg10[%dma_start3A_658, %dma_start3A_659] : memref<10240x128xf32, #tpu.memory_space<vmem_shared>> -> memref<10240x128xf32, #tpu.memory_space<vmem_shared>>
      tpu.enqueue_indirect_dma source(%arg8 : memref<80x128xf32, #tpu.memory_space<vmem>>) target(%dma_start3A_660 : memref<10240x128xf32, #tpu.memory_space<vmem_shared>>) offsets(%dma_start3A_657 : memref<80xi32, #tpu.memory_space<vmem>>) semaphore(%run_scoped3A_655 : memref<!tpu.dma_semaphore, #tpu.memory_space<semaphore_mem>>)
      %dma_wait3A = arith.constant 0 : i32
      %dma_wait3A_661 = tpu.memref_slice %arg9[%run_scoped3A_602, %dma_wait3A] : memref<8x80xi32, #tpu.memory_space<vmem>> -> memref<1x80xi32, #tpu.memory_space<vmem>>
      %dma_wait3A_662 = tpu.memref_squeeze %dma_wait3A_661 : memref<1x80xi32, #tpu.memory_space<vmem>> -> memref<80xi32, #tpu.memory_space<vmem>>
      %dma_wait3A_663 = arith.constant 0 : i32
      %dma_wait3A_664 = arith.constant 0 : i32
      %dma_wait3A_665 = tpu.memref_slice %arg10[%dma_wait3A_663, %dma_wait3A_664] : memref<10240x128xf32, #tpu.memory_space<vmem_shared>> -> memref<10240x128xf32, #tpu.memory_space<vmem_shared>>
      tpu.wait_indirect_dma semaphore(%run_scoped3A_655 : memref<!tpu.dma_semaphore, #tpu.memory_space<semaphore_mem>>) src(%arg8 : memref<80x128xf32, #tpu.memory_space<vmem>>) dst(%dma_wait3A_665 : memref<10240x128xf32, #tpu.memory_space<vmem_shared>>)
      tpu.yield
    }) : () -> ()
    %run_scoped3A_603 = arith.constant 3 : i32
    "tpu.region"() ({
      %run_scoped3A_655 = tpu.sem_alloc : memref<!tpu.dma_semaphore, #tpu.memory_space<semaphore_mem>>
      %dma_start3A = arith.constant 0 : i32
      %dma_start3A_656 = tpu.memref_slice %arg9[%run_scoped3A_603, %dma_start3A] : memref<8x80xi32, #tpu.memory_space<vmem>> -> memref<1x80xi32, #tpu.memory_space<vmem>>
      %dma_start3A_657 = tpu.memref_squeeze %dma_start3A_656 : memref<1x80xi32, #tpu.memory_space<vmem>> -> memref<80xi32, #tpu.memory_space<vmem>>
      %dma_start3A_658 = arith.constant 0 : i32
      %dma_start3A_659 = arith.constant 0 : i32
      %dma_start3A_660 = tpu.memref_slice %arg10[%dma_start3A_658, %dma_start3A_659] : memref<10240x128xf32, #tpu.memory_space<vmem_shared>> -> memref<10240x128xf32, #tpu.memory_space<vmem_shared>>
      tpu.enqueue_indirect_dma source(%arg8 : memref<80x128xf32, #tpu.memory_space<vmem>>) target(%dma_start3A_660 : memref<10240x128xf32, #tpu.memory_space<vmem_shared>>) offsets(%dma_start3A_657 : memref<80xi32, #tpu.memory_space<vmem>>) semaphore(%run_scoped3A_655 : memref<!tpu.dma_semaphore, #tpu.memory_space<semaphore_mem>>)
      %dma_wait3A = arith.constant 0 : i32
      %dma_wait3A_661 = tpu.memref_slice %arg9[%run_scoped3A_603, %dma_wait3A] : memref<8x80xi32, #tpu.memory_space<vmem>> -> memref<1x80xi32, #tpu.memory_space<vmem>>
      %dma_wait3A_662 = tpu.memref_squeeze %dma_wait3A_661 : memref<1x80xi32, #tpu.memory_space<vmem>> -> memref<80xi32, #tpu.memory_space<vmem>>
      %dma_wait3A_663 = arith.constant 0 : i32
      %dma_wait3A_664 = arith.constant 0 : i32
      %dma_wait3A_665 = tpu.memref_slice %arg10[%dma_wait3A_663, %dma_wait3A_664] : memref<10240x128xf32, #tpu.memory_space<vmem_shared>> -> memref<10240x128xf32, #tpu.memory_space<vmem_shared>>
      tpu.wait_indirect_dma semaphore(%run_scoped3A_655 : memref<!tpu.dma_semaphore, #tpu.memory_space<semaphore_mem>>) src(%arg8 : memref<80x128xf32, #tpu.memory_space<vmem>>) dst(%dma_wait3A_665 : memref<10240x128xf32, #tpu.memory_space<vmem_shared>>)
      tpu.yield
    }) : () -> ()
    %run_scoped3A_604 = arith.constant 4 : i32
    "tpu.region"() ({
      %run_scoped3A_655 = tpu.sem_alloc : memref<!tpu.dma_semaphore, #tpu.memory_space<semaphore_mem>>
      %dma_start3A = arith.constant 0 : i32
      %dma_start3A_656 = tpu.memref_slice %arg9[%run_scoped3A_604, %dma_start3A] : memref<8x80xi32, #tpu.memory_space<vmem>> -> memref<1x80xi32, #tpu.memory_space<vmem>>
      %dma_start3A_657 = tpu.memref_squeeze %dma_start3A_656 : memref<1x80xi32, #tpu.memory_space<vmem>> -> memref<80xi32, #tpu.memory_space<vmem>>
      %dma_start3A_658 = arith.constant 0 : i32
      %dma_start3A_659 = arith.constant 0 : i32
      %dma_start3A_660 = tpu.memref_slice %arg10[%dma_start3A_658, %dma_start3A_659] : memref<10240x128xf32, #tpu.memory_space<vmem_shared>> -> memref<10240x128xf32, #tpu.memory_space<vmem_shared>>
      tpu.enqueue_indirect_dma source(%arg8 : memref<80x128xf32, #tpu.memory_space<vmem>>) target(%dma_start3A_660 : memref<10240x128xf32, #tpu.memory_space<vmem_shared>>) offsets(%dma_start3A_657 : memref<80xi32, #tpu.memory_space<vmem>>) semaphore(%run_scoped3A_655 : memref<!tpu.dma_semaphore, #tpu.memory_space<semaphore_mem>>)
      %dma_wait3A = arith.constant 0 : i32
      %dma_wait3A_661 = tpu.memref_slice %arg9[%run_scoped3A_604, %dma_wait3A] : memref<8x80xi32, #tpu.memory_space<vmem>> -> memref<1x80xi32, #tpu.memory_space<vmem>>
      %dma_wait3A_662 = tpu.memref_squeeze %dma_wait3A_661 : memref<1x80xi32, #tpu.memory_space<vmem>> -> memref<80xi32, #tpu.memory_space<vmem>>
      %dma_wait3A_663 = arith.constant 0 : i32
      %dma_wait3A_664 = arith.constant 0 : i32
      %dma_wait3A_665 = tpu.memref_slice %arg10[%dma_wait3A_663, %dma_wait3A_664] : memref<10240x128xf32, #tpu.memory_space<vmem_shared>> -> memref<10240x128xf32, #tpu.memory_space<vmem_shared>>
      tpu.wait_indirect_dma semaphore(%run_scoped3A_655 : memref<!tpu.dma_semaphore, #tpu.memory_space<semaphore_mem>>) src(%arg8 : memref<80x128xf32, #tpu.memory_space<vmem>>) dst(%dma_wait3A_665 : memref<10240x128xf32, #tpu.memory_space<vmem_shared>>)
      tpu.yield
    }) : () -> ()
    %run_scoped3A_605 = arith.constant 5 : i32
    "tpu.region"() ({
      %run_scoped3A_655 = tpu.sem_alloc : memref<!tpu.dma_semaphore, #tpu.memory_space<semaphore_mem>>
      %dma_start3A = arith.constant 0 : i32
      %dma_start3A_656 = tpu.memref_slice %arg9[%run_scoped3A_605, %dma_start3A] : memref<8x80xi32, #tpu.memory_space<vmem>> -> memref<1x80xi32, #tpu.memory_space<vmem>>
      %dma_start3A_657 = tpu.memref_squeeze %dma_start3A_656 : memref<1x80xi32, #tpu.memory_space<vmem>> -> memref<80xi32, #tpu.memory_space<vmem>>
      %dma_start3A_658 = arith.constant 0 : i32
      %dma_start3A_659 = arith.constant 0 : i32
      %dma_start3A_660 = tpu.memref_slice %arg10[%dma_start3A_658, %dma_start3A_659] : memref<10240x128xf32, #tpu.memory_space<vmem_shared>> -> memref<10240x128xf32, #tpu.memory_space<vmem_shared>>
      tpu.enqueue_indirect_dma source(%arg8 : memref<80x128xf32, #tpu.memory_space<vmem>>) target(%dma_start3A_660 : memref<10240x128xf32, #tpu.memory_space<vmem_shared>>) offsets(%dma_start3A_657 : memref<80xi32, #tpu.memory_space<vmem>>) semaphore(%run_scoped3A_655 : memref<!tpu.dma_semaphore, #tpu.memory_space<semaphore_mem>>)
      %dma_wait3A = arith.constant 0 : i32
      %dma_wait3A_661 = tpu.memref_slice %arg9[%run_scoped3A_605, %dma_wait3A] : memref<8x80xi32, #tpu.memory_space<vmem>> -> memref<1x80xi32, #tpu.memory_space<vmem>>
      %dma_wait3A_662 = tpu.memref_squeeze %dma_wait3A_661 : memref<1x80xi32, #tpu.memory_space<vmem>> -> memref<80xi32, #tpu.memory_space<vmem>>
      %dma_wait3A_663 = arith.constant 0 : i32
      %dma_wait3A_664 = arith.constant 0 : i32
      %dma_wait3A_665 = tpu.memref_slice %arg10[%dma_wait3A_663, %dma_wait3A_664] : memref<10240x128xf32, #tpu.memory_space<vmem_shared>> -> memref<10240x128xf32, #tpu.memory_space<vmem_shared>>
      tpu.wait_indirect_dma semaphore(%run_scoped3A_655 : memref<!tpu.dma_semaphore, #tpu.memory_space<semaphore_mem>>) src(%arg8 : memref<80x128xf32, #tpu.memory_space<vmem>>) dst(%dma_wait3A_665 : memref<10240x128xf32, #tpu.memory_space<vmem_shared>>)
      tpu.yield
    }) : () -> ()
    %run_scoped3A_606 = arith.constant 6 : i32
    "tpu.region"() ({
      %run_scoped3A_655 = tpu.sem_alloc : memref<!tpu.dma_semaphore, #tpu.memory_space<semaphore_mem>>
      %dma_start3A = arith.constant 0 : i32
      %dma_start3A_656 = tpu.memref_slice %arg9[%run_scoped3A_606, %dma_start3A] : memref<8x80xi32, #tpu.memory_space<vmem>> -> memref<1x80xi32, #tpu.memory_space<vmem>>
      %dma_start3A_657 = tpu.memref_squeeze %dma_start3A_656 : memref<1x80xi32, #tpu.memory_space<vmem>> -> memref<80xi32, #tpu.memory_space<vmem>>
      %dma_start3A_658 = arith.constant 0 : i32
      %dma_start3A_659 = arith.constant 0 : i32
      %dma_start3A_660 = tpu.memref_slice %arg10[%dma_start3A_658, %dma_start3A_659] : memref<10240x128xf32, #tpu.memory_space<vmem_shared>> -> memref<10240x128xf32, #tpu.memory_space<vmem_shared>>
      tpu.enqueue_indirect_dma source(%arg8 : memref<80x128xf32, #tpu.memory_space<vmem>>) target(%dma_start3A_660 : memref<10240x128xf32, #tpu.memory_space<vmem_shared>>) offsets(%dma_start3A_657 : memref<80xi32, #tpu.memory_space<vmem>>) semaphore(%run_scoped3A_655 : memref<!tpu.dma_semaphore, #tpu.memory_space<semaphore_mem>>)
      %dma_wait3A = arith.constant 0 : i32
      %dma_wait3A_661 = tpu.memref_slice %arg9[%run_scoped3A_606, %dma_wait3A] : memref<8x80xi32, #tpu.memory_space<vmem>> -> memref<1x80xi32, #tpu.memory_space<vmem>>
      %dma_wait3A_662 = tpu.memref_squeeze %dma_wait3A_661 : memref<1x80xi32, #tpu.memory_space<vmem>> -> memref<80xi32, #tpu.memory_space<vmem>>
      %dma_wait3A_663 = arith.constant 0 : i32
      %dma_wait3A_664 = arith.constant 0 : i32
      %dma_wait3A_665 = tpu.memref_slice %arg10[%dma_wait3A_663, %dma_wait3A_664] : memref<10240x128xf32, #tpu.memory_space<vmem_shared>> -> memref<10240x128xf32, #tpu.memory_space<vmem_shared>>
      tpu.wait_indirect_dma semaphore(%run_scoped3A_655 : memref<!tpu.dma_semaphore, #tpu.memory_space<semaphore_mem>>) src(%arg8 : memref<80x128xf32, #tpu.memory_space<vmem>>) dst(%dma_wait3A_665 : memref<10240x128xf32, #tpu.memory_space<vmem_shared>>)
      tpu.yield
    }) : () -> ()
    %run_scoped3A_607 = arith.constant 7 : i32
    "tpu.region"() ({
      %run_scoped3A_655 = tpu.sem_alloc : memref<!tpu.dma_semaphore, #tpu.memory_space<semaphore_mem>>
      %dma_start3A = arith.constant 0 : i32
      %dma_start3A_656 = tpu.memref_slice %arg9[%run_scoped3A_607, %dma_start3A] : memref<8x80xi32, #tpu.memory_space<vmem>> -> memref<1x80xi32, #tpu.memory_space<vmem>>
      %dma_start3A_657 = tpu.memref_squeeze %dma_start3A_656 : memref<1x80xi32, #tpu.memory_space<vmem>> -> memref<80xi32, #tpu.memory_space<vmem>>
      %dma_start3A_658 = arith.constant 0 : i32
      %dma_start3A_659 = arith.constant 0 : i32
      %dma_start3A_660 = tpu.memref_slice %arg10[%dma_start3A_658, %dma_start3A_659] : memref<10240x128xf32, #tpu.memory_space<vmem_shared>> -> memref<10240x128xf32, #tpu.memory_space<vmem_shared>>
      tpu.enqueue_indirect_dma source(%arg8 : memref<80x128xf32, #tpu.memory_space<vmem>>) target(%dma_start3A_660 : memref<10240x128xf32, #tpu.memory_space<vmem_shared>>) offsets(%dma_start3A_657 : memref<80xi32, #tpu.memory_space<vmem>>) semaphore(%run_scoped3A_655 : memref<!tpu.dma_semaphore, #tpu.memory_space<semaphore_mem>>)
      %dma_wait3A = arith.constant 0 : i32
      %dma_wait3A_661 = tpu.memref_slice %arg9[%run_scoped3A_607, %dma_wait3A] : memref<8x80xi32, #tpu.memory_space<vmem>> -> memref<1x80xi32, #tpu.memory_space<vmem>>
      %dma_wait3A_662 = tpu.memref_squeeze %dma_wait3A_661 : memref<1x80xi32, #tpu.memory_space<vmem>> -> memref<80xi32, #tpu.memory_space<vmem>>
      %dma_wait3A_663 = arith.constant 0 : i32
      %dma_wait3A_664 = arith.constant 0 : i32
      %dma_wait3A_665 = tpu.memref_slice %arg10[%dma_wait3A_663, %dma_wait3A_664] : memref<10240x128xf32, #tpu.memory_space<vmem_shared>> -> memref<10240x128xf32, #tpu.memory_space<vmem_shared>>
      tpu.wait_indirect_dma semaphore(%run_scoped3A_655 : memref<!tpu.dma_semaphore, #tpu.memory_space<semaphore_mem>>) src(%arg8 : memref<80x128xf32, #tpu.memory_space<vmem>>) dst(%dma_wait3A_665 : memref<10240x128xf32, #tpu.memory_space<vmem_shared>>)
      tpu.yield
    }) : () -> ()
    %barrier3A = arith.constant 0 : index
    tpu.barrier barrier_id(%barrier3A)
    %scan3A_608 = arith.constant 0 : i32
    %scan3A_609 = arith.constant 0 : i32
    %scan3A_610 = arith.constant 125 : i32
    %scan3A_611 = arith.addi %scan3A_609, %scan3A_610 : i32
    %scan3A_612 = arith.constant 1 : i32
    scf.for %scan3A_655 = %scan3A_609 to %scan3A_611 step %scan3A_612  : i32 {
      %dma_start3A = arith.constant 0 : i32
      %dma_start3A_656 = tpu.memref_slice %arg6[%scan3A_655, %dma_start3A] : memref<125x80xi32, #tpu.memory_space<vmem>> -> memref<1x80xi32, #tpu.memory_space<vmem>>
      %dma_start3A_657 = tpu.memref_squeeze %dma_start3A_656 : memref<1x80xi32, #tpu.memory_space<vmem>> -> memref<80xi32, #tpu.memory_space<vmem>>
      %dma_start3A_658 = arith.constant 0 : i32
      %dma_start3A_659 = arith.constant 0 : i32
      %dma_start3A_660 = tpu.memref_slice %arg2[%dma_start3A_658, %dma_start3A_659] : memref<10000x128xf32, #tpu.memory_space<hbm>> -> memref<10000x128xf32, #tpu.memory_space<hbm>>
      tpu.enqueue_indirect_dma source(%dma_start3A_660 : memref<10000x128xf32, #tpu.memory_space<hbm>>) target(%arg8 : memref<80x128xf32, #tpu.memory_space<vmem>>) offsets(%dma_start3A_657 : memref<80xi32, #tpu.memory_space<vmem>>) semaphore(%arg11 : memref<!tpu.dma_semaphore, #tpu.memory_space<semaphore_mem>>)
      %dma_wait3A = arith.constant 0 : i32
      %dma_wait3A_661 = tpu.memref_slice %arg6[%scan3A_655, %dma_wait3A] : memref<125x80xi32, #tpu.memory_space<vmem>> -> memref<1x80xi32, #tpu.memory_space<vmem>>
      %dma_wait3A_662 = tpu.memref_squeeze %dma_wait3A_661 : memref<1x80xi32, #tpu.memory_space<vmem>> -> memref<80xi32, #tpu.memory_space<vmem>>
      %dma_wait3A_663 = arith.constant 0 : i32
      %dma_wait3A_664 = arith.constant 0 : i32
      %dma_wait3A_665 = tpu.memref_slice %arg2[%dma_wait3A_663, %dma_wait3A_664] : memref<10000x128xf32, #tpu.memory_space<hbm>> -> memref<10000x128xf32, #tpu.memory_space<hbm>>
      tpu.wait_indirect_dma semaphore(%arg11 : memref<!tpu.dma_semaphore, #tpu.memory_space<semaphore_mem>>) src(%dma_wait3A_665 : memref<10000x128xf32, #tpu.memory_space<hbm>>) dst(%arg8 : memref<80x128xf32, #tpu.memory_space<vmem>>)
      "tpu.region"() ({
        %run_scoped3A_666 = tpu.sem_alloc : memref<!tpu.dma_semaphore, #tpu.memory_space<semaphore_mem>>
        %dma_start3A_667 = arith.constant 0 : i32
        %dma_start3A_668 = tpu.memref_slice %arg7[%scan3A_655, %dma_start3A_667] : memref<125x80xi32, #tpu.memory_space<vmem>> -> memref<1x80xi32, #tpu.memory_space<vmem>>
        %dma_start3A_669 = tpu.memref_squeeze %dma_start3A_668 : memref<1x80xi32, #tpu.memory_space<vmem>> -> memref<80xi32, #tpu.memory_space<vmem>>
        %dma_start3A_670 = arith.constant 0 : i32
        %dma_start3A_671 = arith.constant 0 : i32
        %dma_start3A_672 = tpu.memref_slice %arg10[%dma_start3A_670, %dma_start3A_671] : memref<10240x128xf32, #tpu.memory_space<vmem_shared>> -> memref<10240x128xf32, #tpu.memory_space<vmem_shared>>
        tpu.enqueue_indirect_dma source(%arg8 : memref<80x128xf32, #tpu.memory_space<vmem>>) target(%dma_start3A_672 : memref<10240x128xf32, #tpu.memory_space<vmem_shared>>) offsets(%dma_start3A_669 : memref<80xi32, #tpu.memory_space<vmem>>) semaphore(%run_scoped3A_666 : memref<!tpu.dma_semaphore, #tpu.memory_space<semaphore_mem>>) {add = true}
        %dma_wait3A_673 = arith.constant 0 : i32
        %dma_wait3A_674 = tpu.memref_slice %arg7[%scan3A_655, %dma_wait3A_673] : memref<125x80xi32, #tpu.memory_space<vmem>> -> memref<1x80xi32, #tpu.memory_space<vmem>>
        %dma_wait3A_675 = tpu.memref_squeeze %dma_wait3A_674 : memref<1x80xi32, #tpu.memory_space<vmem>> -> memref<80xi32, #tpu.memory_space<vmem>>
        %dma_wait3A_676 = arith.constant 0 : i32
        %dma_wait3A_677 = arith.constant 0 : i32
        %dma_wait3A_678 = tpu.memref_slice %arg10[%dma_wait3A_676, %dma_wait3A_677] : memref<10240x128xf32, #tpu.memory_space<vmem_shared>> -> memref<10240x128xf32, #tpu.memory_space<vmem_shared>>
        tpu.wait_indirect_dma semaphore(%run_scoped3A_666 : memref<!tpu.dma_semaphore, #tpu.memory_space<semaphore_mem>>) src(%arg8 : memref<80x128xf32, #tpu.memory_space<vmem>>) dst(%dma_wait3A_678 : memref<10240x128xf32, #tpu.memory_space<vmem_shared>>)
        tpu.yield
      }) : () -> ()
    }
    %scan3A_613 = arith.constant 125 : i32
    %barrier3A_614 = arith.constant 0 : index
    tpu.barrier barrier_id(%barrier3A_614)
    %mul3A_615 = arith.constant 640 : i32
    %mul3A_616 = arith.muli %arg1, %mul3A_615 : i32
    %add3A_617 = arith.constant 0 : i32
    %add3A_618 = arith.addi %mul3A_616, %add3A_617 : i32
    %run_scoped3A_619 = arith.constant 0 : i32
    "tpu.region"() ({
      %run_scoped3A_655 = tpu.sem_alloc : memref<!tpu.dma_semaphore, #tpu.memory_space<semaphore_mem>>
      %dma_start3A = arith.constant 0 : i32
      %dma_start3A_656 = tpu.memref_slice %arg9[%run_scoped3A_619, %dma_start3A] : memref<8x80xi32, #tpu.memory_space<vmem>> -> memref<1x80xi32, #tpu.memory_space<vmem>>
      %dma_start3A_657 = tpu.memref_squeeze %dma_start3A_656 : memref<1x80xi32, #tpu.memory_space<vmem>> -> memref<80xi32, #tpu.memory_space<vmem>>
      %dma_start3A_658 = arith.constant 0 : i32
      %dma_start3A_659 = arith.constant 0 : i32
      %dma_start3A_660 = tpu.memref_slice %arg10[%dma_start3A_658, %dma_start3A_659] : memref<10240x128xf32, #tpu.memory_space<vmem_shared>> -> memref<10240x128xf32, #tpu.memory_space<vmem_shared>>
      tpu.enqueue_indirect_dma source(%dma_start3A_660 : memref<10240x128xf32, #tpu.memory_space<vmem_shared>>) target(%arg8 : memref<80x128xf32, #tpu.memory_space<vmem>>) offsets(%dma_start3A_657 : memref<80xi32, #tpu.memory_space<vmem>>) semaphore(%run_scoped3A_655 : memref<!tpu.dma_semaphore, #tpu.memory_space<semaphore_mem>>)
      %dma_wait3A = arith.constant 0 : i32
      %dma_wait3A_661 = tpu.memref_slice %arg9[%run_scoped3A_619, %dma_wait3A] : memref<8x80xi32, #tpu.memory_space<vmem>> -> memref<1x80xi32, #tpu.memory_space<vmem>>
      %dma_wait3A_662 = tpu.memref_squeeze %dma_wait3A_661 : memref<1x80xi32, #tpu.memory_space<vmem>> -> memref<80xi32, #tpu.memory_space<vmem>>
      %dma_wait3A_663 = arith.constant 0 : i32
      %dma_wait3A_664 = arith.constant 0 : i32
      %dma_wait3A_665 = tpu.memref_slice %arg10[%dma_wait3A_663, %dma_wait3A_664] : memref<10240x128xf32, #tpu.memory_space<vmem_shared>> -> memref<10240x128xf32, #tpu.memory_space<vmem_shared>>
      tpu.wait_indirect_dma semaphore(%run_scoped3A_655 : memref<!tpu.dma_semaphore, #tpu.memory_space<semaphore_mem>>) src(%dma_wait3A_665 : memref<10240x128xf32, #tpu.memory_space<vmem_shared>>) dst(%arg8 : memref<80x128xf32, #tpu.memory_space<vmem>>)
      tpu.yield
    }) : () -> ()
    "tpu.region"() ({
      %run_scoped3A_655 = tpu.sem_alloc : memref<!tpu.dma_semaphore, #tpu.memory_space<semaphore_mem>>
      %dma_start3A = arith.constant 0 : i32
      %dma_start3A_656 = tpu.memref_slice %arg5[%arg0, %add3A_618, %dma_start3A] : memref<2x10240x128xf32, #tpu.memory_space<hbm>> -> memref<1x80x128xf32, #tpu.memory_space<hbm>>
      %dma_start3A_657 = tpu.memref_squeeze %dma_start3A_656 : memref<1x80x128xf32, #tpu.memory_space<hbm>> -> memref<80x128xf32, #tpu.memory_space<hbm>>
      %dma_start3A_658 = arith.constant 0 : i32
      %dma_start3A_659 = tpu.memref_slice %arg5[%arg0, %add3A_618, %dma_start3A_658] : memref<2x10240x128xf32, #tpu.memory_space<hbm>> -> memref<1x80x128xf32, #tpu.memory_space<hbm>>
      %dma_start3A_660 = tpu.memref_squeeze %dma_start3A_659 : memref<1x80x128xf32, #tpu.memory_space<hbm>> -> memref<80x128xf32, #tpu.memory_space<hbm>>
      tpu.enqueue_dma source(%arg8 : memref<80x128xf32, #tpu.memory_space<vmem>>) target(%dma_start3A_660 : memref<80x128xf32, #tpu.memory_space<hbm>>) target_semaphore(%run_scoped3A_655 : memref<!tpu.dma_semaphore, #tpu.memory_space<semaphore_mem>>)
      %dma_wait3A = arith.constant 0 : i32
      %dma_wait3A_661 = tpu.memref_slice %arg5[%arg0, %add3A_618, %dma_wait3A] : memref<2x10240x128xf32, #tpu.memory_space<hbm>> -> memref<1x80x128xf32, #tpu.memory_space<hbm>>
      %dma_wait3A_662 = tpu.memref_squeeze %dma_wait3A_661 : memref<1x80x128xf32, #tpu.memory_space<hbm>> -> memref<80x128xf32, #tpu.memory_space<hbm>>
      %dma_wait3A_663 = arith.constant 0 : i32
      %dma_wait3A_664 = tpu.memref_slice %arg5[%arg0, %add3A_618, %dma_wait3A_663] : memref<2x10240x128xf32, #tpu.memory_space<hbm>> -> memref<1x80x128xf32, #tpu.memory_space<hbm>>
      %dma_wait3A_665 = tpu.memref_squeeze %dma_wait3A_664 : memref<1x80x128xf32, #tpu.memory_space<hbm>> -> memref<80x128xf32, #tpu.memory_space<hbm>>
      tpu.wait_dma2 semaphore(%run_scoped3A_655 : memref<!tpu.dma_semaphore, #tpu.memory_space<semaphore_mem>>) src(%arg8 : memref<80x128xf32, #tpu.memory_space<vmem>>) dst(%dma_wait3A_665 : memref<80x128xf32, #tpu.memory_space<hbm>>)
      tpu.yield
    }) : () -> ()
    %mul3A_620 = arith.constant 640 : i32
    %mul3A_621 = arith.muli %arg1, %mul3A_620 : i32
    %add3A_622 = arith.constant 80 : i32
    %add3A_623 = arith.addi %mul3A_621, %add3A_622 : i32
    %run_scoped3A_624 = arith.constant 1 : i32
    "tpu.region"() ({
      %run_scoped3A_655 = tpu.sem_alloc : memref<!tpu.dma_semaphore, #tpu.memory_space<semaphore_mem>>
      %dma_start3A = arith.constant 0 : i32
      %dma_start3A_656 = tpu.memref_slice %arg9[%run_scoped3A_624, %dma_start3A] : memref<8x80xi32, #tpu.memory_space<vmem>> -> memref<1x80xi32, #tpu.memory_space<vmem>>
      %dma_start3A_657 = tpu.memref_squeeze %dma_start3A_656 : memref<1x80xi32, #tpu.memory_space<vmem>> -> memref<80xi32, #tpu.memory_space<vmem>>
      %dma_start3A_658 = arith.constant 0 : i32
      %dma_start3A_659 = arith.constant 0 : i32
      %dma_start3A_660 = tpu.memref_slice %arg10[%dma_start3A_658, %dma_start3A_659] : memref<10240x128xf32, #tpu.memory_space<vmem_shared>> -> memref<10240x128xf32, #tpu.memory_space<vmem_shared>>
      tpu.enqueue_indirect_dma source(%dma_start3A_660 : memref<10240x128xf32, #tpu.memory_space<vmem_shared>>) target(%arg8 : memref<80x128xf32, #tpu.memory_space<vmem>>) offsets(%dma_start3A_657 : memref<80xi32, #tpu.memory_space<vmem>>) semaphore(%run_scoped3A_655 : memref<!tpu.dma_semaphore, #tpu.memory_space<semaphore_mem>>)
      %dma_wait3A = arith.constant 0 : i32
      %dma_wait3A_661 = tpu.memref_slice %arg9[%run_scoped3A_624, %dma_wait3A] : memref<8x80xi32, #tpu.memory_space<vmem>> -> memref<1x80xi32, #tpu.memory_space<vmem>>
      %dma_wait3A_662 = tpu.memref_squeeze %dma_wait3A_661 : memref<1x80xi32, #tpu.memory_space<vmem>> -> memref<80xi32, #tpu.memory_space<vmem>>
      %dma_wait3A_663 = arith.constant 0 : i32
      %dma_wait3A_664 = arith.constant 0 : i32
      %dma_wait3A_665 = tpu.memref_slice %arg10[%dma_wait3A_663, %dma_wait3A_664] : memref<10240x128xf32, #tpu.memory_space<vmem_shared>> -> memref<10240x128xf32, #tpu.memory_space<vmem_shared>>
      tpu.wait_indirect_dma semaphore(%run_scoped3A_655 : memref<!tpu.dma_semaphore, #tpu.memory_space<semaphore_mem>>) src(%dma_wait3A_665 : memref<10240x128xf32, #tpu.memory_space<vmem_shared>>) dst(%arg8 : memref<80x128xf32, #tpu.memory_space<vmem>>)
      tpu.yield
    }) : () -> ()
    "tpu.region"() ({
      %run_scoped3A_655 = tpu.sem_alloc : memref<!tpu.dma_semaphore, #tpu.memory_space<semaphore_mem>>
      %dma_start3A = arith.constant 0 : i32
      %dma_start3A_656 = tpu.memref_slice %arg5[%arg0, %add3A_623, %dma_start3A] : memref<2x10240x128xf32, #tpu.memory_space<hbm>> -> memref<1x80x128xf32, #tpu.memory_space<hbm>>
      %dma_start3A_657 = tpu.memref_squeeze %dma_start3A_656 : memref<1x80x128xf32, #tpu.memory_space<hbm>> -> memref<80x128xf32, #tpu.memory_space<hbm>>
      %dma_start3A_658 = arith.constant 0 : i32
      %dma_start3A_659 = tpu.memref_slice %arg5[%arg0, %add3A_623, %dma_start3A_658] : memref<2x10240x128xf32, #tpu.memory_space<hbm>> -> memref<1x80x128xf32, #tpu.memory_space<hbm>>
      %dma_start3A_660 = tpu.memref_squeeze %dma_start3A_659 : memref<1x80x128xf32, #tpu.memory_space<hbm>> -> memref<80x128xf32, #tpu.memory_space<hbm>>
      tpu.enqueue_dma source(%arg8 : memref<80x128xf32, #tpu.memory_space<vmem>>) target(%dma_start3A_660 : memref<80x128xf32, #tpu.memory_space<hbm>>) target_semaphore(%run_scoped3A_655 : memref<!tpu.dma_semaphore, #tpu.memory_space<semaphore_mem>>)
      %dma_wait3A = arith.constant 0 : i32
      %dma_wait3A_661 = tpu.memref_slice %arg5[%arg0, %add3A_623, %dma_wait3A] : memref<2x10240x128xf32, #tpu.memory_space<hbm>> -> memref<1x80x128xf32, #tpu.memory_space<hbm>>
      %dma_wait3A_662 = tpu.memref_squeeze %dma_wait3A_661 : memref<1x80x128xf32, #tpu.memory_space<hbm>> -> memref<80x128xf32, #tpu.memory_space<hbm>>
      %dma_wait3A_663 = arith.constant 0 : i32
      %dma_wait3A_664 = tpu.memref_slice %arg5[%arg0, %add3A_623, %dma_wait3A_663] : memref<2x10240x128xf32, #tpu.memory_space<hbm>> -> memref<1x80x128xf32, #tpu.memory_space<hbm>>
      %dma_wait3A_665 = tpu.memref_squeeze %dma_wait3A_664 : memref<1x80x128xf32, #tpu.memory_space<hbm>> -> memref<80x128xf32, #tpu.memory_space<hbm>>
      tpu.wait_dma2 semaphore(%run_scoped3A_655 : memref<!tpu.dma_semaphore, #tpu.memory_space<semaphore_mem>>) src(%arg8 : memref<80x128xf32, #tpu.memory_space<vmem>>) dst(%dma_wait3A_665 : memref<80x128xf32, #tpu.memory_space<hbm>>)
      tpu.yield
    }) : () -> ()
    %mul3A_625 = arith.constant 640 : i32
    %mul3A_626 = arith.muli %arg1, %mul3A_625 : i32
    %add3A_627 = arith.constant 160 : i32
    %add3A_628 = arith.addi %mul3A_626, %add3A_627 : i32
    %run_scoped3A_629 = arith.constant 2 : i32
    "tpu.region"() ({
      %run_scoped3A_655 = tpu.sem_alloc : memref<!tpu.dma_semaphore, #tpu.memory_space<semaphore_mem>>
      %dma_start3A = arith.constant 0 : i32
      %dma_start3A_656 = tpu.memref_slice %arg9[%run_scoped3A_629, %dma_start3A] : memref<8x80xi32, #tpu.memory_space<vmem>> -> memref<1x80xi32, #tpu.memory_space<vmem>>
      %dma_start3A_657 = tpu.memref_squeeze %dma_start3A_656 : memref<1x80xi32, #tpu.memory_space<vmem>> -> memref<80xi32, #tpu.memory_space<vmem>>
      %dma_start3A_658 = arith.constant 0 : i32
      %dma_start3A_659 = arith.constant 0 : i32
      %dma_start3A_660 = tpu.memref_slice %arg10[%dma_start3A_658, %dma_start3A_659] : memref<10240x128xf32, #tpu.memory_space<vmem_shared>> -> memref<10240x128xf32, #tpu.memory_space<vmem_shared>>
      tpu.enqueue_indirect_dma source(%dma_start3A_660 : memref<10240x128xf32, #tpu.memory_space<vmem_shared>>) target(%arg8 : memref<80x128xf32, #tpu.memory_space<vmem>>) offsets(%dma_start3A_657 : memref<80xi32, #tpu.memory_space<vmem>>) semaphore(%run_scoped3A_655 : memref<!tpu.dma_semaphore, #tpu.memory_space<semaphore_mem>>)
      %dma_wait3A = arith.constant 0 : i32
      %dma_wait3A_661 = tpu.memref_slice %arg9[%run_scoped3A_629, %dma_wait3A] : memref<8x80xi32, #tpu.memory_space<vmem>> -> memref<1x80xi32, #tpu.memory_space<vmem>>
      %dma_wait3A_662 = tpu.memref_squeeze %dma_wait3A_661 : memref<1x80xi32, #tpu.memory_space<vmem>> -> memref<80xi32, #tpu.memory_space<vmem>>
      %dma_wait3A_663 = arith.constant 0 : i32
      %dma_wait3A_664 = arith.constant 0 : i32
      %dma_wait3A_665 = tpu.memref_slice %arg10[%dma_wait3A_663, %dma_wait3A_664] : memref<10240x128xf32, #tpu.memory_space<vmem_shared>> -> memref<10240x128xf32, #tpu.memory_space<vmem_shared>>
      tpu.wait_indirect_dma semaphore(%run_scoped3A_655 : memref<!tpu.dma_semaphore, #tpu.memory_space<semaphore_mem>>) src(%dma_wait3A_665 : memref<10240x128xf32, #tpu.memory_space<vmem_shared>>) dst(%arg8 : memref<80x128xf32, #tpu.memory_space<vmem>>)
      tpu.yield
    }) : () -> ()
    "tpu.region"() ({
      %run_scoped3A_655 = tpu.sem_alloc : memref<!tpu.dma_semaphore, #tpu.memory_space<semaphore_mem>>
      %dma_start3A = arith.constant 0 : i32
      %dma_start3A_656 = tpu.memref_slice %arg5[%arg0, %add3A_628, %dma_start3A] : memref<2x10240x128xf32, #tpu.memory_space<hbm>> -> memref<1x80x128xf32, #tpu.memory_space<hbm>>
      %dma_start3A_657 = tpu.memref_squeeze %dma_start3A_656 : memref<1x80x128xf32, #tpu.memory_space<hbm>> -> memref<80x128xf32, #tpu.memory_space<hbm>>
      %dma_start3A_658 = arith.constant 0 : i32
      %dma_start3A_659 = tpu.memref_slice %arg5[%arg0, %add3A_628, %dma_start3A_658] : memref<2x10240x128xf32, #tpu.memory_space<hbm>> -> memref<1x80x128xf32, #tpu.memory_space<hbm>>
      %dma_start3A_660 = tpu.memref_squeeze %dma_start3A_659 : memref<1x80x128xf32, #tpu.memory_space<hbm>> -> memref<80x128xf32, #tpu.memory_space<hbm>>
      tpu.enqueue_dma source(%arg8 : memref<80x128xf32, #tpu.memory_space<vmem>>) target(%dma_start3A_660 : memref<80x128xf32, #tpu.memory_space<hbm>>) target_semaphore(%run_scoped3A_655 : memref<!tpu.dma_semaphore, #tpu.memory_space<semaphore_mem>>)
      %dma_wait3A = arith.constant 0 : i32
      %dma_wait3A_661 = tpu.memref_slice %arg5[%arg0, %add3A_628, %dma_wait3A] : memref<2x10240x128xf32, #tpu.memory_space<hbm>> -> memref<1x80x128xf32, #tpu.memory_space<hbm>>
      %dma_wait3A_662 = tpu.memref_squeeze %dma_wait3A_661 : memref<1x80x128xf32, #tpu.memory_space<hbm>> -> memref<80x128xf32, #tpu.memory_space<hbm>>
      %dma_wait3A_663 = arith.constant 0 : i32
      %dma_wait3A_664 = tpu.memref_slice %arg5[%arg0, %add3A_628, %dma_wait3A_663] : memref<2x10240x128xf32, #tpu.memory_space<hbm>> -> memref<1x80x128xf32, #tpu.memory_space<hbm>>
      %dma_wait3A_665 = tpu.memref_squeeze %dma_wait3A_664 : memref<1x80x128xf32, #tpu.memory_space<hbm>> -> memref<80x128xf32, #tpu.memory_space<hbm>>
      tpu.wait_dma2 semaphore(%run_scoped3A_655 : memref<!tpu.dma_semaphore, #tpu.memory_space<semaphore_mem>>) src(%arg8 : memref<80x128xf32, #tpu.memory_space<vmem>>) dst(%dma_wait3A_665 : memref<80x128xf32, #tpu.memory_space<hbm>>)
      tpu.yield
    }) : () -> ()
    %mul3A_630 = arith.constant 640 : i32
    %mul3A_631 = arith.muli %arg1, %mul3A_630 : i32
    %add3A_632 = arith.constant 240 : i32
    %add3A_633 = arith.addi %mul3A_631, %add3A_632 : i32
    %run_scoped3A_634 = arith.constant 3 : i32
    "tpu.region"() ({
      %run_scoped3A_655 = tpu.sem_alloc : memref<!tpu.dma_semaphore, #tpu.memory_space<semaphore_mem>>
      %dma_start3A = arith.constant 0 : i32
      %dma_start3A_656 = tpu.memref_slice %arg9[%run_scoped3A_634, %dma_start3A] : memref<8x80xi32, #tpu.memory_space<vmem>> -> memref<1x80xi32, #tpu.memory_space<vmem>>
      %dma_start3A_657 = tpu.memref_squeeze %dma_start3A_656 : memref<1x80xi32, #tpu.memory_space<vmem>> -> memref<80xi32, #tpu.memory_space<vmem>>
      %dma_start3A_658 = arith.constant 0 : i32
      %dma_start3A_659 = arith.constant 0 : i32
      %dma_start3A_660 = tpu.memref_slice %arg10[%dma_start3A_658, %dma_start3A_659] : memref<10240x128xf32, #tpu.memory_space<vmem_shared>> -> memref<10240x128xf32, #tpu.memory_space<vmem_shared>>
      tpu.enqueue_indirect_dma source(%dma_start3A_660 : memref<10240x128xf32, #tpu.memory_space<vmem_shared>>) target(%arg8 : memref<80x128xf32, #tpu.memory_space<vmem>>) offsets(%dma_start3A_657 : memref<80xi32, #tpu.memory_space<vmem>>) semaphore(%run_scoped3A_655 : memref<!tpu.dma_semaphore, #tpu.memory_space<semaphore_mem>>)
      %dma_wait3A = arith.constant 0 : i32
      %dma_wait3A_661 = tpu.memref_slice %arg9[%run_scoped3A_634, %dma_wait3A] : memref<8x80xi32, #tpu.memory_space<vmem>> -> memref<1x80xi32, #tpu.memory_space<vmem>>
      %dma_wait3A_662 = tpu.memref_squeeze %dma_wait3A_661 : memref<1x80xi32, #tpu.memory_space<vmem>> -> memref<80xi32, #tpu.memory_space<vmem>>
      %dma_wait3A_663 = arith.constant 0 : i32
      %dma_wait3A_664 = arith.constant 0 : i32
      %dma_wait3A_665 = tpu.memref_slice %arg10[%dma_wait3A_663, %dma_wait3A_664] : memref<10240x128xf32, #tpu.memory_space<vmem_shared>> -> memref<10240x128xf32, #tpu.memory_space<vmem_shared>>
      tpu.wait_indirect_dma semaphore(%run_scoped3A_655 : memref<!tpu.dma_semaphore, #tpu.memory_space<semaphore_mem>>) src(%dma_wait3A_665 : memref<10240x128xf32, #tpu.memory_space<vmem_shared>>) dst(%arg8 : memref<80x128xf32, #tpu.memory_space<vmem>>)
      tpu.yield
    }) : () -> ()
    "tpu.region"() ({
      %run_scoped3A_655 = tpu.sem_alloc : memref<!tpu.dma_semaphore, #tpu.memory_space<semaphore_mem>>
      %dma_start3A = arith.constant 0 : i32
      %dma_start3A_656 = tpu.memref_slice %arg5[%arg0, %add3A_633, %dma_start3A] : memref<2x10240x128xf32, #tpu.memory_space<hbm>> -> memref<1x80x128xf32, #tpu.memory_space<hbm>>
      %dma_start3A_657 = tpu.memref_squeeze %dma_start3A_656 : memref<1x80x128xf32, #tpu.memory_space<hbm>> -> memref<80x128xf32, #tpu.memory_space<hbm>>
      %dma_start3A_658 = arith.constant 0 : i32
      %dma_start3A_659 = tpu.memref_slice %arg5[%arg0, %add3A_633, %dma_start3A_658] : memref<2x10240x128xf32, #tpu.memory_space<hbm>> -> memref<1x80x128xf32, #tpu.memory_space<hbm>>
      %dma_start3A_660 = tpu.memref_squeeze %dma_start3A_659 : memref<1x80x128xf32, #tpu.memory_space<hbm>> -> memref<80x128xf32, #tpu.memory_space<hbm>>
      tpu.enqueue_dma source(%arg8 : memref<80x128xf32, #tpu.memory_space<vmem>>) target(%dma_start3A_660 : memref<80x128xf32, #tpu.memory_space<hbm>>) target_semaphore(%run_scoped3A_655 : memref<!tpu.dma_semaphore, #tpu.memory_space<semaphore_mem>>)
      %dma_wait3A = arith.constant 0 : i32
      %dma_wait3A_661 = tpu.memref_slice %arg5[%arg0, %add3A_633, %dma_wait3A] : memref<2x10240x128xf32, #tpu.memory_space<hbm>> -> memref<1x80x128xf32, #tpu.memory_space<hbm>>
      %dma_wait3A_662 = tpu.memref_squeeze %dma_wait3A_661 : memref<1x80x128xf32, #tpu.memory_space<hbm>> -> memref<80x128xf32, #tpu.memory_space<hbm>>
      %dma_wait3A_663 = arith.constant 0 : i32
      %dma_wait3A_664 = tpu.memref_slice %arg5[%arg0, %add3A_633, %dma_wait3A_663] : memref<2x10240x128xf32, #tpu.memory_space<hbm>> -> memref<1x80x128xf32, #tpu.memory_space<hbm>>
      %dma_wait3A_665 = tpu.memref_squeeze %dma_wait3A_664 : memref<1x80x128xf32, #tpu.memory_space<hbm>> -> memref<80x128xf32, #tpu.memory_space<hbm>>
      tpu.wait_dma2 semaphore(%run_scoped3A_655 : memref<!tpu.dma_semaphore, #tpu.memory_space<semaphore_mem>>) src(%arg8 : memref<80x128xf32, #tpu.memory_space<vmem>>) dst(%dma_wait3A_665 : memref<80x128xf32, #tpu.memory_space<hbm>>)
      tpu.yield
    }) : () -> ()
    %mul3A_635 = arith.constant 640 : i32
    %mul3A_636 = arith.muli %arg1, %mul3A_635 : i32
    %add3A_637 = arith.constant 320 : i32
    %add3A_638 = arith.addi %mul3A_636, %add3A_637 : i32
    %run_scoped3A_639 = arith.constant 4 : i32
    "tpu.region"() ({
      %run_scoped3A_655 = tpu.sem_alloc : memref<!tpu.dma_semaphore, #tpu.memory_space<semaphore_mem>>
      %dma_start3A = arith.constant 0 : i32
      %dma_start3A_656 = tpu.memref_slice %arg9[%run_scoped3A_639, %dma_start3A] : memref<8x80xi32, #tpu.memory_space<vmem>> -> memref<1x80xi32, #tpu.memory_space<vmem>>
      %dma_start3A_657 = tpu.memref_squeeze %dma_start3A_656 : memref<1x80xi32, #tpu.memory_space<vmem>> -> memref<80xi32, #tpu.memory_space<vmem>>
      %dma_start3A_658 = arith.constant 0 : i32
      %dma_start3A_659 = arith.constant 0 : i32
      %dma_start3A_660 = tpu.memref_slice %arg10[%dma_start3A_658, %dma_start3A_659] : memref<10240x128xf32, #tpu.memory_space<vmem_shared>> -> memref<10240x128xf32, #tpu.memory_space<vmem_shared>>
      tpu.enqueue_indirect_dma source(%dma_start3A_660 : memref<10240x128xf32, #tpu.memory_space<vmem_shared>>) target(%arg8 : memref<80x128xf32, #tpu.memory_space<vmem>>) offsets(%dma_start3A_657 : memref<80xi32, #tpu.memory_space<vmem>>) semaphore(%run_scoped3A_655 : memref<!tpu.dma_semaphore, #tpu.memory_space<semaphore_mem>>)
      %dma_wait3A = arith.constant 0 : i32
      %dma_wait3A_661 = tpu.memref_slice %arg9[%run_scoped3A_639, %dma_wait3A] : memref<8x80xi32, #tpu.memory_space<vmem>> -> memref<1x80xi32, #tpu.memory_space<vmem>>
      %dma_wait3A_662 = tpu.memref_squeeze %dma_wait3A_661 : memref<1x80xi32, #tpu.memory_space<vmem>> -> memref<80xi32, #tpu.memory_space<vmem>>
      %dma_wait3A_663 = arith.constant 0 : i32
      %dma_wait3A_664 = arith.constant 0 : i32
      %dma_wait3A_665 = tpu.memref_slice %arg10[%dma_wait3A_663, %dma_wait3A_664] : memref<10240x128xf32, #tpu.memory_space<vmem_shared>> -> memref<10240x128xf32, #tpu.memory_space<vmem_shared>>
      tpu.wait_indirect_dma semaphore(%run_scoped3A_655 : memref<!tpu.dma_semaphore, #tpu.memory_space<semaphore_mem>>) src(%dma_wait3A_665 : memref<10240x128xf32, #tpu.memory_space<vmem_shared>>) dst(%arg8 : memref<80x128xf32, #tpu.memory_space<vmem>>)
      tpu.yield
    }) : () -> ()
    "tpu.region"() ({
      %run_scoped3A_655 = tpu.sem_alloc : memref<!tpu.dma_semaphore, #tpu.memory_space<semaphore_mem>>
      %dma_start3A = arith.constant 0 : i32
      %dma_start3A_656 = tpu.memref_slice %arg5[%arg0, %add3A_638, %dma_start3A] : memref<2x10240x128xf32, #tpu.memory_space<hbm>> -> memref<1x80x128xf32, #tpu.memory_space<hbm>>
      %dma_start3A_657 = tpu.memref_squeeze %dma_start3A_656 : memref<1x80x128xf32, #tpu.memory_space<hbm>> -> memref<80x128xf32, #tpu.memory_space<hbm>>
      %dma_start3A_658 = arith.constant 0 : i32
      %dma_start3A_659 = tpu.memref_slice %arg5[%arg0, %add3A_638, %dma_start3A_658] : memref<2x10240x128xf32, #tpu.memory_space<hbm>> -> memref<1x80x128xf32, #tpu.memory_space<hbm>>
      %dma_start3A_660 = tpu.memref_squeeze %dma_start3A_659 : memref<1x80x128xf32, #tpu.memory_space<hbm>> -> memref<80x128xf32, #tpu.memory_space<hbm>>
      tpu.enqueue_dma source(%arg8 : memref<80x128xf32, #tpu.memory_space<vmem>>) target(%dma_start3A_660 : memref<80x128xf32, #tpu.memory_space<hbm>>) target_semaphore(%run_scoped3A_655 : memref<!tpu.dma_semaphore, #tpu.memory_space<semaphore_mem>>)
      %dma_wait3A = arith.constant 0 : i32
      %dma_wait3A_661 = tpu.memref_slice %arg5[%arg0, %add3A_638, %dma_wait3A] : memref<2x10240x128xf32, #tpu.memory_space<hbm>> -> memref<1x80x128xf32, #tpu.memory_space<hbm>>
      %dma_wait3A_662 = tpu.memref_squeeze %dma_wait3A_661 : memref<1x80x128xf32, #tpu.memory_space<hbm>> -> memref<80x128xf32, #tpu.memory_space<hbm>>
      %dma_wait3A_663 = arith.constant 0 : i32
      %dma_wait3A_664 = tpu.memref_slice %arg5[%arg0, %add3A_638, %dma_wait3A_663] : memref<2x10240x128xf32, #tpu.memory_space<hbm>> -> memref<1x80x128xf32, #tpu.memory_space<hbm>>
      %dma_wait3A_665 = tpu.memref_squeeze %dma_wait3A_664 : memref<1x80x128xf32, #tpu.memory_space<hbm>> -> memref<80x128xf32, #tpu.memory_space<hbm>>
      tpu.wait_dma2 semaphore(%run_scoped3A_655 : memref<!tpu.dma_semaphore, #tpu.memory_space<semaphore_mem>>) src(%arg8 : memref<80x128xf32, #tpu.memory_space<vmem>>) dst(%dma_wait3A_665 : memref<80x128xf32, #tpu.memory_space<hbm>>)
      tpu.yield
    }) : () -> ()
    %mul3A_640 = arith.constant 640 : i32
    %mul3A_641 = arith.muli %arg1, %mul3A_640 : i32
    %add3A_642 = arith.constant 400 : i32
    %add3A_643 = arith.addi %mul3A_641, %add3A_642 : i32
    %run_scoped3A_644 = arith.constant 5 : i32
    "tpu.region"() ({
      %run_scoped3A_655 = tpu.sem_alloc : memref<!tpu.dma_semaphore, #tpu.memory_space<semaphore_mem>>
      %dma_start3A = arith.constant 0 : i32
      %dma_start3A_656 = tpu.memref_slice %arg9[%run_scoped3A_644, %dma_start3A] : memref<8x80xi32, #tpu.memory_space<vmem>> -> memref<1x80xi32, #tpu.memory_space<vmem>>
      %dma_start3A_657 = tpu.memref_squeeze %dma_start3A_656 : memref<1x80xi32, #tpu.memory_space<vmem>> -> memref<80xi32, #tpu.memory_space<vmem>>
      %dma_start3A_658 = arith.constant 0 : i32
      %dma_start3A_659 = arith.constant 0 : i32
      %dma_start3A_660 = tpu.memref_slice %arg10[%dma_start3A_658, %dma_start3A_659] : memref<10240x128xf32, #tpu.memory_space<vmem_shared>> -> memref<10240x128xf32, #tpu.memory_space<vmem_shared>>
      tpu.enqueue_indirect_dma source(%dma_start3A_660 : memref<10240x128xf32, #tpu.memory_space<vmem_shared>>) target(%arg8 : memref<80x128xf32, #tpu.memory_space<vmem>>) offsets(%dma_start3A_657 : memref<80xi32, #tpu.memory_space<vmem>>) semaphore(%run_scoped3A_655 : memref<!tpu.dma_semaphore, #tpu.memory_space<semaphore_mem>>)
      %dma_wait3A = arith.constant 0 : i32
      %dma_wait3A_661 = tpu.memref_slice %arg9[%run_scoped3A_644, %dma_wait3A] : memref<8x80xi32, #tpu.memory_space<vmem>> -> memref<1x80xi32, #tpu.memory_space<vmem>>
      %dma_wait3A_662 = tpu.memref_squeeze %dma_wait3A_661 : memref<1x80xi32, #tpu.memory_space<vmem>> -> memref<80xi32, #tpu.memory_space<vmem>>
      %dma_wait3A_663 = arith.constant 0 : i32
      %dma_wait3A_664 = arith.constant 0 : i32
      %dma_wait3A_665 = tpu.memref_slice %arg10[%dma_wait3A_663, %dma_wait3A_664] : memref<10240x128xf32, #tpu.memory_space<vmem_shared>> -> memref<10240x128xf32, #tpu.memory_space<vmem_shared>>
      tpu.wait_indirect_dma semaphore(%run_scoped3A_655 : memref<!tpu.dma_semaphore, #tpu.memory_space<semaphore_mem>>) src(%dma_wait3A_665 : memref<10240x128xf32, #tpu.memory_space<vmem_shared>>) dst(%arg8 : memref<80x128xf32, #tpu.memory_space<vmem>>)
      tpu.yield
    }) : () -> ()
    "tpu.region"() ({
      %run_scoped3A_655 = tpu.sem_alloc : memref<!tpu.dma_semaphore, #tpu.memory_space<semaphore_mem>>
      %dma_start3A = arith.constant 0 : i32
      %dma_start3A_656 = tpu.memref_slice %arg5[%arg0, %add3A_643, %dma_start3A] : memref<2x10240x128xf32, #tpu.memory_space<hbm>> -> memref<1x80x128xf32, #tpu.memory_space<hbm>>
      %dma_start3A_657 = tpu.memref_squeeze %dma_start3A_656 : memref<1x80x128xf32, #tpu.memory_space<hbm>> -> memref<80x128xf32, #tpu.memory_space<hbm>>
      %dma_start3A_658 = arith.constant 0 : i32
      %dma_start3A_659 = tpu.memref_slice %arg5[%arg0, %add3A_643, %dma_start3A_658] : memref<2x10240x128xf32, #tpu.memory_space<hbm>> -> memref<1x80x128xf32, #tpu.memory_space<hbm>>
      %dma_start3A_660 = tpu.memref_squeeze %dma_start3A_659 : memref<1x80x128xf32, #tpu.memory_space<hbm>> -> memref<80x128xf32, #tpu.memory_space<hbm>>
      tpu.enqueue_dma source(%arg8 : memref<80x128xf32, #tpu.memory_space<vmem>>) target(%dma_start3A_660 : memref<80x128xf32, #tpu.memory_space<hbm>>) target_semaphore(%run_scoped3A_655 : memref<!tpu.dma_semaphore, #tpu.memory_space<semaphore_mem>>)
      %dma_wait3A = arith.constant 0 : i32
      %dma_wait3A_661 = tpu.memref_slice %arg5[%arg0, %add3A_643, %dma_wait3A] : memref<2x10240x128xf32, #tpu.memory_space<hbm>> -> memref<1x80x128xf32, #tpu.memory_space<hbm>>
      %dma_wait3A_662 = tpu.memref_squeeze %dma_wait3A_661 : memref<1x80x128xf32, #tpu.memory_space<hbm>> -> memref<80x128xf32, #tpu.memory_space<hbm>>
      %dma_wait3A_663 = arith.constant 0 : i32
      %dma_wait3A_664 = tpu.memref_slice %arg5[%arg0, %add3A_643, %dma_wait3A_663] : memref<2x10240x128xf32, #tpu.memory_space<hbm>> -> memref<1x80x128xf32, #tpu.memory_space<hbm>>
      %dma_wait3A_665 = tpu.memref_squeeze %dma_wait3A_664 : memref<1x80x128xf32, #tpu.memory_space<hbm>> -> memref<80x128xf32, #tpu.memory_space<hbm>>
      tpu.wait_dma2 semaphore(%run_scoped3A_655 : memref<!tpu.dma_semaphore, #tpu.memory_space<semaphore_mem>>) src(%arg8 : memref<80x128xf32, #tpu.memory_space<vmem>>) dst(%dma_wait3A_665 : memref<80x128xf32, #tpu.memory_space<hbm>>)
      tpu.yield
    }) : () -> ()
    %mul3A_645 = arith.constant 640 : i32
    %mul3A_646 = arith.muli %arg1, %mul3A_645 : i32
    %add3A_647 = arith.constant 480 : i32
    %add3A_648 = arith.addi %mul3A_646, %add3A_647 : i32
    %run_scoped3A_649 = arith.constant 6 : i32
    "tpu.region"() ({
      %run_scoped3A_655 = tpu.sem_alloc : memref<!tpu.dma_semaphore, #tpu.memory_space<semaphore_mem>>
      %dma_start3A = arith.constant 0 : i32
      %dma_start3A_656 = tpu.memref_slice %arg9[%run_scoped3A_649, %dma_start3A] : memref<8x80xi32, #tpu.memory_space<vmem>> -> memref<1x80xi32, #tpu.memory_space<vmem>>
      %dma_start3A_657 = tpu.memref_squeeze %dma_start3A_656 : memref<1x80xi32, #tpu.memory_space<vmem>> -> memref<80xi32, #tpu.memory_space<vmem>>
      %dma_start3A_658 = arith.constant 0 : i32
      %dma_start3A_659 = arith.constant 0 : i32
      %dma_start3A_660 = tpu.memref_slice %arg10[%dma_start3A_658, %dma_start3A_659] : memref<10240x128xf32, #tpu.memory_space<vmem_shared>> -> memref<10240x128xf32, #tpu.memory_space<vmem_shared>>
      tpu.enqueue_indirect_dma source(%dma_start3A_660 : memref<10240x128xf32, #tpu.memory_space<vmem_shared>>) target(%arg8 : memref<80x128xf32, #tpu.memory_space<vmem>>) offsets(%dma_start3A_657 : memref<80xi32, #tpu.memory_space<vmem>>) semaphore(%run_scoped3A_655 : memref<!tpu.dma_semaphore, #tpu.memory_space<semaphore_mem>>)
      %dma_wait3A = arith.constant 0 : i32
      %dma_wait3A_661 = tpu.memref_slice %arg9[%run_scoped3A_649, %dma_wait3A] : memref<8x80xi32, #tpu.memory_space<vmem>> -> memref<1x80xi32, #tpu.memory_space<vmem>>
      %dma_wait3A_662 = tpu.memref_squeeze %dma_wait3A_661 : memref<1x80xi32, #tpu.memory_space<vmem>> -> memref<80xi32, #tpu.memory_space<vmem>>
      %dma_wait3A_663 = arith.constant 0 : i32
      %dma_wait3A_664 = arith.constant 0 : i32
      %dma_wait3A_665 = tpu.memref_slice %arg10[%dma_wait3A_663, %dma_wait3A_664] : memref<10240x128xf32, #tpu.memory_space<vmem_shared>> -> memref<10240x128xf32, #tpu.memory_space<vmem_shared>>
      tpu.wait_indirect_dma semaphore(%run_scoped3A_655 : memref<!tpu.dma_semaphore, #tpu.memory_space<semaphore_mem>>) src(%dma_wait3A_665 : memref<10240x128xf32, #tpu.memory_space<vmem_shared>>) dst(%arg8 : memref<80x128xf32, #tpu.memory_space<vmem>>)
      tpu.yield
    }) : () -> ()
    "tpu.region"() ({
      %run_scoped3A_655 = tpu.sem_alloc : memref<!tpu.dma_semaphore, #tpu.memory_space<semaphore_mem>>
      %dma_start3A = arith.constant 0 : i32
      %dma_start3A_656 = tpu.memref_slice %arg5[%arg0, %add3A_648, %dma_start3A] : memref<2x10240x128xf32, #tpu.memory_space<hbm>> -> memref<1x80x128xf32, #tpu.memory_space<hbm>>
      %dma_start3A_657 = tpu.memref_squeeze %dma_start3A_656 : memref<1x80x128xf32, #tpu.memory_space<hbm>> -> memref<80x128xf32, #tpu.memory_space<hbm>>
      %dma_start3A_658 = arith.constant 0 : i32
      %dma_start3A_659 = tpu.memref_slice %arg5[%arg0, %add3A_648, %dma_start3A_658] : memref<2x10240x128xf32, #tpu.memory_space<hbm>> -> memref<1x80x128xf32, #tpu.memory_space<hbm>>
      %dma_start3A_660 = tpu.memref_squeeze %dma_start3A_659 : memref<1x80x128xf32, #tpu.memory_space<hbm>> -> memref<80x128xf32, #tpu.memory_space<hbm>>
      tpu.enqueue_dma source(%arg8 : memref<80x128xf32, #tpu.memory_space<vmem>>) target(%dma_start3A_660 : memref<80x128xf32, #tpu.memory_space<hbm>>) target_semaphore(%run_scoped3A_655 : memref<!tpu.dma_semaphore, #tpu.memory_space<semaphore_mem>>)
      %dma_wait3A = arith.constant 0 : i32
      %dma_wait3A_661 = tpu.memref_slice %arg5[%arg0, %add3A_648, %dma_wait3A] : memref<2x10240x128xf32, #tpu.memory_space<hbm>> -> memref<1x80x128xf32, #tpu.memory_space<hbm>>
      %dma_wait3A_662 = tpu.memref_squeeze %dma_wait3A_661 : memref<1x80x128xf32, #tpu.memory_space<hbm>> -> memref<80x128xf32, #tpu.memory_space<hbm>>
      %dma_wait3A_663 = arith.constant 0 : i32
      %dma_wait3A_664 = tpu.memref_slice %arg5[%arg0, %add3A_648, %dma_wait3A_663] : memref<2x10240x128xf32, #tpu.memory_space<hbm>> -> memref<1x80x128xf32, #tpu.memory_space<hbm>>
      %dma_wait3A_665 = tpu.memref_squeeze %dma_wait3A_664 : memref<1x80x128xf32, #tpu.memory_space<hbm>> -> memref<80x128xf32, #tpu.memory_space<hbm>>
      tpu.wait_dma2 semaphore(%run_scoped3A_655 : memref<!tpu.dma_semaphore, #tpu.memory_space<semaphore_mem>>) src(%arg8 : memref<80x128xf32, #tpu.memory_space<vmem>>) dst(%dma_wait3A_665 : memref<80x128xf32, #tpu.memory_space<hbm>>)
      tpu.yield
    }) : () -> ()
    %mul3A_650 = arith.constant 640 : i32
    %mul3A_651 = arith.muli %arg1, %mul3A_650 : i32
    %add3A_652 = arith.constant 560 : i32
    %add3A_653 = arith.addi %mul3A_651, %add3A_652 : i32
    %run_scoped3A_654 = arith.constant 7 : i32
    "tpu.region"() ({
      %run_scoped3A_655 = tpu.sem_alloc : memref<!tpu.dma_semaphore, #tpu.memory_space<semaphore_mem>>
      %dma_start3A = arith.constant 0 : i32
      %dma_start3A_656 = tpu.memref_slice %arg9[%run_scoped3A_654, %dma_start3A] : memref<8x80xi32, #tpu.memory_space<vmem>> -> memref<1x80xi32, #tpu.memory_space<vmem>>
      %dma_start3A_657 = tpu.memref_squeeze %dma_start3A_656 : memref<1x80xi32, #tpu.memory_space<vmem>> -> memref<80xi32, #tpu.memory_space<vmem>>
      %dma_start3A_658 = arith.constant 0 : i32
      %dma_start3A_659 = arith.constant 0 : i32
      %dma_start3A_660 = tpu.memref_slice %arg10[%dma_start3A_658, %dma_start3A_659] : memref<10240x128xf32, #tpu.memory_space<vmem_shared>> -> memref<10240x128xf32, #tpu.memory_space<vmem_shared>>
      tpu.enqueue_indirect_dma source(%dma_start3A_660 : memref<10240x128xf32, #tpu.memory_space<vmem_shared>>) target(%arg8 : memref<80x128xf32, #tpu.memory_space<vmem>>) offsets(%dma_start3A_657 : memref<80xi32, #tpu.memory_space<vmem>>) semaphore(%run_scoped3A_655 : memref<!tpu.dma_semaphore, #tpu.memory_space<semaphore_mem>>)
      %dma_wait3A = arith.constant 0 : i32
      %dma_wait3A_661 = tpu.memref_slice %arg9[%run_scoped3A_654, %dma_wait3A] : memref<8x80xi32, #tpu.memory_space<vmem>> -> memref<1x80xi32, #tpu.memory_space<vmem>>
      %dma_wait3A_662 = tpu.memref_squeeze %dma_wait3A_661 : memref<1x80xi32, #tpu.memory_space<vmem>> -> memref<80xi32, #tpu.memory_space<vmem>>
      %dma_wait3A_663 = arith.constant 0 : i32
      %dma_wait3A_664 = arith.constant 0 : i32
      %dma_wait3A_665 = tpu.memref_slice %arg10[%dma_wait3A_663, %dma_wait3A_664] : memref<10240x128xf32, #tpu.memory_space<vmem_shared>> -> memref<10240x128xf32, #tpu.memory_space<vmem_shared>>
      tpu.wait_indirect_dma semaphore(%run_scoped3A_655 : memref<!tpu.dma_semaphore, #tpu.memory_space<semaphore_mem>>) src(%dma_wait3A_665 : memref<10240x128xf32, #tpu.memory_space<vmem_shared>>) dst(%arg8 : memref<80x128xf32, #tpu.memory_space<vmem>>)
      tpu.yield
    }) : () -> ()
    "tpu.region"() ({
      %run_scoped3A_655 = tpu.sem_alloc : memref<!tpu.dma_semaphore, #tpu.memory_space<semaphore_mem>>
      %dma_start3A = arith.constant 0 : i32
      %dma_start3A_656 = tpu.memref_slice %arg5[%arg0, %add3A_653, %dma_start3A] : memref<2x10240x128xf32, #tpu.memory_space<hbm>> -> memref<1x80x128xf32, #tpu.memory_space<hbm>>
      %dma_start3A_657 = tpu.memref_squeeze %dma_start3A_656 : memref<1x80x128xf32, #tpu.memory_space<hbm>> -> memref<80x128xf32, #tpu.memory_space<hbm>>
      %dma_start3A_658 = arith.constant 0 : i32
      %dma_start3A_659 = tpu.memref_slice %arg5[%arg0, %add3A_653, %dma_start3A_658] : memref<2x10240x128xf32, #tpu.memory_space<hbm>> -> memref<1x80x128xf32, #tpu.memory_space<hbm>>
      %dma_start3A_660 = tpu.memref_squeeze %dma_start3A_659 : memref<1x80x128xf32, #tpu.memory_space<hbm>> -> memref<80x128xf32, #tpu.memory_space<hbm>>
      tpu.enqueue_dma source(%arg8 : memref<80x128xf32, #tpu.memory_space<vmem>>) target(%dma_start3A_660 : memref<80x128xf32, #tpu.memory_space<hbm>>) target_semaphore(%run_scoped3A_655 : memref<!tpu.dma_semaphore, #tpu.memory_space<semaphore_mem>>)
      %dma_wait3A = arith.constant 0 : i32
      %dma_wait3A_661 = tpu.memref_slice %arg5[%arg0, %add3A_653, %dma_wait3A] : memref<2x10240x128xf32, #tpu.memory_space<hbm>> -> memref<1x80x128xf32, #tpu.memory_space<hbm>>
      %dma_wait3A_662 = tpu.memref_squeeze %dma_wait3A_661 : memref<1x80x128xf32, #tpu.memory_space<hbm>> -> memref<80x128xf32, #tpu.memory_space<hbm>>
      %dma_wait3A_663 = arith.constant 0 : i32
      %dma_wait3A_664 = tpu.memref_slice %arg5[%arg0, %add3A_653, %dma_wait3A_663] : memref<2x10240x128xf32, #tpu.memory_space<hbm>> -> memref<1x80x128xf32, #tpu.memory_space<hbm>>
      %dma_wait3A_665 = tpu.memref_squeeze %dma_wait3A_664 : memref<1x80x128xf32, #tpu.memory_space<hbm>> -> memref<80x128xf32, #tpu.memory_space<hbm>>
      tpu.wait_dma2 semaphore(%run_scoped3A_655 : memref<!tpu.dma_semaphore, #tpu.memory_space<semaphore_mem>>) src(%arg8 : memref<80x128xf32, #tpu.memory_space<vmem>>) dst(%dma_wait3A_665 : memref<80x128xf32, #tpu.memory_space<hbm>>)
      tpu.yield
    }) : () -> ()
    return
  }
}

#map = affine_map<(d0, d1) -> (0, 0)>
#map1 = affine_map<(d0, d1) -> (0, 0, 0, 0)>
#map2 = affine_map<(d0, d1) -> (0, 0, 0)>
module attributes {stable_mosaic.version = 14 : i64} {
  func.func @_sc_scatter(%arg0: i32, %arg1: i32, %arg2: memref<10000x128xf32, #tpu.memory_space<hbm>>, %arg3: memref<2x16x125x80xi32, #tpu.memory_space<hbm>>, %arg4: memref<2x16x125x80xi32, #tpu.memory_space<hbm>>, %arg5: memref<2x10240x128xf32, #tpu.memory_space<hbm>>, %arg6: memref<125x80xi32, #tpu.memory_space<vmem>>, %arg7: memref<125x80xi32, #tpu.memory_space<vmem>>, %arg8: memref<80x128xf32, #tpu.memory_space<vmem>>, %arg9: memref<8x80xi32, #tpu.memory_space<vmem>>, %arg10: memref<10240x128xf32, #tpu.memory_space<vmem_shared>>, %arg11: memref<!tpu.dma_semaphore, #tpu.memory_space<semaphore_mem>>) attributes {dimension_semantics = [#tpu.dimension_semantics<core_parallel>, #tpu.dimension_semantics<subcore_parallel>], iteration_bounds = array<i64: 2, 16>, scalar_prefetch = 0 : i64, scratch_operands = 6 : i64, tpu.core_type = #tpu.core_type<sc_vector_subcore>, window_params = [{transform_indices = #map}, {transform_indices = #map1}, {transform_indices = #map1}, {transform_indices = #map2}]} {
    %scan3A = arith.constant 0 : i32
    %scan3A_0 = arith.constant 0 : i32
    %scan3A_1 = arith.constant 640 : i32
    %scan3A_2 = arith.addi %scan3A_0, %scan3A_1 : i32
    %scan3A_3 = arith.constant 1 : i32
    scf.for %scan3A_655 = %scan3A_0 to %scan3A_2 step %scan3A_3  : i32 {
      %jit3A = arith.constant 8 : i32
      %div3A = arith.divsi %scan3A_655, %jit3A : i32
      %sign3A = arith.constant 0 : i32
      %sign3A_656 = arith.cmpi sgt, %scan3A_655, %sign3A : i32
      %sign3A_657 = arith.extui %sign3A_656 : i1 to i32
      %sign3A_658 = arith.constant 0 : i32
      %sign3A_659 = arith.cmpi slt, %scan3A_655, %sign3A_658 : i32
      %sign3A_660 = arith.extui %sign3A_659 : i1 to i32
      %sign3A_661 = arith.subi %sign3A_657, %sign3A_660 : i32
      %sign3A_662 = arith.constant 0 : i32
      %sign3A_663 = arith.cmpi sgt, %jit3A, %sign3A_662 : i32
      %sign3A_664 = arith.extui %sign3A_663 : i1 to i32
      %sign3A_665 = arith.constant 0 : i32
      %sign3A_666 = arith.cmpi slt, %jit3A, %sign3A_665 : i32
      %sign3A_667 = arith.extui %sign3A_666 : i1 to i32
      %sign3A_668 = arith.subi %sign3A_664, %sign3A_667 : i32
      %ne3A = arith.cmpi ne, %sign3A_661, %sign3A_668 : i32
      %rem3A = arith.remsi %scan3A_655, %jit3A : i32
      %ne3A_669 = arith.constant 0 : i32
      %ne3A_670 = arith.cmpi ne, %rem3A, %ne3A_669 : i32
      %and3A = arith.andi %ne3A, %ne3A_670 : i1
      %sub3A = arith.constant 1 : i32
      %sub3A_671 = arith.subi %div3A, %sub3A : i32
      %select_n3A = arith.select %and3A, %sub3A_671, %div3A : i32
      %jit3A_672 = arith.constant 8 : i32
      %eq3A = arith.constant 0 : i32
      %eq3A_673 = arith.cmpi eq, %jit3A_672, %eq3A : i32
      %jit3A_674 = arith.constant 1 : i32
      %select_n3A_675 = arith.select %eq3A_673, %jit3A_674, %jit3A_672 : i32
      %rem3A_676 = arith.remsi %scan3A_655, %select_n3A_675 : i32
      %ne3A_677 = arith.constant 0 : i32
      %ne3A_678 = arith.cmpi ne, %rem3A_676, %ne3A_677 : i32
      %lt3A = arith.constant 0 : i32
      %lt3A_679 = arith.cmpi slt, %rem3A_676, %lt3A : i32
      %lt3A_680 = arith.constant 0 : i32
      %lt3A_681 = arith.cmpi slt, %select_n3A_675, %lt3A_680 : i32
      %ne3A_682 = arith.xori %lt3A_679, %lt3A_681 : i1
      %and3A_683 = arith.andi %ne3A_682, %ne3A_678 : i1
      %add3A_684 = arith.addi %rem3A_676, %select_n3A_675 : i32
      %select_n3A_685 = arith.select %and3A_683, %add3A_684, %rem3A_676 : i32
      %broadcast_in_dim3A = arith.constant 0.000000e+00 : f32
      %broadcast_in_dim3A_686 = vector.broadcast %broadcast_in_dim3A : f32 to vector<16xf32>
      %mul3A_687 = arith.constant 16 : i32
      %mul3A_688 = arith.muli %select_n3A_685, %mul3A_687 : i32
      %swap3A_689 = arith.index_cast %select_n3A : i32 to index
      %swap3A_690 = arith.index_cast %mul3A_688 : i32 to index
      %swap3A_691 = tpu.vector_load %arg8[%swap3A_689, %swap3A_690] {strides = array<i32>} : memref<80x128xf32, #tpu.memory_space<vmem>>, vector<1x16xf32>,
      %swap3A_692 = vector.shape_cast %swap3A_691 : vector<1x16xf32> to vector<16xf32>
      %swap3A_693 = vector.shape_cast %broadcast_in_dim3A_686 : vector<16xf32> to vector<1x16xf32>
      tpu.vector_store %arg8[%swap3A_689, %swap3A_690], %swap3A_693 {strides = array<i32>} : memref<80x128xf32, #tpu.memory_space<vmem>>, vector<1x16xf32>,
    }
    %scan3A_4 = arith.constant 640 : i32
    %mul3A = arith.constant 640 : i32
    %mul3A_5 = arith.muli %arg1, %mul3A : i32
    %add3A = arith.constant 0 : i32
    %add3A_6 = arith.addi %mul3A_5, %add3A : i32
    %add3A_7 = arith.constant 0 : i32
    %add3A_8 = arith.addi %add3A_6, %add3A_7 : i32
    %iota3A = tpu.iota {dimensions = array<i32: 0>} : vector<16xi32>
    %add3A_9 = vector.broadcast %add3A_8 : i32 to vector<16xi32>
    %add3A_10 = arith.addi %add3A_9, %iota3A : vector<16xi32>
    %swap3A = arith.constant 0 : i32
    %swap3A_11 = arith.index_cast %swap3A : i32 to index
    %swap3A_12 = arith.constant 0 : index
    %swap3A_13 = tpu.vector_load %arg9[%swap3A_11, %swap3A_12] {strides = array<i32>} : memref<8x80xi32, #tpu.memory_space<vmem>>, vector<1x16xi32>,
    %swap3A_14 = vector.shape_cast %swap3A_13 : vector<1x16xi32> to vector<16xi32>
    %swap3A_15 = vector.shape_cast %add3A_10 : vector<16xi32> to vector<1x16xi32>
    tpu.vector_store %arg9[%swap3A_11, %swap3A_12], %swap3A_15 {strides = array<i32>} : memref<8x80xi32, #tpu.memory_space<vmem>>, vector<1x16xi32>,
    %mul3A_16 = arith.constant 640 : i32
    %mul3A_17 = arith.muli %arg1, %mul3A_16 : i32
    %add3A_18 = arith.constant 0 : i32
    %add3A_19 = arith.addi %mul3A_17, %add3A_18 : i32
    %add3A_20 = arith.constant 16 : i32
    %add3A_21 = arith.addi %add3A_19, %add3A_20 : i32
    %iota3A_22 = tpu.iota {dimensions = array<i32: 0>} : vector<16xi32>
    %add3A_23 = vector.broadcast %add3A_21 : i32 to vector<16xi32>
    %add3A_24 = arith.addi %add3A_23, %iota3A_22 : vector<16xi32>
    %swap3A_25 = arith.constant 0 : i32
    %swap3A_26 = arith.index_cast %swap3A_25 : i32 to index
    %swap3A_27 = arith.constant 16 : index
    %swap3A_28 = tpu.vector_load %arg9[%swap3A_26, %swap3A_27] {strides = array<i32>} : memref<8x80xi32, #tpu.memory_space<vmem>>, vector<1x16xi32>,
    %swap3A_29 = vector.shape_cast %swap3A_28 : vector<1x16xi32> to vector<16xi32>
    %swap3A_30 = vector.shape_cast %add3A_24 : vector<16xi32> to vector<1x16xi32>
    tpu.vector_store %arg9[%swap3A_26, %swap3A_27], %swap3A_30 {strides = array<i32>} : memref<8x80xi32, #tpu.memory_space<vmem>>, vector<1x16xi32>,
    %mul3A_31 = arith.constant 640 : i32
    %mul3A_32 = arith.muli %arg1, %mul3A_31 : i32
    %add3A_33 = arith.constant 0 : i32
    %add3A_34 = arith.addi %mul3A_32, %add3A_33 : i32
    %add3A_35 = arith.constant 32 : i32
    %add3A_36 = arith.addi %add3A_34, %add3A_35 : i32
    %iota3A_37 = tpu.iota {dimensions = array<i32: 0>} : vector<16xi32>
    %add3A_38 = vector.broadcast %add3A_36 : i32 to vector<16xi32>
    %add3A_39 = arith.addi %add3A_38, %iota3A_37 : vector<16xi32>
    %swap3A_40 = arith.constant 0 : i32
    %swap3A_41 = arith.index_cast %swap3A_40 : i32 to index
    %swap3A_42 = arith.constant 32 : index
    %swap3A_43 = tpu.vector_load %arg9[%swap3A_41, %swap3A_42] {strides = array<i32>} : memref<8x80xi32, #tpu.memory_space<vmem>>, vector<1x16xi32>,
    %swap3A_44 = vector.shape_cast %swap3A_43 : vector<1x16xi32> to vector<16xi32>
    %swap3A_45 = vector.shape_cast %add3A_39 : vector<16xi32> to vector<1x16xi32>
    tpu.vector_store %arg9[%swap3A_41, %swap3A_42], %swap3A_45 {strides = array<i32>} : memref<8x80xi32, #tpu.memory_space<vmem>>, vector<1x16xi32>,
    %mul3A_46 = arith.constant 640 : i32
    %mul3A_47 = arith.muli %arg1, %mul3A_46 : i32
    %add3A_48 = arith.constant 0 : i32
    %add3A_49 = arith.addi %mul3A_47, %add3A_48 : i32
    %add3A_50 = arith.constant 48 : i32
    %add3A_51 = arith.addi %add3A_49, %add3A_50 : i32
    %iota3A_52 = tpu.iota {dimensions = array<i32: 0>} : vector<16xi32>
    %add3A_53 = vector.broadcast %add3A_51 : i32 to vector<16xi32>
    %add3A_54 = arith.addi %add3A_53, %iota3A_52 : vector<16xi32>
    %swap3A_55 = arith.constant 0 : i32
    %swap3A_56 = arith.index_cast %swap3A_55 : i32 to index
    %swap3A_57 = arith.constant 48 : index
    %swap3A_58 = tpu.vector_load %arg9[%swap3A_56, %swap3A_57] {strides = array<i32>} : memref<8x80xi32, #tpu.memory_space<vmem>>, vector<1x16xi32>,
    %swap3A_59 = vector.shape_cast %swap3A_58 : vector<1x16xi32> to vector<16xi32>
    %swap3A_60 = vector.shape_cast %add3A_54 : vector<16xi32> to vector<1x16xi32>
    tpu.vector_store %arg9[%swap3A_56, %swap3A_57], %swap3A_60 {strides = array<i32>} : memref<8x80xi32, #tpu.memory_space<vmem>>, vector<1x16xi32>,
    %mul3A_61 = arith.constant 640 : i32
    %mul3A_62 = arith.muli %arg1, %mul3A_61 : i32
    %add3A_63 = arith.constant 0 : i32
    %add3A_64 = arith.addi %mul3A_62, %add3A_63 : i32
    %add3A_65 = arith.constant 64 : i32
    %add3A_66 = arith.addi %add3A_64, %add3A_65 : i32
    %iota3A_67 = tpu.iota {dimensions = array<i32: 0>} : vector<16xi32>
    %add3A_68 = vector.broadcast %add3A_66 : i32 to vector<16xi32>
    %add3A_69 = arith.addi %add3A_68, %iota3A_67 : vector<16xi32>
    %swap3A_70 = arith.constant 0 : i32
    %swap3A_71 = arith.index_cast %swap3A_70 : i32 to index
    %swap3A_72 = arith.constant 64 : index
    %swap3A_73 = tpu.vector_load %arg9[%swap3A_71, %swap3A_72] {strides = array<i32>} : memref<8x80xi32, #tpu.memory_space<vmem>>, vector<1x16xi32>,
    %swap3A_74 = vector.shape_cast %swap3A_73 : vector<1x16xi32> to vector<16xi32>
    %swap3A_75 = vector.shape_cast %add3A_69 : vector<16xi32> to vector<1x16xi32>
    tpu.vector_store %arg9[%swap3A_71, %swap3A_72], %swap3A_75 {strides = array<i32>} : memref<8x80xi32, #tpu.memory_space<vmem>>, vector<1x16xi32>,
    %mul3A_76 = arith.constant 640 : i32
    %mul3A_77 = arith.muli %arg1, %mul3A_76 : i32
    %add3A_78 = arith.constant 80 : i32
    %add3A_79 = arith.addi %mul3A_77, %add3A_78 : i32
    %add3A_80 = arith.constant 0 : i32
    %add3A_81 = arith.addi %add3A_79, %add3A_80 : i32
    %iota3A_82 = tpu.iota {dimensions = array<i32: 0>} : vector<16xi32>
    %add3A_83 = vector.broadcast %add3A_81 : i32 to vector<16xi32>
    %add3A_84 = arith.addi %add3A_83, %iota3A_82 : vector<16xi32>
    %swap3A_85 = arith.constant 1 : i32
    %swap3A_86 = arith.index_cast %swap3A_85 : i32 to index
    %swap3A_87 = arith.constant 0 : index
    %swap3A_88 = tpu.vector_load %arg9[%swap3A_86, %swap3A_87] {strides = array<i32>} : memref<8x80xi32, #tpu.memory_space<vmem>>, vector<1x16xi32>,
    %swap3A_89 = vector.shape_cast %swap3A_88 : vector<1x16xi32> to vector<16xi32>
    %swap3A_90 = vector.shape_cast %add3A_84 : vector<16xi32> to vector<1x16xi32>
    tpu.vector_store %arg9[%swap3A_86, %swap3A_87], %swap3A_90 {strides = array<i32>} : memref<8x80xi32, #tpu.memory_space<vmem>>, vector<1x16xi32>,
    %mul3A_91 = arith.constant 640 : i32
    %mul3A_92 = arith.muli %arg1, %mul3A_91 : i32
    %add3A_93 = arith.constant 80 : i32
    %add3A_94 = arith.addi %mul3A_92, %add3A_93 : i32
    %add3A_95 = arith.constant 16 : i32
    %add3A_96 = arith.addi %add3A_94, %add3A_95 : i32
    %iota3A_97 = tpu.iota {dimensions = array<i32: 0>} : vector<16xi32>
    %add3A_98 = vector.broadcast %add3A_96 : i32 to vector<16xi32>
    %add3A_99 = arith.addi %add3A_98, %iota3A_97 : vector<16xi32>
    %swap3A_100 = arith.constant 1 : i32
    %swap3A_101 = arith.index_cast %swap3A_100 : i32 to index
    %swap3A_102 = arith.constant 16 : index
    %swap3A_103 = tpu.vector_load %arg9[%swap3A_101, %swap3A_102] {strides = array<i32>} : memref<8x80xi32, #tpu.memory_space<vmem>>, vector<1x16xi32>,
    %swap3A_104 = vector.shape_cast %swap3A_103 : vector<1x16xi32> to vector<16xi32>
    %swap3A_105 = vector.shape_cast %add3A_99 : vector<16xi32> to vector<1x16xi32>
    tpu.vector_store %arg9[%swap3A_101, %swap3A_102], %swap3A_105 {strides = array<i32>} : memref<8x80xi32, #tpu.memory_space<vmem>>, vector<1x16xi32>,
    %mul3A_106 = arith.constant 640 : i32
    %mul3A_107 = arith.muli %arg1, %mul3A_106 : i32
    %add3A_108 = arith.constant 80 : i32
    %add3A_109 = arith.addi %mul3A_107, %add3A_108 : i32
    %add3A_110 = arith.constant 32 : i32
    %add3A_111 = arith.addi %add3A_109, %add3A_110 : i32
    %iota3A_112 = tpu.iota {dimensions = array<i32: 0>} : vector<16xi32>
    %add3A_113 = vector.broadcast %add3A_111 : i32 to vector<16xi32>
    %add3A_114 = arith.addi %add3A_113, %iota3A_112 : vector<16xi32>
    %swap3A_115 = arith.constant 1 : i32
    %swap3A_116 = arith.index_cast %swap3A_115 : i32 to index
    %swap3A_117 = arith.constant 32 : index
    %swap3A_118 = tpu.vector_load %arg9[%swap3A_116, %swap3A_117] {strides = array<i32>} : memref<8x80xi32, #tpu.memory_space<vmem>>, vector<1x16xi32>,
    %swap3A_119 = vector.shape_cast %swap3A_118 : vector<1x16xi32> to vector<16xi32>
    %swap3A_120 = vector.shape_cast %add3A_114 : vector<16xi32> to vector<1x16xi32>
    tpu.vector_store %arg9[%swap3A_116, %swap3A_117], %swap3A_120 {strides = array<i32>} : memref<8x80xi32, #tpu.memory_space<vmem>>, vector<1x16xi32>,
    %mul3A_121 = arith.constant 640 : i32
    %mul3A_122 = arith.muli %arg1, %mul3A_121 : i32
    %add3A_123 = arith.constant 80 : i32
    %add3A_124 = arith.addi %mul3A_122, %add3A_123 : i32
    %add3A_125 = arith.constant 48 : i32
    %add3A_126 = arith.addi %add3A_124, %add3A_125 : i32
    %iota3A_127 = tpu.iota {dimensions = array<i32: 0>} : vector<16xi32>
    %add3A_128 = vector.broadcast %add3A_126 : i32 to vector<16xi32>
    %add3A_129 = arith.addi %add3A_128, %iota3A_127 : vector<16xi32>
    %swap3A_130 = arith.constant 1 : i32
    %swap3A_131 = arith.index_cast %swap3A_130 : i32 to index
    %swap3A_132 = arith.constant 48 : index
    %swap3A_133 = tpu.vector_load %arg9[%swap3A_131, %swap3A_132] {strides = array<i32>} : memref<8x80xi32, #tpu.memory_space<vmem>>, vector<1x16xi32>,
    %swap3A_134 = vector.shape_cast %swap3A_133 : vector<1x16xi32> to vector<16xi32>
    %swap3A_135 = vector.shape_cast %add3A_129 : vector<16xi32> to vector<1x16xi32>
    tpu.vector_store %arg9[%swap3A_131, %swap3A_132], %swap3A_135 {strides = array<i32>} : memref<8x80xi32, #tpu.memory_space<vmem>>, vector<1x16xi32>,
    %mul3A_136 = arith.constant 640 : i32
    %mul3A_137 = arith.muli %arg1, %mul3A_136 : i32
    %add3A_138 = arith.constant 80 : i32
    %add3A_139 = arith.addi %mul3A_137, %add3A_138 : i32
    %add3A_140 = arith.constant 64 : i32
    %add3A_141 = arith.addi %add3A_139, %add3A_140 : i32
    %iota3A_142 = tpu.iota {dimensions = array<i32: 0>} : vector<16xi32>
    %add3A_143 = vector.broadcast %add3A_141 : i32 to vector<16xi32>
    %add3A_144 = arith.addi %add3A_143, %iota3A_142 : vector<16xi32>
    %swap3A_145 = arith.constant 1 : i32
    %swap3A_146 = arith.index_cast %swap3A_145 : i32 to index
    %swap3A_147 = arith.constant 64 : index
    %swap3A_148 = tpu.vector_load %arg9[%swap3A_146, %swap3A_147] {strides = array<i32>} : memref<8x80xi32, #tpu.memory_space<vmem>>, vector<1x16xi32>,
    %swap3A_149 = vector.shape_cast %swap3A_148 : vector<1x16xi32> to vector<16xi32>
    %swap3A_150 = vector.shape_cast %add3A_144 : vector<16xi32> to vector<1x16xi32>
    tpu.vector_store %arg9[%swap3A_146, %swap3A_147], %swap3A_150 {strides = array<i32>} : memref<8x80xi32, #tpu.memory_space<vmem>>, vector<1x16xi32>,
    %mul3A_151 = arith.constant 640 : i32
    %mul3A_152 = arith.muli %arg1, %mul3A_151 : i32
    %add3A_153 = arith.constant 160 : i32
    %add3A_154 = arith.addi %mul3A_152, %add3A_153 : i32
    %add3A_155 = arith.constant 0 : i32
    %add3A_156 = arith.addi %add3A_154, %add3A_155 : i32
    %iota3A_157 = tpu.iota {dimensions = array<i32: 0>} : vector<16xi32>
    %add3A_158 = vector.broadcast %add3A_156 : i32 to vector<16xi32>
    %add3A_159 = arith.addi %add3A_158, %iota3A_157 : vector<16xi32>
    %swap3A_160 = arith.constant 2 : i32
    %swap3A_161 = arith.index_cast %swap3A_160 : i32 to index
    %swap3A_162 = arith.constant 0 : index
    %swap3A_163 = tpu.vector_load %arg9[%swap3A_161, %swap3A_162] {strides = array<i32>} : memref<8x80xi32, #tpu.memory_space<vmem>>, vector<1x16xi32>,
    %swap3A_164 = vector.shape_cast %swap3A_163 : vector<1x16xi32> to vector<16xi32>
    %swap3A_165 = vector.shape_cast %add3A_159 : vector<16xi32> to vector<1x16xi32>
    tpu.vector_store %arg9[%swap3A_161, %swap3A_162], %swap3A_165 {strides = array<i32>} : memref<8x80xi32, #tpu.memory_space<vmem>>, vector<1x16xi32>,
    %mul3A_166 = arith.constant 640 : i32
    %mul3A_167 = arith.muli %arg1, %mul3A_166 : i32
    %add3A_168 = arith.constant 160 : i32
    %add3A_169 = arith.addi %mul3A_167, %add3A_168 : i32
    %add3A_170 = arith.constant 16 : i32
    %add3A_171 = arith.addi %add3A_169, %add3A_170 : i32
    %iota3A_172 = tpu.iota {dimensions = array<i32: 0>} : vector<16xi32>
    %add3A_173 = vector.broadcast %add3A_171 : i32 to vector<16xi32>
    %add3A_174 = arith.addi %add3A_173, %iota3A_172 : vector<16xi32>
    %swap3A_175 = arith.constant 2 : i32
    %swap3A_176 = arith.index_cast %swap3A_175 : i32 to index
    %swap3A_177 = arith.constant 16 : index
    %swap3A_178 = tpu.vector_load %arg9[%swap3A_176, %swap3A_177] {strides = array<i32>} : memref<8x80xi32, #tpu.memory_space<vmem>>, vector<1x16xi32>,
    %swap3A_179 = vector.shape_cast %swap3A_178 : vector<1x16xi32> to vector<16xi32>
    %swap3A_180 = vector.shape_cast %add3A_174 : vector<16xi32> to vector<1x16xi32>
    tpu.vector_store %arg9[%swap3A_176, %swap3A_177], %swap3A_180 {strides = array<i32>} : memref<8x80xi32, #tpu.memory_space<vmem>>, vector<1x16xi32>,
    %mul3A_181 = arith.constant 640 : i32
    %mul3A_182 = arith.muli %arg1, %mul3A_181 : i32
    %add3A_183 = arith.constant 160 : i32
    %add3A_184 = arith.addi %mul3A_182, %add3A_183 : i32
    %add3A_185 = arith.constant 32 : i32
    %add3A_186 = arith.addi %add3A_184, %add3A_185 : i32
    %iota3A_187 = tpu.iota {dimensions = array<i32: 0>} : vector<16xi32>
    %add3A_188 = vector.broadcast %add3A_186 : i32 to vector<16xi32>
    %add3A_189 = arith.addi %add3A_188, %iota3A_187 : vector<16xi32>
    %swap3A_190 = arith.constant 2 : i32
    %swap3A_191 = arith.index_cast %swap3A_190 : i32 to index
    %swap3A_192 = arith.constant 32 : index
    %swap3A_193 = tpu.vector_load %arg9[%swap3A_191, %swap3A_192] {strides = array<i32>} : memref<8x80xi32, #tpu.memory_space<vmem>>, vector<1x16xi32>,
    %swap3A_194 = vector.shape_cast %swap3A_193 : vector<1x16xi32> to vector<16xi32>
    %swap3A_195 = vector.shape_cast %add3A_189 : vector<16xi32> to vector<1x16xi32>
    tpu.vector_store %arg9[%swap3A_191, %swap3A_192], %swap3A_195 {strides = array<i32>} : memref<8x80xi32, #tpu.memory_space<vmem>>, vector<1x16xi32>,
    %mul3A_196 = arith.constant 640 : i32
    %mul3A_197 = arith.muli %arg1, %mul3A_196 : i32
    %add3A_198 = arith.constant 160 : i32
    %add3A_199 = arith.addi %mul3A_197, %add3A_198 : i32
    %add3A_200 = arith.constant 48 : i32
    %add3A_201 = arith.addi %add3A_199, %add3A_200 : i32
    %iota3A_202 = tpu.iota {dimensions = array<i32: 0>} : vector<16xi32>
    %add3A_203 = vector.broadcast %add3A_201 : i32 to vector<16xi32>
    %add3A_204 = arith.addi %add3A_203, %iota3A_202 : vector<16xi32>
    %swap3A_205 = arith.constant 2 : i32
    %swap3A_206 = arith.index_cast %swap3A_205 : i32 to index
    %swap3A_207 = arith.constant 48 : index
    %swap3A_208 = tpu.vector_load %arg9[%swap3A_206, %swap3A_207] {strides = array<i32>} : memref<8x80xi32, #tpu.memory_space<vmem>>, vector<1x16xi32>,
    %swap3A_209 = vector.shape_cast %swap3A_208 : vector<1x16xi32> to vector<16xi32>
    %swap3A_210 = vector.shape_cast %add3A_204 : vector<16xi32> to vector<1x16xi32>
    tpu.vector_store %arg9[%swap3A_206, %swap3A_207], %swap3A_210 {strides = array<i32>} : memref<8x80xi32, #tpu.memory_space<vmem>>, vector<1x16xi32>,
    %mul3A_211 = arith.constant 640 : i32
    %mul3A_212 = arith.muli %arg1, %mul3A_211 : i32
    %add3A_213 = arith.constant 160 : i32
    %add3A_214 = arith.addi %mul3A_212, %add3A_213 : i32
    %add3A_215 = arith.constant 64 : i32
    %add3A_216 = arith.addi %add3A_214, %add3A_215 : i32
    %iota3A_217 = tpu.iota {dimensions = array<i32: 0>} : vector<16xi32>
    %add3A_218 = vector.broadcast %add3A_216 : i32 to vector<16xi32>
    %add3A_219 = arith.addi %add3A_218, %iota3A_217 : vector<16xi32>
    %swap3A_220 = arith.constant 2 : i32
    %swap3A_221 = arith.index_cast %swap3A_220 : i32 to index
    %swap3A_222 = arith.constant 64 : index
    %swap3A_223 = tpu.vector_load %arg9[%swap3A_221, %swap3A_222] {strides = array<i32>} : memref<8x80xi32, #tpu.memory_space<vmem>>, vector<1x16xi32>,
    %swap3A_224 = vector.shape_cast %swap3A_223 : vector<1x16xi32> to vector<16xi32>
    %swap3A_225 = vector.shape_cast %add3A_219 : vector<16xi32> to vector<1x16xi32>
    tpu.vector_store %arg9[%swap3A_221, %swap3A_222], %swap3A_225 {strides = array<i32>} : memref<8x80xi32, #tpu.memory_space<vmem>>, vector<1x16xi32>,
    %mul3A_226 = arith.constant 640 : i32
    %mul3A_227 = arith.muli %arg1, %mul3A_226 : i32
    %add3A_228 = arith.constant 240 : i32
    %add3A_229 = arith.addi %mul3A_227, %add3A_228 : i32
    %add3A_230 = arith.constant 0 : i32
    %add3A_231 = arith.addi %add3A_229, %add3A_230 : i32
    %iota3A_232 = tpu.iota {dimensions = array<i32: 0>} : vector<16xi32>
    %add3A_233 = vector.broadcast %add3A_231 : i32 to vector<16xi32>
    %add3A_234 = arith.addi %add3A_233, %iota3A_232 : vector<16xi32>
    %swap3A_235 = arith.constant 3 : i32
    %swap3A_236 = arith.index_cast %swap3A_235 : i32 to index
    %swap3A_237 = arith.constant 0 : index
    %swap3A_238 = tpu.vector_load %arg9[%swap3A_236, %swap3A_237] {strides = array<i32>} : memref<8x80xi32, #tpu.memory_space<vmem>>, vector<1x16xi32>,
    %swap3A_239 = vector.shape_cast %swap3A_238 : vector<1x16xi32> to vector<16xi32>
    %swap3A_240 = vector.shape_cast %add3A_234 : vector<16xi32> to vector<1x16xi32>
    tpu.vector_store %arg9[%swap3A_236, %swap3A_237], %swap3A_240 {strides = array<i32>} : memref<8x80xi32, #tpu.memory_space<vmem>>, vector<1x16xi32>,
    %mul3A_241 = arith.constant 640 : i32
    %mul3A_242 = arith.muli %arg1, %mul3A_241 : i32
    %add3A_243 = arith.constant 240 : i32
    %add3A_244 = arith.addi %mul3A_242, %add3A_243 : i32
    %add3A_245 = arith.constant 16 : i32
    %add3A_246 = arith.addi %add3A_244, %add3A_245 : i32
    %iota3A_247 = tpu.iota {dimensions = array<i32: 0>} : vector<16xi32>
    %add3A_248 = vector.broadcast %add3A_246 : i32 to vector<16xi32>
    %add3A_249 = arith.addi %add3A_248, %iota3A_247 : vector<16xi32>
    %swap3A_250 = arith.constant 3 : i32
    %swap3A_251 = arith.index_cast %swap3A_250 : i32 to index
    %swap3A_252 = arith.constant 16 : index
    %swap3A_253 = tpu.vector_load %arg9[%swap3A_251, %swap3A_252] {strides = array<i32>} : memref<8x80xi32, #tpu.memory_space<vmem>>, vector<1x16xi32>,
    %swap3A_254 = vector.shape_cast %swap3A_253 : vector<1x16xi32> to vector<16xi32>
    %swap3A_255 = vector.shape_cast %add3A_249 : vector<16xi32> to vector<1x16xi32>
    tpu.vector_store %arg9[%swap3A_251, %swap3A_252], %swap3A_255 {strides = array<i32>} : memref<8x80xi32, #tpu.memory_space<vmem>>, vector<1x16xi32>,
    %mul3A_256 = arith.constant 640 : i32
    %mul3A_257 = arith.muli %arg1, %mul3A_256 : i32
    %add3A_258 = arith.constant 240 : i32
    %add3A_259 = arith.addi %mul3A_257, %add3A_258 : i32
    %add3A_260 = arith.constant 32 : i32
    %add3A_261 = arith.addi %add3A_259, %add3A_260 : i32
    %iota3A_262 = tpu.iota {dimensions = array<i32: 0>} : vector<16xi32>
    %add3A_263 = vector.broadcast %add3A_261 : i32 to vector<16xi32>
    %add3A_264 = arith.addi %add3A_263, %iota3A_262 : vector<16xi32>
    %swap3A_265 = arith.constant 3 : i32
    %swap3A_266 = arith.index_cast %swap3A_265 : i32 to index
    %swap3A_267 = arith.constant 32 : index
    %swap3A_268 = tpu.vector_load %arg9[%swap3A_266, %swap3A_267] {strides = array<i32>} : memref<8x80xi32, #tpu.memory_space<vmem>>, vector<1x16xi32>,
    %swap3A_269 = vector.shape_cast %swap3A_268 : vector<1x16xi32> to vector<16xi32>
    %swap3A_270 = vector.shape_cast %add3A_264 : vector<16xi32> to vector<1x16xi32>
    tpu.vector_store %arg9[%swap3A_266, %swap3A_267], %swap3A_270 {strides = array<i32>} : memref<8x80xi32, #tpu.memory_space<vmem>>, vector<1x16xi32>,
    %mul3A_271 = arith.constant 640 : i32
    %mul3A_272 = arith.muli %arg1, %mul3A_271 : i32
    %add3A_273 = arith.constant 240 : i32
    %add3A_274 = arith.addi %mul3A_272, %add3A_273 : i32
    %add3A_275 = arith.constant 48 : i32
    %add3A_276 = arith.addi %add3A_274, %add3A_275 : i32
    %iota3A_277 = tpu.iota {dimensions = array<i32: 0>} : vector<16xi32>
    %add3A_278 = vector.broadcast %add3A_276 : i32 to vector<16xi32>
    %add3A_279 = arith.addi %add3A_278, %iota3A_277 : vector<16xi32>
    %swap3A_280 = arith.constant 3 : i32
    %swap3A_281 = arith.index_cast %swap3A_280 : i32 to index
    %swap3A_282 = arith.constant 48 : index
    %swap3A_283 = tpu.vector_load %arg9[%swap3A_281, %swap3A_282] {strides = array<i32>} : memref<8x80xi32, #tpu.memory_space<vmem>>, vector<1x16xi32>,
    %swap3A_284 = vector.shape_cast %swap3A_283 : vector<1x16xi32> to vector<16xi32>
    %swap3A_285 = vector.shape_cast %add3A_279 : vector<16xi32> to vector<1x16xi32>
    tpu.vector_store %arg9[%swap3A_281, %swap3A_282], %swap3A_285 {strides = array<i32>} : memref<8x80xi32, #tpu.memory_space<vmem>>, vector<1x16xi32>,
    %mul3A_286 = arith.constant 640 : i32
    %mul3A_287 = arith.muli %arg1, %mul3A_286 : i32
    %add3A_288 = arith.constant 240 : i32
    %add3A_289 = arith.addi %mul3A_287, %add3A_288 : i32
    %add3A_290 = arith.constant 64 : i32
    %add3A_291 = arith.addi %add3A_289, %add3A_290 : i32
    %iota3A_292 = tpu.iota {dimensions = array<i32: 0>} : vector<16xi32>
    %add3A_293 = vector.broadcast %add3A_291 : i32 to vector<16xi32>
    %add3A_294 = arith.addi %add3A_293, %iota3A_292 : vector<16xi32>
    %swap3A_295 = arith.constant 3 : i32
    %swap3A_296 = arith.index_cast %swap3A_295 : i32 to index
    %swap3A_297 = arith.constant 64 : index
    %swap3A_298 = tpu.vector_load %arg9[%swap3A_296, %swap3A_297] {strides = array<i32>} : memref<8x80xi32, #tpu.memory_space<vmem>>, vector<1x16xi32>,
    %swap3A_299 = vector.shape_cast %swap3A_298 : vector<1x16xi32> to vector<16xi32>
    %swap3A_300 = vector.shape_cast %add3A_294 : vector<16xi32> to vector<1x16xi32>
    tpu.vector_store %arg9[%swap3A_296, %swap3A_297], %swap3A_300 {strides = array<i32>} : memref<8x80xi32, #tpu.memory_space<vmem>>, vector<1x16xi32>,
    %mul3A_301 = arith.constant 640 : i32
    %mul3A_302 = arith.muli %arg1, %mul3A_301 : i32
    %add3A_303 = arith.constant 320 : i32
    %add3A_304 = arith.addi %mul3A_302, %add3A_303 : i32
    %add3A_305 = arith.constant 0 : i32
    %add3A_306 = arith.addi %add3A_304, %add3A_305 : i32
    %iota3A_307 = tpu.iota {dimensions = array<i32: 0>} : vector<16xi32>
    %add3A_308 = vector.broadcast %add3A_306 : i32 to vector<16xi32>
    %add3A_309 = arith.addi %add3A_308, %iota3A_307 : vector<16xi32>
    %swap3A_310 = arith.constant 4 : i32
    %swap3A_311 = arith.index_cast %swap3A_310 : i32 to index
    %swap3A_312 = arith.constant 0 : index
    %swap3A_313 = tpu.vector_load %arg9[%swap3A_311, %swap3A_312] {strides = array<i32>} : memref<8x80xi32, #tpu.memory_space<vmem>>, vector<1x16xi32>,
    %swap3A_314 = vector.shape_cast %swap3A_313 : vector<1x16xi32> to vector<16xi32>
    %swap3A_315 = vector.shape_cast %add3A_309 : vector<16xi32> to vector<1x16xi32>
    tpu.vector_store %arg9[%swap3A_311, %swap3A_312], %swap3A_315 {strides = array<i32>} : memref<8x80xi32, #tpu.memory_space<vmem>>, vector<1x16xi32>,
    %mul3A_316 = arith.constant 640 : i32
    %mul3A_317 = arith.muli %arg1, %mul3A_316 : i32
    %add3A_318 = arith.constant 320 : i32
    %add3A_319 = arith.addi %mul3A_317, %add3A_318 : i32
    %add3A_320 = arith.constant 16 : i32
    %add3A_321 = arith.addi %add3A_319, %add3A_320 : i32
    %iota3A_322 = tpu.iota {dimensions = array<i32: 0>} : vector<16xi32>
    %add3A_323 = vector.broadcast %add3A_321 : i32 to vector<16xi32>
    %add3A_324 = arith.addi %add3A_323, %iota3A_322 : vector<16xi32>
    %swap3A_325 = arith.constant 4 : i32
    %swap3A_326 = arith.index_cast %swap3A_325 : i32 to index
    %swap3A_327 = arith.constant 16 : index
    %swap3A_328 = tpu.vector_load %arg9[%swap3A_326, %swap3A_327] {strides = array<i32>} : memref<8x80xi32, #tpu.memory_space<vmem>>, vector<1x16xi32>,
    %swap3A_329 = vector.shape_cast %swap3A_328 : vector<1x16xi32> to vector<16xi32>
    %swap3A_330 = vector.shape_cast %add3A_324 : vector<16xi32> to vector<1x16xi32>
    tpu.vector_store %arg9[%swap3A_326, %swap3A_327], %swap3A_330 {strides = array<i32>} : memref<8x80xi32, #tpu.memory_space<vmem>>, vector<1x16xi32>,
    %mul3A_331 = arith.constant 640 : i32
    %mul3A_332 = arith.muli %arg1, %mul3A_331 : i32
    %add3A_333 = arith.constant 320 : i32
    %add3A_334 = arith.addi %mul3A_332, %add3A_333 : i32
    %add3A_335 = arith.constant 32 : i32
    %add3A_336 = arith.addi %add3A_334, %add3A_335 : i32
    %iota3A_337 = tpu.iota {dimensions = array<i32: 0>} : vector<16xi32>
    %add3A_338 = vector.broadcast %add3A_336 : i32 to vector<16xi32>
    %add3A_339 = arith.addi %add3A_338, %iota3A_337 : vector<16xi32>
    %swap3A_340 = arith.constant 4 : i32
    %swap3A_341 = arith.index_cast %swap3A_340 : i32 to index
    %swap3A_342 = arith.constant 32 : index
    %swap3A_343 = tpu.vector_load %arg9[%swap3A_341, %swap3A_342] {strides = array<i32>} : memref<8x80xi32, #tpu.memory_space<vmem>>, vector<1x16xi32>,
    %swap3A_344 = vector.shape_cast %swap3A_343 : vector<1x16xi32> to vector<16xi32>
    %swap3A_345 = vector.shape_cast %add3A_339 : vector<16xi32> to vector<1x16xi32>
    tpu.vector_store %arg9[%swap3A_341, %swap3A_342], %swap3A_345 {strides = array<i32>} : memref<8x80xi32, #tpu.memory_space<vmem>>, vector<1x16xi32>,
    %mul3A_346 = arith.constant 640 : i32
    %mul3A_347 = arith.muli %arg1, %mul3A_346 : i32
    %add3A_348 = arith.constant 320 : i32
    %add3A_349 = arith.addi %mul3A_347, %add3A_348 : i32
    %add3A_350 = arith.constant 48 : i32
    %add3A_351 = arith.addi %add3A_349, %add3A_350 : i32
    %iota3A_352 = tpu.iota {dimensions = array<i32: 0>} : vector<16xi32>
    %add3A_353 = vector.broadcast %add3A_351 : i32 to vector<16xi32>
    %add3A_354 = arith.addi %add3A_353, %iota3A_352 : vector<16xi32>
    %swap3A_355 = arith.constant 4 : i32
    %swap3A_356 = arith.index_cast %swap3A_355 : i32 to index
    %swap3A_357 = arith.constant 48 : index
    %swap3A_358 = tpu.vector_load %arg9[%swap3A_356, %swap3A_357] {strides = array<i32>} : memref<8x80xi32, #tpu.memory_space<vmem>>, vector<1x16xi32>,
    %swap3A_359 = vector.shape_cast %swap3A_358 : vector<1x16xi32> to vector<16xi32>
    %swap3A_360 = vector.shape_cast %add3A_354 : vector<16xi32> to vector<1x16xi32>
    tpu.vector_store %arg9[%swap3A_356, %swap3A_357], %swap3A_360 {strides = array<i32>} : memref<8x80xi32, #tpu.memory_space<vmem>>, vector<1x16xi32>,
    %mul3A_361 = arith.constant 640 : i32
    %mul3A_362 = arith.muli %arg1, %mul3A_361 : i32
    %add3A_363 = arith.constant 320 : i32
    %add3A_364 = arith.addi %mul3A_362, %add3A_363 : i32
    %add3A_365 = arith.constant 64 : i32
    %add3A_366 = arith.addi %add3A_364, %add3A_365 : i32
    %iota3A_367 = tpu.iota {dimensions = array<i32: 0>} : vector<16xi32>
    %add3A_368 = vector.broadcast %add3A_366 : i32 to vector<16xi32>
    %add3A_369 = arith.addi %add3A_368, %iota3A_367 : vector<16xi32>
    %swap3A_370 = arith.constant 4 : i32
    %swap3A_371 = arith.index_cast %swap3A_370 : i32 to index
    %swap3A_372 = arith.constant 64 : index
    %swap3A_373 = tpu.vector_load %arg9[%swap3A_371, %swap3A_372] {strides = array<i32>} : memref<8x80xi32, #tpu.memory_space<vmem>>, vector<1x16xi32>,
    %swap3A_374 = vector.shape_cast %swap3A_373 : vector<1x16xi32> to vector<16xi32>
    %swap3A_375 = vector.shape_cast %add3A_369 : vector<16xi32> to vector<1x16xi32>
    tpu.vector_store %arg9[%swap3A_371, %swap3A_372], %swap3A_375 {strides = array<i32>} : memref<8x80xi32, #tpu.memory_space<vmem>>, vector<1x16xi32>,
    %mul3A_376 = arith.constant 640 : i32
    %mul3A_377 = arith.muli %arg1, %mul3A_376 : i32
    %add3A_378 = arith.constant 400 : i32
    %add3A_379 = arith.addi %mul3A_377, %add3A_378 : i32
    %add3A_380 = arith.constant 0 : i32
    %add3A_381 = arith.addi %add3A_379, %add3A_380 : i32
    %iota3A_382 = tpu.iota {dimensions = array<i32: 0>} : vector<16xi32>
    %add3A_383 = vector.broadcast %add3A_381 : i32 to vector<16xi32>
    %add3A_384 = arith.addi %add3A_383, %iota3A_382 : vector<16xi32>
    %swap3A_385 = arith.constant 5 : i32
    %swap3A_386 = arith.index_cast %swap3A_385 : i32 to index
    %swap3A_387 = arith.constant 0 : index
    %swap3A_388 = tpu.vector_load %arg9[%swap3A_386, %swap3A_387] {strides = array<i32>} : memref<8x80xi32, #tpu.memory_space<vmem>>, vector<1x16xi32>,
    %swap3A_389 = vector.shape_cast %swap3A_388 : vector<1x16xi32> to vector<16xi32>
    %swap3A_390 = vector.shape_cast %add3A_384 : vector<16xi32> to vector<1x16xi32>
    tpu.vector_store %arg9[%swap3A_386, %swap3A_387], %swap3A_390 {strides = array<i32>} : memref<8x80xi32, #tpu.memory_space<vmem>>, vector<1x16xi32>,
    %mul3A_391 = arith.constant 640 : i32
    %mul3A_392 = arith.muli %arg1, %mul3A_391 : i32
    %add3A_393 = arith.constant 400 : i32
    %add3A_394 = arith.addi %mul3A_392, %add3A_393 : i32
    %add3A_395 = arith.constant 16 : i32
    %add3A_396 = arith.addi %add3A_394, %add3A_395 : i32
    %iota3A_397 = tpu.iota {dimensions = array<i32: 0>} : vector<16xi32>
    %add3A_398 = vector.broadcast %add3A_396 : i32 to vector<16xi32>
    %add3A_399 = arith.addi %add3A_398, %iota3A_397 : vector<16xi32>
    %swap3A_400 = arith.constant 5 : i32
    %swap3A_401 = arith.index_cast %swap3A_400 : i32 to index
    %swap3A_402 = arith.constant 16 : index
    %swap3A_403 = tpu.vector_load %arg9[%swap3A_401, %swap3A_402] {strides = array<i32>} : memref<8x80xi32, #tpu.memory_space<vmem>>, vector<1x16xi32>,
    %swap3A_404 = vector.shape_cast %swap3A_403 : vector<1x16xi32> to vector<16xi32>
    %swap3A_405 = vector.shape_cast %add3A_399 : vector<16xi32> to vector<1x16xi32>
    tpu.vector_store %arg9[%swap3A_401, %swap3A_402], %swap3A_405 {strides = array<i32>} : memref<8x80xi32, #tpu.memory_space<vmem>>, vector<1x16xi32>,
    %mul3A_406 = arith.constant 640 : i32
    %mul3A_407 = arith.muli %arg1, %mul3A_406 : i32
    %add3A_408 = arith.constant 400 : i32
    %add3A_409 = arith.addi %mul3A_407, %add3A_408 : i32
    %add3A_410 = arith.constant 32 : i32
    %add3A_411 = arith.addi %add3A_409, %add3A_410 : i32
    %iota3A_412 = tpu.iota {dimensions = array<i32: 0>} : vector<16xi32>
    %add3A_413 = vector.broadcast %add3A_411 : i32 to vector<16xi32>
    %add3A_414 = arith.addi %add3A_413, %iota3A_412 : vector<16xi32>
    %swap3A_415 = arith.constant 5 : i32
    %swap3A_416 = arith.index_cast %swap3A_415 : i32 to index
    %swap3A_417 = arith.constant 32 : index
    %swap3A_418 = tpu.vector_load %arg9[%swap3A_416, %swap3A_417] {strides = array<i32>} : memref<8x80xi32, #tpu.memory_space<vmem>>, vector<1x16xi32>,
    %swap3A_419 = vector.shape_cast %swap3A_418 : vector<1x16xi32> to vector<16xi32>
    %swap3A_420 = vector.shape_cast %add3A_414 : vector<16xi32> to vector<1x16xi32>
    tpu.vector_store %arg9[%swap3A_416, %swap3A_417], %swap3A_420 {strides = array<i32>} : memref<8x80xi32, #tpu.memory_space<vmem>>, vector<1x16xi32>,
    %mul3A_421 = arith.constant 640 : i32
    %mul3A_422 = arith.muli %arg1, %mul3A_421 : i32
    %add3A_423 = arith.constant 400 : i32
    %add3A_424 = arith.addi %mul3A_422, %add3A_423 : i32
    %add3A_425 = arith.constant 48 : i32
    %add3A_426 = arith.addi %add3A_424, %add3A_425 : i32
    %iota3A_427 = tpu.iota {dimensions = array<i32: 0>} : vector<16xi32>
    %add3A_428 = vector.broadcast %add3A_426 : i32 to vector<16xi32>
    %add3A_429 = arith.addi %add3A_428, %iota3A_427 : vector<16xi32>
    %swap3A_430 = arith.constant 5 : i32
    %swap3A_431 = arith.index_cast %swap3A_430 : i32 to index
    %swap3A_432 = arith.constant 48 : index
    %swap3A_433 = tpu.vector_load %arg9[%swap3A_431, %swap3A_432] {strides = array<i32>} : memref<8x80xi32, #tpu.memory_space<vmem>>, vector<1x16xi32>,
    %swap3A_434 = vector.shape_cast %swap3A_433 : vector<1x16xi32> to vector<16xi32>
    %swap3A_435 = vector.shape_cast %add3A_429 : vector<16xi32> to vector<1x16xi32>
    tpu.vector_store %arg9[%swap3A_431, %swap3A_432], %swap3A_435 {strides = array<i32>} : memref<8x80xi32, #tpu.memory_space<vmem>>, vector<1x16xi32>,
    %mul3A_436 = arith.constant 640 : i32
    %mul3A_437 = arith.muli %arg1, %mul3A_436 : i32
    %add3A_438 = arith.constant 400 : i32
    %add3A_439 = arith.addi %mul3A_437, %add3A_438 : i32
    %add3A_440 = arith.constant 64 : i32
    %add3A_441 = arith.addi %add3A_439, %add3A_440 : i32
    %iota3A_442 = tpu.iota {dimensions = array<i32: 0>} : vector<16xi32>
    %add3A_443 = vector.broadcast %add3A_441 : i32 to vector<16xi32>
    %add3A_444 = arith.addi %add3A_443, %iota3A_442 : vector<16xi32>
    %swap3A_445 = arith.constant 5 : i32
    %swap3A_446 = arith.index_cast %swap3A_445 : i32 to index
    %swap3A_447 = arith.constant 64 : index
    %swap3A_448 = tpu.vector_load %arg9[%swap3A_446, %swap3A_447] {strides = array<i32>} : memref<8x80xi32, #tpu.memory_space<vmem>>, vector<1x16xi32>,
    %swap3A_449 = vector.shape_cast %swap3A_448 : vector<1x16xi32> to vector<16xi32>
    %swap3A_450 = vector.shape_cast %add3A_444 : vector<16xi32> to vector<1x16xi32>
    tpu.vector_store %arg9[%swap3A_446, %swap3A_447], %swap3A_450 {strides = array<i32>} : memref<8x80xi32, #tpu.memory_space<vmem>>, vector<1x16xi32>,
    %mul3A_451 = arith.constant 640 : i32
    %mul3A_452 = arith.muli %arg1, %mul3A_451 : i32
    %add3A_453 = arith.constant 480 : i32
    %add3A_454 = arith.addi %mul3A_452, %add3A_453 : i32
    %add3A_455 = arith.constant 0 : i32
    %add3A_456 = arith.addi %add3A_454, %add3A_455 : i32
    %iota3A_457 = tpu.iota {dimensions = array<i32: 0>} : vector<16xi32>
    %add3A_458 = vector.broadcast %add3A_456 : i32 to vector<16xi32>
    %add3A_459 = arith.addi %add3A_458, %iota3A_457 : vector<16xi32>
    %swap3A_460 = arith.constant 6 : i32
    %swap3A_461 = arith.index_cast %swap3A_460 : i32 to index
    %swap3A_462 = arith.constant 0 : index
    %swap3A_463 = tpu.vector_load %arg9[%swap3A_461, %swap3A_462] {strides = array<i32>} : memref<8x80xi32, #tpu.memory_space<vmem>>, vector<1x16xi32>,
    %swap3A_464 = vector.shape_cast %swap3A_463 : vector<1x16xi32> to vector<16xi32>
    %swap3A_465 = vector.shape_cast %add3A_459 : vector<16xi32> to vector<1x16xi32>
    tpu.vector_store %arg9[%swap3A_461, %swap3A_462], %swap3A_465 {strides = array<i32>} : memref<8x80xi32, #tpu.memory_space<vmem>>, vector<1x16xi32>,
    %mul3A_466 = arith.constant 640 : i32
    %mul3A_467 = arith.muli %arg1, %mul3A_466 : i32
    %add3A_468 = arith.constant 480 : i32
    %add3A_469 = arith.addi %mul3A_467, %add3A_468 : i32
    %add3A_470 = arith.constant 16 : i32
    %add3A_471 = arith.addi %add3A_469, %add3A_470 : i32
    %iota3A_472 = tpu.iota {dimensions = array<i32: 0>} : vector<16xi32>
    %add3A_473 = vector.broadcast %add3A_471 : i32 to vector<16xi32>
    %add3A_474 = arith.addi %add3A_473, %iota3A_472 : vector<16xi32>
    %swap3A_475 = arith.constant 6 : i32
    %swap3A_476 = arith.index_cast %swap3A_475 : i32 to index
    %swap3A_477 = arith.constant 16 : index
    %swap3A_478 = tpu.vector_load %arg9[%swap3A_476, %swap3A_477] {strides = array<i32>} : memref<8x80xi32, #tpu.memory_space<vmem>>, vector<1x16xi32>,
    %swap3A_479 = vector.shape_cast %swap3A_478 : vector<1x16xi32> to vector<16xi32>
    %swap3A_480 = vector.shape_cast %add3A_474 : vector<16xi32> to vector<1x16xi32>
    tpu.vector_store %arg9[%swap3A_476, %swap3A_477], %swap3A_480 {strides = array<i32>} : memref<8x80xi32, #tpu.memory_space<vmem>>, vector<1x16xi32>,
    %mul3A_481 = arith.constant 640 : i32
    %mul3A_482 = arith.muli %arg1, %mul3A_481 : i32
    %add3A_483 = arith.constant 480 : i32
    %add3A_484 = arith.addi %mul3A_482, %add3A_483 : i32
    %add3A_485 = arith.constant 32 : i32
    %add3A_486 = arith.addi %add3A_484, %add3A_485 : i32
    %iota3A_487 = tpu.iota {dimensions = array<i32: 0>} : vector<16xi32>
    %add3A_488 = vector.broadcast %add3A_486 : i32 to vector<16xi32>
    %add3A_489 = arith.addi %add3A_488, %iota3A_487 : vector<16xi32>
    %swap3A_490 = arith.constant 6 : i32
    %swap3A_491 = arith.index_cast %swap3A_490 : i32 to index
    %swap3A_492 = arith.constant 32 : index
    %swap3A_493 = tpu.vector_load %arg9[%swap3A_491, %swap3A_492] {strides = array<i32>} : memref<8x80xi32, #tpu.memory_space<vmem>>, vector<1x16xi32>,
    %swap3A_494 = vector.shape_cast %swap3A_493 : vector<1x16xi32> to vector<16xi32>
    %swap3A_495 = vector.shape_cast %add3A_489 : vector<16xi32> to vector<1x16xi32>
    tpu.vector_store %arg9[%swap3A_491, %swap3A_492], %swap3A_495 {strides = array<i32>} : memref<8x80xi32, #tpu.memory_space<vmem>>, vector<1x16xi32>,
    %mul3A_496 = arith.constant 640 : i32
    %mul3A_497 = arith.muli %arg1, %mul3A_496 : i32
    %add3A_498 = arith.constant 480 : i32
    %add3A_499 = arith.addi %mul3A_497, %add3A_498 : i32
    %add3A_500 = arith.constant 48 : i32
    %add3A_501 = arith.addi %add3A_499, %add3A_500 : i32
    %iota3A_502 = tpu.iota {dimensions = array<i32: 0>} : vector<16xi32>
    %add3A_503 = vector.broadcast %add3A_501 : i32 to vector<16xi32>
    %add3A_504 = arith.addi %add3A_503, %iota3A_502 : vector<16xi32>
    %swap3A_505 = arith.constant 6 : i32
    %swap3A_506 = arith.index_cast %swap3A_505 : i32 to index
    %swap3A_507 = arith.constant 48 : index
    %swap3A_508 = tpu.vector_load %arg9[%swap3A_506, %swap3A_507] {strides = array<i32>} : memref<8x80xi32, #tpu.memory_space<vmem>>, vector<1x16xi32>,
    %swap3A_509 = vector.shape_cast %swap3A_508 : vector<1x16xi32> to vector<16xi32>
    %swap3A_510 = vector.shape_cast %add3A_504 : vector<16xi32> to vector<1x16xi32>
    tpu.vector_store %arg9[%swap3A_506, %swap3A_507], %swap3A_510 {strides = array<i32>} : memref<8x80xi32, #tpu.memory_space<vmem>>, vector<1x16xi32>,
    %mul3A_511 = arith.constant 640 : i32
    %mul3A_512 = arith.muli %arg1, %mul3A_511 : i32
    %add3A_513 = arith.constant 480 : i32
    %add3A_514 = arith.addi %mul3A_512, %add3A_513 : i32
    %add3A_515 = arith.constant 64 : i32
    %add3A_516 = arith.addi %add3A_514, %add3A_515 : i32
    %iota3A_517 = tpu.iota {dimensions = array<i32: 0>} : vector<16xi32>
    %add3A_518 = vector.broadcast %add3A_516 : i32 to vector<16xi32>
    %add3A_519 = arith.addi %add3A_518, %iota3A_517 : vector<16xi32>
    %swap3A_520 = arith.constant 6 : i32
    %swap3A_521 = arith.index_cast %swap3A_520 : i32 to index
    %swap3A_522 = arith.constant 64 : index
    %swap3A_523 = tpu.vector_load %arg9[%swap3A_521, %swap3A_522] {strides = array<i32>} : memref<8x80xi32, #tpu.memory_space<vmem>>, vector<1x16xi32>,
    %swap3A_524 = vector.shape_cast %swap3A_523 : vector<1x16xi32> to vector<16xi32>
    %swap3A_525 = vector.shape_cast %add3A_519 : vector<16xi32> to vector<1x16xi32>
    tpu.vector_store %arg9[%swap3A_521, %swap3A_522], %swap3A_525 {strides = array<i32>} : memref<8x80xi32, #tpu.memory_space<vmem>>, vector<1x16xi32>,
    %mul3A_526 = arith.constant 640 : i32
    %mul3A_527 = arith.muli %arg1, %mul3A_526 : i32
    %add3A_528 = arith.constant 560 : i32
    %add3A_529 = arith.addi %mul3A_527, %add3A_528 : i32
    %add3A_530 = arith.constant 0 : i32
    %add3A_531 = arith.addi %add3A_529, %add3A_530 : i32
    %iota3A_532 = tpu.iota {dimensions = array<i32: 0>} : vector<16xi32>
    %add3A_533 = vector.broadcast %add3A_531 : i32 to vector<16xi32>
    %add3A_534 = arith.addi %add3A_533, %iota3A_532 : vector<16xi32>
    %swap3A_535 = arith.constant 7 : i32
    %swap3A_536 = arith.index_cast %swap3A_535 : i32 to index
    %swap3A_537 = arith.constant 0 : index
    %swap3A_538 = tpu.vector_load %arg9[%swap3A_536, %swap3A_537] {strides = array<i32>} : memref<8x80xi32, #tpu.memory_space<vmem>>, vector<1x16xi32>,
    %swap3A_539 = vector.shape_cast %swap3A_538 : vector<1x16xi32> to vector<16xi32>
    %swap3A_540 = vector.shape_cast %add3A_534 : vector<16xi32> to vector<1x16xi32>
    tpu.vector_store %arg9[%swap3A_536, %swap3A_537], %swap3A_540 {strides = array<i32>} : memref<8x80xi32, #tpu.memory_space<vmem>>, vector<1x16xi32>,
    %mul3A_541 = arith.constant 640 : i32
    %mul3A_542 = arith.muli %arg1, %mul3A_541 : i32
    %add3A_543 = arith.constant 560 : i32
    %add3A_544 = arith.addi %mul3A_542, %add3A_543 : i32
    %add3A_545 = arith.constant 16 : i32
    %add3A_546 = arith.addi %add3A_544, %add3A_545 : i32
    %iota3A_547 = tpu.iota {dimensions = array<i32: 0>} : vector<16xi32>
    %add3A_548 = vector.broadcast %add3A_546 : i32 to vector<16xi32>
    %add3A_549 = arith.addi %add3A_548, %iota3A_547 : vector<16xi32>
    %swap3A_550 = arith.constant 7 : i32
    %swap3A_551 = arith.index_cast %swap3A_550 : i32 to index
    %swap3A_552 = arith.constant 16 : index
    %swap3A_553 = tpu.vector_load %arg9[%swap3A_551, %swap3A_552] {strides = array<i32>} : memref<8x80xi32, #tpu.memory_space<vmem>>, vector<1x16xi32>,
    %swap3A_554 = vector.shape_cast %swap3A_553 : vector<1x16xi32> to vector<16xi32>
    %swap3A_555 = vector.shape_cast %add3A_549 : vector<16xi32> to vector<1x16xi32>
    tpu.vector_store %arg9[%swap3A_551, %swap3A_552], %swap3A_555 {strides = array<i32>} : memref<8x80xi32, #tpu.memory_space<vmem>>, vector<1x16xi32>,
    %mul3A_556 = arith.constant 640 : i32
    %mul3A_557 = arith.muli %arg1, %mul3A_556 : i32
    %add3A_558 = arith.constant 560 : i32
    %add3A_559 = arith.addi %mul3A_557, %add3A_558 : i32
    %add3A_560 = arith.constant 32 : i32
    %add3A_561 = arith.addi %add3A_559, %add3A_560 : i32
    %iota3A_562 = tpu.iota {dimensions = array<i32: 0>} : vector<16xi32>
    %add3A_563 = vector.broadcast %add3A_561 : i32 to vector<16xi32>
    %add3A_564 = arith.addi %add3A_563, %iota3A_562 : vector<16xi32>
    %swap3A_565 = arith.constant 7 : i32
    %swap3A_566 = arith.index_cast %swap3A_565 : i32 to index
    %swap3A_567 = arith.constant 32 : index
    %swap3A_568 = tpu.vector_load %arg9[%swap3A_566, %swap3A_567] {strides = array<i32>} : memref<8x80xi32, #tpu.memory_space<vmem>>, vector<1x16xi32>,
    %swap3A_569 = vector.shape_cast %swap3A_568 : vector<1x16xi32> to vector<16xi32>
    %swap3A_570 = vector.shape_cast %add3A_564 : vector<16xi32> to vector<1x16xi32>
    tpu.vector_store %arg9[%swap3A_566, %swap3A_567], %swap3A_570 {strides = array<i32>} : memref<8x80xi32, #tpu.memory_space<vmem>>, vector<1x16xi32>,
    %mul3A_571 = arith.constant 640 : i32
    %mul3A_572 = arith.muli %arg1, %mul3A_571 : i32
    %add3A_573 = arith.constant 560 : i32
    %add3A_574 = arith.addi %mul3A_572, %add3A_573 : i32
    %add3A_575 = arith.constant 48 : i32
    %add3A_576 = arith.addi %add3A_574, %add3A_575 : i32
    %iota3A_577 = tpu.iota {dimensions = array<i32: 0>} : vector<16xi32>
    %add3A_578 = vector.broadcast %add3A_576 : i32 to vector<16xi32>
    %add3A_579 = arith.addi %add3A_578, %iota3A_577 : vector<16xi32>
    %swap3A_580 = arith.constant 7 : i32
    %swap3A_581 = arith.index_cast %swap3A_580 : i32 to index
    %swap3A_582 = arith.constant 48 : index
    %swap3A_583 = tpu.vector_load %arg9[%swap3A_581, %swap3A_582] {strides = array<i32>} : memref<8x80xi32, #tpu.memory_space<vmem>>, vector<1x16xi32>,
    %swap3A_584 = vector.shape_cast %swap3A_583 : vector<1x16xi32> to vector<16xi32>
    %swap3A_585 = vector.shape_cast %add3A_579 : vector<16xi32> to vector<1x16xi32>
    tpu.vector_store %arg9[%swap3A_581, %swap3A_582], %swap3A_585 {strides = array<i32>} : memref<8x80xi32, #tpu.memory_space<vmem>>, vector<1x16xi32>,
    %mul3A_586 = arith.constant 640 : i32
    %mul3A_587 = arith.muli %arg1, %mul3A_586 : i32
    %add3A_588 = arith.constant 560 : i32
    %add3A_589 = arith.addi %mul3A_587, %add3A_588 : i32
    %add3A_590 = arith.constant 64 : i32
    %add3A_591 = arith.addi %add3A_589, %add3A_590 : i32
    %iota3A_592 = tpu.iota {dimensions = array<i32: 0>} : vector<16xi32>
    %add3A_593 = vector.broadcast %add3A_591 : i32 to vector<16xi32>
    %add3A_594 = arith.addi %add3A_593, %iota3A_592 : vector<16xi32>
    %swap3A_595 = arith.constant 7 : i32
    %swap3A_596 = arith.index_cast %swap3A_595 : i32 to index
    %swap3A_597 = arith.constant 64 : index
    %swap3A_598 = tpu.vector_load %arg9[%swap3A_596, %swap3A_597] {strides = array<i32>} : memref<8x80xi32, #tpu.memory_space<vmem>>, vector<1x16xi32>,
    %swap3A_599 = vector.shape_cast %swap3A_598 : vector<1x16xi32> to vector<16xi32>
    %swap3A_600 = vector.shape_cast %add3A_594 : vector<16xi32> to vector<1x16xi32>
    tpu.vector_store %arg9[%swap3A_596, %swap3A_597], %swap3A_600 {strides = array<i32>} : memref<8x80xi32, #tpu.memory_space<vmem>>, vector<1x16xi32>,
    "tpu.region"() ({
      %run_scoped3A_655 = tpu.sem_alloc : memref<!tpu.dma_semaphore, #tpu.memory_space<semaphore_mem>>
      %dma_start3A = arith.constant 0 : i32
      %dma_start3A_656 = arith.constant 0 : i32
      %dma_start3A_657 = tpu.memref_slice %arg3[%arg0, %arg1, %dma_start3A, %dma_start3A_656] : memref<2x16x125x80xi32, #tpu.memory_space<hbm>> -> memref<1x1x125x80xi32, #tpu.memory_space<hbm>>
      %dma_start3A_658 = tpu.memref_squeeze %dma_start3A_657 : memref<1x1x125x80xi32, #tpu.memory_space<hbm>> -> memref<125x80xi32, #tpu.memory_space<hbm>>
      %dma_start3A_659 = arith.constant 0 : i32
      %dma_start3A_660 = arith.constant 0 : i32
      %dma_start3A_661 = tpu.memref_slice %arg3[%arg0, %arg1, %dma_start3A_659, %dma_start3A_660] : memref<2x16x125x80xi32, #tpu.memory_space<hbm>> -> memref<1x1x125x80xi32, #tpu.memory_space<hbm>>
      %dma_start3A_662 = tpu.memref_squeeze %dma_start3A_661 : memref<1x1x125x80xi32, #tpu.memory_space<hbm>> -> memref<125x80xi32, #tpu.memory_space<hbm>>
      tpu.enqueue_dma source(%dma_start3A_662 : memref<125x80xi32, #tpu.memory_space<hbm>>) target(%arg6 : memref<125x80xi32, #tpu.memory_space<vmem>>) target_semaphore(%run_scoped3A_655 : memref<!tpu.dma_semaphore, #tpu.memory_space<semaphore_mem>>)
      %dma_wait3A = arith.constant 0 : i32
      %dma_wait3A_663 = arith.constant 0 : i32
      %dma_wait3A_664 = tpu.memref_slice %arg3[%arg0, %arg1, %dma_wait3A, %dma_wait3A_663] : memref<2x16x125x80xi32, #tpu.memory_space<hbm>> -> memref<1x1x125x80xi32, #tpu.memory_space<hbm>>
      %dma_wait3A_665 = tpu.memref_squeeze %dma_wait3A_664 : memref<1x1x125x80xi32, #tpu.memory_space<hbm>> -> memref<125x80xi32, #tpu.memory_space<hbm>>
      %dma_wait3A_666 = arith.constant 0 : i32
      %dma_wait3A_667 = arith.constant 0 : i32
      %dma_wait3A_668 = tpu.memref_slice %arg3[%arg0, %arg1, %dma_wait3A_666, %dma_wait3A_667] : memref<2x16x125x80xi32, #tpu.memory_space<hbm>> -> memref<1x1x125x80xi32, #tpu.memory_space<hbm>>
      %dma_wait3A_669 = tpu.memref_squeeze %dma_wait3A_668 : memref<1x1x125x80xi32, #tpu.memory_space<hbm>> -> memref<125x80xi32, #tpu.memory_space<hbm>>
      tpu.wait_dma2 semaphore(%run_scoped3A_655 : memref<!tpu.dma_semaphore, #tpu.memory_space<semaphore_mem>>) src(%dma_wait3A_669 : memref<125x80xi32, #tpu.memory_space<hbm>>) dst(%arg6 : memref<125x80xi32, #tpu.memory_space<vmem>>)
      tpu.yield
    }) : () -> ()
    "tpu.region"() ({
      %run_scoped3A_655 = tpu.sem_alloc : memref<!tpu.dma_semaphore, #tpu.memory_space<semaphore_mem>>
      %dma_start3A = arith.constant 0 : i32
      %dma_start3A_656 = arith.constant 0 : i32
      %dma_start3A_657 = tpu.memref_slice %arg4[%arg0, %arg1, %dma_start3A, %dma_start3A_656] : memref<2x16x125x80xi32, #tpu.memory_space<hbm>> -> memref<1x1x125x80xi32, #tpu.memory_space<hbm>>
      %dma_start3A_658 = tpu.memref_squeeze %dma_start3A_657 : memref<1x1x125x80xi32, #tpu.memory_space<hbm>> -> memref<125x80xi32, #tpu.memory_space<hbm>>
      %dma_start3A_659 = arith.constant 0 : i32
      %dma_start3A_660 = arith.constant 0 : i32
      %dma_start3A_661 = tpu.memref_slice %arg4[%arg0, %arg1, %dma_start3A_659, %dma_start3A_660] : memref<2x16x125x80xi32, #tpu.memory_space<hbm>> -> memref<1x1x125x80xi32, #tpu.memory_space<hbm>>
      %dma_start3A_662 = tpu.memref_squeeze %dma_start3A_661 : memref<1x1x125x80xi32, #tpu.memory_space<hbm>> -> memref<125x80xi32, #tpu.memory_space<hbm>>
      tpu.enqueue_dma source(%dma_start3A_662 : memref<125x80xi32, #tpu.memory_space<hbm>>) target(%arg7 : memref<125x80xi32, #tpu.memory_space<vmem>>) target_semaphore(%run_scoped3A_655 : memref<!tpu.dma_semaphore, #tpu.memory_space<semaphore_mem>>)
      %dma_wait3A = arith.constant 0 : i32
      %dma_wait3A_663 = arith.constant 0 : i32
      %dma_wait3A_664 = tpu.memref_slice %arg4[%arg0, %arg1, %dma_wait3A, %dma_wait3A_663] : memref<2x16x125x80xi32, #tpu.memory_space<hbm>> -> memref<1x1x125x80xi32, #tpu.memory_space<hbm>>
      %dma_wait3A_665 = tpu.memref_squeeze %dma_wait3A_664 : memref<1x1x125x80xi32, #tpu.memory_space<hbm>> -> memref<125x80xi32, #tpu.memory_space<hbm>>
      %dma_wait3A_666 = arith.constant 0 : i32
      %dma_wait3A_667 = arith.constant 0 : i32
      %dma_wait3A_668 = tpu.memref_slice %arg4[%arg0, %arg1, %dma_wait3A_666, %dma_wait3A_667] : memref<2x16x125x80xi32, #tpu.memory_space<hbm>> -> memref<1x1x125x80xi32, #tpu.memory_space<hbm>>
      %dma_wait3A_669 = tpu.memref_squeeze %dma_wait3A_668 : memref<1x1x125x80xi32, #tpu.memory_space<hbm>> -> memref<125x80xi32, #tpu.memory_space<hbm>>
      tpu.wait_dma2 semaphore(%run_scoped3A_655 : memref<!tpu.dma_semaphore, #tpu.memory_space<semaphore_mem>>) src(%dma_wait3A_669 : memref<125x80xi32, #tpu.memory_space<hbm>>) dst(%arg7 : memref<125x80xi32, #tpu.memory_space<vmem>>)
      tpu.yield
    }) : () -> ()
    %run_scoped3A = arith.constant 0 : i32
    "tpu.region"() ({
      %run_scoped3A_655 = tpu.sem_alloc : memref<!tpu.dma_semaphore, #tpu.memory_space<semaphore_mem>>
      %dma_start3A = arith.constant 0 : i32
      %dma_start3A_656 = tpu.memref_slice %arg9[%run_scoped3A, %dma_start3A] : memref<8x80xi32, #tpu.memory_space<vmem>> -> memref<1x80xi32, #tpu.memory_space<vmem>>
      %dma_start3A_657 = tpu.memref_squeeze %dma_start3A_656 : memref<1x80xi32, #tpu.memory_space<vmem>> -> memref<80xi32, #tpu.memory_space<vmem>>
      %dma_start3A_658 = arith.constant 0 : i32
      %dma_start3A_659 = arith.constant 0 : i32
      %dma_start3A_660 = tpu.memref_slice %arg10[%dma_start3A_658, %dma_start3A_659] : memref<10240x128xf32, #tpu.memory_space<vmem_shared>> -> memref<10240x128xf32, #tpu.memory_space<vmem_shared>>
      tpu.enqueue_indirect_dma source(%arg8 : memref<80x128xf32, #tpu.memory_space<vmem>>) target(%dma_start3A_660 : memref<10240x128xf32, #tpu.memory_space<vmem_shared>>) offsets(%dma_start3A_657 : memref<80xi32, #tpu.memory_space<vmem>>) semaphore(%run_scoped3A_655 : memref<!tpu.dma_semaphore, #tpu.memory_space<semaphore_mem>>)
      %dma_wait3A = arith.constant 0 : i32
      %dma_wait3A_661 = tpu.memref_slice %arg9[%run_scoped3A, %dma_wait3A] : memref<8x80xi32, #tpu.memory_space<vmem>> -> memref<1x80xi32, #tpu.memory_space<vmem>>
      %dma_wait3A_662 = tpu.memref_squeeze %dma_wait3A_661 : memref<1x80xi32, #tpu.memory_space<vmem>> -> memref<80xi32, #tpu.memory_space<vmem>>
      %dma_wait3A_663 = arith.constant 0 : i32
      %dma_wait3A_664 = arith.constant 0 : i32
      %dma_wait3A_665 = tpu.memref_slice %arg10[%dma_wait3A_663, %dma_wait3A_664] : memref<10240x128xf32, #tpu.memory_space<vmem_shared>> -> memref<10240x128xf32, #tpu.memory_space<vmem_shared>>
      tpu.wait_indirect_dma semaphore(%run_scoped3A_655 : memref<!tpu.dma_semaphore, #tpu.memory_space<semaphore_mem>>) src(%arg8 : memref<80x128xf32, #tpu.memory_space<vmem>>) dst(%dma_wait3A_665 : memref<10240x128xf32, #tpu.memory_space<vmem_shared>>)
      tpu.yield
    }) : () -> ()
    %run_scoped3A_601 = arith.constant 1 : i32
    "tpu.region"() ({
      %run_scoped3A_655 = tpu.sem_alloc : memref<!tpu.dma_semaphore, #tpu.memory_space<semaphore_mem>>
      %dma_start3A = arith.constant 0 : i32
      %dma_start3A_656 = tpu.memref_slice %arg9[%run_scoped3A_601, %dma_start3A] : memref<8x80xi32, #tpu.memory_space<vmem>> -> memref<1x80xi32, #tpu.memory_space<vmem>>
      %dma_start3A_657 = tpu.memref_squeeze %dma_start3A_656 : memref<1x80xi32, #tpu.memory_space<vmem>> -> memref<80xi32, #tpu.memory_space<vmem>>
      %dma_start3A_658 = arith.constant 0 : i32
      %dma_start3A_659 = arith.constant 0 : i32
      %dma_start3A_660 = tpu.memref_slice %arg10[%dma_start3A_658, %dma_start3A_659] : memref<10240x128xf32, #tpu.memory_space<vmem_shared>> -> memref<10240x128xf32, #tpu.memory_space<vmem_shared>>
      tpu.enqueue_indirect_dma source(%arg8 : memref<80x128xf32, #tpu.memory_space<vmem>>) target(%dma_start3A_660 : memref<10240x128xf32, #tpu.memory_space<vmem_shared>>) offsets(%dma_start3A_657 : memref<80xi32, #tpu.memory_space<vmem>>) semaphore(%run_scoped3A_655 : memref<!tpu.dma_semaphore, #tpu.memory_space<semaphore_mem>>)
      %dma_wait3A = arith.constant 0 : i32
      %dma_wait3A_661 = tpu.memref_slice %arg9[%run_scoped3A_601, %dma_wait3A] : memref<8x80xi32, #tpu.memory_space<vmem>> -> memref<1x80xi32, #tpu.memory_space<vmem>>
      %dma_wait3A_662 = tpu.memref_squeeze %dma_wait3A_661 : memref<1x80xi32, #tpu.memory_space<vmem>> -> memref<80xi32, #tpu.memory_space<vmem>>
      %dma_wait3A_663 = arith.constant 0 : i32
      %dma_wait3A_664 = arith.constant 0 : i32
      %dma_wait3A_665 = tpu.memref_slice %arg10[%dma_wait3A_663, %dma_wait3A_664] : memref<10240x128xf32, #tpu.memory_space<vmem_shared>> -> memref<10240x128xf32, #tpu.memory_space<vmem_shared>>
      tpu.wait_indirect_dma semaphore(%run_scoped3A_655 : memref<!tpu.dma_semaphore, #tpu.memory_space<semaphore_mem>>) src(%arg8 : memref<80x128xf32, #tpu.memory_space<vmem>>) dst(%dma_wait3A_665 : memref<10240x128xf32, #tpu.memory_space<vmem_shared>>)
      tpu.yield
    }) : () -> ()
    %run_scoped3A_602 = arith.constant 2 : i32
    "tpu.region"() ({
      %run_scoped3A_655 = tpu.sem_alloc : memref<!tpu.dma_semaphore, #tpu.memory_space<semaphore_mem>>
      %dma_start3A = arith.constant 0 : i32
      %dma_start3A_656 = tpu.memref_slice %arg9[%run_scoped3A_602, %dma_start3A] : memref<8x80xi32, #tpu.memory_space<vmem>> -> memref<1x80xi32, #tpu.memory_space<vmem>>
      %dma_start3A_657 = tpu.memref_squeeze %dma_start3A_656 : memref<1x80xi32, #tpu.memory_space<vmem>> -> memref<80xi32, #tpu.memory_space<vmem>>
      %dma_start3A_658 = arith.constant 0 : i32
      %dma_start3A_659 = arith.constant 0 : i32
      %dma_start3A_660 = tpu.memref_slice %arg10[%dma_start3A_658, %dma_start3A_659] : memref<10240x128xf32, #tpu.memory_space<vmem_shared>> -> memref<10240x128xf32, #tpu.memory_space<vmem_shared>>
      tpu.enqueue_indirect_dma source(%arg8 : memref<80x128xf32, #tpu.memory_space<vmem>>) target(%dma_start3A_660 : memref<10240x128xf32, #tpu.memory_space<vmem_shared>>) offsets(%dma_start3A_657 : memref<80xi32, #tpu.memory_space<vmem>>) semaphore(%run_scoped3A_655 : memref<!tpu.dma_semaphore, #tpu.memory_space<semaphore_mem>>)
      %dma_wait3A = arith.constant 0 : i32
      %dma_wait3A_661 = tpu.memref_slice %arg9[%run_scoped3A_602, %dma_wait3A] : memref<8x80xi32, #tpu.memory_space<vmem>> -> memref<1x80xi32, #tpu.memory_space<vmem>>
      %dma_wait3A_662 = tpu.memref_squeeze %dma_wait3A_661 : memref<1x80xi32, #tpu.memory_space<vmem>> -> memref<80xi32, #tpu.memory_space<vmem>>
      %dma_wait3A_663 = arith.constant 0 : i32
      %dma_wait3A_664 = arith.constant 0 : i32
      %dma_wait3A_665 = tpu.memref_slice %arg10[%dma_wait3A_663, %dma_wait3A_664] : memref<10240x128xf32, #tpu.memory_space<vmem_shared>> -> memref<10240x128xf32, #tpu.memory_space<vmem_shared>>
      tpu.wait_indirect_dma semaphore(%run_scoped3A_655 : memref<!tpu.dma_semaphore, #tpu.memory_space<semaphore_mem>>) src(%arg8 : memref<80x128xf32, #tpu.memory_space<vmem>>) dst(%dma_wait3A_665 : memref<10240x128xf32, #tpu.memory_space<vmem_shared>>)
      tpu.yield
    }) : () -> ()
    %run_scoped3A_603 = arith.constant 3 : i32
    "tpu.region"() ({
      %run_scoped3A_655 = tpu.sem_alloc : memref<!tpu.dma_semaphore, #tpu.memory_space<semaphore_mem>>
      %dma_start3A = arith.constant 0 : i32
      %dma_start3A_656 = tpu.memref_slice %arg9[%run_scoped3A_603, %dma_start3A] : memref<8x80xi32, #tpu.memory_space<vmem>> -> memref<1x80xi32, #tpu.memory_space<vmem>>
      %dma_start3A_657 = tpu.memref_squeeze %dma_start3A_656 : memref<1x80xi32, #tpu.memory_space<vmem>> -> memref<80xi32, #tpu.memory_space<vmem>>
      %dma_start3A_658 = arith.constant 0 : i32
      %dma_start3A_659 = arith.constant 0 : i32
      %dma_start3A_660 = tpu.memref_slice %arg10[%dma_start3A_658, %dma_start3A_659] : memref<10240x128xf32, #tpu.memory_space<vmem_shared>> -> memref<10240x128xf32, #tpu.memory_space<vmem_shared>>
      tpu.enqueue_indirect_dma source(%arg8 : memref<80x128xf32, #tpu.memory_space<vmem>>) target(%dma_start3A_660 : memref<10240x128xf32, #tpu.memory_space<vmem_shared>>) offsets(%dma_start3A_657 : memref<80xi32, #tpu.memory_space<vmem>>) semaphore(%run_scoped3A_655 : memref<!tpu.dma_semaphore, #tpu.memory_space<semaphore_mem>>)
      %dma_wait3A = arith.constant 0 : i32
      %dma_wait3A_661 = tpu.memref_slice %arg9[%run_scoped3A_603, %dma_wait3A] : memref<8x80xi32, #tpu.memory_space<vmem>> -> memref<1x80xi32, #tpu.memory_space<vmem>>
      %dma_wait3A_662 = tpu.memref_squeeze %dma_wait3A_661 : memref<1x80xi32, #tpu.memory_space<vmem>> -> memref<80xi32, #tpu.memory_space<vmem>>
      %dma_wait3A_663 = arith.constant 0 : i32
      %dma_wait3A_664 = arith.constant 0 : i32
      %dma_wait3A_665 = tpu.memref_slice %arg10[%dma_wait3A_663, %dma_wait3A_664] : memref<10240x128xf32, #tpu.memory_space<vmem_shared>> -> memref<10240x128xf32, #tpu.memory_space<vmem_shared>>
      tpu.wait_indirect_dma semaphore(%run_scoped3A_655 : memref<!tpu.dma_semaphore, #tpu.memory_space<semaphore_mem>>) src(%arg8 : memref<80x128xf32, #tpu.memory_space<vmem>>) dst(%dma_wait3A_665 : memref<10240x128xf32, #tpu.memory_space<vmem_shared>>)
      tpu.yield
    }) : () -> ()
    %run_scoped3A_604 = arith.constant 4 : i32
    "tpu.region"() ({
      %run_scoped3A_655 = tpu.sem_alloc : memref<!tpu.dma_semaphore, #tpu.memory_space<semaphore_mem>>
      %dma_start3A = arith.constant 0 : i32
      %dma_start3A_656 = tpu.memref_slice %arg9[%run_scoped3A_604, %dma_start3A] : memref<8x80xi32, #tpu.memory_space<vmem>> -> memref<1x80xi32, #tpu.memory_space<vmem>>
      %dma_start3A_657 = tpu.memref_squeeze %dma_start3A_656 : memref<1x80xi32, #tpu.memory_space<vmem>> -> memref<80xi32, #tpu.memory_space<vmem>>
      %dma_start3A_658 = arith.constant 0 : i32
      %dma_start3A_659 = arith.constant 0 : i32
      %dma_start3A_660 = tpu.memref_slice %arg10[%dma_start3A_658, %dma_start3A_659] : memref<10240x128xf32, #tpu.memory_space<vmem_shared>> -> memref<10240x128xf32, #tpu.memory_space<vmem_shared>>
      tpu.enqueue_indirect_dma source(%arg8 : memref<80x128xf32, #tpu.memory_space<vmem>>) target(%dma_start3A_660 : memref<10240x128xf32, #tpu.memory_space<vmem_shared>>) offsets(%dma_start3A_657 : memref<80xi32, #tpu.memory_space<vmem>>) semaphore(%run_scoped3A_655 : memref<!tpu.dma_semaphore, #tpu.memory_space<semaphore_mem>>)
      %dma_wait3A = arith.constant 0 : i32
      %dma_wait3A_661 = tpu.memref_slice %arg9[%run_scoped3A_604, %dma_wait3A] : memref<8x80xi32, #tpu.memory_space<vmem>> -> memref<1x80xi32, #tpu.memory_space<vmem>>
      %dma_wait3A_662 = tpu.memref_squeeze %dma_wait3A_661 : memref<1x80xi32, #tpu.memory_space<vmem>> -> memref<80xi32, #tpu.memory_space<vmem>>
      %dma_wait3A_663 = arith.constant 0 : i32
      %dma_wait3A_664 = arith.constant 0 : i32
      %dma_wait3A_665 = tpu.memref_slice %arg10[%dma_wait3A_663, %dma_wait3A_664] : memref<10240x128xf32, #tpu.memory_space<vmem_shared>> -> memref<10240x128xf32, #tpu.memory_space<vmem_shared>>
      tpu.wait_indirect_dma semaphore(%run_scoped3A_655 : memref<!tpu.dma_semaphore, #tpu.memory_space<semaphore_mem>>) src(%arg8 : memref<80x128xf32, #tpu.memory_space<vmem>>) dst(%dma_wait3A_665 : memref<10240x128xf32, #tpu.memory_space<vmem_shared>>)
      tpu.yield
    }) : () -> ()
    %run_scoped3A_605 = arith.constant 5 : i32
    "tpu.region"() ({
      %run_scoped3A_655 = tpu.sem_alloc : memref<!tpu.dma_semaphore, #tpu.memory_space<semaphore_mem>>
      %dma_start3A = arith.constant 0 : i32
      %dma_start3A_656 = tpu.memref_slice %arg9[%run_scoped3A_605, %dma_start3A] : memref<8x80xi32, #tpu.memory_space<vmem>> -> memref<1x80xi32, #tpu.memory_space<vmem>>
      %dma_start3A_657 = tpu.memref_squeeze %dma_start3A_656 : memref<1x80xi32, #tpu.memory_space<vmem>> -> memref<80xi32, #tpu.memory_space<vmem>>
      %dma_start3A_658 = arith.constant 0 : i32
      %dma_start3A_659 = arith.constant 0 : i32
      %dma_start3A_660 = tpu.memref_slice %arg10[%dma_start3A_658, %dma_start3A_659] : memref<10240x128xf32, #tpu.memory_space<vmem_shared>> -> memref<10240x128xf32, #tpu.memory_space<vmem_shared>>
      tpu.enqueue_indirect_dma source(%arg8 : memref<80x128xf32, #tpu.memory_space<vmem>>) target(%dma_start3A_660 : memref<10240x128xf32, #tpu.memory_space<vmem_shared>>) offsets(%dma_start3A_657 : memref<80xi32, #tpu.memory_space<vmem>>) semaphore(%run_scoped3A_655 : memref<!tpu.dma_semaphore, #tpu.memory_space<semaphore_mem>>)
      %dma_wait3A = arith.constant 0 : i32
      %dma_wait3A_661 = tpu.memref_slice %arg9[%run_scoped3A_605, %dma_wait3A] : memref<8x80xi32, #tpu.memory_space<vmem>> -> memref<1x80xi32, #tpu.memory_space<vmem>>
      %dma_wait3A_662 = tpu.memref_squeeze %dma_wait3A_661 : memref<1x80xi32, #tpu.memory_space<vmem>> -> memref<80xi32, #tpu.memory_space<vmem>>
      %dma_wait3A_663 = arith.constant 0 : i32
      %dma_wait3A_664 = arith.constant 0 : i32
      %dma_wait3A_665 = tpu.memref_slice %arg10[%dma_wait3A_663, %dma_wait3A_664] : memref<10240x128xf32, #tpu.memory_space<vmem_shared>> -> memref<10240x128xf32, #tpu.memory_space<vmem_shared>>
      tpu.wait_indirect_dma semaphore(%run_scoped3A_655 : memref<!tpu.dma_semaphore, #tpu.memory_space<semaphore_mem>>) src(%arg8 : memref<80x128xf32, #tpu.memory_space<vmem>>) dst(%dma_wait3A_665 : memref<10240x128xf32, #tpu.memory_space<vmem_shared>>)
      tpu.yield
    }) : () -> ()
    %run_scoped3A_606 = arith.constant 6 : i32
    "tpu.region"() ({
      %run_scoped3A_655 = tpu.sem_alloc : memref<!tpu.dma_semaphore, #tpu.memory_space<semaphore_mem>>
      %dma_start3A = arith.constant 0 : i32
      %dma_start3A_656 = tpu.memref_slice %arg9[%run_scoped3A_606, %dma_start3A] : memref<8x80xi32, #tpu.memory_space<vmem>> -> memref<1x80xi32, #tpu.memory_space<vmem>>
      %dma_start3A_657 = tpu.memref_squeeze %dma_start3A_656 : memref<1x80xi32, #tpu.memory_space<vmem>> -> memref<80xi32, #tpu.memory_space<vmem>>
      %dma_start3A_658 = arith.constant 0 : i32
      %dma_start3A_659 = arith.constant 0 : i32
      %dma_start3A_660 = tpu.memref_slice %arg10[%dma_start3A_658, %dma_start3A_659] : memref<10240x128xf32, #tpu.memory_space<vmem_shared>> -> memref<10240x128xf32, #tpu.memory_space<vmem_shared>>
      tpu.enqueue_indirect_dma source(%arg8 : memref<80x128xf32, #tpu.memory_space<vmem>>) target(%dma_start3A_660 : memref<10240x128xf32, #tpu.memory_space<vmem_shared>>) offsets(%dma_start3A_657 : memref<80xi32, #tpu.memory_space<vmem>>) semaphore(%run_scoped3A_655 : memref<!tpu.dma_semaphore, #tpu.memory_space<semaphore_mem>>)
      %dma_wait3A = arith.constant 0 : i32
      %dma_wait3A_661 = tpu.memref_slice %arg9[%run_scoped3A_606, %dma_wait3A] : memref<8x80xi32, #tpu.memory_space<vmem>> -> memref<1x80xi32, #tpu.memory_space<vmem>>
      %dma_wait3A_662 = tpu.memref_squeeze %dma_wait3A_661 : memref<1x80xi32, #tpu.memory_space<vmem>> -> memref<80xi32, #tpu.memory_space<vmem>>
      %dma_wait3A_663 = arith.constant 0 : i32
      %dma_wait3A_664 = arith.constant 0 : i32
      %dma_wait3A_665 = tpu.memref_slice %arg10[%dma_wait3A_663, %dma_wait3A_664] : memref<10240x128xf32, #tpu.memory_space<vmem_shared>> -> memref<10240x128xf32, #tpu.memory_space<vmem_shared>>
      tpu.wait_indirect_dma semaphore(%run_scoped3A_655 : memref<!tpu.dma_semaphore, #tpu.memory_space<semaphore_mem>>) src(%arg8 : memref<80x128xf32, #tpu.memory_space<vmem>>) dst(%dma_wait3A_665 : memref<10240x128xf32, #tpu.memory_space<vmem_shared>>)
      tpu.yield
    }) : () -> ()
    %run_scoped3A_607 = arith.constant 7 : i32
    "tpu.region"() ({
      %run_scoped3A_655 = tpu.sem_alloc : memref<!tpu.dma_semaphore, #tpu.memory_space<semaphore_mem>>
      %dma_start3A = arith.constant 0 : i32
      %dma_start3A_656 = tpu.memref_slice %arg9[%run_scoped3A_607, %dma_start3A] : memref<8x80xi32, #tpu.memory_space<vmem>> -> memref<1x80xi32, #tpu.memory_space<vmem>>
      %dma_start3A_657 = tpu.memref_squeeze %dma_start3A_656 : memref<1x80xi32, #tpu.memory_space<vmem>> -> memref<80xi32, #tpu.memory_space<vmem>>
      %dma_start3A_658 = arith.constant 0 : i32
      %dma_start3A_659 = arith.constant 0 : i32
      %dma_start3A_660 = tpu.memref_slice %arg10[%dma_start3A_658, %dma_start3A_659] : memref<10240x128xf32, #tpu.memory_space<vmem_shared>> -> memref<10240x128xf32, #tpu.memory_space<vmem_shared>>
      tpu.enqueue_indirect_dma source(%arg8 : memref<80x128xf32, #tpu.memory_space<vmem>>) target(%dma_start3A_660 : memref<10240x128xf32, #tpu.memory_space<vmem_shared>>) offsets(%dma_start3A_657 : memref<80xi32, #tpu.memory_space<vmem>>) semaphore(%run_scoped3A_655 : memref<!tpu.dma_semaphore, #tpu.memory_space<semaphore_mem>>)
      %dma_wait3A = arith.constant 0 : i32
      %dma_wait3A_661 = tpu.memref_slice %arg9[%run_scoped3A_607, %dma_wait3A] : memref<8x80xi32, #tpu.memory_space<vmem>> -> memref<1x80xi32, #tpu.memory_space<vmem>>
      %dma_wait3A_662 = tpu.memref_squeeze %dma_wait3A_661 : memref<1x80xi32, #tpu.memory_space<vmem>> -> memref<80xi32, #tpu.memory_space<vmem>>
      %dma_wait3A_663 = arith.constant 0 : i32
      %dma_wait3A_664 = arith.constant 0 : i32
      %dma_wait3A_665 = tpu.memref_slice %arg10[%dma_wait3A_663, %dma_wait3A_664] : memref<10240x128xf32, #tpu.memory_space<vmem_shared>> -> memref<10240x128xf32, #tpu.memory_space<vmem_shared>>
      tpu.wait_indirect_dma semaphore(%run_scoped3A_655 : memref<!tpu.dma_semaphore, #tpu.memory_space<semaphore_mem>>) src(%arg8 : memref<80x128xf32, #tpu.memory_space<vmem>>) dst(%dma_wait3A_665 : memref<10240x128xf32, #tpu.memory_space<vmem_shared>>)
      tpu.yield
    }) : () -> ()
    %barrier3A = arith.constant 0 : index
    tpu.barrier barrier_id(%barrier3A)
    %scan3A_608 = arith.constant 0 : i32
    %scan3A_609 = arith.constant 0 : i32
    %scan3A_610 = arith.constant 125 : i32
    %scan3A_611 = arith.addi %scan3A_609, %scan3A_610 : i32
    %scan3A_612 = arith.constant 1 : i32
    scf.for %scan3A_655 = %scan3A_609 to %scan3A_611 step %scan3A_612  : i32 {
      %dma_start3A = arith.constant 0 : i32
      %dma_start3A_656 = tpu.memref_slice %arg6[%scan3A_655, %dma_start3A] : memref<125x80xi32, #tpu.memory_space<vmem>> -> memref<1x80xi32, #tpu.memory_space<vmem>>
      %dma_start3A_657 = tpu.memref_squeeze %dma_start3A_656 : memref<1x80xi32, #tpu.memory_space<vmem>> -> memref<80xi32, #tpu.memory_space<vmem>>
      %dma_start3A_658 = arith.constant 0 : i32
      %dma_start3A_659 = arith.constant 0 : i32
      %dma_start3A_660 = tpu.memref_slice %arg2[%dma_start3A_658, %dma_start3A_659] : memref<10000x128xf32, #tpu.memory_space<hbm>> -> memref<10000x128xf32, #tpu.memory_space<hbm>>
      tpu.enqueue_indirect_dma source(%dma_start3A_660 : memref<10000x128xf32, #tpu.memory_space<hbm>>) target(%arg8 : memref<80x128xf32, #tpu.memory_space<vmem>>) offsets(%dma_start3A_657 : memref<80xi32, #tpu.memory_space<vmem>>) semaphore(%arg11 : memref<!tpu.dma_semaphore, #tpu.memory_space<semaphore_mem>>)
      %dma_wait3A = arith.constant 0 : i32
      %dma_wait3A_661 = tpu.memref_slice %arg6[%scan3A_655, %dma_wait3A] : memref<125x80xi32, #tpu.memory_space<vmem>> -> memref<1x80xi32, #tpu.memory_space<vmem>>
      %dma_wait3A_662 = tpu.memref_squeeze %dma_wait3A_661 : memref<1x80xi32, #tpu.memory_space<vmem>> -> memref<80xi32, #tpu.memory_space<vmem>>
      %dma_wait3A_663 = arith.constant 0 : i32
      %dma_wait3A_664 = arith.constant 0 : i32
      %dma_wait3A_665 = tpu.memref_slice %arg2[%dma_wait3A_663, %dma_wait3A_664] : memref<10000x128xf32, #tpu.memory_space<hbm>> -> memref<10000x128xf32, #tpu.memory_space<hbm>>
      tpu.wait_indirect_dma semaphore(%arg11 : memref<!tpu.dma_semaphore, #tpu.memory_space<semaphore_mem>>) src(%dma_wait3A_665 : memref<10000x128xf32, #tpu.memory_space<hbm>>) dst(%arg8 : memref<80x128xf32, #tpu.memory_space<vmem>>)
      "tpu.region"() ({
        %run_scoped3A_666 = tpu.sem_alloc : memref<!tpu.dma_semaphore, #tpu.memory_space<semaphore_mem>>
        %dma_start3A_667 = arith.constant 0 : i32
        %dma_start3A_668 = tpu.memref_slice %arg7[%scan3A_655, %dma_start3A_667] : memref<125x80xi32, #tpu.memory_space<vmem>> -> memref<1x80xi32, #tpu.memory_space<vmem>>
        %dma_start3A_669 = tpu.memref_squeeze %dma_start3A_668 : memref<1x80xi32, #tpu.memory_space<vmem>> -> memref<80xi32, #tpu.memory_space<vmem>>
        %dma_start3A_670 = arith.constant 0 : i32
        %dma_start3A_671 = arith.constant 0 : i32
        %dma_start3A_672 = tpu.memref_slice %arg10[%dma_start3A_670, %dma_start3A_671] : memref<10240x128xf32, #tpu.memory_space<vmem_shared>> -> memref<10240x128xf32, #tpu.memory_space<vmem_shared>>
        tpu.enqueue_indirect_dma source(%arg8 : memref<80x128xf32, #tpu.memory_space<vmem>>) target(%dma_start3A_672 : memref<10240x128xf32, #tpu.memory_space<vmem_shared>>) offsets(%dma_start3A_669 : memref<80xi32, #tpu.memory_space<vmem>>) semaphore(%run_scoped3A_666 : memref<!tpu.dma_semaphore, #tpu.memory_space<semaphore_mem>>) {add = true}
        %dma_wait3A_673 = arith.constant 0 : i32
        %dma_wait3A_674 = tpu.memref_slice %arg7[%scan3A_655, %dma_wait3A_673] : memref<125x80xi32, #tpu.memory_space<vmem>> -> memref<1x80xi32, #tpu.memory_space<vmem>>
        %dma_wait3A_675 = tpu.memref_squeeze %dma_wait3A_674 : memref<1x80xi32, #tpu.memory_space<vmem>> -> memref<80xi32, #tpu.memory_space<vmem>>
        %dma_wait3A_676 = arith.constant 0 : i32
        %dma_wait3A_677 = arith.constant 0 : i32
        %dma_wait3A_678 = tpu.memref_slice %arg10[%dma_wait3A_676, %dma_wait3A_677] : memref<10240x128xf32, #tpu.memory_space<vmem_shared>> -> memref<10240x128xf32, #tpu.memory_space<vmem_shared>>
        tpu.wait_indirect_dma semaphore(%run_scoped3A_666 : memref<!tpu.dma_semaphore, #tpu.memory_space<semaphore_mem>>) src(%arg8 : memref<80x128xf32, #tpu.memory_space<vmem>>) dst(%dma_wait3A_678 : memref<10240x128xf32, #tpu.memory_space<vmem_shared>>)
        tpu.yield
      }) : () -> ()
    }
    %scan3A_613 = arith.constant 125 : i32
    %barrier3A_614 = arith.constant 0 : index
    tpu.barrier barrier_id(%barrier3A_614)
    %mul3A_615 = arith.constant 640 : i32
    %mul3A_616 = arith.muli %arg1, %mul3A_615 : i32
    %add3A_617 = arith.constant 0 : i32
    %add3A_618 = arith.addi %mul3A_616, %add3A_617 : i32
    %run_scoped3A_619 = arith.constant 0 : i32
    "tpu.region"() ({
      %run_scoped3A_655 = tpu.sem_alloc : memref<!tpu.dma_semaphore, #tpu.memory_space<semaphore_mem>>
      %dma_start3A = arith.constant 0 : i32
      %dma_start3A_656 = tpu.memref_slice %arg9[%run_scoped3A_619, %dma_start3A] : memref<8x80xi32, #tpu.memory_space<vmem>> -> memref<1x80xi32, #tpu.memory_space<vmem>>
      %dma_start3A_657 = tpu.memref_squeeze %dma_start3A_656 : memref<1x80xi32, #tpu.memory_space<vmem>> -> memref<80xi32, #tpu.memory_space<vmem>>
      %dma_start3A_658 = arith.constant 0 : i32
      %dma_start3A_659 = arith.constant 0 : i32
      %dma_start3A_660 = tpu.memref_slice %arg10[%dma_start3A_658, %dma_start3A_659] : memref<10240x128xf32, #tpu.memory_space<vmem_shared>> -> memref<10240x128xf32, #tpu.memory_space<vmem_shared>>
      tpu.enqueue_indirect_dma source(%dma_start3A_660 : memref<10240x128xf32, #tpu.memory_space<vmem_shared>>) target(%arg8 : memref<80x128xf32, #tpu.memory_space<vmem>>) offsets(%dma_start3A_657 : memref<80xi32, #tpu.memory_space<vmem>>) semaphore(%run_scoped3A_655 : memref<!tpu.dma_semaphore, #tpu.memory_space<semaphore_mem>>)
      %dma_wait3A = arith.constant 0 : i32
      %dma_wait3A_661 = tpu.memref_slice %arg9[%run_scoped3A_619, %dma_wait3A] : memref<8x80xi32, #tpu.memory_space<vmem>> -> memref<1x80xi32, #tpu.memory_space<vmem>>
      %dma_wait3A_662 = tpu.memref_squeeze %dma_wait3A_661 : memref<1x80xi32, #tpu.memory_space<vmem>> -> memref<80xi32, #tpu.memory_space<vmem>>
      %dma_wait3A_663 = arith.constant 0 : i32
      %dma_wait3A_664 = arith.constant 0 : i32
      %dma_wait3A_665 = tpu.memref_slice %arg10[%dma_wait3A_663, %dma_wait3A_664] : memref<10240x128xf32, #tpu.memory_space<vmem_shared>> -> memref<10240x128xf32, #tpu.memory_space<vmem_shared>>
      tpu.wait_indirect_dma semaphore(%run_scoped3A_655 : memref<!tpu.dma_semaphore, #tpu.memory_space<semaphore_mem>>) src(%dma_wait3A_665 : memref<10240x128xf32, #tpu.memory_space<vmem_shared>>) dst(%arg8 : memref<80x128xf32, #tpu.memory_space<vmem>>)
      tpu.yield
    }) : () -> ()
    "tpu.region"() ({
      %run_scoped3A_655 = tpu.sem_alloc : memref<!tpu.dma_semaphore, #tpu.memory_space<semaphore_mem>>
      %dma_start3A = arith.constant 0 : i32
      %dma_start3A_656 = tpu.memref_slice %arg5[%arg0, %add3A_618, %dma_start3A] : memref<2x10240x128xf32, #tpu.memory_space<hbm>> -> memref<1x80x128xf32, #tpu.memory_space<hbm>>
      %dma_start3A_657 = tpu.memref_squeeze %dma_start3A_656 : memref<1x80x128xf32, #tpu.memory_space<hbm>> -> memref<80x128xf32, #tpu.memory_space<hbm>>
      %dma_start3A_658 = arith.constant 0 : i32
      %dma_start3A_659 = tpu.memref_slice %arg5[%arg0, %add3A_618, %dma_start3A_658] : memref<2x10240x128xf32, #tpu.memory_space<hbm>> -> memref<1x80x128xf32, #tpu.memory_space<hbm>>
      %dma_start3A_660 = tpu.memref_squeeze %dma_start3A_659 : memref<1x80x128xf32, #tpu.memory_space<hbm>> -> memref<80x128xf32, #tpu.memory_space<hbm>>
      tpu.enqueue_dma source(%arg8 : memref<80x128xf32, #tpu.memory_space<vmem>>) target(%dma_start3A_660 : memref<80x128xf32, #tpu.memory_space<hbm>>) target_semaphore(%run_scoped3A_655 : memref<!tpu.dma_semaphore, #tpu.memory_space<semaphore_mem>>)
      %dma_wait3A = arith.constant 0 : i32
      %dma_wait3A_661 = tpu.memref_slice %arg5[%arg0, %add3A_618, %dma_wait3A] : memref<2x10240x128xf32, #tpu.memory_space<hbm>> -> memref<1x80x128xf32, #tpu.memory_space<hbm>>
      %dma_wait3A_662 = tpu.memref_squeeze %dma_wait3A_661 : memref<1x80x128xf32, #tpu.memory_space<hbm>> -> memref<80x128xf32, #tpu.memory_space<hbm>>
      %dma_wait3A_663 = arith.constant 0 : i32
      %dma_wait3A_664 = tpu.memref_slice %arg5[%arg0, %add3A_618, %dma_wait3A_663] : memref<2x10240x128xf32, #tpu.memory_space<hbm>> -> memref<1x80x128xf32, #tpu.memory_space<hbm>>
      %dma_wait3A_665 = tpu.memref_squeeze %dma_wait3A_664 : memref<1x80x128xf32, #tpu.memory_space<hbm>> -> memref<80x128xf32, #tpu.memory_space<hbm>>
      tpu.wait_dma2 semaphore(%run_scoped3A_655 : memref<!tpu.dma_semaphore, #tpu.memory_space<semaphore_mem>>) src(%arg8 : memref<80x128xf32, #tpu.memory_space<vmem>>) dst(%dma_wait3A_665 : memref<80x128xf32, #tpu.memory_space<hbm>>)
      tpu.yield
    }) : () -> ()
    %mul3A_620 = arith.constant 640 : i32
    %mul3A_621 = arith.muli %arg1, %mul3A_620 : i32
    %add3A_622 = arith.constant 80 : i32
    %add3A_623 = arith.addi %mul3A_621, %add3A_622 : i32
    %run_scoped3A_624 = arith.constant 1 : i32
    "tpu.region"() ({
      %run_scoped3A_655 = tpu.sem_alloc : memref<!tpu.dma_semaphore, #tpu.memory_space<semaphore_mem>>
      %dma_start3A = arith.constant 0 : i32
      %dma_start3A_656 = tpu.memref_slice %arg9[%run_scoped3A_624, %dma_start3A] : memref<8x80xi32, #tpu.memory_space<vmem>> -> memref<1x80xi32, #tpu.memory_space<vmem>>
      %dma_start3A_657 = tpu.memref_squeeze %dma_start3A_656 : memref<1x80xi32, #tpu.memory_space<vmem>> -> memref<80xi32, #tpu.memory_space<vmem>>
      %dma_start3A_658 = arith.constant 0 : i32
      %dma_start3A_659 = arith.constant 0 : i32
      %dma_start3A_660 = tpu.memref_slice %arg10[%dma_start3A_658, %dma_start3A_659] : memref<10240x128xf32, #tpu.memory_space<vmem_shared>> -> memref<10240x128xf32, #tpu.memory_space<vmem_shared>>
      tpu.enqueue_indirect_dma source(%dma_start3A_660 : memref<10240x128xf32, #tpu.memory_space<vmem_shared>>) target(%arg8 : memref<80x128xf32, #tpu.memory_space<vmem>>) offsets(%dma_start3A_657 : memref<80xi32, #tpu.memory_space<vmem>>) semaphore(%run_scoped3A_655 : memref<!tpu.dma_semaphore, #tpu.memory_space<semaphore_mem>>)
      %dma_wait3A = arith.constant 0 : i32
      %dma_wait3A_661 = tpu.memref_slice %arg9[%run_scoped3A_624, %dma_wait3A] : memref<8x80xi32, #tpu.memory_space<vmem>> -> memref<1x80xi32, #tpu.memory_space<vmem>>
      %dma_wait3A_662 = tpu.memref_squeeze %dma_wait3A_661 : memref<1x80xi32, #tpu.memory_space<vmem>> -> memref<80xi32, #tpu.memory_space<vmem>>
      %dma_wait3A_663 = arith.constant 0 : i32
      %dma_wait3A_664 = arith.constant 0 : i32
      %dma_wait3A_665 = tpu.memref_slice %arg10[%dma_wait3A_663, %dma_wait3A_664] : memref<10240x128xf32, #tpu.memory_space<vmem_shared>> -> memref<10240x128xf32, #tpu.memory_space<vmem_shared>>
      tpu.wait_indirect_dma semaphore(%run_scoped3A_655 : memref<!tpu.dma_semaphore, #tpu.memory_space<semaphore_mem>>) src(%dma_wait3A_665 : memref<10240x128xf32, #tpu.memory_space<vmem_shared>>) dst(%arg8 : memref<80x128xf32, #tpu.memory_space<vmem>>)
      tpu.yield
    }) : () -> ()
    "tpu.region"() ({
      %run_scoped3A_655 = tpu.sem_alloc : memref<!tpu.dma_semaphore, #tpu.memory_space<semaphore_mem>>
      %dma_start3A = arith.constant 0 : i32
      %dma_start3A_656 = tpu.memref_slice %arg5[%arg0, %add3A_623, %dma_start3A] : memref<2x10240x128xf32, #tpu.memory_space<hbm>> -> memref<1x80x128xf32, #tpu.memory_space<hbm>>
      %dma_start3A_657 = tpu.memref_squeeze %dma_start3A_656 : memref<1x80x128xf32, #tpu.memory_space<hbm>> -> memref<80x128xf32, #tpu.memory_space<hbm>>
      %dma_start3A_658 = arith.constant 0 : i32
      %dma_start3A_659 = tpu.memref_slice %arg5[%arg0, %add3A_623, %dma_start3A_658] : memref<2x10240x128xf32, #tpu.memory_space<hbm>> -> memref<1x80x128xf32, #tpu.memory_space<hbm>>
      %dma_start3A_660 = tpu.memref_squeeze %dma_start3A_659 : memref<1x80x128xf32, #tpu.memory_space<hbm>> -> memref<80x128xf32, #tpu.memory_space<hbm>>
      tpu.enqueue_dma source(%arg8 : memref<80x128xf32, #tpu.memory_space<vmem>>) target(%dma_start3A_660 : memref<80x128xf32, #tpu.memory_space<hbm>>) target_semaphore(%run_scoped3A_655 : memref<!tpu.dma_semaphore, #tpu.memory_space<semaphore_mem>>)
      %dma_wait3A = arith.constant 0 : i32
      %dma_wait3A_661 = tpu.memref_slice %arg5[%arg0, %add3A_623, %dma_wait3A] : memref<2x10240x128xf32, #tpu.memory_space<hbm>> -> memref<1x80x128xf32, #tpu.memory_space<hbm>>
      %dma_wait3A_662 = tpu.memref_squeeze %dma_wait3A_661 : memref<1x80x128xf32, #tpu.memory_space<hbm>> -> memref<80x128xf32, #tpu.memory_space<hbm>>
      %dma_wait3A_663 = arith.constant 0 : i32
      %dma_wait3A_664 = tpu.memref_slice %arg5[%arg0, %add3A_623, %dma_wait3A_663] : memref<2x10240x128xf32, #tpu.memory_space<hbm>> -> memref<1x80x128xf32, #tpu.memory_space<hbm>>
      %dma_wait3A_665 = tpu.memref_squeeze %dma_wait3A_664 : memref<1x80x128xf32, #tpu.memory_space<hbm>> -> memref<80x128xf32, #tpu.memory_space<hbm>>
      tpu.wait_dma2 semaphore(%run_scoped3A_655 : memref<!tpu.dma_semaphore, #tpu.memory_space<semaphore_mem>>) src(%arg8 : memref<80x128xf32, #tpu.memory_space<vmem>>) dst(%dma_wait3A_665 : memref<80x128xf32, #tpu.memory_space<hbm>>)
      tpu.yield
    }) : () -> ()
    %mul3A_625 = arith.constant 640 : i32
    %mul3A_626 = arith.muli %arg1, %mul3A_625 : i32
    %add3A_627 = arith.constant 160 : i32
    %add3A_628 = arith.addi %mul3A_626, %add3A_627 : i32
    %run_scoped3A_629 = arith.constant 2 : i32
    "tpu.region"() ({
      %run_scoped3A_655 = tpu.sem_alloc : memref<!tpu.dma_semaphore, #tpu.memory_space<semaphore_mem>>
      %dma_start3A = arith.constant 0 : i32
      %dma_start3A_656 = tpu.memref_slice %arg9[%run_scoped3A_629, %dma_start3A] : memref<8x80xi32, #tpu.memory_space<vmem>> -> memref<1x80xi32, #tpu.memory_space<vmem>>
      %dma_start3A_657 = tpu.memref_squeeze %dma_start3A_656 : memref<1x80xi32, #tpu.memory_space<vmem>> -> memref<80xi32, #tpu.memory_space<vmem>>
      %dma_start3A_658 = arith.constant 0 : i32
      %dma_start3A_659 = arith.constant 0 : i32
      %dma_start3A_660 = tpu.memref_slice %arg10[%dma_start3A_658, %dma_start3A_659] : memref<10240x128xf32, #tpu.memory_space<vmem_shared>> -> memref<10240x128xf32, #tpu.memory_space<vmem_shared>>
      tpu.enqueue_indirect_dma source(%dma_start3A_660 : memref<10240x128xf32, #tpu.memory_space<vmem_shared>>) target(%arg8 : memref<80x128xf32, #tpu.memory_space<vmem>>) offsets(%dma_start3A_657 : memref<80xi32, #tpu.memory_space<vmem>>) semaphore(%run_scoped3A_655 : memref<!tpu.dma_semaphore, #tpu.memory_space<semaphore_mem>>)
      %dma_wait3A = arith.constant 0 : i32
      %dma_wait3A_661 = tpu.memref_slice %arg9[%run_scoped3A_629, %dma_wait3A] : memref<8x80xi32, #tpu.memory_space<vmem>> -> memref<1x80xi32, #tpu.memory_space<vmem>>
      %dma_wait3A_662 = tpu.memref_squeeze %dma_wait3A_661 : memref<1x80xi32, #tpu.memory_space<vmem>> -> memref<80xi32, #tpu.memory_space<vmem>>
      %dma_wait3A_663 = arith.constant 0 : i32
      %dma_wait3A_664 = arith.constant 0 : i32
      %dma_wait3A_665 = tpu.memref_slice %arg10[%dma_wait3A_663, %dma_wait3A_664] : memref<10240x128xf32, #tpu.memory_space<vmem_shared>> -> memref<10240x128xf32, #tpu.memory_space<vmem_shared>>
      tpu.wait_indirect_dma semaphore(%run_scoped3A_655 : memref<!tpu.dma_semaphore, #tpu.memory_space<semaphore_mem>>) src(%dma_wait3A_665 : memref<10240x128xf32, #tpu.memory_space<vmem_shared>>) dst(%arg8 : memref<80x128xf32, #tpu.memory_space<vmem>>)
      tpu.yield
    }) : () -> ()
    "tpu.region"() ({
      %run_scoped3A_655 = tpu.sem_alloc : memref<!tpu.dma_semaphore, #tpu.memory_space<semaphore_mem>>
      %dma_start3A = arith.constant 0 : i32
      %dma_start3A_656 = tpu.memref_slice %arg5[%arg0, %add3A_628, %dma_start3A] : memref<2x10240x128xf32, #tpu.memory_space<hbm>> -> memref<1x80x128xf32, #tpu.memory_space<hbm>>
      %dma_start3A_657 = tpu.memref_squeeze %dma_start3A_656 : memref<1x80x128xf32, #tpu.memory_space<hbm>> -> memref<80x128xf32, #tpu.memory_space<hbm>>
      %dma_start3A_658 = arith.constant 0 : i32
      %dma_start3A_659 = tpu.memref_slice %arg5[%arg0, %add3A_628, %dma_start3A_658] : memref<2x10240x128xf32, #tpu.memory_space<hbm>> -> memref<1x80x128xf32, #tpu.memory_space<hbm>>
      %dma_start3A_660 = tpu.memref_squeeze %dma_start3A_659 : memref<1x80x128xf32, #tpu.memory_space<hbm>> -> memref<80x128xf32, #tpu.memory_space<hbm>>
      tpu.enqueue_dma source(%arg8 : memref<80x128xf32, #tpu.memory_space<vmem>>) target(%dma_start3A_660 : memref<80x128xf32, #tpu.memory_space<hbm>>) target_semaphore(%run_scoped3A_655 : memref<!tpu.dma_semaphore, #tpu.memory_space<semaphore_mem>>)
      %dma_wait3A = arith.constant 0 : i32
      %dma_wait3A_661 = tpu.memref_slice %arg5[%arg0, %add3A_628, %dma_wait3A] : memref<2x10240x128xf32, #tpu.memory_space<hbm>> -> memref<1x80x128xf32, #tpu.memory_space<hbm>>
      %dma_wait3A_662 = tpu.memref_squeeze %dma_wait3A_661 : memref<1x80x128xf32, #tpu.memory_space<hbm>> -> memref<80x128xf32, #tpu.memory_space<hbm>>
      %dma_wait3A_663 = arith.constant 0 : i32
      %dma_wait3A_664 = tpu.memref_slice %arg5[%arg0, %add3A_628, %dma_wait3A_663] : memref<2x10240x128xf32, #tpu.memory_space<hbm>> -> memref<1x80x128xf32, #tpu.memory_space<hbm>>
      %dma_wait3A_665 = tpu.memref_squeeze %dma_wait3A_664 : memref<1x80x128xf32, #tpu.memory_space<hbm>> -> memref<80x128xf32, #tpu.memory_space<hbm>>
      tpu.wait_dma2 semaphore(%run_scoped3A_655 : memref<!tpu.dma_semaphore, #tpu.memory_space<semaphore_mem>>) src(%arg8 : memref<80x128xf32, #tpu.memory_space<vmem>>) dst(%dma_wait3A_665 : memref<80x128xf32, #tpu.memory_space<hbm>>)
      tpu.yield
    }) : () -> ()
    %mul3A_630 = arith.constant 640 : i32
    %mul3A_631 = arith.muli %arg1, %mul3A_630 : i32
    %add3A_632 = arith.constant 240 : i32
    %add3A_633 = arith.addi %mul3A_631, %add3A_632 : i32
    %run_scoped3A_634 = arith.constant 3 : i32
    "tpu.region"() ({
      %run_scoped3A_655 = tpu.sem_alloc : memref<!tpu.dma_semaphore, #tpu.memory_space<semaphore_mem>>
      %dma_start3A = arith.constant 0 : i32
      %dma_start3A_656 = tpu.memref_slice %arg9[%run_scoped3A_634, %dma_start3A] : memref<8x80xi32, #tpu.memory_space<vmem>> -> memref<1x80xi32, #tpu.memory_space<vmem>>
      %dma_start3A_657 = tpu.memref_squeeze %dma_start3A_656 : memref<1x80xi32, #tpu.memory_space<vmem>> -> memref<80xi32, #tpu.memory_space<vmem>>
      %dma_start3A_658 = arith.constant 0 : i32
      %dma_start3A_659 = arith.constant 0 : i32
      %dma_start3A_660 = tpu.memref_slice %arg10[%dma_start3A_658, %dma_start3A_659] : memref<10240x128xf32, #tpu.memory_space<vmem_shared>> -> memref<10240x128xf32, #tpu.memory_space<vmem_shared>>
      tpu.enqueue_indirect_dma source(%dma_start3A_660 : memref<10240x128xf32, #tpu.memory_space<vmem_shared>>) target(%arg8 : memref<80x128xf32, #tpu.memory_space<vmem>>) offsets(%dma_start3A_657 : memref<80xi32, #tpu.memory_space<vmem>>) semaphore(%run_scoped3A_655 : memref<!tpu.dma_semaphore, #tpu.memory_space<semaphore_mem>>)
      %dma_wait3A = arith.constant 0 : i32
      %dma_wait3A_661 = tpu.memref_slice %arg9[%run_scoped3A_634, %dma_wait3A] : memref<8x80xi32, #tpu.memory_space<vmem>> -> memref<1x80xi32, #tpu.memory_space<vmem>>
      %dma_wait3A_662 = tpu.memref_squeeze %dma_wait3A_661 : memref<1x80xi32, #tpu.memory_space<vmem>> -> memref<80xi32, #tpu.memory_space<vmem>>
      %dma_wait3A_663 = arith.constant 0 : i32
      %dma_wait3A_664 = arith.constant 0 : i32
      %dma_wait3A_665 = tpu.memref_slice %arg10[%dma_wait3A_663, %dma_wait3A_664] : memref<10240x128xf32, #tpu.memory_space<vmem_shared>> -> memref<10240x128xf32, #tpu.memory_space<vmem_shared>>
      tpu.wait_indirect_dma semaphore(%run_scoped3A_655 : memref<!tpu.dma_semaphore, #tpu.memory_space<semaphore_mem>>) src(%dma_wait3A_665 : memref<10240x128xf32, #tpu.memory_space<vmem_shared>>) dst(%arg8 : memref<80x128xf32, #tpu.memory_space<vmem>>)
      tpu.yield
    }) : () -> ()
    "tpu.region"() ({
      %run_scoped3A_655 = tpu.sem_alloc : memref<!tpu.dma_semaphore, #tpu.memory_space<semaphore_mem>>
      %dma_start3A = arith.constant 0 : i32
      %dma_start3A_656 = tpu.memref_slice %arg5[%arg0, %add3A_633, %dma_start3A] : memref<2x10240x128xf32, #tpu.memory_space<hbm>> -> memref<1x80x128xf32, #tpu.memory_space<hbm>>
      %dma_start3A_657 = tpu.memref_squeeze %dma_start3A_656 : memref<1x80x128xf32, #tpu.memory_space<hbm>> -> memref<80x128xf32, #tpu.memory_space<hbm>>
      %dma_start3A_658 = arith.constant 0 : i32
      %dma_start3A_659 = tpu.memref_slice %arg5[%arg0, %add3A_633, %dma_start3A_658] : memref<2x10240x128xf32, #tpu.memory_space<hbm>> -> memref<1x80x128xf32, #tpu.memory_space<hbm>>
      %dma_start3A_660 = tpu.memref_squeeze %dma_start3A_659 : memref<1x80x128xf32, #tpu.memory_space<hbm>> -> memref<80x128xf32, #tpu.memory_space<hbm>>
      tpu.enqueue_dma source(%arg8 : memref<80x128xf32, #tpu.memory_space<vmem>>) target(%dma_start3A_660 : memref<80x128xf32, #tpu.memory_space<hbm>>) target_semaphore(%run_scoped3A_655 : memref<!tpu.dma_semaphore, #tpu.memory_space<semaphore_mem>>)
      %dma_wait3A = arith.constant 0 : i32
      %dma_wait3A_661 = tpu.memref_slice %arg5[%arg0, %add3A_633, %dma_wait3A] : memref<2x10240x128xf32, #tpu.memory_space<hbm>> -> memref<1x80x128xf32, #tpu.memory_space<hbm>>
      %dma_wait3A_662 = tpu.memref_squeeze %dma_wait3A_661 : memref<1x80x128xf32, #tpu.memory_space<hbm>> -> memref<80x128xf32, #tpu.memory_space<hbm>>
      %dma_wait3A_663 = arith.constant 0 : i32
      %dma_wait3A_664 = tpu.memref_slice %arg5[%arg0, %add3A_633, %dma_wait3A_663] : memref<2x10240x128xf32, #tpu.memory_space<hbm>> -> memref<1x80x128xf32, #tpu.memory_space<hbm>>
      %dma_wait3A_665 = tpu.memref_squeeze %dma_wait3A_664 : memref<1x80x128xf32, #tpu.memory_space<hbm>> -> memref<80x128xf32, #tpu.memory_space<hbm>>
      tpu.wait_dma2 semaphore(%run_scoped3A_655 : memref<!tpu.dma_semaphore, #tpu.memory_space<semaphore_mem>>) src(%arg8 : memref<80x128xf32, #tpu.memory_space<vmem>>) dst(%dma_wait3A_665 : memref<80x128xf32, #tpu.memory_space<hbm>>)
      tpu.yield
    }) : () -> ()
    %mul3A_635 = arith.constant 640 : i32
    %mul3A_636 = arith.muli %arg1, %mul3A_635 : i32
    %add3A_637 = arith.constant 320 : i32
    %add3A_638 = arith.addi %mul3A_636, %add3A_637 : i32
    %run_scoped3A_639 = arith.constant 4 : i32
    "tpu.region"() ({
      %run_scoped3A_655 = tpu.sem_alloc : memref<!tpu.dma_semaphore, #tpu.memory_space<semaphore_mem>>
      %dma_start3A = arith.constant 0 : i32
      %dma_start3A_656 = tpu.memref_slice %arg9[%run_scoped3A_639, %dma_start3A] : memref<8x80xi32, #tpu.memory_space<vmem>> -> memref<1x80xi32, #tpu.memory_space<vmem>>
      %dma_start3A_657 = tpu.memref_squeeze %dma_start3A_656 : memref<1x80xi32, #tpu.memory_space<vmem>> -> memref<80xi32, #tpu.memory_space<vmem>>
      %dma_start3A_658 = arith.constant 0 : i32
      %dma_start3A_659 = arith.constant 0 : i32
      %dma_start3A_660 = tpu.memref_slice %arg10[%dma_start3A_658, %dma_start3A_659] : memref<10240x128xf32, #tpu.memory_space<vmem_shared>> -> memref<10240x128xf32, #tpu.memory_space<vmem_shared>>
      tpu.enqueue_indirect_dma source(%dma_start3A_660 : memref<10240x128xf32, #tpu.memory_space<vmem_shared>>) target(%arg8 : memref<80x128xf32, #tpu.memory_space<vmem>>) offsets(%dma_start3A_657 : memref<80xi32, #tpu.memory_space<vmem>>) semaphore(%run_scoped3A_655 : memref<!tpu.dma_semaphore, #tpu.memory_space<semaphore_mem>>)
      %dma_wait3A = arith.constant 0 : i32
      %dma_wait3A_661 = tpu.memref_slice %arg9[%run_scoped3A_639, %dma_wait3A] : memref<8x80xi32, #tpu.memory_space<vmem>> -> memref<1x80xi32, #tpu.memory_space<vmem>>
      %dma_wait3A_662 = tpu.memref_squeeze %dma_wait3A_661 : memref<1x80xi32, #tpu.memory_space<vmem>> -> memref<80xi32, #tpu.memory_space<vmem>>
      %dma_wait3A_663 = arith.constant 0 : i32
      %dma_wait3A_664 = arith.constant 0 : i32
      %dma_wait3A_665 = tpu.memref_slice %arg10[%dma_wait3A_663, %dma_wait3A_664] : memref<10240x128xf32, #tpu.memory_space<vmem_shared>> -> memref<10240x128xf32, #tpu.memory_space<vmem_shared>>
      tpu.wait_indirect_dma semaphore(%run_scoped3A_655 : memref<!tpu.dma_semaphore, #tpu.memory_space<semaphore_mem>>) src(%dma_wait3A_665 : memref<10240x128xf32, #tpu.memory_space<vmem_shared>>) dst(%arg8 : memref<80x128xf32, #tpu.memory_space<vmem>>)
      tpu.yield
    }) : () -> ()
    "tpu.region"() ({
      %run_scoped3A_655 = tpu.sem_alloc : memref<!tpu.dma_semaphore, #tpu.memory_space<semaphore_mem>>
      %dma_start3A = arith.constant 0 : i32
      %dma_start3A_656 = tpu.memref_slice %arg5[%arg0, %add3A_638, %dma_start3A] : memref<2x10240x128xf32, #tpu.memory_space<hbm>> -> memref<1x80x128xf32, #tpu.memory_space<hbm>>
      %dma_start3A_657 = tpu.memref_squeeze %dma_start3A_656 : memref<1x80x128xf32, #tpu.memory_space<hbm>> -> memref<80x128xf32, #tpu.memory_space<hbm>>
      %dma_start3A_658 = arith.constant 0 : i32
      %dma_start3A_659 = tpu.memref_slice %arg5[%arg0, %add3A_638, %dma_start3A_658] : memref<2x10240x128xf32, #tpu.memory_space<hbm>> -> memref<1x80x128xf32, #tpu.memory_space<hbm>>
      %dma_start3A_660 = tpu.memref_squeeze %dma_start3A_659 : memref<1x80x128xf32, #tpu.memory_space<hbm>> -> memref<80x128xf32, #tpu.memory_space<hbm>>
      tpu.enqueue_dma source(%arg8 : memref<80x128xf32, #tpu.memory_space<vmem>>) target(%dma_start3A_660 : memref<80x128xf32, #tpu.memory_space<hbm>>) target_semaphore(%run_scoped3A_655 : memref<!tpu.dma_semaphore, #tpu.memory_space<semaphore_mem>>)
      %dma_wait3A = arith.constant 0 : i32
      %dma_wait3A_661 = tpu.memref_slice %arg5[%arg0, %add3A_638, %dma_wait3A] : memref<2x10240x128xf32, #tpu.memory_space<hbm>> -> memref<1x80x128xf32, #tpu.memory_space<hbm>>
      %dma_wait3A_662 = tpu.memref_squeeze %dma_wait3A_661 : memref<1x80x128xf32, #tpu.memory_space<hbm>> -> memref<80x128xf32, #tpu.memory_space<hbm>>
      %dma_wait3A_663 = arith.constant 0 : i32
      %dma_wait3A_664 = tpu.memref_slice %arg5[%arg0, %add3A_638, %dma_wait3A_663] : memref<2x10240x128xf32, #tpu.memory_space<hbm>> -> memref<1x80x128xf32, #tpu.memory_space<hbm>>
      %dma_wait3A_665 = tpu.memref_squeeze %dma_wait3A_664 : memref<1x80x128xf32, #tpu.memory_space<hbm>> -> memref<80x128xf32, #tpu.memory_space<hbm>>
      tpu.wait_dma2 semaphore(%run_scoped3A_655 : memref<!tpu.dma_semaphore, #tpu.memory_space<semaphore_mem>>) src(%arg8 : memref<80x128xf32, #tpu.memory_space<vmem>>) dst(%dma_wait3A_665 : memref<80x128xf32, #tpu.memory_space<hbm>>)
      tpu.yield
    }) : () -> ()
    %mul3A_640 = arith.constant 640 : i32
    %mul3A_641 = arith.muli %arg1, %mul3A_640 : i32
    %add3A_642 = arith.constant 400 : i32
    %add3A_643 = arith.addi %mul3A_641, %add3A_642 : i32
    %run_scoped3A_644 = arith.constant 5 : i32
    "tpu.region"() ({
      %run_scoped3A_655 = tpu.sem_alloc : memref<!tpu.dma_semaphore, #tpu.memory_space<semaphore_mem>>
      %dma_start3A = arith.constant 0 : i32
      %dma_start3A_656 = tpu.memref_slice %arg9[%run_scoped3A_644, %dma_start3A] : memref<8x80xi32, #tpu.memory_space<vmem>> -> memref<1x80xi32, #tpu.memory_space<vmem>>
      %dma_start3A_657 = tpu.memref_squeeze %dma_start3A_656 : memref<1x80xi32, #tpu.memory_space<vmem>> -> memref<80xi32, #tpu.memory_space<vmem>>
      %dma_start3A_658 = arith.constant 0 : i32
      %dma_start3A_659 = arith.constant 0 : i32
      %dma_start3A_660 = tpu.memref_slice %arg10[%dma_start3A_658, %dma_start3A_659] : memref<10240x128xf32, #tpu.memory_space<vmem_shared>> -> memref<10240x128xf32, #tpu.memory_space<vmem_shared>>
      tpu.enqueue_indirect_dma source(%dma_start3A_660 : memref<10240x128xf32, #tpu.memory_space<vmem_shared>>) target(%arg8 : memref<80x128xf32, #tpu.memory_space<vmem>>) offsets(%dma_start3A_657 : memref<80xi32, #tpu.memory_space<vmem>>) semaphore(%run_scoped3A_655 : memref<!tpu.dma_semaphore, #tpu.memory_space<semaphore_mem>>)
      %dma_wait3A = arith.constant 0 : i32
      %dma_wait3A_661 = tpu.memref_slice %arg9[%run_scoped3A_644, %dma_wait3A] : memref<8x80xi32, #tpu.memory_space<vmem>> -> memref<1x80xi32, #tpu.memory_space<vmem>>
      %dma_wait3A_662 = tpu.memref_squeeze %dma_wait3A_661 : memref<1x80xi32, #tpu.memory_space<vmem>> -> memref<80xi32, #tpu.memory_space<vmem>>
      %dma_wait3A_663 = arith.constant 0 : i32
      %dma_wait3A_664 = arith.constant 0 : i32
      %dma_wait3A_665 = tpu.memref_slice %arg10[%dma_wait3A_663, %dma_wait3A_664] : memref<10240x128xf32, #tpu.memory_space<vmem_shared>> -> memref<10240x128xf32, #tpu.memory_space<vmem_shared>>
      tpu.wait_indirect_dma semaphore(%run_scoped3A_655 : memref<!tpu.dma_semaphore, #tpu.memory_space<semaphore_mem>>) src(%dma_wait3A_665 : memref<10240x128xf32, #tpu.memory_space<vmem_shared>>) dst(%arg8 : memref<80x128xf32, #tpu.memory_space<vmem>>)
      tpu.yield
    }) : () -> ()
    "tpu.region"() ({
      %run_scoped3A_655 = tpu.sem_alloc : memref<!tpu.dma_semaphore, #tpu.memory_space<semaphore_mem>>
      %dma_start3A = arith.constant 0 : i32
      %dma_start3A_656 = tpu.memref_slice %arg5[%arg0, %add3A_643, %dma_start3A] : memref<2x10240x128xf32, #tpu.memory_space<hbm>> -> memref<1x80x128xf32, #tpu.memory_space<hbm>>
      %dma_start3A_657 = tpu.memref_squeeze %dma_start3A_656 : memref<1x80x128xf32, #tpu.memory_space<hbm>> -> memref<80x128xf32, #tpu.memory_space<hbm>>
      %dma_start3A_658 = arith.constant 0 : i32
      %dma_start3A_659 = tpu.memref_slice %arg5[%arg0, %add3A_643, %dma_start3A_658] : memref<2x10240x128xf32, #tpu.memory_space<hbm>> -> memref<1x80x128xf32, #tpu.memory_space<hbm>>
      %dma_start3A_660 = tpu.memref_squeeze %dma_start3A_659 : memref<1x80x128xf32, #tpu.memory_space<hbm>> -> memref<80x128xf32, #tpu.memory_space<hbm>>
      tpu.enqueue_dma source(%arg8 : memref<80x128xf32, #tpu.memory_space<vmem>>) target(%dma_start3A_660 : memref<80x128xf32, #tpu.memory_space<hbm>>) target_semaphore(%run_scoped3A_655 : memref<!tpu.dma_semaphore, #tpu.memory_space<semaphore_mem>>)
      %dma_wait3A = arith.constant 0 : i32
      %dma_wait3A_661 = tpu.memref_slice %arg5[%arg0, %add3A_643, %dma_wait3A] : memref<2x10240x128xf32, #tpu.memory_space<hbm>> -> memref<1x80x128xf32, #tpu.memory_space<hbm>>
      %dma_wait3A_662 = tpu.memref_squeeze %dma_wait3A_661 : memref<1x80x128xf32, #tpu.memory_space<hbm>> -> memref<80x128xf32, #tpu.memory_space<hbm>>
      %dma_wait3A_663 = arith.constant 0 : i32
      %dma_wait3A_664 = tpu.memref_slice %arg5[%arg0, %add3A_643, %dma_wait3A_663] : memref<2x10240x128xf32, #tpu.memory_space<hbm>> -> memref<1x80x128xf32, #tpu.memory_space<hbm>>
      %dma_wait3A_665 = tpu.memref_squeeze %dma_wait3A_664 : memref<1x80x128xf32, #tpu.memory_space<hbm>> -> memref<80x128xf32, #tpu.memory_space<hbm>>
      tpu.wait_dma2 semaphore(%run_scoped3A_655 : memref<!tpu.dma_semaphore, #tpu.memory_space<semaphore_mem>>) src(%arg8 : memref<80x128xf32, #tpu.memory_space<vmem>>) dst(%dma_wait3A_665 : memref<80x128xf32, #tpu.memory_space<hbm>>)
      tpu.yield
    }) : () -> ()
    %mul3A_645 = arith.constant 640 : i32
    %mul3A_646 = arith.muli %arg1, %mul3A_645 : i32
    %add3A_647 = arith.constant 480 : i32
    %add3A_648 = arith.addi %mul3A_646, %add3A_647 : i32
    %run_scoped3A_649 = arith.constant 6 : i32
    "tpu.region"() ({
      %run_scoped3A_655 = tpu.sem_alloc : memref<!tpu.dma_semaphore, #tpu.memory_space<semaphore_mem>>
      %dma_start3A = arith.constant 0 : i32
      %dma_start3A_656 = tpu.memref_slice %arg9[%run_scoped3A_649, %dma_start3A] : memref<8x80xi32, #tpu.memory_space<vmem>> -> memref<1x80xi32, #tpu.memory_space<vmem>>
      %dma_start3A_657 = tpu.memref_squeeze %dma_start3A_656 : memref<1x80xi32, #tpu.memory_space<vmem>> -> memref<80xi32, #tpu.memory_space<vmem>>
      %dma_start3A_658 = arith.constant 0 : i32
      %dma_start3A_659 = arith.constant 0 : i32
      %dma_start3A_660 = tpu.memref_slice %arg10[%dma_start3A_658, %dma_start3A_659] : memref<10240x128xf32, #tpu.memory_space<vmem_shared>> -> memref<10240x128xf32, #tpu.memory_space<vmem_shared>>
      tpu.enqueue_indirect_dma source(%dma_start3A_660 : memref<10240x128xf32, #tpu.memory_space<vmem_shared>>) target(%arg8 : memref<80x128xf32, #tpu.memory_space<vmem>>) offsets(%dma_start3A_657 : memref<80xi32, #tpu.memory_space<vmem>>) semaphore(%run_scoped3A_655 : memref<!tpu.dma_semaphore, #tpu.memory_space<semaphore_mem>>)
      %dma_wait3A = arith.constant 0 : i32
      %dma_wait3A_661 = tpu.memref_slice %arg9[%run_scoped3A_649, %dma_wait3A] : memref<8x80xi32, #tpu.memory_space<vmem>> -> memref<1x80xi32, #tpu.memory_space<vmem>>
      %dma_wait3A_662 = tpu.memref_squeeze %dma_wait3A_661 : memref<1x80xi32, #tpu.memory_space<vmem>> -> memref<80xi32, #tpu.memory_space<vmem>>
      %dma_wait3A_663 = arith.constant 0 : i32
      %dma_wait3A_664 = arith.constant 0 : i32
      %dma_wait3A_665 = tpu.memref_slice %arg10[%dma_wait3A_663, %dma_wait3A_664] : memref<10240x128xf32, #tpu.memory_space<vmem_shared>> -> memref<10240x128xf32, #tpu.memory_space<vmem_shared>>
      tpu.wait_indirect_dma semaphore(%run_scoped3A_655 : memref<!tpu.dma_semaphore, #tpu.memory_space<semaphore_mem>>) src(%dma_wait3A_665 : memref<10240x128xf32, #tpu.memory_space<vmem_shared>>) dst(%arg8 : memref<80x128xf32, #tpu.memory_space<vmem>>)
      tpu.yield
    }) : () -> ()
    "tpu.region"() ({
      %run_scoped3A_655 = tpu.sem_alloc : memref<!tpu.dma_semaphore, #tpu.memory_space<semaphore_mem>>
      %dma_start3A = arith.constant 0 : i32
      %dma_start3A_656 = tpu.memref_slice %arg5[%arg0, %add3A_648, %dma_start3A] : memref<2x10240x128xf32, #tpu.memory_space<hbm>> -> memref<1x80x128xf32, #tpu.memory_space<hbm>>
      %dma_start3A_657 = tpu.memref_squeeze %dma_start3A_656 : memref<1x80x128xf32, #tpu.memory_space<hbm>> -> memref<80x128xf32, #tpu.memory_space<hbm>>
      %dma_start3A_658 = arith.constant 0 : i32
      %dma_start3A_659 = tpu.memref_slice %arg5[%arg0, %add3A_648, %dma_start3A_658] : memref<2x10240x128xf32, #tpu.memory_space<hbm>> -> memref<1x80x128xf32, #tpu.memory_space<hbm>>
      %dma_start3A_660 = tpu.memref_squeeze %dma_start3A_659 : memref<1x80x128xf32, #tpu.memory_space<hbm>> -> memref<80x128xf32, #tpu.memory_space<hbm>>
      tpu.enqueue_dma source(%arg8 : memref<80x128xf32, #tpu.memory_space<vmem>>) target(%dma_start3A_660 : memref<80x128xf32, #tpu.memory_space<hbm>>) target_semaphore(%run_scoped3A_655 : memref<!tpu.dma_semaphore, #tpu.memory_space<semaphore_mem>>)
      %dma_wait3A = arith.constant 0 : i32
      %dma_wait3A_661 = tpu.memref_slice %arg5[%arg0, %add3A_648, %dma_wait3A] : memref<2x10240x128xf32, #tpu.memory_space<hbm>> -> memref<1x80x128xf32, #tpu.memory_space<hbm>>
      %dma_wait3A_662 = tpu.memref_squeeze %dma_wait3A_661 : memref<1x80x128xf32, #tpu.memory_space<hbm>> -> memref<80x128xf32, #tpu.memory_space<hbm>>
      %dma_wait3A_663 = arith.constant 0 : i32
      %dma_wait3A_664 = tpu.memref_slice %arg5[%arg0, %add3A_648, %dma_wait3A_663] : memref<2x10240x128xf32, #tpu.memory_space<hbm>> -> memref<1x80x128xf32, #tpu.memory_space<hbm>>
      %dma_wait3A_665 = tpu.memref_squeeze %dma_wait3A_664 : memref<1x80x128xf32, #tpu.memory_space<hbm>> -> memref<80x128xf32, #tpu.memory_space<hbm>>
      tpu.wait_dma2 semaphore(%run_scoped3A_655 : memref<!tpu.dma_semaphore, #tpu.memory_space<semaphore_mem>>) src(%arg8 : memref<80x128xf32, #tpu.memory_space<vmem>>) dst(%dma_wait3A_665 : memref<80x128xf32, #tpu.memory_space<hbm>>)
      tpu.yield
    }) : () -> ()
    %mul3A_650 = arith.constant 640 : i32
    %mul3A_651 = arith.muli %arg1, %mul3A_650 : i32
    %add3A_652 = arith.constant 560 : i32
    %add3A_653 = arith.addi %mul3A_651, %add3A_652 : i32
    %run_scoped3A_654 = arith.constant 7 : i32
    "tpu.region"() ({
      %run_scoped3A_655 = tpu.sem_alloc : memref<!tpu.dma_semaphore, #tpu.memory_space<semaphore_mem>>
      %dma_start3A = arith.constant 0 : i32
      %dma_start3A_656 = tpu.memref_slice %arg9[%run_scoped3A_654, %dma_start3A] : memref<8x80xi32, #tpu.memory_space<vmem>> -> memref<1x80xi32, #tpu.memory_space<vmem>>
      %dma_start3A_657 = tpu.memref_squeeze %dma_start3A_656 : memref<1x80xi32, #tpu.memory_space<vmem>> -> memref<80xi32, #tpu.memory_space<vmem>>
      %dma_start3A_658 = arith.constant 0 : i32
      %dma_start3A_659 = arith.constant 0 : i32
      %dma_start3A_660 = tpu.memref_slice %arg10[%dma_start3A_658, %dma_start3A_659] : memref<10240x128xf32, #tpu.memory_space<vmem_shared>> -> memref<10240x128xf32, #tpu.memory_space<vmem_shared>>
      tpu.enqueue_indirect_dma source(%dma_start3A_660 : memref<10240x128xf32, #tpu.memory_space<vmem_shared>>) target(%arg8 : memref<80x128xf32, #tpu.memory_space<vmem>>) offsets(%dma_start3A_657 : memref<80xi32, #tpu.memory_space<vmem>>) semaphore(%run_scoped3A_655 : memref<!tpu.dma_semaphore, #tpu.memory_space<semaphore_mem>>)
      %dma_wait3A = arith.constant 0 : i32
      %dma_wait3A_661 = tpu.memref_slice %arg9[%run_scoped3A_654, %dma_wait3A] : memref<8x80xi32, #tpu.memory_space<vmem>> -> memref<1x80xi32, #tpu.memory_space<vmem>>
      %dma_wait3A_662 = tpu.memref_squeeze %dma_wait3A_661 : memref<1x80xi32, #tpu.memory_space<vmem>> -> memref<80xi32, #tpu.memory_space<vmem>>
      %dma_wait3A_663 = arith.constant 0 : i32
      %dma_wait3A_664 = arith.constant 0 : i32
      %dma_wait3A_665 = tpu.memref_slice %arg10[%dma_wait3A_663, %dma_wait3A_664] : memref<10240x128xf32, #tpu.memory_space<vmem_shared>> -> memref<10240x128xf32, #tpu.memory_space<vmem_shared>>
      tpu.wait_indirect_dma semaphore(%run_scoped3A_655 : memref<!tpu.dma_semaphore, #tpu.memory_space<semaphore_mem>>) src(%dma_wait3A_665 : memref<10240x128xf32, #tpu.memory_space<vmem_shared>>) dst(%arg8 : memref<80x128xf32, #tpu.memory_space<vmem>>)
      tpu.yield
    }) : () -> ()
    "tpu.region"() ({
      %run_scoped3A_655 = tpu.sem_alloc : memref<!tpu.dma_semaphore, #tpu.memory_space<semaphore_mem>>
      %dma_start3A = arith.constant 0 : i32
      %dma_start3A_656 = tpu.memref_slice %arg5[%arg0, %add3A_653, %dma_start3A] : memref<2x10240x128xf32, #tpu.memory_space<hbm>> -> memref<1x80x128xf32, #tpu.memory_space<hbm>>
      %dma_start3A_657 = tpu.memref_squeeze %dma_start3A_656 : memref<1x80x128xf32, #tpu.memory_space<hbm>> -> memref<80x128xf32, #tpu.memory_space<hbm>>
      %dma_start3A_658 = arith.constant 0 : i32
      %dma_start3A_659 = tpu.memref_slice %arg5[%arg0, %add3A_653, %dma_start3A_658] : memref<2x10240x128xf32, #tpu.memory_space<hbm>> -> memref<1x80x128xf32, #tpu.memory_space<hbm>>
      %dma_start3A_660 = tpu.memref_squeeze %dma_start3A_659 : memref<1x80x128xf32, #tpu.memory_space<hbm>> -> memref<80x128xf32, #tpu.memory_space<hbm>>
      tpu.enqueue_dma source(%arg8 : memref<80x128xf32, #tpu.memory_space<vmem>>) target(%dma_start3A_660 : memref<80x128xf32, #tpu.memory_space<hbm>>) target_semaphore(%run_scoped3A_655 : memref<!tpu.dma_semaphore, #tpu.memory_space<semaphore_mem>>)
      %dma_wait3A = arith.constant 0 : i32
      %dma_wait3A_661 = tpu.memref_slice %arg5[%arg0, %add3A_653, %dma_wait3A] : memref<2x10240x128xf32, #tpu.memory_space<hbm>> -> memref<1x80x128xf32, #tpu.memory_space<hbm>>
      %dma_wait3A_662 = tpu.memref_squeeze %dma_wait3A_661 : memref<1x80x128xf32, #tpu.memory_space<hbm>> -> memref<80x128xf32, #tpu.memory_space<hbm>>
      %dma_wait3A_663 = arith.constant 0 : i32
      %dma_wait3A_664 = tpu.memref_slice %arg5[%arg0, %add3A_653, %dma_wait3A_663] : memref<2x10240x128xf32, #tpu.memory_space<hbm>> -> memref<1x80x128xf32, #tpu.memory_space<hbm>>
      %dma_wait3A_665 = tpu.memref_squeeze %dma_wait3A_664 : memref<1x80x128xf32, #tpu.memory_space<hbm>> -> memref<80x128xf32, #tpu.memory_space<hbm>>
      tpu.wait_dma2 semaphore(%run_scoped3A_655 : memref<!tpu.dma_semaphore, #tpu.memory_space<semaphore_mem>>) src(%arg8 : memref<80x128xf32, #tpu.memory_space<vmem>>) dst(%dma_wait3A_665 : memref<80x128xf32, #tpu.memory_space<hbm>>)
      tpu.yield
    }) : () -> ()
    return
  }
}

module attributes {stable_mosaic.version = 14 : i64} {
  func.func @_tc_encoder_body(%arg0: i32, %arg1: memref<1000x128xf32, #tpu.memory_space<vmem>>, %arg2: memref<2x1000x16xf32, #tpu.memory_space<vmem>>, %arg3: memref<128x128xf32, #tpu.memory_space<vmem>>, %arg4: memref<1x128xf32, #tpu.memory_space<vmem>>, %arg5: memref<128x128xf32, #tpu.memory_space<vmem>>, %arg6: memref<1x128xf32, #tpu.memory_space<vmem>>, %arg7: memref<128x128xf32, #tpu.memory_space<vmem>>, %arg8: memref<1x128xf32, #tpu.memory_space<vmem>>, %arg9: memref<1000x128xf32, #tpu.memory_space<vmem>>, %arg10: memref<1000x128xf32, #tpu.memory_space<vmem>>) attributes {dimension_semantics = [#tpu.dimension_semantics<arbitrary>], iteration_bounds = array<i64: 10>, scalar_prefetch = 0 : i64, scratch_operands = 0 : i64, tpu.core_type = #tpu.core_type<tc>, window_params = [{transform_indices = @transform_0, window_bounds = array<i64: 1000, 128>}, {transform_indices = @transform_1, window_bounds = array<i64: 2, 1000, 16>}, {pipeline_mode = #tpu.pipeline_mode<synchronous>, transform_indices = @transform_2, window_bounds = array<i64: 128, 128>}, {pipeline_mode = #tpu.pipeline_mode<synchronous>, transform_indices = @transform_3, window_bounds = array<i64: 1, 128>}, {pipeline_mode = #tpu.pipeline_mode<synchronous>, transform_indices = @transform_4, window_bounds = array<i64: 128, 128>}, {pipeline_mode = #tpu.pipeline_mode<synchronous>, transform_indices = @transform_5, window_bounds = array<i64: 1, 128>}, {pipeline_mode = #tpu.pipeline_mode<synchronous>, transform_indices = @transform_6, window_bounds = array<i64: 128, 128>}, {pipeline_mode = #tpu.pipeline_mode<synchronous>, transform_indices = @transform_7, window_bounds = array<i64: 1, 128>}, {transform_indices = @transform_8, window_bounds = array<i64: 1000, 128>}, {transform_indices = @transform_9, window_bounds = array<i64: 1000, 128>}]} {
    %get3A = arith.constant 0 : index
    %get3A_0 = arith.constant 0 : index
    %get3A_1 = vector.load %arg1[%get3A, %get3A_0] : memref<1000x128xf32, #tpu.memory_space<vmem>>, vector<1000x128xf32>
    %get3A_2 = arith.constant 0 : index
    %get3A_3 = arith.constant 0 : index
    %get3A_4 = vector.load %arg3[%get3A_2, %get3A_3] : memref<128x128xf32, #tpu.memory_space<vmem>>, vector<128x128xf32>
    %dot_general3A = arith.constant dense<0.000000e+00> : vector<1000x128xf32>
    %dot_general3A_5 = tpu.matmul %get3A_1, %get3A_4, %dot_general3A {dimension_numbers = #tpu.dot_dimension_numbers<[1], [0], [0], [1], [0, 0, 1, 1], [], []>, transpose_lhs_hint = false} : vector<1000x128xf32>, vector<128x128xf32>, vector<1000x128xf32> -> vector<1000x128xf32>
    %get3A_6 = arith.constant 0 : index
    %get3A_7 = arith.constant 0 : index
    %get3A_8 = vector.load %arg4[%get3A_6, %get3A_7] : memref<1x128xf32, #tpu.memory_space<vmem>>, vector<1x128xf32>
    %add3A = vector.broadcast %get3A_8 : vector<1x128xf32> to vector<1000x128xf32>
    %add3A_9 = arith.addf %dot_general3A_5, %add3A : vector<1000x128xf32>
    %max3A = arith.constant 0.000000e+00 : f32
    %max3A_10 = vector.broadcast %max3A : f32 to vector<1000x128xf32>
    %max3A_11 = arith.maximumf %add3A_9, %max3A_10 : vector<1000x128xf32>
    %get3A_12 = arith.constant 0 : index
    %get3A_13 = arith.constant 0 : index
    %get3A_14 = vector.load %arg5[%get3A_12, %get3A_13] : memref<128x128xf32, #tpu.memory_space<vmem>>, vector<128x128xf32>
    %dot_general3A_15 = arith.constant dense<0.000000e+00> : vector<1000x128xf32>
    %dot_general3A_16 = tpu.matmul %max3A_11, %get3A_14, %dot_general3A_15 {dimension_numbers = #tpu.dot_dimension_numbers<[1], [0], [0], [1], [0, 0, 1, 1], [], []>, transpose_lhs_hint = false} : vector<1000x128xf32>, vector<128x128xf32>, vector<1000x128xf32> -> vector<1000x128xf32>
    %get3A_17 = arith.constant 0 : index
    %get3A_18 = arith.constant 0 : index
    %get3A_19 = vector.load %arg6[%get3A_17, %get3A_18] : memref<1x128xf32, #tpu.memory_space<vmem>>, vector<1x128xf32>
    %add3A_20 = vector.broadcast %get3A_19 : vector<1x128xf32> to vector<1000x128xf32>
    %add3A_21 = arith.addf %dot_general3A_16, %add3A_20 : vector<1000x128xf32>
    %get3A_22 = arith.constant 0 : index
    %get3A_23 = arith.constant 0 : index
    %get3A_24 = vector.load %arg7[%get3A_22, %get3A_23] : memref<128x128xf32, #tpu.memory_space<vmem>>, vector<128x128xf32>
    %dot_general3A_25 = arith.constant dense<0.000000e+00> : vector<1000x128xf32>
    %dot_general3A_26 = tpu.matmul %add3A_21, %get3A_24, %dot_general3A_25 {dimension_numbers = #tpu.dot_dimension_numbers<[1], [0], [0], [1], [0, 0, 1, 1], [], []>, transpose_lhs_hint = false} : vector<1000x128xf32>, vector<128x128xf32>, vector<1000x128xf32> -> vector<1000x128xf32>
    %get3A_27 = arith.constant 0 : index
    %get3A_28 = arith.constant 0 : index
    %get3A_29 = vector.load %arg8[%get3A_27, %get3A_28] : memref<1x128xf32, #tpu.memory_space<vmem>>, vector<1x128xf32>
    %add3A_30 = vector.broadcast %get3A_29 : vector<1x128xf32> to vector<1000x128xf32>
    %add3A_31 = arith.addf %dot_general3A_26, %add3A_30 : vector<1000x128xf32>
    %get3A_32 = arith.constant 0 : index
    %get3A_33 = arith.constant 0 : index
    %get3A_34 = arith.constant 0 : index
    %get3A_35 = vector.load %arg2[%get3A_32, %get3A_33, %get3A_34] : memref<2x1000x16xf32, #tpu.memory_space<vmem>>, vector<1x1000x1xf32>
    %get3A_36 = vector.shape_cast %get3A_35 : vector<1x1000x1xf32> to vector<1000x1xf32>
    %get3A_37 = arith.constant 1 : index
    %get3A_38 = arith.constant 0 : index
    %get3A_39 = arith.constant 0 : index
    %get3A_40 = vector.load %arg2[%get3A_37, %get3A_38, %get3A_39] : memref<2x1000x16xf32, #tpu.memory_space<vmem>>, vector<1x1000x1xf32>
    %get3A_41 = vector.shape_cast %get3A_40 : vector<1x1000x1xf32> to vector<1000x1xf32>
    %add3A_42 = arith.addf %get3A_36, %get3A_41 : vector<1000x1xf32>
    %add3A_43 = arith.constant 1.000000e+00 : f32
    %add3A_44 = vector.broadcast %add3A_43 : f32 to vector<1000x1xf32>
    %add3A_45 = arith.addf %add3A_42, %add3A_44 : vector<1000x1xf32>
    %rsqrt3A = math.rsqrt %add3A_45 : vector<1000x1xf32>
    %swap3A = arith.constant 0 : index
    %swap3A_46 = arith.constant 0 : index
    %swap3A_47 = vector.load %arg10[%swap3A, %swap3A_46] : memref<1000x128xf32, #tpu.memory_space<vmem>>, vector<1000x128xf32>
    tpu.vector_store %arg10[%swap3A, %swap3A_46], %add3A_31 {strides = array<i32>} : memref<1000x128xf32, #tpu.memory_space<vmem>>, vector<1000x128xf32>,
    %mul3A = vector.broadcast %rsqrt3A : vector<1000x1xf32> to vector<1000x128xf32>
    %mul3A_48 = arith.mulf %mul3A, %add3A_31 : vector<1000x128xf32>
    %swap3A_49 = arith.constant 0 : index
    %swap3A_50 = arith.constant 0 : index
    %swap3A_51 = vector.load %arg9[%swap3A_49, %swap3A_50] : memref<1000x128xf32, #tpu.memory_space<vmem>>, vector<1000x128xf32>
    tpu.vector_store %arg9[%swap3A_49, %swap3A_50], %mul3A_48 {strides = array<i32>} : memref<1000x128xf32, #tpu.memory_space<vmem>>, vector<1000x128xf32>,
    return
  }
  func.func @transform_0(%arg0: i32) -> (i32, i32) {
    %c0_i32 = arith.constant 0 : i32
    %c0_i32_0 = arith.constant 0 : i32
    return %arg0, %c0_i32 : i32, i32
  }
  func.func @transform_1(%arg0: i32) -> (i32, i32, i32) {
    %c0_i32 = arith.constant 0 : i32
    %c0_i32_0 = arith.constant 0 : i32
    %c0_i32_1 = arith.constant 0 : i32
    return %c0_i32, %arg0, %c0_i32_0 : i32, i32, i32
  }
  func.func @transform_2(%arg0: i32) -> (i32, i32) {
    %c0_i32 = arith.constant 0 : i32
    %c0_i32_0 = arith.constant 0 : i32
    %c0_i32_1 = arith.constant 0 : i32
    return %c0_i32, %c0_i32_0 : i32, i32
  }
  func.func @transform_3(%arg0: i32) -> (i32, i32) {
    %c0_i32 = arith.constant 0 : i32
    %c0_i32_0 = arith.constant 0 : i32
    %c0_i32_1 = arith.constant 0 : i32
    return %c0_i32, %c0_i32_0 : i32, i32
  }
  func.func @transform_4(%arg0: i32) -> (i32, i32) {
    %c0_i32 = arith.constant 0 : i32
    %c0_i32_0 = arith.constant 0 : i32
    %c0_i32_1 = arith.constant 0 : i32
    return %c0_i32, %c0_i32_0 : i32, i32
  }
  func.func @transform_5(%arg0: i32) -> (i32, i32) {
    %c0_i32 = arith.constant 0 : i32
    %c0_i32_0 = arith.constant 0 : i32
    %c0_i32_1 = arith.constant 0 : i32
    return %c0_i32, %c0_i32_0 : i32, i32
  }
  func.func @transform_6(%arg0: i32) -> (i32, i32) {
    %c0_i32 = arith.constant 0 : i32
    %c0_i32_0 = arith.constant 0 : i32
    %c0_i32_1 = arith.constant 0 : i32
    return %c0_i32, %c0_i32_0 : i32, i32
  }
  func.func @transform_7(%arg0: i32) -> (i32, i32) {
    %c0_i32 = arith.constant 0 : i32
    %c0_i32_0 = arith.constant 0 : i32
    %c0_i32_1 = arith.constant 0 : i32
    return %c0_i32, %c0_i32_0 : i32, i32
  }
  func.func @transform_8(%arg0: i32) -> (i32, i32) {
    %c0_i32 = arith.constant 0 : i32
    %c0_i32_0 = arith.constant 0 : i32
    return %arg0, %c0_i32 : i32, i32
  }
  func.func @transform_9(%arg0: i32) -> (i32, i32) {
    %c0_i32 = arith.constant 0 : i32
    %c0_i32_0 = arith.constant 0 : i32
    return %arg0, %c0_i32 : i32, i32
  }
}

module attributes {stable_mosaic.version = 14 : i64} {
  func.func @_tc_mid_body(%arg0: i32, %arg1: memref<2x1000x128xf32, #tpu.memory_space<vmem>>, %arg2: memref<2x1000x16xf32, #tpu.memory_space<vmem>>, %arg3: memref<1000x128xf32, #tpu.memory_space<vmem>>, %arg4: memref<128x128xf32, #tpu.memory_space<vmem>>, %arg5: memref<1x128xf32, #tpu.memory_space<vmem>>, %arg6: memref<1000x128xf32, #tpu.memory_space<vmem>>, %arg7: memref<1000x128xf32, #tpu.memory_space<vmem>>) attributes {dimension_semantics = [#tpu.dimension_semantics<arbitrary>], iteration_bounds = array<i64: 10>, scalar_prefetch = 0 : i64, scratch_operands = 0 : i64, tpu.core_type = #tpu.core_type<tc>, window_params = [{transform_indices = @transform_0, window_bounds = array<i64: 2, 1000, 128>}, {transform_indices = @transform_1, window_bounds = array<i64: 2, 1000, 16>}, {transform_indices = @transform_2, window_bounds = array<i64: 1000, 128>}, {pipeline_mode = #tpu.pipeline_mode<synchronous>, transform_indices = @transform_3, window_bounds = array<i64: 128, 128>}, {pipeline_mode = #tpu.pipeline_mode<synchronous>, transform_indices = @transform_4, window_bounds = array<i64: 1, 128>}, {transform_indices = @transform_5, window_bounds = array<i64: 1000, 128>}, {transform_indices = @transform_6, window_bounds = array<i64: 1000, 128>}]} {
    %get3A = arith.constant 0 : index
    %get3A_0 = arith.constant 0 : index
    %get3A_1 = arith.constant 0 : index
    %get3A_2 = vector.load %arg2[%get3A, %get3A_0, %get3A_1] : memref<2x1000x16xf32, #tpu.memory_space<vmem>>, vector<1x1000x1xf32>
    %get3A_3 = vector.shape_cast %get3A_2 : vector<1x1000x1xf32> to vector<1000x1xf32>
    %get3A_4 = arith.constant 1 : index
    %get3A_5 = arith.constant 0 : index
    %get3A_6 = arith.constant 0 : index
    %get3A_7 = vector.load %arg2[%get3A_4, %get3A_5, %get3A_6] : memref<2x1000x16xf32, #tpu.memory_space<vmem>>, vector<1x1000x1xf32>
    %get3A_8 = vector.shape_cast %get3A_7 : vector<1x1000x1xf32> to vector<1000x1xf32>
    %add3A = arith.addf %get3A_3, %get3A_8 : vector<1000x1xf32>
    %add3A_9 = arith.constant 1.000000e+00 : f32
    %add3A_10 = vector.broadcast %add3A_9 : f32 to vector<1000x1xf32>
    %add3A_11 = arith.addf %add3A, %add3A_10 : vector<1000x1xf32>
    %rsqrt3A = math.rsqrt %add3A_11 : vector<1000x1xf32>
    %get3A_12 = arith.constant 0 : index
    %get3A_13 = arith.constant 0 : index
    %get3A_14 = arith.constant 0 : index
    %get3A_15 = vector.load %arg1[%get3A_12, %get3A_13, %get3A_14] : memref<2x1000x128xf32, #tpu.memory_space<vmem>>, vector<1x1000x128xf32>
    %get3A_16 = vector.shape_cast %get3A_15 : vector<1x1000x128xf32> to vector<1000x128xf32>
    %get3A_17 = arith.constant 1 : index
    %get3A_18 = arith.constant 0 : index
    %get3A_19 = arith.constant 0 : index
    %get3A_20 = vector.load %arg1[%get3A_17, %get3A_18, %get3A_19] : memref<2x1000x128xf32, #tpu.memory_space<vmem>>, vector<1x1000x128xf32>
    %get3A_21 = vector.shape_cast %get3A_20 : vector<1x1000x128xf32> to vector<1000x128xf32>
    %add3A_22 = arith.addf %get3A_16, %get3A_21 : vector<1000x128xf32>
    %mul3A = vector.broadcast %rsqrt3A : vector<1000x1xf32> to vector<1000x128xf32>
    %mul3A_23 = arith.mulf %mul3A, %add3A_22 : vector<1000x128xf32>
    %mul3A_24 = arith.mulf %rsqrt3A, %rsqrt3A : vector<1000x1xf32>
    %get3A_25 = arith.constant 0 : index
    %get3A_26 = arith.constant 0 : index
    %get3A_27 = vector.load %arg3[%get3A_25, %get3A_26] : memref<1000x128xf32, #tpu.memory_space<vmem>>, vector<1000x128xf32>
    %mul3A_28 = vector.broadcast %mul3A_24 : vector<1000x1xf32> to vector<1000x128xf32>
    %mul3A_29 = arith.mulf %mul3A_28, %get3A_27 : vector<1000x128xf32>
    %add3A_30 = arith.addf %mul3A_23, %mul3A_29 : vector<1000x128xf32>
    %max3A = arith.constant 0.000000e+00 : f32
    %max3A_31 = vector.broadcast %max3A : f32 to vector<1000x128xf32>
    %max3A_32 = arith.maximumf %add3A_30, %max3A_31 : vector<1000x128xf32>
    %get3A_33 = arith.constant 0 : index
    %get3A_34 = arith.constant 0 : index
    %get3A_35 = vector.load %arg4[%get3A_33, %get3A_34] : memref<128x128xf32, #tpu.memory_space<vmem>>, vector<128x128xf32>
    %dot_general3A = arith.constant dense<0.000000e+00> : vector<1000x128xf32>
    %dot_general3A_36 = tpu.matmul %max3A_32, %get3A_35, %dot_general3A {dimension_numbers = #tpu.dot_dimension_numbers<[1], [0], [0], [1], [0, 0, 1, 1], [], []>, transpose_lhs_hint = false} : vector<1000x128xf32>, vector<128x128xf32>, vector<1000x128xf32> -> vector<1000x128xf32>
    %get3A_37 = arith.constant 0 : index
    %get3A_38 = arith.constant 0 : index
    %get3A_39 = vector.load %arg5[%get3A_37, %get3A_38] : memref<1x128xf32, #tpu.memory_space<vmem>>, vector<1x128xf32>
    %add3A_40 = vector.broadcast %get3A_39 : vector<1x128xf32> to vector<1000x128xf32>
    %add3A_41 = arith.addf %dot_general3A_36, %add3A_40 : vector<1000x128xf32>
    %swap3A = arith.constant 0 : index
    %swap3A_42 = arith.constant 0 : index
    %swap3A_43 = vector.load %arg7[%swap3A, %swap3A_42] : memref<1000x128xf32, #tpu.memory_space<vmem>>, vector<1000x128xf32>
    tpu.vector_store %arg7[%swap3A, %swap3A_42], %add3A_41 {strides = array<i32>} : memref<1000x128xf32, #tpu.memory_space<vmem>>, vector<1000x128xf32>,
    %mul3A_44 = vector.broadcast %rsqrt3A : vector<1000x1xf32> to vector<1000x128xf32>
    %mul3A_45 = arith.mulf %mul3A_44, %add3A_41 : vector<1000x128xf32>
    %swap3A_46 = arith.constant 0 : index
    %swap3A_47 = arith.constant 0 : index
    %swap3A_48 = vector.load %arg6[%swap3A_46, %swap3A_47] : memref<1000x128xf32, #tpu.memory_space<vmem>>, vector<1000x128xf32>
    tpu.vector_store %arg6[%swap3A_46, %swap3A_47], %mul3A_45 {strides = array<i32>} : memref<1000x128xf32, #tpu.memory_space<vmem>>, vector<1000x128xf32>,
    return
  }
  func.func @transform_0(%arg0: i32) -> (i32, i32, i32) {
    %c0_i32 = arith.constant 0 : i32
    %c0_i32_0 = arith.constant 0 : i32
    %c0_i32_1 = arith.constant 0 : i32
    return %c0_i32, %arg0, %c0_i32_0 : i32, i32, i32
  }
  func.func @transform_1(%arg0: i32) -> (i32, i32, i32) {
    %c0_i32 = arith.constant 0 : i32
    %c0_i32_0 = arith.constant 0 : i32
    %c0_i32_1 = arith.constant 0 : i32
    return %c0_i32, %arg0, %c0_i32_0 : i32, i32, i32
  }
  func.func @transform_2(%arg0: i32) -> (i32, i32) {
    %c0_i32 = arith.constant 0 : i32
    %c0_i32_0 = arith.constant 0 : i32
    return %arg0, %c0_i32 : i32, i32
  }
  func.func @transform_3(%arg0: i32) -> (i32, i32) {
    %c0_i32 = arith.constant 0 : i32
    %c0_i32_0 = arith.constant 0 : i32
    %c0_i32_1 = arith.constant 0 : i32
    return %c0_i32, %c0_i32_0 : i32, i32
  }
  func.func @transform_4(%arg0: i32) -> (i32, i32) {
    %c0_i32 = arith.constant 0 : i32
    %c0_i32_0 = arith.constant 0 : i32
    %c0_i32_1 = arith.constant 0 : i32
    return %c0_i32, %c0_i32_0 : i32, i32
  }
  func.func @transform_5(%arg0: i32) -> (i32, i32) {
    %c0_i32 = arith.constant 0 : i32
    %c0_i32_0 = arith.constant 0 : i32
    return %arg0, %c0_i32 : i32, i32
  }
  func.func @transform_6(%arg0: i32) -> (i32, i32) {
    %c0_i32 = arith.constant 0 : i32
    %c0_i32_0 = arith.constant 0 : i32
    return %arg0, %c0_i32 : i32, i32
  }
}

module attributes {stable_mosaic.version = 14 : i64} {
  func.func @_tc_final_body(%arg0: i32, %arg1: memref<2x1000x128xf32, #tpu.memory_space<vmem>>, %arg2: memref<2x1000x16xf32, #tpu.memory_space<vmem>>, %arg3: memref<1000x128xf32, #tpu.memory_space<vmem>>, %arg4: memref<128x1xf32, #tpu.memory_space<vmem>>, %arg5: memref<1x128xf32, #tpu.memory_space<vmem>>, %arg6: memref<1000x1xf32, #tpu.memory_space<vmem>>) attributes {dimension_semantics = [#tpu.dimension_semantics<arbitrary>], iteration_bounds = array<i64: 10>, scalar_prefetch = 0 : i64, scratch_operands = 0 : i64, tpu.core_type = #tpu.core_type<tc>, window_params = [{transform_indices = @transform_0, window_bounds = array<i64: 2, 1000, 128>}, {transform_indices = @transform_1, window_bounds = array<i64: 2, 1000, 16>}, {transform_indices = @transform_2, window_bounds = array<i64: 1000, 128>}, {pipeline_mode = #tpu.pipeline_mode<synchronous>, transform_indices = @transform_3, window_bounds = array<i64: 128, 1>}, {pipeline_mode = #tpu.pipeline_mode<synchronous>, transform_indices = @transform_4, window_bounds = array<i64: 1, 128>}, {transform_indices = @transform_5, window_bounds = array<i64: 1000, 1>}]} {
    %get3A = arith.constant 0 : index
    %get3A_0 = arith.constant 0 : index
    %get3A_1 = arith.constant 0 : index
    %get3A_2 = vector.load %arg2[%get3A, %get3A_0, %get3A_1] : memref<2x1000x16xf32, #tpu.memory_space<vmem>>, vector<1x1000x1xf32>
    %get3A_3 = vector.shape_cast %get3A_2 : vector<1x1000x1xf32> to vector<1000x1xf32>
    %get3A_4 = arith.constant 1 : index
    %get3A_5 = arith.constant 0 : index
    %get3A_6 = arith.constant 0 : index
    %get3A_7 = vector.load %arg2[%get3A_4, %get3A_5, %get3A_6] : memref<2x1000x16xf32, #tpu.memory_space<vmem>>, vector<1x1000x1xf32>
    %get3A_8 = vector.shape_cast %get3A_7 : vector<1x1000x1xf32> to vector<1000x1xf32>
    %add3A = arith.addf %get3A_3, %get3A_8 : vector<1000x1xf32>
    %add3A_9 = arith.constant 1.000000e+00 : f32
    %add3A_10 = vector.broadcast %add3A_9 : f32 to vector<1000x1xf32>
    %add3A_11 = arith.addf %add3A, %add3A_10 : vector<1000x1xf32>
    %rsqrt3A = math.rsqrt %add3A_11 : vector<1000x1xf32>
    %get3A_12 = arith.constant 0 : index
    %get3A_13 = arith.constant 0 : index
    %get3A_14 = arith.constant 0 : index
    %get3A_15 = vector.load %arg1[%get3A_12, %get3A_13, %get3A_14] : memref<2x1000x128xf32, #tpu.memory_space<vmem>>, vector<1x1000x128xf32>
    %get3A_16 = vector.shape_cast %get3A_15 : vector<1x1000x128xf32> to vector<1000x128xf32>
    %get3A_17 = arith.constant 1 : index
    %get3A_18 = arith.constant 0 : index
    %get3A_19 = arith.constant 0 : index
    %get3A_20 = vector.load %arg1[%get3A_17, %get3A_18, %get3A_19] : memref<2x1000x128xf32, #tpu.memory_space<vmem>>, vector<1x1000x128xf32>
    %get3A_21 = vector.shape_cast %get3A_20 : vector<1x1000x128xf32> to vector<1000x128xf32>
    %add3A_22 = arith.addf %get3A_16, %get3A_21 : vector<1000x128xf32>
    %mul3A = vector.broadcast %rsqrt3A : vector<1000x1xf32> to vector<1000x128xf32>
    %mul3A_23 = arith.mulf %mul3A, %add3A_22 : vector<1000x128xf32>
    %mul3A_24 = arith.mulf %rsqrt3A, %rsqrt3A : vector<1000x1xf32>
    %get3A_25 = arith.constant 0 : index
    %get3A_26 = arith.constant 0 : index
    %get3A_27 = vector.load %arg3[%get3A_25, %get3A_26] : memref<1000x128xf32, #tpu.memory_space<vmem>>, vector<1000x128xf32>
    %mul3A_28 = vector.broadcast %mul3A_24 : vector<1000x1xf32> to vector<1000x128xf32>
    %mul3A_29 = arith.mulf %mul3A_28, %get3A_27 : vector<1000x128xf32>
    %add3A_30 = arith.addf %mul3A_23, %mul3A_29 : vector<1000x128xf32>
    %max3A = arith.constant 0.000000e+00 : f32
    %max3A_31 = vector.broadcast %max3A : f32 to vector<1000x128xf32>
    %max3A_32 = arith.maximumf %add3A_30, %max3A_31 : vector<1000x128xf32>
    %eq3A = arith.constant 0 : i32
    %eq3A_33 = arith.cmpi eq, %arg0, %eq3A : i32
    %convert_element_type3A = arith.extui %eq3A_33 : i1 to i32
    %cond3A = arith.constant 0 : i32
    %cond3A_34 = arith.cmpi ne, %convert_element_type3A, %cond3A : i32
    scf.if %cond3A_34 {
      %broadcast_in_dim3A_49 = arith.constant 0.000000e+00 : f32
      %broadcast_in_dim3A_50 = vector.broadcast %broadcast_in_dim3A_49 : f32 to vector<1x128xf32>
      %swap3A_51 = arith.constant 0 : index
      %swap3A_52 = arith.constant 0 : index
      %swap3A_53 = vector.load %arg5[%swap3A_51, %swap3A_52] : memref<1x128xf32, #tpu.memory_space<vmem>>, vector<1x128xf32>
      tpu.vector_store %arg5[%swap3A_51, %swap3A_52], %broadcast_in_dim3A_50 {strides = array<i32>} : memref<1x128xf32, #tpu.memory_space<vmem>>, vector<1x128xf32>,
    } else {
    }
    %get3A_35 = arith.constant 0 : index
    %get3A_36 = arith.constant 0 : index
    %get3A_37 = vector.load %arg5[%get3A_35, %get3A_36] : memref<1x128xf32, #tpu.memory_space<vmem>>, vector<1x128xf32>
    %reduce_sum3A = arith.constant dense<0.000000e+00> : vector<128xf32>
    %reduce_sum3A_38 = vector.multi_reduction <add>, %max3A_32, %reduce_sum3A [0] : vector<1000x128xf32> to vector<128xf32>
    %broadcast_in_dim3A = vector.shape_cast %reduce_sum3A_38 : vector<128xf32> to vector<1x128xf32>
    %add3A_39 = arith.addf %get3A_37, %broadcast_in_dim3A : vector<1x128xf32>
    %swap3A = arith.constant 0 : index
    %swap3A_40 = arith.constant 0 : index
    %swap3A_41 = vector.load %arg5[%swap3A, %swap3A_40] : memref<1x128xf32, #tpu.memory_space<vmem>>, vector<1x128xf32>
    tpu.vector_store %arg5[%swap3A, %swap3A_40], %add3A_39 {strides = array<i32>} : memref<1x128xf32, #tpu.memory_space<vmem>>, vector<1x128xf32>,
    %get3A_42 = arith.constant 0 : index
    %get3A_43 = arith.constant 0 : index
    %get3A_44 = vector.load %arg4[%get3A_42, %get3A_43] : memref<128x1xf32, #tpu.memory_space<vmem>>, vector<128x1xf32>
    %dot_general3A = arith.constant dense<0.000000e+00> : vector<1000x1xf32>
    %dot_general3A_45 = tpu.matmul %max3A_32, %get3A_44, %dot_general3A {dimension_numbers = #tpu.dot_dimension_numbers<[1], [0], [0], [1], [0, 0, 1, 1], [], []>, transpose_lhs_hint = false} : vector<1000x128xf32>, vector<128x1xf32>, vector<1000x1xf32> -> vector<1000x1xf32>
    %swap3A_46 = arith.constant 0 : index
    %swap3A_47 = arith.constant 0 : index
    %swap3A_48 = vector.load %arg6[%swap3A_46, %swap3A_47] : memref<1000x1xf32, #tpu.memory_space<vmem>>, vector<1000x1xf32>
    tpu.vector_store %arg6[%swap3A_46, %swap3A_47], %dot_general3A_45 {strides = array<i32>} : memref<1000x1xf32, #tpu.memory_space<vmem>>, vector<1000x1xf32>,
    return
  }
  func.func @transform_0(%arg0: i32) -> (i32, i32, i32) {
    %c0_i32 = arith.constant 0 : i32
    %c0_i32_0 = arith.constant 0 : i32
    %c0_i32_1 = arith.constant 0 : i32
    return %c0_i32, %arg0, %c0_i32_0 : i32, i32, i32
  }
  func.func @transform_1(%arg0: i32) -> (i32, i32, i32) {
    %c0_i32 = arith.constant 0 : i32
    %c0_i32_0 = arith.constant 0 : i32
    %c0_i32_1 = arith.constant 0 : i32
    return %c0_i32, %arg0, %c0_i32_0 : i32, i32, i32
  }
  func.func @transform_2(%arg0: i32) -> (i32, i32) {
    %c0_i32 = arith.constant 0 : i32
    %c0_i32_0 = arith.constant 0 : i32
    return %arg0, %c0_i32 : i32, i32
  }
  func.func @transform_3(%arg0: i32) -> (i32, i32) {
    %c0_i32 = arith.constant 0 : i32
    %c0_i32_0 = arith.constant 0 : i32
    %c0_i32_1 = arith.constant 0 : i32
    return %c0_i32, %c0_i32_0 : i32, i32
  }
  func.func @transform_4(%arg0: i32) -> (i32, i32) {
    %c0_i32 = arith.constant 0 : i32
    %c0_i32_0 = arith.constant 0 : i32
    %c0_i32_1 = arith.constant 0 : i32
    return %c0_i32, %c0_i32_0 : i32, i32
  }
  func.func @transform_5(%arg0: i32) -> (i32, i32) {
    %c0_i32 = arith.constant 0 : i32
    %c0_i32_0 = arith.constant 0 : i32
    return %arg0, %c0_i32 : i32, i32
  }
}

module attributes {stable_mosaic.version = 14 : i64} {
  func.func @_tc_heads_body(%arg0: i32, %arg1: memref<1x128xf32, #tpu.memory_space<vmem>>, %arg2: memref<10000x1xf32, #tpu.memory_space<vmem>>, %arg3: memref<128x128xf32, #tpu.memory_space<vmem>>, %arg4: memref<1x128xf32, #tpu.memory_space<vmem>>, %arg5: memref<128x1xf32, #tpu.memory_space<vmem>>, %arg6: memref<128x1xf32, #tpu.memory_space<vmem>>, %arg7: memref<1x1xf32, #tpu.memory_space<vmem>>, %arg8: memref<128x1xf32, #tpu.memory_space<vmem>>, %arg9: memref<1x1xf32, #tpu.memory_space<vmem>>, %arg10: memref<10000x1xf32, #tpu.memory_space<vmem>>, %arg11: memref<1x1xf32, #tpu.memory_space<vmem>>, %arg12: memref<1x1xf32, #tpu.memory_space<vmem>>) attributes {dimension_semantics = [#tpu.dimension_semantics<arbitrary>], iteration_bounds = array<i64: 1>, scalar_prefetch = 0 : i64, scratch_operands = 0 : i64, tpu.core_type = #tpu.core_type<tc>, window_params = [{pipeline_mode = #tpu.pipeline_mode<synchronous>, transform_indices = @transform_0, window_bounds = array<i64: 1, 128>}, {pipeline_mode = #tpu.pipeline_mode<synchronous>, transform_indices = @transform_1, window_bounds = array<i64: 10000, 1>}, {pipeline_mode = #tpu.pipeline_mode<synchronous>, transform_indices = @transform_2, window_bounds = array<i64: 128, 128>}, {pipeline_mode = #tpu.pipeline_mode<synchronous>, transform_indices = @transform_3, window_bounds = array<i64: 1, 128>}, {pipeline_mode = #tpu.pipeline_mode<synchronous>, transform_indices = @transform_4, window_bounds = array<i64: 128, 1>}, {pipeline_mode = #tpu.pipeline_mode<synchronous>, transform_indices = @transform_5, window_bounds = array<i64: 128, 1>}, {pipeline_mode = #tpu.pipeline_mode<synchronous>, transform_indices = @transform_6, window_bounds = array<i64: 1, 1>}, {pipeline_mode = #tpu.pipeline_mode<synchronous>, transform_indices = @transform_7, window_bounds = array<i64: 128, 1>}, {pipeline_mode = #tpu.pipeline_mode<synchronous>, transform_indices = @transform_8, window_bounds = array<i64: 1, 1>}, {pipeline_mode = #tpu.pipeline_mode<synchronous>, transform_indices = @transform_9, window_bounds = array<i64: 10000, 1>}, {pipeline_mode = #tpu.pipeline_mode<synchronous>, transform_indices = @transform_10, window_bounds = array<i64: 1, 1>}, {pipeline_mode = #tpu.pipeline_mode<synchronous>, transform_indices = @transform_11, window_bounds = array<i64: 1, 1>}]} {
    %get3A = arith.constant 0 : index
    %get3A_0 = arith.constant 0 : index
    %get3A_1 = vector.load %arg1[%get3A, %get3A_0] : memref<1x128xf32, #tpu.memory_space<vmem>>, vector<1x128xf32>
    %mul3A = arith.constant 9.99999974E-5 : f32
    %mul3A_2 = vector.broadcast %mul3A : f32 to vector<1x128xf32>
    %mul3A_3 = arith.mulf %get3A_1, %mul3A_2 : vector<1x128xf32>
    %get3A_4 = arith.constant 0 : index
    %get3A_5 = arith.constant 0 : index
    %get3A_6 = vector.load %arg3[%get3A_4, %get3A_5] : memref<128x128xf32, #tpu.memory_space<vmem>>, vector<128x128xf32>
    %dot_general3A = arith.constant dense<0.000000e+00> : vector<1x128xf32>
    %dot_general3A_7 = tpu.matmul %mul3A_3, %get3A_6, %dot_general3A {dimension_numbers = #tpu.dot_dimension_numbers<[1], [0], [0], [1], [0, 0, 1, 1], [], []>, transpose_lhs_hint = false} : vector<1x128xf32>, vector<128x128xf32>, vector<1x128xf32> -> vector<1x128xf32>
    %get3A_8 = arith.constant 0 : index
    %get3A_9 = arith.constant 0 : index
    %get3A_10 = vector.load %arg4[%get3A_8, %get3A_9] : memref<1x128xf32, #tpu.memory_space<vmem>>, vector<1x128xf32>
    %add3A = arith.addf %dot_general3A_7, %get3A_10 : vector<1x128xf32>
    %max3A = arith.constant 0.000000e+00 : f32
    %max3A_11 = vector.broadcast %max3A : f32 to vector<1x128xf32>
    %max3A_12 = arith.maximumf %add3A, %max3A_11 : vector<1x128xf32>
    %get3A_13 = arith.constant 0 : index
    %get3A_14 = arith.constant 0 : index
    %get3A_15 = vector.load %arg6[%get3A_13, %get3A_14] : memref<128x1xf32, #tpu.memory_space<vmem>>, vector<128x1xf32>
    %dot_general3A_16 = arith.constant dense<0.000000e+00> : vector<1x1xf32>
    %dot_general3A_17 = tpu.matmul %max3A_12, %get3A_15, %dot_general3A_16 {dimension_numbers = #tpu.dot_dimension_numbers<[1], [0], [0], [1], [0, 0, 1, 1], [], []>, transpose_lhs_hint = false} : vector<1x128xf32>, vector<128x1xf32>, vector<1x1xf32> -> vector<1x1xf32>
    %get3A_18 = arith.constant 0 : index
    %get3A_19 = arith.constant 0 : index
    %get3A_20 = vector.load %arg7[%get3A_18, %get3A_19] : memref<1x1xf32, #tpu.memory_space<vmem>>, vector<1x1xf32>
    %add3A_21 = arith.addf %dot_general3A_17, %get3A_20 : vector<1x1xf32>
    %get3A_22 = arith.constant 0 : index
    %get3A_23 = arith.constant 0 : index
    %get3A_24 = vector.load %arg5[%get3A_22, %get3A_23] : memref<128x1xf32, #tpu.memory_space<vmem>>, vector<128x1xf32>
    %dot_general3A_25 = arith.constant dense<0.000000e+00> : vector<1x1xf32>
    %dot_general3A_26 = tpu.matmul %max3A_12, %get3A_24, %dot_general3A_25 {dimension_numbers = #tpu.dot_dimension_numbers<[1], [0], [0], [1], [0, 0, 1, 1], [], []>, transpose_lhs_hint = false} : vector<1x128xf32>, vector<128x1xf32>, vector<1x1xf32> -> vector<1x1xf32>
    %add3A_27 = arith.addf %dot_general3A_26, %add3A_21 : vector<1x1xf32>
    %swap3A = arith.constant 0 : index
    %swap3A_28 = arith.constant 0 : index
    %swap3A_29 = vector.load %arg11[%swap3A, %swap3A_28] : memref<1x1xf32, #tpu.memory_space<vmem>>, vector<1x1xf32>
    tpu.vector_store %arg11[%swap3A, %swap3A_28], %add3A_27 {strides = array<i32>} : memref<1x1xf32, #tpu.memory_space<vmem>>, vector<1x1xf32>,
    %get3A_30 = arith.constant 0 : index
    %get3A_31 = arith.constant 0 : index
    %get3A_32 = vector.load %arg8[%get3A_30, %get3A_31] : memref<128x1xf32, #tpu.memory_space<vmem>>, vector<128x1xf32>
    %dot_general3A_33 = arith.constant dense<0.000000e+00> : vector<1x1xf32>
    %dot_general3A_34 = tpu.matmul %max3A_12, %get3A_32, %dot_general3A_33 {dimension_numbers = #tpu.dot_dimension_numbers<[1], [0], [0], [1], [0, 0, 1, 1], [], []>, transpose_lhs_hint = false} : vector<1x128xf32>, vector<128x1xf32>, vector<1x1xf32> -> vector<1x1xf32>
    %get3A_35 = arith.constant 0 : index
    %get3A_36 = arith.constant 0 : index
    %get3A_37 = vector.load %arg9[%get3A_35, %get3A_36] : memref<1x1xf32, #tpu.memory_space<vmem>>, vector<1x1xf32>
    %add3A_38 = arith.addf %dot_general3A_34, %get3A_37 : vector<1x1xf32>
    %swap3A_39 = arith.constant 0 : index
    %swap3A_40 = arith.constant 0 : index
    %swap3A_41 = vector.load %arg12[%swap3A_39, %swap3A_40] : memref<1x1xf32, #tpu.memory_space<vmem>>, vector<1x1xf32>
    tpu.vector_store %arg12[%swap3A_39, %swap3A_40], %add3A_38 {strides = array<i32>} : memref<1x1xf32, #tpu.memory_space<vmem>>, vector<1x1xf32>,
    %get3A_42 = arith.constant 0 : index
    %get3A_43 = arith.constant 0 : index
    %get3A_44 = vector.load %arg2[%get3A_42, %get3A_43] : memref<10000x1xf32, #tpu.memory_space<vmem>>, vector<10000x1xf32>
    %add3A_45 = vector.broadcast %add3A_21 : vector<1x1xf32> to vector<10000x1xf32>
    %add3A_46 = arith.addf %get3A_44, %add3A_45 : vector<10000x1xf32>
    %swap3A_47 = arith.constant 0 : index
    %swap3A_48 = arith.constant 0 : index
    %swap3A_49 = vector.load %arg10[%swap3A_47, %swap3A_48] : memref<10000x1xf32, #tpu.memory_space<vmem>>, vector<10000x1xf32>
    tpu.vector_store %arg10[%swap3A_47, %swap3A_48], %add3A_46 {strides = array<i32>} : memref<10000x1xf32, #tpu.memory_space<vmem>>, vector<10000x1xf32>,
    return
  }
  func.func @transform_0(%arg0: i32) -> (i32, i32) {
    %c0_i32 = arith.constant 0 : i32
    %c0_i32_0 = arith.constant 0 : i32
    %c0_i32_1 = arith.constant 0 : i32
    return %c0_i32, %c0_i32_0 : i32, i32
  }
  func.func @transform_1(%arg0: i32) -> (i32, i32) {
    %c0_i32 = arith.constant 0 : i32
    %c0_i32_0 = arith.constant 0 : i32
    %c0_i32_1 = arith.constant 0 : i32
    return %c0_i32, %c0_i32_0 : i32, i32
  }
  func.func @transform_2(%arg0: i32) -> (i32, i32) {
    %c0_i32 = arith.constant 0 : i32
    %c0_i32_0 = arith.constant 0 : i32
    %c0_i32_1 = arith.constant 0 : i32
    return %c0_i32, %c0_i32_0 : i32, i32
  }
  func.func @transform_3(%arg0: i32) -> (i32, i32) {
    %c0_i32 = arith.constant 0 : i32
    %c0_i32_0 = arith.constant 0 : i32
    %c0_i32_1 = arith.constant 0 : i32
    return %c0_i32, %c0_i32_0 : i32, i32
  }
  func.func @transform_4(%arg0: i32) -> (i32, i32) {
    %c0_i32 = arith.constant 0 : i32
    %c0_i32_0 = arith.constant 0 : i32
    %c0_i32_1 = arith.constant 0 : i32
    return %c0_i32, %c0_i32_0 : i32, i32
  }
  func.func @transform_5(%arg0: i32) -> (i32, i32) {
    %c0_i32 = arith.constant 0 : i32
    %c0_i32_0 = arith.constant 0 : i32
    %c0_i32_1 = arith.constant 0 : i32
    return %c0_i32, %c0_i32_0 : i32, i32
  }
  func.func @transform_6(%arg0: i32) -> (i32, i32) {
    %c0_i32 = arith.constant 0 : i32
    %c0_i32_0 = arith.constant 0 : i32
    %c0_i32_1 = arith.constant 0 : i32
    return %c0_i32, %c0_i32_0 : i32, i32
  }
  func.func @transform_7(%arg0: i32) -> (i32, i32) {
    %c0_i32 = arith.constant 0 : i32
    %c0_i32_0 = arith.constant 0 : i32
    %c0_i32_1 = arith.constant 0 : i32
    return %c0_i32, %c0_i32_0 : i32, i32
  }
  func.func @transform_8(%arg0: i32) -> (i32, i32) {
    %c0_i32 = arith.constant 0 : i32
    %c0_i32_0 = arith.constant 0 : i32
    %c0_i32_1 = arith.constant 0 : i32
    return %c0_i32, %c0_i32_0 : i32, i32
  }
  func.func @transform_9(%arg0: i32) -> (i32, i32) {
    %c0_i32 = arith.constant 0 : i32
    %c0_i32_0 = arith.constant 0 : i32
    %c0_i32_1 = arith.constant 0 : i32
    return %c0_i32, %c0_i32_0 : i32, i32
  }
  func.func @transform_10(%arg0: i32) -> (i32, i32) {
    %c0_i32 = arith.constant 0 : i32
    %c0_i32_0 = arith.constant 0 : i32
    %c0_i32_1 = arith.constant 0 : i32
    return %c0_i32, %c0_i32_0 : i32, i32
  }
  func.func @transform_11(%arg0: i32) -> (i32, i32) {
    %c0_i32 = arith.constant 0 : i32
    %c0_i32_0 = arith.constant 0 : i32
    %c0_i32_1 = arith.constant 0 : i32
    return %c0_i32, %c0_i32_0 : i32, i32
  }
}

</mosaic_0001>

<sc_bundles>
// kernel: kernel.12.cloned.1.call-start
scs
__scs_entry_jumppad:
0x0: {  	(pc) =	sbr.rel $0x88, $3  }
0x1: {  	(tag) =	ssettag $0x0;
	lr =	simm.s32 $0x1  }
0x2: {  	[smem:$0x3F91] =	sst lr;
	_ =	strace $0xD0000000  }
0x3: {  	_ = 	snop  }
0x4: {  	_ = 	snop  }
0x5: {  	_ = 	snop  }
0x6: {  	_ = 	snop  }
0x7: {  	_ = 	snop  }
__scs_overlays_trampoline_lowered:
0x8: {  	[smem:$0x3FA0] =	sst s0  }
0x9: {  	[smem:$0x3FA1] =	sst s1  }
0xa: {  	[smem:$0x3FA2] =	sst s2  }
0xb: {  	[smem:$0x3FA3] =	sst s3  }
0xc: {  	[smem:$0x3FA4] =	sst s4  }
0xd: {  	[smem:$0x3FA5] =	sst s5  }
0xe: {  	[smem:$0x3FA6] =	sst s6  }
0xf: {  	[smem:$0x3FA7] =	sst s7  }
0x10: {  	[smem:$0x3FA8] =	sst s8  }
0x11: {  	[smem:$0x3FA9] =	sst s9;
	s0 =	simm.s32 @!p0 $0x0  }
0x12: {  	s1 =	sld [smem:$0x3F8F];
	s0 =	simm.s32 @p0 $0x1  }
0x13: {  	[smem:$0x3FAA] =	sst s0;
	s0 =	simm.s32 @!p1 $0x0  }
0x14: {  	s2 =	sld [smem:$0x3F8E];
	s0 =	simm.s32 @p1 $0x1  }
0x15: {  	[smem:$0x3FAB] =	sst s0;
	s0 =	simm.s32 @!p2 $0x0  }
0x16: {  	s3 =	sld [smem:$0x3FDB];
	s0 =	simm.s32 @p2 $0x1  }
0x17: {  	s4 =	simm.s32 $0x1BF5;
	[smem:$0x3FAD] =	sst s0  }
0x18: {  	s0 =	sld [smem:$0x3F90];
	_ =	swait.ge [sflag:s4], $0x0  }
0x19: {  	s7 =	sld [smem:$0x3F91]  }
0x1a: {  	s8 =	sadd.s32 $0xFFFFE003, lr  }
0x1b: {  	s9 =	sadd.s32 $0xFFFFFEF7, lr;
	s5 =	simm.s32 $0xFFFFFFFF;
	p2 =	slt.u32 s8, $0xFFFFF086  }
0x1c: {  	p1 =	slt.u32 s9, $0xF7A;
	s5 =	simm.s32 @!p2 $0x0  }
0x1d: {  	s5 =	simm.s32 @p1 $0x1;
	p0 =	seq.s32 s7, s2  }
0x1e: {  	s7 =	smul.u32 @!p0 $0xF7A, s2;
	p2 =	seq.s32 @!p0 s5, $0x0  }
0x1f: {  	s9 =	smul.u32 $0xF7A, s1;
	s8 =	simm.s32 @!p0 $0x1BF5;
	p2 =	por !p2, p0  }
0x20: {  	[sflag:s8] =	ssyncset.s32 @!p0 $0xFFFFF086;
	s6 =	sadd.s32 @!p0 s3, s7;
	s7 =	simm.s32 @!p0 $0x108  }
0x21: {  	s3 =	sadd.s32 s3, s9;
	s6 =	sadd.s32 @!p0 $0x88, s6;
	s7 =	simm.s32 @p2 $0x1082  }
0x22: {  	[simem:s7], [sflag:s8] =	dma.local @!p0 [hbm:s6], $0xF7A  }
0x23: {  	s9 =	sor.u32 $0xD0000000, s2;
	s6 =	simm.s32 $0x108;
	_ =	swait.ge @!p0 [sflag:s8], $0x0  }
0x24: {  	s3 =	sadd.s32 $0x88, s3;
	s6 =	simm.s32 @!p1 $0x1082;
	[sflag:s4] =	ssyncset.s32 $0xFFFFF086  }
0x25: {  	[simem:s6], [sflag:s4] =	dma.local [hbm:s3], $0xF7A  }
0x26: {  	[smem:$0x3F91] =	sst s1;
	(tag) =	ssettag s2;
	_ =	strace s9  }
0x27: {  	s1 =	sld [smem:$0x3FA1]  }
0x28: {  	s2 =	sld [smem:$0x3FA2]  }
0x29: {  	s4 =	sld [smem:$0x3FA4]  }
0x2a: {  	p0 =	seq.s32 s5, $0x0;
	s5 =	sld [smem:$0x3FA5]  }
0x2b: {  	s6 =	sld [smem:$0x3FA6]  }
0x2c: {  	s7 =	sld [smem:$0x3FA7]  }
0x2d: {  	s3 =	simm.s32 $0x108;
	s8 =	sld [smem:$0x3FA8]  }
0x2e: {  	s3 =	simm.s32 @!p0 $0x1082;
	s9 =	sld [smem:$0x3FA9]  }
0x2f: {  	lr =	sadd.s32 s0, s3;
	s0 =	sld [smem:$0x3FA0]  }
0x30: {  	s3 =	sld [smem:$0x3FA3]  }
0x31: {  	[smem:$0x3FAC] =	sst s10  }
0x32: {  	s10 =	sld [smem:$0x3FAA];
	_ =	sdelay $0x3  }
0x33: {  	p0 =	seq.s32 s10, $0x1;
	s10 =	sld [smem:$0x3FAC];
	_ =	sdelay $0x3  }
0x34: {  	[smem:$0x3FAC] =	sst s10  }
0x35: {  	s10 =	sld [smem:$0x3FAB];
	_ =	sdelay $0x3  }
0x36: {  	p1 =	seq.s32 s10, $0x1;
	s10 =	sld [smem:$0x3FAC];
	_ =	sdelay $0x3  }
0x37: {  	[smem:$0x3FAC] =	sst s10  }
0x38: {  	s10 =	sld [smem:$0x3FAD]  }
0x39: {  	_ = 	snop;
	(pc) =	sbr.ind lr, $3  }
0x3a: {  	_ = 	snop  }
0x3b: {  	_ = 	snop  }
0x3c: {  	p2 =	seq.s32 s10, $0x1;
	s10 =	sld [smem:$0x3FAC]  }
0x3d: {  	_ =	shalt  }
0x3e: {  	_ =	shalt  }
0x3f: {  	_ =	shalt  }
0x40: {  	_ =	shalt  }
0x41: {  	_ =	shalt  }
0x42: {  	_ =	shalt  }
0x43: {  	_ =	shalt  }
0x44: {  	_ =	shalt  }
0x45: {  	_ =	shalt  }
0x46: {  	_ =	shalt  }
0x47: {  	_ =	shalt  }
0x48: {  	_ =	shalt  }
0x49: {  	_ =	shalt  }
0x4a: {  	_ =	shalt  }
0x4b: {  	_ =	shalt  }
0x4c: {  	_ =	shalt  }
0x4d: {  	_ =	shalt  }
0x4e: {  	_ =	shalt  }
0x4f: {  	_ =	shalt  }
0x50: {  	_ =	shalt  }
0x51: {  	_ =	shalt  }
0x52: {  	_ =	shalt  }
0x53: {  	_ =	shalt  }
0x54: {  	_ =	shalt  }
0x55: {  	_ =	shalt  }
0x56: {  	_ =	shalt  }
0x57: {  	_ =	shalt  }
0x58: {  	_ =	shalt  }
0x59: {  	_ =	shalt  }
0x5a: {  	_ =	shalt  }
0x5b: {  	_ =	shalt  }
0x5c: {  	_ =	shalt  }
0x5d: {  	_ =	shalt  }
0x5e: {  	_ =	shalt  }
0x5f: {  	_ =	shalt  }
0x60: {  	_ =	shalt  }
0x61: {  	_ =	shalt  }
0x62: {  	_ =	shalt  }
0x63: {  	_ =	shalt  }
0x64: {  	_ =	shalt  }
0x65: {  	_ =	shalt  }
0x66: {  	_ =	shalt  }
0x67: {  	_ =	shalt  }
0x68: {  	_ =	shalt  }
0x69: {  	_ =	shalt  }
0x6a: {  	_ =	shalt  }
0x6b: {  	_ =	shalt  }
0x6c: {  	_ =	shalt  }
0x6d: {  	_ =	shalt  }
0x6e: {  	_ =	shalt  }
0x6f: {  	_ =	shalt  }
0x70: {  	_ =	shalt  }
0x71: {  	_ =	shalt  }
0x72: {  	_ =	shalt  }
0x73: {  	_ =	shalt  }
0x74: {  	_ =	shalt  }
0x75: {  	_ =	shalt  }
0x76: {  	_ =	shalt  }
0x77: {  	_ =	shalt  }
0x78: {  	_ =	shalt  }
0x79: {  	_ =	shalt  }
0x7a: {  	_ =	shalt  }
0x7b: {  	_ =	shalt  }
0x7c: {  	_ =	shalt  }
0x7d: {  	_ =	shalt  }
0x7e: {  	_ =	shalt  }
0x7f: {  	_ =	shalt  }
0x80: {  	_ =	shalt  }
0x81: {  	_ =	shalt  }
0x82: {  	_ =	shalt  }
0x83: {  	_ =	shalt  }
0x84: {  	_ =	shalt  }
0x85: {  	_ =	shalt  }
0x86: {  	_ =	shalt  }
0x87: {  	_ =	shalt  }
.Lfunc_end0:
.L_simem_size_0:
called_computation.1_lowered:
.L_overlay_start_0:
0x88: {  	s2 =	sld [smem:$0x3FD9]  }
0x89: {  	s3 =	sld [smem:$0x3FFE];
	_ =	sdelay $0x1  }
0x8a: {  	s1 =	srdreg.scid  }
0x8b: {  	s0 =	sand.u32 $0x1, s1  }
0x8c: {  	s16 =	sshll.u32 s0, $0xA;
	s2 =	sadd.s32 s3, s2  }
0x8d: {  	s2 =	sadd.s32 s2, s16  }
0x8e: {  	[smem:$0x3FB8] =	sst s2  }
0x8f: {  	_ = 	snop  }
0x90: {  	(tm) =	ssettm $0x1  }
0x91: {  	s17 =	sld [smem:$0x3FFB];
	_ =	sdelay $0x3  }
0x92: {  	_ =	strace s17  }
0x93: {  	s2 =	sld [smem:$0x3FFC];
	_ =	sdelay $0x3  }
0x94: {  	_ =	strace s2  }
0x95: {  	s2 =	sld [smem:$0x3FFD];
	_ =	sdelay $0x3  }
0x96: {  	_ =	strace s2  }
0x97: {  	_ =	strace $0x8FFFFFFF  }
0x98: {  	s18 =	sld [smem:$0x3FDB];
	_ =	sdelay $0x1  }
0x99: {  	s19 =	simm.s32 $_scs_section_size  }
0x9a: {  	s4 =	simm.s32 $_size__tile_overlayer_lowered;
	s5 =	simm.s32 $_tile_overlayer_lowered  }
0x9b: {  	s22 =	simm.s32 $0x1BFF;
	s21 =	sshll.u32 s5, $0x1;
	s2 =	sadd.s32 s19, s18  }
0x9c: {  	s6 =	simm.s32 $0x0;
	s20 =	sshll.u32 s4, $0x1;
	s4 =	sadd.s32 s21, s2  }
0x9d: {  	[timem:s6], [sflag:s22] =	dma.local [hbm:s4], s20  }
0x9e: {  	_ =	swait.ge [sflag:s22], s20  }
0x9f: {  	s3 =	ssub.s32 $0x0, s20;
	[sflag:s22] =	ssyncset.done $0x0  }
0xa0: {  	[sflag:s22] =	ssyncadd.s32 s3;
	_ =	sdelay $0x1  }
0xa1: {  	s23 =	simm.s32 $0x1B8B  }
0xa2: {  	_ =	swait.ge [sflag:s23], $0x1  }
0xa3: {  	[sflag:s23] =	ssyncset.done $0x0  }
0xa4: {  	s25 =	simm.s32 $0x1B8E;
	s24 =	sld [smem:$0x3FFE];
	[sflag:s23] =	ssyncadd.s32 $0xFFFFFFFF  }
0xa5: {  	s26 =	simm.s32 $execute0_lowered;
	[smem:$0x3FD2] =	sst s25  }
0xa6: {  	s4 =	sshll.u32 s26, $0x1;
	_ =	strace $0x80000049;
	[dreg:$0x1] =	wrdreg $0xFFFFFFFF  }
0xa7: {  	s28 =	simm.s32 $_size_execute0_lowered;
	s2 =	sadd.s32 s2, s4;
	[dreg:$0x0] =	wrdreg $0x0  }
0xa8: {  	s4 =	sshll.u32 s28, $0x1;
	[dreg:$0x2] =	wrdreg s2  }
0xa9: {  	[dreg:$0x3] =	wrdreg s4  }
0xaa: {  	[dreg:$0x4] =	wrdreg $0xC0  }
0xab: {  	_ =	task [dreg:s6], $0x5FFFF  }
0xac: {  	[dreg:$0x1] =	wrdreg $0xFFFFFFFF  }
0xad: {  	[dreg:$0x0] =	wrdreg $0x60  }
0xae: {  	[dreg:$0x2] =	wrdreg s24  }
0xaf: {  	[dreg:$0x3] =	wrdreg $0xAC000  }
0xb0: {  	[dreg:$0x4] =	wrdreg $0x9  }
0xb1: {  	_ =	task.clear_ibuf [dreg:s6], $0x5FFFF;
	_ =	strace $0x90000049  }
0xb2: {  	s29 =	simm.s32 $0x9;
	_ =	strace $0x8000004B  }
0xb3: {  	_ =	swait.ge [sflag:s29], $0x1  }
0xb4: {  	[sflag:s29] =	ssyncadd.s32 $0xFFFFFFFF  }
0xb5: {  	_ =	strace $0x9000004B  }
0xb6: {  	_ =	sfence  }
0xb7: {  	s30 =	sld [smem:$0x0];
	_ =	sdelay $0x2  }
0xb8: {  	s31 =	sshll.u32 s1, $0xD;
	s1 =	sshrl.u32 s1, $0x2  }
0xb9: {  	s3 =	sand.u32 $0x4000, s31;
	s1 =	sadd.s32 s1, s30  }
0xba: {  	s0 =	sor.u32 s3, s0;
	s1 =	sshll.u32 s1, $0x11  }
0xbb: {  	s0 =	sor.u32 s1, s0  }
0xbc: {  	s0 =	sadd.s32 $0x8F2B, s0  }
0xbd: {  	[sflag:s0] =	ssyncadd.remote.s32 $0x1  }
0xbe: {  	_ =	sfence.sel $0xFFFF  }
0xbf: {  	[dreg:$0x0] =	wrdreg $0xFFFFFFFF;
	(pc) =	sbr.abs _section_cstart, $3  }
0xc0: {  	[dreg:$0x1] =	wrdreg $0xFFFFFFFF  }
0xc1: {  	_ =	task.clear_ibuf [dreg:s6], $0x2FFFF;
	_ =	strace $0x9FFFFFFF  }
0xc2: {  	(tm) =	ssettm $0x7FFFFFFF  }
0xc3: {  	_ =	shalt  }
tec
execute0_lowered:
.L_overlay_start_1:
0x0: {  	(tag) =	ssettag $0x1  }
0x1: {  	s0 =	rddreg [dreg:$0x0]  }
0x2: {  	s1 =	rddreg [dreg:$0x1];
	s3 =	simm.s32 $0x0;
	s2 =	srdreg.scid  }
0x3: {  	s7 =	stileid.u32;
	[smem:$0x7FF] =	sst s3  }
0x4: {  	s2 =	sand.u32 $0x1, s2;
	s4 =	sadd.s32 $0x72E00, s0;
	s13 =	smul.u32 $0x280, s7  }
0x5: {  	s6 =	sshll.u32 s7, $0xB;
	s25 =	smul.u32 $0x14000, s7;
	_ =	strace $0x8000004A  }
0x6: {  	s5 =	sshll.u32 s2, $0xF;
	s23 =	ssub.s32 $0x2, s2;
	s2 =	smul.u32 $0x140000, s2  }
0x7: {  	s5 =	sor.u32 s6, s5;
	s24 =	sshrl.u32 s23, $0x1;
	s21 =	sor.u32 $0x10, s13  }
0x8: {  	s22 =	sor.u32 $0x50, s13;
	s20 =	sadd.s32 $0xA0, s13;
	s19 =	sadd.s32 $0xF0, s13  }
0x9: {  	s17 =	sadd.s32 $0x140, s13;
	s16 =	sadd.s32 $0x190, s13;
	s18 =	sadd.s32 $0x1E0, s13  }
0xa: {  	s12 =	sadd.s32 $0x230, s13;
	s28 =	sadd.s32 $0x80, s13;
	s29 =	sadd.s32 $0xC0, s13  }
0xb: {  	s30 =	sadd.s32 $0x220, s13;
	s14 =	sadd.s32 s5, s0;
	s0 =	sadd.s32 $0x9A000, s0  }
0xc: {  	s15 =	ssub.s32 s23, s24;
	s5 =	sadd.s32 s25, s2;
	s26 =	sshll.u32 s22, $0x7  }
0xd: {  	[dreg:$0x3] =	wrdreg s12;
	s31 =	sshll.u32 s20, $0x7;
	s8 =	sshll.u32 s19, $0x7  }
0xe: {  	s9 =	sshll.u32 s17, $0x7;
	s10 =	sshll.u32 s16, $0x7;
	s11 =	sshll.u32 s18, $0x7  }
0xf: {  	v39 =	vlaneseq.u32;
	s12 =	sshll.u32 s12, $0x7;
	s23 =	sor.u32 $0x20, s13;
	s25 =	sor.u32 $0x60, s13  }
0x10: {  	s24 =	sadd.s32 $0xB0, s13;
	v4 =	vor.u32 s22, v39;
	s22 =	sadd.s32 $0x100, s13;
	v7 =	vor.u32 s28, v39;
	s28 =	sadd.s32 $0x130, s13  }
0x11: {  	v0 =	vor.u32 s21, v39;
	s21 =	sadd.s32 $0x150, s13;
	v11 =	vor.u32 s29, v39;
	s29 =	sadd.s32 $0x1B0, s13;
	v14 =	vor.u32 s19, v39;
	s19 =	sadd.s32 $0x1C0, s13  }
0x12: {  	v19 =	vor.u32 s17, v39;
	s17 =	sadd.s32 $0x260, s13;
	v24 =	vor.u32 s16, v39;
	s16 =	simm.s32 $0x2;
	v30 =	vor.u32 s18, v39;
	s18 =	simm.s32 $0x50  }
0x13: {  	v9 =	vor.u32 s20, v39;
	s20 =	simm.s32 $0x8000;
	v34 =	vor.u32 s30, v39;
	s30 =	simm.s32 $0x0;
	s5 =	sshrl.u32 s5, $0x3  }
0x14: {  	s6 =	sadd.s32 s2, s26;
	s7 =	sadd.s32 s2, s31;
	s8 =	sadd.s32 s2, s8  }
0x15: {  	s9 =	sadd.s32 s2, s9;
	s10 =	sadd.s32 s2, s10;
	s11 =	sadd.s32 s2, s11  }
0x16: {  	s2 =	sadd.s32 s2, s12;
	s31 =	sor.u32 $0x40, s13;
	s26 =	sor.u32 $0x70, s13  }
0x17: {  	v1 =	vor.u32 s23, v39;
	s23 =	sadd.s32 $0x90, s13;
	v10 =	vor.u32 s24, v39;
	s24 =	sadd.s32 $0x170, s13;
	v15 =	vor.u32 s22, v39;
	s22 =	sadd.s32 $0x1D0, s13  }
0x18: {  	v5 =	vor.u32 s25, v39;
	s25 =	sadd.s32 $0x1F0, s13;
	v18 =	vor.u32 s28, v39;
	s28 =	sadd.s32 $0x210, s13;
	s15 =	smax.u32 s15, $0x1  }
0x19: {  	v20 =	vor.u32 s21, v39;
	v27 =	vor.u32 s29, v39;
	v28 =	vor.u32 s19, v39;
	s19 =	simm.s32 $0xA800;
	s21 =	simm.s32 $0xA880;
	s29 =	simm.s32 $0x1  }
0x1a: {  	s5 =	sadd.s32 s0, s5;
	s6 =	sshrl.u32 s6, $0x3;
	s7 =	sshrl.u32 s7, $0x3  }
0x1b: {  	s8 =	sshrl.u32 s8, $0x3;
	s9 =	sshrl.u32 s9, $0x3;
	s10 =	sshrl.u32 s10, $0x3  }
0x1c: {  	s11 =	sshrl.u32 s11, $0x3;
	s2 =	sshrl.u32 s2, $0x3;
	v6 =	vor.u32 s26, v39;
	s26 =	sadd.s32 $0x110, s13  }
0x1d: {  	v3 =	vor.u32 s31, v39;
	s31 =	sadd.s32 $0x120, s13;
	v8 =	vor.u32 s23, v39;
	s23 =	sadd.s32 $0x160, s13;
	v22 =	vor.u32 s24, v39;
	s24 =	sadd.s32 $0x250, s13  }
0x1e: {  	v29 =	vor.u32 s22, v39;
	v31 =	vor.u32 s25, v39;
	v33 =	vor.u32 s28, v39;
	s22 =	simm.s32 $0xA900;
	s25 =	simm.s32 $0xAA80;
	s28 =	simm.s32 $0xAB80  }
0x1f: {  	s6 =	sadd.s32 s0, s6;
	s7 =	sadd.s32 s0, s7;
	s8 =	sadd.s32 s0, s8  }
0x20: {  	v40 =	vimm.f32 $0.0e+00;
	s9 =	sadd.s32 s0, s9;
	s10 =	sadd.s32 s0, s10;
	s11 =	sadd.s32 s0, s11  }
0x21: {  	v25 =	vor.u32 s13, v39;
	v38 =	vor.u32 s17, v39;
	s12 =	sadd.s32 s0, s2;
	s2 =	sor.u32 $0x30, s13;
	s0 =	sadd.s32 $0xD0, s13;
	v16 =	vor.u32 s26, v39  }
0x22: {  	v17 =	vor.u32 s31, v39;
	s26 =	sadd.s32 $0x200, s13;
	v21 =	vor.u32 s23, v39;
	s31 =	sadd.s32 $0x240, s13;
	s23 =	simm.s32 $0xA980;
	v37 =	vor.u32 s24, v39  }
0x23: {  	s24 =	simm.s32 $0xAA00;
	v2 =	vor.u32 s2, v39;
	s2 =	sadd.s32 $0xE0, s13;
	v12 =	vor.u32 s0, v39;
	s0 =	sadd.s32 $0x180, s13;
	v32 =	vor.u32 s26, v39  }
0x24: {  	s26 =	rddreg [dreg:$0x3];
	v36 =	vor.u32 s31, v39;
	v13 =	vor.u32 s2, v39;
	s2 =	sadd.s32 $0x1A0, s13;
	v23 =	vor.u32 s0, v39;
	s0 =	sadd.s32 $0x270, s13  }
0x25: {  	s13 =	sadd.s32 $0x2E00, s14;
	s14 =	sadd.s32 $0x62E00, s14;
	v35 =	vor.u32 s26, v39;
	s26 =	simm.s32 $0xAB00;
	v26 =	vor.u32 s2, v39;
	v39 =	vor.u32 s0, v39  }
.LBB2_1:
0x26: {  	s0 =	sand.u32 $0xFE00, s3  }
0x27: {  	s2 =	sand.u32 $0x70, s3;
	s0 =	sshrl.u32 s0, $0x2  }
0x28: {  	s31 =	simm.s32 $0x40;
	s2 =	sor.u32 s2, s0;
	s0 =	simm.s32 $0x0  }
.LBB2_2:
0x29: {  	p0 =	sne.s32 s31, $0x9FC0  }
0x2a: {  	[tilespmem:s2+$0x8000] =	vst v40;
	s0 =	sadd.s32 $0x10, s0;
	s2 =	smov.u32 s31;
	s31 =	sadd.s32 $0x40, s31  }
.Ltmp0:
0x2b: {  	(pc) =	sbr.rel @p0 .LBB2_2-.Ltmp0, $4  }
0x2c: {  	_ = 	snop  }
0x2d: {  	s2 =	sand.u32 $0xFE00, s2  }
0x2e: {  	s17 =	sand.u32 $0x70, s0;
	s2 =	sshrl.u32 s2, $0x2  }
0x2f: {  	s2 =	sor.u32 s17, s2  }
0x30: {  	[tilespmem:s2+$0x8000] =	vst v40  }
0x31: {  	[tilespmem:$0xA800] =	vst v25  }
0x32: {  	[tilespmem:$0xA810] =	vst v0  }
0x33: {  	[tilespmem:$0xA820] =	vst v1  }
0x34: {  	[tilespmem:$0xA830] =	vst v2  }
0x35: {  	[tilespmem:$0xA840] =	vst v3  }
0x36: {  	[tilespmem:$0xA880] =	vst v4  }
0x37: {  	[tilespmem:$0xA890] =	vst v5  }
0x38: {  	[tilespmem:$0xA8A0] =	vst v6  }
0x39: {  	[tilespmem:$0xA8B0] =	vst v7  }
0x3a: {  	[tilespmem:$0xA8C0] =	vst v8  }
0x3b: {  	[tilespmem:$0xA900] =	vst v9  }
0x3c: {  	[tilespmem:$0xA910] =	vst v10  }
0x3d: {  	[tilespmem:$0xA920] =	vst v11  }
0x3e: {  	[tilespmem:$0xA930] =	vst v12  }
0x3f: {  	[tilespmem:$0xA940] =	vst v13  }
0x40: {  	[tilespmem:$0xA980] =	vst v14  }
0x41: {  	[tilespmem:$0xA990] =	vst v15  }
0x42: {  	[tilespmem:$0xA9A0] =	vst v16  }
0x43: {  	[tilespmem:$0xA9B0] =	vst v17  }
0x44: {  	[tilespmem:$0xA9C0] =	vst v18  }
0x45: {  	[tilespmem:$0xAA00] =	vst v19  }
0x46: {  	[tilespmem:$0xAA10] =	vst v20  }
0x47: {  	[tilespmem:$0xAA20] =	vst v21  }
0x48: {  	[tilespmem:$0xAA30] =	vst v22  }
0x49: {  	[tilespmem:$0xAA40] =	vst v23  }
0x4a: {  	[tilespmem:$0xAA80] =	vst v24  }
0x4b: {  	[tilespmem:$0xAA90] =	vst v26  }
0x4c: {  	[tilespmem:$0xAAA0] =	vst v27  }
0x4d: {  	[tilespmem:$0xAAB0] =	vst v28  }
0x4e: {  	[tilespmem:$0xAAC0] =	vst v29  }
0x4f: {  	[tilespmem:$0xAB00] =	vst v30  }
0x50: {  	[tilespmem:$0xAB10] =	vst v31  }
0x51: {  	[tilespmem:$0xAB20] =	vst v32  }
0x52: {  	[tilespmem:$0xAB30] =	vst v33  }
0x53: {  	[tilespmem:$0xAB40] =	vst v34  }
0x54: {  	[tilespmem:$0xAB80] =	vst v35  }
0x55: {  	[tilespmem:$0xAB90] =	vst v36  }
0x56: {  	[tilespmem:$0xABA0] =	vst v37  }
0x57: {  	[tilespmem:$0xABB0] =	vst v38  }
0x58: {  	s0 =	simm.s32 $0x0;
	[tilespmem:$0xABC0] =	vst v39  }
0x59: {  	[tilespmem:s0], [sflag:$0x2] =	stream.linear.gather [hbm4b:s13+s0], $0x3E80, $0x38;
	[tilespmem:$0x1EC00] =	vst v63  }
0x5a: {  	_ =	swait.ge [sflag:s16], $0x3E80  }
0x5b: {  	[sflag:s16] =	ssyncset.done $0x0  }
0x5c: {  	s17 =	simm.s32 $0x4000;
	[sflag:s16] =	ssyncadd.s32 $0xFFFFC180  }
0x5d: {  	[tilespmem:s17], [sflag:$0x2] =	stream.linear.gather [hbm4b:s14+s0], $0x3E80, $0x38;
	[tilespmem:$0x1EC00] =	vst v63  }
0x5e: {  	_ =	swait.ge [sflag:s16], $0x3E80  }
0x5f: {  	[sflag:s16] =	ssyncset.done $0x0  }
0x60: {  	[sflag:s16] =	ssyncadd.s32 $0xFFFFC180  }
0x61: {  	[spmem:s1] =	stream.indirect.scatter [tilespmem:s20], [sflag:$0x2], $0x80, s19, s18, $0xb8;
	[tilespmem:$0x1EC00] =	vst v63  }
0x62: {  	_ =	swait.ge [sflag:s16], $0x2800  }
0x63: {  	[sflag:s16] =	ssyncset.done $0x0  }
0x64: {  	[sflag:s16] =	ssyncadd.s32 $0xFFFFD800  }
0x65: {  	[spmem:s1] =	stream.indirect.scatter [tilespmem:s20], [sflag:$0x2], $0x80, s21, s18, $0xb8;
	[tilespmem:$0x1EC00] =	vst v63  }
0x66: {  	_ =	swait.ge [sflag:s16], $0x2800  }
0x67: {  	[sflag:s16] =	ssyncset.done $0x0  }
0x68: {  	[sflag:s16] =	ssyncadd.s32 $0xFFFFD800  }
0x69: {  	[spmem:s1] =	stream.indirect.scatter [tilespmem:s20], [sflag:$0x2], $0x80, s22, s18, $0xb8;
	[tilespmem:$0x1EC00] =	vst v63  }
0x6a: {  	_ =	swait.ge [sflag:s16], $0x2800  }
0x6b: {  	[sflag:s16] =	ssyncset.done $0x0  }
0x6c: {  	[sflag:s16] =	ssyncadd.s32 $0xFFFFD800  }
0x6d: {  	[spmem:s1] =	stream.indirect.scatter [tilespmem:s20], [sflag:$0x2], $0x80, s23, s18, $0xb8;
	[tilespmem:$0x1EC00] =	vst v63  }
0x6e: {  	_ =	swait.ge [sflag:s16], $0x2800  }
0x6f: {  	[sflag:s16] =	ssyncset.done $0x0  }
0x70: {  	[sflag:s16] =	ssyncadd.s32 $0xFFFFD800  }
0x71: {  	[spmem:s1] =	stream.indirect.scatter [tilespmem:s20], [sflag:$0x2], $0x80, s24, s18, $0xb8;
	[tilespmem:$0x1EC00] =	vst v63  }
0x72: {  	_ =	swait.ge [sflag:s16], $0x2800  }
0x73: {  	[sflag:s16] =	ssyncset.done $0x0  }
0x74: {  	[sflag:s16] =	ssyncadd.s32 $0xFFFFD800  }
0x75: {  	[spmem:s1] =	stream.indirect.scatter [tilespmem:s20], [sflag:$0x2], $0x80, s25, s18, $0xb8;
	[tilespmem:$0x1EC00] =	vst v63  }
0x76: {  	_ =	swait.ge [sflag:s16], $0x2800  }
0x77: {  	[sflag:s16] =	ssyncset.done $0x0  }
0x78: {  	[sflag:s16] =	ssyncadd.s32 $0xFFFFD800  }
0x79: {  	[spmem:s1] =	stream.indirect.scatter [tilespmem:s20], [sflag:$0x2], $0x80, s26, s18, $0xb8;
	[tilespmem:$0x1EC00] =	vst v63  }
0x7a: {  	_ =	swait.ge [sflag:s16], $0x2800  }
0x7b: {  	[sflag:s16] =	ssyncset.done $0x0  }
0x7c: {  	[sflag:s16] =	ssyncadd.s32 $0xFFFFD800  }
0x7d: {  	[spmem:s1] =	stream.indirect.scatter [tilespmem:s20], [sflag:$0x2], $0x80, s28, s18, $0xb8;
	[tilespmem:$0x1EC00] =	vst v63  }
0x7e: {  	_ =	swait.ge [sflag:s16], $0x2800  }
0x7f: {  	[sflag:s16] =	ssyncset.done $0x0  }
0x80: {  	[sflag:s16] =	ssyncadd.s32 $0xFFFFD800  }
0x81: {  	s2 =	simm.s32 $0x0;
	[bflag:$0x0] =	sbarrier.arrive $0xFFFF  }
0x82: {  	[tilespmem:s20], [sflag:$0x1] =	stream.indirect.gather [hbm4b:s4+s18], $0x80, s2, s18, $0xb8;
	[tilespmem:$0x1EC00] =	vst v63  }
0x83: {  	_ =	swait.ge [sflag:s29], $0x2800  }
0x84: {  	[sflag:s29] =	ssyncset.done $0x0  }
0x85: {  	s17 =	simm.s32 $0x4000;
	[sflag:s29] =	ssyncadd.s32 $0xFFFFD800  }
0x86: {  	[spmem:s1] =	stream.indirect.scatter.add.f32 [tilespmem:s20], [sflag:$0x2], $0x80, s17, s18, $0xb8;
	[tilespmem:$0x1EC00] =	vst v63  }
0x87: {  	_ =	swait.ge [sflag:s16], $0x2800  }
0x88: {  	s31 =	simm.s32 $0x200;
	s0 =	simm.s32 $0x400;
	[sflag:s16] =	ssyncset.done $0x0  }
.LBB2_4:
0x89: {  	s2 =	sshra.s32 s31, $0x2  }
0x8a: {  	[sflag:s16] =	ssyncadd.s32 $0xFFFFD800;
	s31 =	smov.u32 s0;
	s17 =	sadd.s32 $0x200, s0  }
0x8b: {  	[tilespmem:s20], [sflag:$0x1] =	stream.indirect.gather [hbm4b:s4+s18], $0x80, s2, s18, $0xb8;
	[tilespmem:$0x1EC00] =	vst v63  }
0x8c: {  	p0 =	sne.s32 s0, $0xF800;
	_ =	swait.ge [sflag:s29], $0x2800  }
.Ltmp1:
0x8d: {  	[sflag:s29] =	ssyncset.done $0x0;
	(pc) =	sbr.rel @p0 .LBB2_4-.Ltmp1, $4  }
0x8e: {  	s0 =	sadd.s32 $0x4000, s2;
	[sflag:s29] =	ssyncadd.s32 $0xFFFFD800  }
0x8f: {  	[spmem:s1] =	stream.indirect.scatter.add.f32 [tilespmem:s20], [sflag:$0x2], $0x80, s0, s18, $0xb8;
	[tilespmem:$0x1EC00] =	vst v63  }
0x90: {  	_ =	swait.ge [sflag:s16], $0x2800  }
0x91: {  	s0 =	smov.u32 s17;
	[sflag:s16] =	ssyncset.done $0x0  }
0x92: {  	s0 =	sshra.s32 s31, $0x2;
	[sflag:s16] =	ssyncadd.s32 $0xFFFFD800  }
0x93: {  	[tilespmem:s20], [sflag:$0x1] =	stream.indirect.gather [hbm4b:s4+s18], $0x80, s0, s18, $0xb8;
	[tilespmem:$0x1EC00] =	vst v63  }
0x94: {  	_ =	swait.ge [sflag:s29], $0x2800  }
0x95: {  	[sflag:s29] =	ssyncset.done $0x0  }
0x96: {  	s0 =	sadd.s32 $0x4000, s0;
	[sflag:s29] =	ssyncadd.s32 $0xFFFFD800  }
0x97: {  	[spmem:s1] =	stream.indirect.scatter.add.f32 [tilespmem:s20], [sflag:$0x2], $0x80, s0, s18, $0xb8;
	[tilespmem:$0x1EC00] =	vst v63  }
0x98: {  	_ =	swait.ge [sflag:s16], $0x2800  }
0x99: {  	[sflag:s16] =	ssyncset.done $0x0  }
0x9a: {  	[sflag:s16] =	ssyncadd.s32 $0xFFFFD800  }
0x9b: {  	[bflag:$0x0] =	sbarrier.arrive $0xFFFF  }
0x9c: {  	[tilespmem:s20], [sflag:$0x2] =	stream.indirect.gather [spmem:s1], $0x80, s19, s18, $0xb8;
	[tilespmem:$0x1EC00] =	vst v63  }
0x9d: {  	_ =	swait.ge [sflag:s16], $0x2800  }
0x9e: {  	[sflag:s16] =	ssyncset.done $0x0  }
0x9f: {  	[sflag:s16] =	ssyncadd.s32 $0xFFFFD800  }
0xa0: {  	[hbm4b:s5+s3] =	stream.linear.scatter [tilespmem:s20], [sflag:$0x2], $0x2800, $0x38;
	[tilespmem:$0x1EC00] =	vst v63  }
0xa1: {  	_ =	swait.ge [sflag:s16], $0x2800  }
0xa2: {  	[sflag:s16] =	ssyncset.done $0x0  }
0xa3: {  	[sflag:s16] =	ssyncadd.s32 $0xFFFFD800  }
0xa4: {  	[tilespmem:s20], [sflag:$0x2] =	stream.indirect.gather [spmem:s1], $0x80, s21, s18, $0xb8;
	[tilespmem:$0x1EC00] =	vst v63  }
0xa5: {  	_ =	swait.ge [sflag:s16], $0x2800  }
0xa6: {  	[sflag:s16] =	ssyncset.done $0x0  }
0xa7: {  	[sflag:s16] =	ssyncadd.s32 $0xFFFFD800  }
0xa8: {  	[hbm4b:s6+s3] =	stream.linear.scatter [tilespmem:s20], [sflag:$0x2], $0x2800, $0x38;
	[tilespmem:$0x1EC00] =	vst v63  }
0xa9: {  	_ =	swait.ge [sflag:s16], $0x2800  }
0xaa: {  	[sflag:s16] =	ssyncset.done $0x0  }
0xab: {  	[sflag:s16] =	ssyncadd.s32 $0xFFFFD800  }
0xac: {  	[tilespmem:s20], [sflag:$0x2] =	stream.indirect.gather [spmem:s1], $0x80, s22, s18, $0xb8;
	[tilespmem:$0x1EC00] =	vst v63  }
0xad: {  	_ =	swait.ge [sflag:s16], $0x2800  }
0xae: {  	[sflag:s16] =	ssyncset.done $0x0  }
0xaf: {  	[sflag:s16] =	ssyncadd.s32 $0xFFFFD800  }
0xb0: {  	[hbm4b:s7+s3] =	stream.linear.scatter [tilespmem:s20], [sflag:$0x2], $0x2800, $0x38;
	[tilespmem:$0x1EC00] =	vst v63  }
0xb1: {  	_ =	swait.ge [sflag:s16], $0x2800  }
0xb2: {  	[sflag:s16] =	ssyncset.done $0x0  }
0xb3: {  	[sflag:s16] =	ssyncadd.s32 $0xFFFFD800  }
0xb4: {  	[tilespmem:s20], [sflag:$0x2] =	stream.indirect.gather [spmem:s1], $0x80, s23, s18, $0xb8;
	[tilespmem:$0x1EC00] =	vst v63  }
0xb5: {  	_ =	swait.ge [sflag:s16], $0x2800  }
0xb6: {  	[sflag:s16] =	ssyncset.done $0x0  }
0xb7: {  	[sflag:s16] =	ssyncadd.s32 $0xFFFFD800  }
0xb8: {  	[hbm4b:s8+s3] =	stream.linear.scatter [tilespmem:s20], [sflag:$0x2], $0x2800, $0x38;
	[tilespmem:$0x1EC00] =	vst v63  }
0xb9: {  	_ =	swait.ge [sflag:s16], $0x2800  }
0xba: {  	[sflag:s16] =	ssyncset.done $0x0  }
0xbb: {  	[sflag:s16] =	ssyncadd.s32 $0xFFFFD800  }
0xbc: {  	[tilespmem:s20], [sflag:$0x2] =	stream.indirect.gather [spmem:s1], $0x80, s24, s18, $0xb8;
	[tilespmem:$0x1EC00] =	vst v63  }
0xbd: {  	_ =	swait.ge [sflag:s16], $0x2800  }
0xbe: {  	[sflag:s16] =	ssyncset.done $0x0  }
0xbf: {  	[sflag:s16] =	ssyncadd.s32 $0xFFFFD800  }
0xc0: {  	[hbm4b:s9+s3] =	stream.linear.scatter [tilespmem:s20], [sflag:$0x2], $0x2800, $0x38;
	[tilespmem:$0x1EC00] =	vst v63  }
0xc1: {  	_ =	swait.ge [sflag:s16], $0x2800  }
0xc2: {  	[sflag:s16] =	ssyncset.done $0x0  }
0xc3: {  	[sflag:s16] =	ssyncadd.s32 $0xFFFFD800  }
0xc4: {  	[tilespmem:s20], [sflag:$0x2] =	stream.indirect.gather [spmem:s1], $0x80, s25, s18, $0xb8;
	[tilespmem:$0x1EC00] =	vst v63  }
0xc5: {  	_ =	swait.ge [sflag:s16], $0x2800  }
0xc6: {  	[sflag:s16] =	ssyncset.done $0x0  }
0xc7: {  	[sflag:s16] =	ssyncadd.s32 $0xFFFFD800  }
0xc8: {  	[hbm4b:s10+s3] =	stream.linear.scatter [tilespmem:s20], [sflag:$0x2], $0x2800, $0x38;
	[tilespmem:$0x1EC00] =	vst v63  }
0xc9: {  	_ =	swait.ge [sflag:s16], $0x2800  }
0xca: {  	[sflag:s16] =	ssyncset.done $0x0  }
0xcb: {  	[sflag:s16] =	ssyncadd.s32 $0xFFFFD800  }
0xcc: {  	[tilespmem:s20], [sflag:$0x2] =	stream.indirect.gather [spmem:s1], $0x80, s26, s18, $0xb8;
	[tilespmem:$0x1EC00] =	vst v63  }
0xcd: {  	_ =	swait.ge [sflag:s16], $0x2800  }
0xce: {  	[sflag:s16] =	ssyncset.done $0x0  }
0xcf: {  	[sflag:s16] =	ssyncadd.s32 $0xFFFFD800  }
0xd0: {  	[hbm4b:s11+s3] =	stream.linear.scatter [tilespmem:s20], [sflag:$0x2], $0x2800, $0x38;
	[tilespmem:$0x1EC00] =	vst v63  }
0xd1: {  	_ =	swait.ge [sflag:s16], $0x2800  }
0xd2: {  	[sflag:s16] =	ssyncset.done $0x0  }
0xd3: {  	[sflag:s16] =	ssyncadd.s32 $0xFFFFD800  }
0xd4: {  	[tilespmem:s20], [sflag:$0x2] =	stream.indirect.gather [spmem:s1], $0x80, s28, s18, $0xb8;
	[tilespmem:$0x1EC00] =	vst v63  }
0xd5: {  	s30 =	sadd.s32 $0x1, s30;
	_ =	swait.ge [sflag:s16], $0x2800  }
0xd6: {  	p0 =	sne.s32 s30, s15;
	[sflag:s16] =	ssyncset.done $0x0  }
.Ltmp2:
0xd7: {  	[sflag:s16] =	ssyncadd.s32 $0xFFFFD800;
	(pc) =	sbr.rel @p0 .LBB2_1-.Ltmp2, $4  }
0xd8: {  	[hbm4b:s12+s3] =	stream.linear.scatter [tilespmem:s20], [sflag:$0x2], $0x2800, $0x38;
	[tilespmem:$0x1EC00] =	vst v63  }
0xd9: {  	_ =	swait.ge [sflag:s16], $0x2800  }
0xda: {  	[sflag:s16] =	ssyncset.done $0x0  }
0xdb: {  	[sflag:s16] =	ssyncadd.s32 $0xFFFFD800  }
0xdc: {  	_ =	sfence.sel $0x180000  }
0xdd: {  	[bflag:$0x0] =	sbarrier.arrive $0xFFFF  }
0xde: {  	_ =	strace $0x9000004A  }
0xdf: {  	s0 =	stileid.u32;
	[bflag:$0x2] =	sbarrier.arrive $0xFFFF  }
0xe0: {  	p0 =	sne.s32 s0, $0x0;
	s0 =	rddreg [dreg:$0x2]  }
0xe1: {  	s0 =	sadd.s32 @!p0 $0x100000, s0  }
0xe2: {  	[sflag:s0] =	ssyncadd.tile.s32 @!p0 $0x1;
	_ =	shalt  }
.Lfunc_end2:
_tile_overlayer_lowered:
.L_overlay_start_2:
0xe3: {  	(tag) =	ssettag $0x2  }
0xe4: {  	s0 =	rddreg [dreg:$0x0];
	s2 =	stileid.u32  }
0xe5: {  	s1 =	rddreg [dreg:$0x1];
	p0 =	sne.s32 s2, $0x0  }
0xe6: {  	s3 =	rddreg [dreg:$0x2];
	[bflag:$0x3] =	sbarrier.arrive $0xFFFF;
	s2 =	simm.s32 @!p0 $0x1C02  }
0xe7: {  	[timem:s3], [sflag:s2] =	dma.local @!p0 [hbm:s0], s1  }
0xe8: {  	s0 =	simm.s32 @!p0 $0x2  }
0xe9: {  	_ =	swait.ge @!p0 [sflag:s0], s1  }
0xea: {  	s1 =	ssub.s32 @!p0 $0x0, s1;
	[sflag:s0] =	ssyncset.done @!p0 $0x0  }
0xeb: {  	[sflag:s0] =	ssyncadd.s32 @!p0 s1  }
0xec: {  	[bflag:$0x3] =	sbarrier.arrive $0xFFFF  }
0xed: {  	_ =	shalt  }

// kernel: kernel.15.cloned.1.call-start
scs
__scs_entry_jumppad:
0x0: {  	(pc) =	sbr.rel $0x88, $3  }
0x1: {  	(tag) =	ssettag $0x0;
	lr =	simm.s32 $0x1  }
0x2: {  	[smem:$0x3F91] =	sst lr;
	_ =	strace $0xD0000000  }
0x3: {  	_ = 	snop  }
0x4: {  	_ = 	snop  }
0x5: {  	_ = 	snop  }
0x6: {  	_ = 	snop  }
0x7: {  	_ = 	snop  }
__scs_overlays_trampoline_lowered:
0x8: {  	[smem:$0x3FA0] =	sst s0  }
0x9: {  	[smem:$0x3FA1] =	sst s1  }
0xa: {  	[smem:$0x3FA2] =	sst s2  }
0xb: {  	[smem:$0x3FA3] =	sst s3  }
0xc: {  	[smem:$0x3FA4] =	sst s4  }
0xd: {  	[smem:$0x3FA5] =	sst s5  }
0xe: {  	[smem:$0x3FA6] =	sst s6  }
0xf: {  	[smem:$0x3FA7] =	sst s7  }
0x10: {  	[smem:$0x3FA8] =	sst s8  }
0x11: {  	[smem:$0x3FA9] =	sst s9;
	s0 =	simm.s32 @!p0 $0x0  }
0x12: {  	s1 =	sld [smem:$0x3F8F];
	s0 =	simm.s32 @p0 $0x1  }
0x13: {  	[smem:$0x3FAA] =	sst s0;
	s0 =	simm.s32 @!p1 $0x0  }
0x14: {  	s2 =	sld [smem:$0x3F8E];
	s0 =	simm.s32 @p1 $0x1  }
0x15: {  	[smem:$0x3FAB] =	sst s0;
	s0 =	simm.s32 @!p2 $0x0  }
0x16: {  	s3 =	sld [smem:$0x3FDB];
	s0 =	simm.s32 @p2 $0x1  }
0x17: {  	s4 =	simm.s32 $0x1BF5;
	[smem:$0x3FAD] =	sst s0  }
0x18: {  	s0 =	sld [smem:$0x3F90];
	_ =	swait.ge [sflag:s4], $0x0  }
0x19: {  	s7 =	sld [smem:$0x3F91]  }
0x1a: {  	s8 =	sadd.s32 $0xFFFFE003, lr  }
0x1b: {  	s9 =	sadd.s32 $0xFFFFFEF7, lr;
	s5 =	simm.s32 $0xFFFFFFFF;
	p2 =	slt.u32 s8, $0xFFFFF086  }
0x1c: {  	p1 =	slt.u32 s9, $0xF7A;
	s5 =	simm.s32 @!p2 $0x0  }
0x1d: {  	s5 =	simm.s32 @p1 $0x1;
	p0 =	seq.s32 s7, s2  }
0x1e: {  	s7 =	smul.u32 @!p0 $0xF7A, s2;
	p2 =	seq.s32 @!p0 s5, $0x0  }
0x1f: {  	s9 =	smul.u32 $0xF7A, s1;
	s8 =	simm.s32 @!p0 $0x1BF5;
	p2 =	por !p2, p0  }
0x20: {  	[sflag:s8] =	ssyncset.s32 @!p0 $0xFFFFF086;
	s6 =	sadd.s32 @!p0 s3, s7;
	s7 =	simm.s32 @!p0 $0x108  }
0x21: {  	s3 =	sadd.s32 s3, s9;
	s6 =	sadd.s32 @!p0 $0x88, s6;
	s7 =	simm.s32 @p2 $0x1082  }
0x22: {  	[simem:s7], [sflag:s8] =	dma.local @!p0 [hbm:s6], $0xF7A  }
0x23: {  	s9 =	sor.u32 $0xD0000000, s2;
	s6 =	simm.s32 $0x108;
	_ =	swait.ge @!p0 [sflag:s8], $0x0  }
0x24: {  	s3 =	sadd.s32 $0x88, s3;
	s6 =	simm.s32 @!p1 $0x1082;
	[sflag:s4] =	ssyncset.s32 $0xFFFFF086  }
0x25: {  	[simem:s6], [sflag:s4] =	dma.local [hbm:s3], $0xF7A  }
0x26: {  	[smem:$0x3F91] =	sst s1;
	(tag) =	ssettag s2;
	_ =	strace s9  }
0x27: {  	s1 =	sld [smem:$0x3FA1]  }
0x28: {  	s2 =	sld [smem:$0x3FA2]  }
0x29: {  	s4 =	sld [smem:$0x3FA4]  }
0x2a: {  	p0 =	seq.s32 s5, $0x0;
	s5 =	sld [smem:$0x3FA5]  }
0x2b: {  	s6 =	sld [smem:$0x3FA6]  }
0x2c: {  	s7 =	sld [smem:$0x3FA7]  }
0x2d: {  	s3 =	simm.s32 $0x108;
	s8 =	sld [smem:$0x3FA8]  }
0x2e: {  	s3 =	simm.s32 @!p0 $0x1082;
	s9 =	sld [smem:$0x3FA9]  }
0x2f: {  	lr =	sadd.s32 s0, s3;
	s0 =	sld [smem:$0x3FA0]  }
0x30: {  	s3 =	sld [smem:$0x3FA3]  }
0x31: {  	[smem:$0x3FAC] =	sst s10  }
0x32: {  	s10 =	sld [smem:$0x3FAA];
	_ =	sdelay $0x3  }
0x33: {  	p0 =	seq.s32 s10, $0x1;
	s10 =	sld [smem:$0x3FAC];
	_ =	sdelay $0x3  }
0x34: {  	[smem:$0x3FAC] =	sst s10  }
0x35: {  	s10 =	sld [smem:$0x3FAB];
	_ =	sdelay $0x3  }
0x36: {  	p1 =	seq.s32 s10, $0x1;
	s10 =	sld [smem:$0x3FAC];
	_ =	sdelay $0x3  }
0x37: {  	[smem:$0x3FAC] =	sst s10  }
0x38: {  	s10 =	sld [smem:$0x3FAD]  }
0x39: {  	_ = 	snop;
	(pc) =	sbr.ind lr, $3  }
0x3a: {  	_ = 	snop  }
0x3b: {  	_ = 	snop  }
0x3c: {  	p2 =	seq.s32 s10, $0x1;
	s10 =	sld [smem:$0x3FAC]  }
0x3d: {  	_ =	shalt  }
0x3e: {  	_ =	shalt  }
0x3f: {  	_ =	shalt  }
0x40: {  	_ =	shalt  }
0x41: {  	_ =	shalt  }
0x42: {  	_ =	shalt  }
0x43: {  	_ =	shalt  }
0x44: {  	_ =	shalt  }
0x45: {  	_ =	shalt  }
0x46: {  	_ =	shalt  }
0x47: {  	_ =	shalt  }
0x48: {  	_ =	shalt  }
0x49: {  	_ =	shalt  }
0x4a: {  	_ =	shalt  }
0x4b: {  	_ =	shalt  }
0x4c: {  	_ =	shalt  }
0x4d: {  	_ =	shalt  }
0x4e: {  	_ =	shalt  }
0x4f: {  	_ =	shalt  }
0x50: {  	_ =	shalt  }
0x51: {  	_ =	shalt  }
0x52: {  	_ =	shalt  }
0x53: {  	_ =	shalt  }
0x54: {  	_ =	shalt  }
0x55: {  	_ =	shalt  }
0x56: {  	_ =	shalt  }
0x57: {  	_ =	shalt  }
0x58: {  	_ =	shalt  }
0x59: {  	_ =	shalt  }
0x5a: {  	_ =	shalt  }
0x5b: {  	_ =	shalt  }
0x5c: {  	_ =	shalt  }
0x5d: {  	_ =	shalt  }
0x5e: {  	_ =	shalt  }
0x5f: {  	_ =	shalt  }
0x60: {  	_ =	shalt  }
0x61: {  	_ =	shalt  }
0x62: {  	_ =	shalt  }
0x63: {  	_ =	shalt  }
0x64: {  	_ =	shalt  }
0x65: {  	_ =	shalt  }
0x66: {  	_ =	shalt  }
0x67: {  	_ =	shalt  }
0x68: {  	_ =	shalt  }
0x69: {  	_ =	shalt  }
0x6a: {  	_ =	shalt  }
0x6b: {  	_ =	shalt  }
0x6c: {  	_ =	shalt  }
0x6d: {  	_ =	shalt  }
0x6e: {  	_ =	shalt  }
0x6f: {  	_ =	shalt  }
0x70: {  	_ =	shalt  }
0x71: {  	_ =	shalt  }
0x72: {  	_ =	shalt  }
0x73: {  	_ =	shalt  }
0x74: {  	_ =	shalt  }
0x75: {  	_ =	shalt  }
0x76: {  	_ =	shalt  }
0x77: {  	_ =	shalt  }
0x78: {  	_ =	shalt  }
0x79: {  	_ =	shalt  }
0x7a: {  	_ =	shalt  }
0x7b: {  	_ =	shalt  }
0x7c: {  	_ =	shalt  }
0x7d: {  	_ =	shalt  }
0x7e: {  	_ =	shalt  }
0x7f: {  	_ =	shalt  }
0x80: {  	_ =	shalt  }
0x81: {  	_ =	shalt  }
0x82: {  	_ =	shalt  }
0x83: {  	_ =	shalt  }
0x84: {  	_ =	shalt  }
0x85: {  	_ =	shalt  }
0x86: {  	_ =	shalt  }
0x87: {  	_ =	shalt  }
.Lfunc_end0:
.L_simem_size_0:
called_computation.2_lowered:
.L_overlay_start_0:
0x88: {  	s2 =	sld [smem:$0x3FD9]  }
0x89: {  	s3 =	sld [smem:$0x3FFE];
	_ =	sdelay $0x1  }
0x8a: {  	s1 =	srdreg.scid  }
0x8b: {  	s0 =	sand.u32 $0x1, s1  }
0x8c: {  	s16 =	sshll.u32 s0, $0xA;
	s2 =	sadd.s32 s3, s2  }
0x8d: {  	s2 =	sadd.s32 s2, s16  }
0x8e: {  	[smem:$0x3FB8] =	sst s2  }
0x8f: {  	_ = 	snop  }
0x90: {  	(tm) =	ssettm $0x1  }
0x91: {  	s17 =	sld [smem:$0x3FFB];
	_ =	sdelay $0x3  }
0x92: {  	_ =	strace s17  }
0x93: {  	s2 =	sld [smem:$0x3FFC];
	_ =	sdelay $0x3  }
0x94: {  	_ =	strace s2  }
0x95: {  	s2 =	sld [smem:$0x3FFD];
	_ =	sdelay $0x3  }
0x96: {  	_ =	strace s2  }
0x97: {  	_ =	strace $0x8FFFFFFF  }
0x98: {  	s18 =	sld [smem:$0x3FDB];
	_ =	sdelay $0x1  }
0x99: {  	s19 =	simm.s32 $_scs_section_size  }
0x9a: {  	s4 =	simm.s32 $_size__tile_overlayer_lowered;
	s5 =	simm.s32 $_tile_overlayer_lowered  }
0x9b: {  	s22 =	simm.s32 $0x1BFF;
	s21 =	sshll.u32 s5, $0x1;
	s2 =	sadd.s32 s19, s18  }
0x9c: {  	s6 =	simm.s32 $0x0;
	s20 =	sshll.u32 s4, $0x1;
	s4 =	sadd.s32 s21, s2  }
0x9d: {  	[timem:s6], [sflag:s22] =	dma.local [hbm:s4], s20  }
0x9e: {  	_ =	swait.ge [sflag:s22], s20  }
0x9f: {  	s3 =	ssub.s32 $0x0, s20;
	[sflag:s22] =	ssyncset.done $0x0  }
0xa0: {  	[sflag:s22] =	ssyncadd.s32 s3;
	_ =	sdelay $0x1  }
0xa1: {  	s23 =	simm.s32 $0x1B8B  }
0xa2: {  	_ =	swait.ge [sflag:s23], $0x1  }
0xa3: {  	[sflag:s23] =	ssyncset.done $0x0  }
0xa4: {  	s25 =	simm.s32 $0x1B8E;
	s24 =	sld [smem:$0x3FFE];
	[sflag:s23] =	ssyncadd.s32 $0xFFFFFFFF  }
0xa5: {  	s26 =	simm.s32 $execute0_lowered;
	[smem:$0x3FD2] =	sst s25  }
0xa6: {  	s4 =	sshll.u32 s26, $0x1;
	_ =	strace $0x8000004C;
	[dreg:$0x1] =	wrdreg $0xFFFFFFFF  }
0xa7: {  	s28 =	simm.s32 $_size_execute0_lowered;
	s2 =	sadd.s32 s2, s4;
	[dreg:$0x0] =	wrdreg $0x0  }
0xa8: {  	s4 =	sshll.u32 s28, $0x1;
	[dreg:$0x2] =	wrdreg s2  }
0xa9: {  	[dreg:$0x3] =	wrdreg s4  }
0xaa: {  	[dreg:$0x4] =	wrdreg $0xC0  }
0xab: {  	_ =	task [dreg:s6], $0x5FFFF  }
0xac: {  	[dreg:$0x1] =	wrdreg $0xFFFFFFFF  }
0xad: {  	[dreg:$0x0] =	wrdreg $0x60  }
0xae: {  	[dreg:$0x2] =	wrdreg s24  }
0xaf: {  	[dreg:$0x3] =	wrdreg $0xAC000  }
0xb0: {  	[dreg:$0x4] =	wrdreg $0x9  }
0xb1: {  	_ =	task.clear_ibuf [dreg:s6], $0x5FFFF;
	_ =	strace $0x9000004C  }
0xb2: {  	s29 =	simm.s32 $0x9;
	_ =	strace $0x8000004E  }
0xb3: {  	_ =	swait.ge [sflag:s29], $0x1  }
0xb4: {  	[sflag:s29] =	ssyncadd.s32 $0xFFFFFFFF  }
0xb5: {  	_ =	strace $0x9000004E  }
0xb6: {  	_ =	sfence  }
0xb7: {  	s30 =	sld [smem:$0x0];
	_ =	sdelay $0x2  }
0xb8: {  	s31 =	sshll.u32 s1, $0xD;
	s1 =	sshrl.u32 s1, $0x2  }
0xb9: {  	s3 =	sand.u32 $0x4000, s31;
	s1 =	sadd.s32 s1, s30  }
0xba: {  	s0 =	sor.u32 s3, s0;
	s1 =	sshll.u32 s1, $0x11  }
0xbb: {  	s0 =	sor.u32 s1, s0  }
0xbc: {  	s0 =	sadd.s32 $0x8F2B, s0  }
0xbd: {  	[sflag:s0] =	ssyncadd.remote.s32 $0x1  }
0xbe: {  	_ =	sfence.sel $0xFFFF  }
0xbf: {  	[dreg:$0x0] =	wrdreg $0xFFFFFFFF;
	(pc) =	sbr.abs _section_cstart, $3  }
0xc0: {  	[dreg:$0x1] =	wrdreg $0xFFFFFFFF  }
0xc1: {  	_ =	task.clear_ibuf [dreg:s6], $0x2FFFF;
	_ =	strace $0x9FFFFFFF  }
0xc2: {  	(tm) =	ssettm $0x7FFFFFFF  }
0xc3: {  	_ =	shalt  }
tec
execute0_lowered:
.L_overlay_start_1:
0x0: {  	(tag) =	ssettag $0x1  }
0x1: {  	s0 =	rddreg [dreg:$0x0]  }
0x2: {  	s1 =	rddreg [dreg:$0x1];
	s3 =	simm.s32 $0x0;
	s2 =	srdreg.scid  }
0x3: {  	s7 =	stileid.u32;
	[smem:$0x7FF] =	sst s3  }
0x4: {  	s2 =	sand.u32 $0x1, s2;
	s4 =	sadd.s32 $0x72E00, s0;
	s13 =	smul.u32 $0x280, s7  }
0x5: {  	s6 =	sshll.u32 s7, $0xB;
	s25 =	smul.u32 $0x14000, s7;
	_ =	strace $0x8000004D  }
0x6: {  	s5 =	sshll.u32 s2, $0xF;
	s23 =	ssub.s32 $0x2, s2;
	s2 =	smul.u32 $0x140000, s2  }
0x7: {  	s5 =	sor.u32 s6, s5;
	s24 =	sshrl.u32 s23, $0x1;
	s21 =	sor.u32 $0x10, s13  }
0x8: {  	s22 =	sor.u32 $0x50, s13;
	s20 =	sadd.s32 $0xA0, s13;
	s19 =	sadd.s32 $0xF0, s13  }
0x9: {  	s17 =	sadd.s32 $0x140, s13;
	s16 =	sadd.s32 $0x190, s13;
	s18 =	sadd.s32 $0x1E0, s13  }
0xa: {  	s12 =	sadd.s32 $0x230, s13;
	s28 =	sadd.s32 $0x80, s13;
	s29 =	sadd.s32 $0xC0, s13  }
0xb: {  	s30 =	sadd.s32 $0x220, s13;
	s14 =	sadd.s32 s5, s0;
	s0 =	sadd.s32 $0x9A000, s0  }
0xc: {  	s15 =	ssub.s32 s23, s24;
	s5 =	sadd.s32 s25, s2;
	s26 =	sshll.u32 s22, $0x7  }
0xd: {  	[dreg:$0x3] =	wrdreg s12;
	s31 =	sshll.u32 s20, $0x7;
	s8 =	sshll.u32 s19, $0x7  }
0xe: {  	s9 =	sshll.u32 s17, $0x7;
	s10 =	sshll.u32 s16, $0x7;
	s11 =	sshll.u32 s18, $0x7  }
0xf: {  	v39 =	vlaneseq.u32;
	s12 =	sshll.u32 s12, $0x7;
	s23 =	sor.u32 $0x20, s13;
	s25 =	sor.u32 $0x60, s13  }
0x10: {  	s24 =	sadd.s32 $0xB0, s13;
	v4 =	vor.u32 s22, v39;
	s22 =	sadd.s32 $0x100, s13;
	v7 =	vor.u32 s28, v39;
	s28 =	sadd.s32 $0x130, s13  }
0x11: {  	v0 =	vor.u32 s21, v39;
	s21 =	sadd.s32 $0x150, s13;
	v11 =	vor.u32 s29, v39;
	s29 =	sadd.s32 $0x1B0, s13;
	v14 =	vor.u32 s19, v39;
	s19 =	sadd.s32 $0x1C0, s13  }
0x12: {  	v19 =	vor.u32 s17, v39;
	s17 =	sadd.s32 $0x260, s13;
	v24 =	vor.u32 s16, v39;
	s16 =	simm.s32 $0x2;
	v30 =	vor.u32 s18, v39;
	s18 =	simm.s32 $0x50  }
0x13: {  	v9 =	vor.u32 s20, v39;
	s20 =	simm.s32 $0x8000;
	v34 =	vor.u32 s30, v39;
	s30 =	simm.s32 $0x0;
	s5 =	sshrl.u32 s5, $0x3  }
0x14: {  	s6 =	sadd.s32 s2, s26;
	s7 =	sadd.s32 s2, s31;
	s8 =	sadd.s32 s2, s8  }
0x15: {  	s9 =	sadd.s32 s2, s9;
	s10 =	sadd.s32 s2, s10;
	s11 =	sadd.s32 s2, s11  }
0x16: {  	s2 =	sadd.s32 s2, s12;
	s31 =	sor.u32 $0x40, s13;
	s26 =	sor.u32 $0x70, s13  }
0x17: {  	v1 =	vor.u32 s23, v39;
	s23 =	sadd.s32 $0x90, s13;
	v10 =	vor.u32 s24, v39;
	s24 =	sadd.s32 $0x170, s13;
	v15 =	vor.u32 s22, v39;
	s22 =	sadd.s32 $0x1D0, s13  }
0x18: {  	v5 =	vor.u32 s25, v39;
	s25 =	sadd.s32 $0x1F0, s13;
	v18 =	vor.u32 s28, v39;
	s28 =	sadd.s32 $0x210, s13;
	s15 =	smax.u32 s15, $0x1  }
0x19: {  	v20 =	vor.u32 s21, v39;
	v27 =	vor.u32 s29, v39;
	v28 =	vor.u32 s19, v39;
	s19 =	simm.s32 $0xA800;
	s21 =	simm.s32 $0xA880;
	s29 =	simm.s32 $0x1  }
0x1a: {  	s5 =	sadd.s32 s0, s5;
	s6 =	sshrl.u32 s6, $0x3;
	s7 =	sshrl.u32 s7, $0x3  }
0x1b: {  	s8 =	sshrl.u32 s8, $0x3;
	s9 =	sshrl.u32 s9, $0x3;
	s10 =	sshrl.u32 s10, $0x3  }
0x1c: {  	s11 =	sshrl.u32 s11, $0x3;
	s2 =	sshrl.u32 s2, $0x3;
	v6 =	vor.u32 s26, v39;
	s26 =	sadd.s32 $0x110, s13  }
0x1d: {  	v3 =	vor.u32 s31, v39;
	s31 =	sadd.s32 $0x120, s13;
	v8 =	vor.u32 s23, v39;
	s23 =	sadd.s32 $0x160, s13;
	v22 =	vor.u32 s24, v39;
	s24 =	sadd.s32 $0x250, s13  }
0x1e: {  	v29 =	vor.u32 s22, v39;
	v31 =	vor.u32 s25, v39;
	v33 =	vor.u32 s28, v39;
	s22 =	simm.s32 $0xA900;
	s25 =	simm.s32 $0xAA80;
	s28 =	simm.s32 $0xAB80  }
0x1f: {  	s6 =	sadd.s32 s0, s6;
	s7 =	sadd.s32 s0, s7;
	s8 =	sadd.s32 s0, s8  }
0x20: {  	v40 =	vimm.f32 $0.0e+00;
	s9 =	sadd.s32 s0, s9;
	s10 =	sadd.s32 s0, s10;
	s11 =	sadd.s32 s0, s11  }
0x21: {  	v25 =	vor.u32 s13, v39;
	v38 =	vor.u32 s17, v39;
	s12 =	sadd.s32 s0, s2;
	s2 =	sor.u32 $0x30, s13;
	s0 =	sadd.s32 $0xD0, s13;
	v16 =	vor.u32 s26, v39  }
0x22: {  	v17 =	vor.u32 s31, v39;
	s26 =	sadd.s32 $0x200, s13;
	v21 =	vor.u32 s23, v39;
	s31 =	sadd.s32 $0x240, s13;
	s23 =	simm.s32 $0xA980;
	v37 =	vor.u32 s24, v39  }
0x23: {  	s24 =	simm.s32 $0xAA00;
	v2 =	vor.u32 s2, v39;
	s2 =	sadd.s32 $0xE0, s13;
	v12 =	vor.u32 s0, v39;
	s0 =	sadd.s32 $0x180, s13;
	v32 =	vor.u32 s26, v39  }
0x24: {  	s26 =	rddreg [dreg:$0x3];
	v36 =	vor.u32 s31, v39;
	v13 =	vor.u32 s2, v39;
	s2 =	sadd.s32 $0x1A0, s13;
	v23 =	vor.u32 s0, v39;
	s0 =	sadd.s32 $0x270, s13  }
0x25: {  	s13 =	sadd.s32 $0x2E00, s14;
	s14 =	sadd.s32 $0x62E00, s14;
	v35 =	vor.u32 s26, v39;
	s26 =	simm.s32 $0xAB00;
	v26 =	vor.u32 s2, v39;
	v39 =	vor.u32 s0, v39  }
.LBB2_1:
0x26: {  	s0 =	sand.u32 $0xFE00, s3  }
0x27: {  	s2 =	sand.u32 $0x70, s3;
	s0 =	sshrl.u32 s0, $0x2  }
0x28: {  	s31 =	simm.s32 $0x40;
	s2 =	sor.u32 s2, s0;
	s0 =	simm.s32 $0x0  }
.LBB2_2:
0x29: {  	p0 =	sne.s32 s31, $0x9FC0  }
0x2a: {  	[tilespmem:s2+$0x8000] =	vst v40;
	s0 =	sadd.s32 $0x10, s0;
	s2 =	smov.u32 s31;
	s31 =	sadd.s32 $0x40, s31  }
.Ltmp0:
0x2b: {  	(pc) =	sbr.rel @p0 .LBB2_2-.Ltmp0, $4  }
0x2c: {  	_ = 	snop  }
0x2d: {  	s2 =	sand.u32 $0xFE00, s2  }
0x2e: {  	s17 =	sand.u32 $0x70, s0;
	s2 =	sshrl.u32 s2, $0x2  }
0x2f: {  	s2 =	sor.u32 s17, s2  }
0x30: {  	[tilespmem:s2+$0x8000] =	vst v40  }
0x31: {  	[tilespmem:$0xA800] =	vst v25  }
0x32: {  	[tilespmem:$0xA810] =	vst v0  }
0x33: {  	[tilespmem:$0xA820] =	vst v1  }
0x34: {  	[tilespmem:$0xA830] =	vst v2  }
0x35: {  	[tilespmem:$0xA840] =	vst v3  }
0x36: {  	[tilespmem:$0xA880] =	vst v4  }
0x37: {  	[tilespmem:$0xA890] =	vst v5  }
0x38: {  	[tilespmem:$0xA8A0] =	vst v6  }
0x39: {  	[tilespmem:$0xA8B0] =	vst v7  }
0x3a: {  	[tilespmem:$0xA8C0] =	vst v8  }
0x3b: {  	[tilespmem:$0xA900] =	vst v9  }
0x3c: {  	[tilespmem:$0xA910] =	vst v10  }
0x3d: {  	[tilespmem:$0xA920] =	vst v11  }
0x3e: {  	[tilespmem:$0xA930] =	vst v12  }
0x3f: {  	[tilespmem:$0xA940] =	vst v13  }
0x40: {  	[tilespmem:$0xA980] =	vst v14  }
0x41: {  	[tilespmem:$0xA990] =	vst v15  }
0x42: {  	[tilespmem:$0xA9A0] =	vst v16  }
0x43: {  	[tilespmem:$0xA9B0] =	vst v17  }
0x44: {  	[tilespmem:$0xA9C0] =	vst v18  }
0x45: {  	[tilespmem:$0xAA00] =	vst v19  }
0x46: {  	[tilespmem:$0xAA10] =	vst v20  }
0x47: {  	[tilespmem:$0xAA20] =	vst v21  }
0x48: {  	[tilespmem:$0xAA30] =	vst v22  }
0x49: {  	[tilespmem:$0xAA40] =	vst v23  }
0x4a: {  	[tilespmem:$0xAA80] =	vst v24  }
0x4b: {  	[tilespmem:$0xAA90] =	vst v26  }
0x4c: {  	[tilespmem:$0xAAA0] =	vst v27  }
0x4d: {  	[tilespmem:$0xAAB0] =	vst v28  }
0x4e: {  	[tilespmem:$0xAAC0] =	vst v29  }
0x4f: {  	[tilespmem:$0xAB00] =	vst v30  }
0x50: {  	[tilespmem:$0xAB10] =	vst v31  }
0x51: {  	[tilespmem:$0xAB20] =	vst v32  }
0x52: {  	[tilespmem:$0xAB30] =	vst v33  }
0x53: {  	[tilespmem:$0xAB40] =	vst v34  }
0x54: {  	[tilespmem:$0xAB80] =	vst v35  }
0x55: {  	[tilespmem:$0xAB90] =	vst v36  }
0x56: {  	[tilespmem:$0xABA0] =	vst v37  }
0x57: {  	[tilespmem:$0xABB0] =	vst v38  }
0x58: {  	s0 =	simm.s32 $0x0;
	[tilespmem:$0xABC0] =	vst v39  }
0x59: {  	[tilespmem:s0], [sflag:$0x2] =	stream.linear.gather [hbm4b:s13+s0], $0x3E80, $0x38;
	[tilespmem:$0x1EC00] =	vst v63  }
0x5a: {  	_ =	swait.ge [sflag:s16], $0x3E80  }
0x5b: {  	[sflag:s16] =	ssyncset.done $0x0  }
0x5c: {  	s17 =	simm.s32 $0x4000;
	[sflag:s16] =	ssyncadd.s32 $0xFFFFC180  }
0x5d: {  	[tilespmem:s17], [sflag:$0x2] =	stream.linear.gather [hbm4b:s14+s0], $0x3E80, $0x38;
	[tilespmem:$0x1EC00] =	vst v63  }
0x5e: {  	_ =	swait.ge [sflag:s16], $0x3E80  }
0x5f: {  	[sflag:s16] =	ssyncset.done $0x0  }
0x60: {  	[sflag:s16] =	ssyncadd.s32 $0xFFFFC180  }
0x61: {  	[spmem:s1] =	stream.indirect.scatter [tilespmem:s20], [sflag:$0x2], $0x80, s19, s18, $0xb8;
	[tilespmem:$0x1EC00] =	vst v63  }
0x62: {  	_ =	swait.ge [sflag:s16], $0x2800  }
0x63: {  	[sflag:s16] =	ssyncset.done $0x0  }
0x64: {  	[sflag:s16] =	ssyncadd.s32 $0xFFFFD800  }
0x65: {  	[spmem:s1] =	stream.indirect.scatter [tilespmem:s20], [sflag:$0x2], $0x80, s21, s18, $0xb8;
	[tilespmem:$0x1EC00] =	vst v63  }
0x66: {  	_ =	swait.ge [sflag:s16], $0x2800  }
0x67: {  	[sflag:s16] =	ssyncset.done $0x0  }
0x68: {  	[sflag:s16] =	ssyncadd.s32 $0xFFFFD800  }
0x69: {  	[spmem:s1] =	stream.indirect.scatter [tilespmem:s20], [sflag:$0x2], $0x80, s22, s18, $0xb8;
	[tilespmem:$0x1EC00] =	vst v63  }
0x6a: {  	_ =	swait.ge [sflag:s16], $0x2800  }
0x6b: {  	[sflag:s16] =	ssyncset.done $0x0  }
0x6c: {  	[sflag:s16] =	ssyncadd.s32 $0xFFFFD800  }
0x6d: {  	[spmem:s1] =	stream.indirect.scatter [tilespmem:s20], [sflag:$0x2], $0x80, s23, s18, $0xb8;
	[tilespmem:$0x1EC00] =	vst v63  }
0x6e: {  	_ =	swait.ge [sflag:s16], $0x2800  }
0x6f: {  	[sflag:s16] =	ssyncset.done $0x0  }
0x70: {  	[sflag:s16] =	ssyncadd.s32 $0xFFFFD800  }
0x71: {  	[spmem:s1] =	stream.indirect.scatter [tilespmem:s20], [sflag:$0x2], $0x80, s24, s18, $0xb8;
	[tilespmem:$0x1EC00] =	vst v63  }
0x72: {  	_ =	swait.ge [sflag:s16], $0x2800  }
0x73: {  	[sflag:s16] =	ssyncset.done $0x0  }
0x74: {  	[sflag:s16] =	ssyncadd.s32 $0xFFFFD800  }
0x75: {  	[spmem:s1] =	stream.indirect.scatter [tilespmem:s20], [sflag:$0x2], $0x80, s25, s18, $0xb8;
	[tilespmem:$0x1EC00] =	vst v63  }
0x76: {  	_ =	swait.ge [sflag:s16], $0x2800  }
0x77: {  	[sflag:s16] =	ssyncset.done $0x0  }
0x78: {  	[sflag:s16] =	ssyncadd.s32 $0xFFFFD800  }
0x79: {  	[spmem:s1] =	stream.indirect.scatter [tilespmem:s20], [sflag:$0x2], $0x80, s26, s18, $0xb8;
	[tilespmem:$0x1EC00] =	vst v63  }
0x7a: {  	_ =	swait.ge [sflag:s16], $0x2800  }
0x7b: {  	[sflag:s16] =	ssyncset.done $0x0  }
0x7c: {  	[sflag:s16] =	ssyncadd.s32 $0xFFFFD800  }
0x7d: {  	[spmem:s1] =	stream.indirect.scatter [tilespmem:s20], [sflag:$0x2], $0x80, s28, s18, $0xb8;
	[tilespmem:$0x1EC00] =	vst v63  }
0x7e: {  	_ =	swait.ge [sflag:s16], $0x2800  }
0x7f: {  	[sflag:s16] =	ssyncset.done $0x0  }
0x80: {  	[sflag:s16] =	ssyncadd.s32 $0xFFFFD800  }
0x81: {  	s2 =	simm.s32 $0x0;
	[bflag:$0x0] =	sbarrier.arrive $0xFFFF  }
0x82: {  	[tilespmem:s20], [sflag:$0x1] =	stream.indirect.gather [hbm4b:s4+s18], $0x80, s2, s18, $0xb8;
	[tilespmem:$0x1EC00] =	vst v63  }
0x83: {  	_ =	swait.ge [sflag:s29], $0x2800  }
0x84: {  	[sflag:s29] =	ssyncset.done $0x0  }
0x85: {  	s17 =	simm.s32 $0x4000;
	[sflag:s29] =	ssyncadd.s32 $0xFFFFD800  }
0x86: {  	[spmem:s1] =	stream.indirect.scatter.add.f32 [tilespmem:s20], [sflag:$0x2], $0x80, s17, s18, $0xb8;
	[tilespmem:$0x1EC00] =	vst v63  }
0x87: {  	_ =	swait.ge [sflag:s16], $0x2800  }
0x88: {  	s31 =	simm.s32 $0x200;
	s0 =	simm.s32 $0x400;
	[sflag:s16] =	ssyncset.done $0x0  }
.LBB2_4:
0x89: {  	s2 =	sshra.s32 s31, $0x2  }
0x8a: {  	[sflag:s16] =	ssyncadd.s32 $0xFFFFD800;
	s31 =	smov.u32 s0;
	s17 =	sadd.s32 $0x200, s0  }
0x8b: {  	[tilespmem:s20], [sflag:$0x1] =	stream.indirect.gather [hbm4b:s4+s18], $0x80, s2, s18, $0xb8;
	[tilespmem:$0x1EC00] =	vst v63  }
0x8c: {  	p0 =	sne.s32 s0, $0xF800;
	_ =	swait.ge [sflag:s29], $0x2800  }
.Ltmp1:
0x8d: {  	[sflag:s29] =	ssyncset.done $0x0;
	(pc) =	sbr.rel @p0 .LBB2_4-.Ltmp1, $4  }
0x8e: {  	s0 =	sadd.s32 $0x4000, s2;
	[sflag:s29] =	ssyncadd.s32 $0xFFFFD800  }
0x8f: {  	[spmem:s1] =	stream.indirect.scatter.add.f32 [tilespmem:s20], [sflag:$0x2], $0x80, s0, s18, $0xb8;
	[tilespmem:$0x1EC00] =	vst v63  }
0x90: {  	_ =	swait.ge [sflag:s16], $0x2800  }
0x91: {  	s0 =	smov.u32 s17;
	[sflag:s16] =	ssyncset.done $0x0  }
0x92: {  	s0 =	sshra.s32 s31, $0x2;
	[sflag:s16] =	ssyncadd.s32 $0xFFFFD800  }
0x93: {  	[tilespmem:s20], [sflag:$0x1] =	stream.indirect.gather [hbm4b:s4+s18], $0x80, s0, s18, $0xb8;
	[tilespmem:$0x1EC00] =	vst v63  }
0x94: {  	_ =	swait.ge [sflag:s29], $0x2800  }
0x95: {  	[sflag:s29] =	ssyncset.done $0x0  }
0x96: {  	s0 =	sadd.s32 $0x4000, s0;
	[sflag:s29] =	ssyncadd.s32 $0xFFFFD800  }
0x97: {  	[spmem:s1] =	stream.indirect.scatter.add.f32 [tilespmem:s20], [sflag:$0x2], $0x80, s0, s18, $0xb8;
	[tilespmem:$0x1EC00] =	vst v63  }
0x98: {  	_ =	swait.ge [sflag:s16], $0x2800  }
0x99: {  	[sflag:s16] =	ssyncset.done $0x0  }
0x9a: {  	[sflag:s16] =	ssyncadd.s32 $0xFFFFD800  }
0x9b: {  	[bflag:$0x0] =	sbarrier.arrive $0xFFFF  }
0x9c: {  	[tilespmem:s20], [sflag:$0x2] =	stream.indirect.gather [spmem:s1], $0x80, s19, s18, $0xb8;
	[tilespmem:$0x1EC00] =	vst v63  }
0x9d: {  	_ =	swait.ge [sflag:s16], $0x2800  }
0x9e: {  	[sflag:s16] =	ssyncset.done $0x0  }
0x9f: {  	[sflag:s16] =	ssyncadd.s32 $0xFFFFD800  }
0xa0: {  	[hbm4b:s5+s3] =	stream.linear.scatter [tilespmem:s20], [sflag:$0x2], $0x2800, $0x38;
	[tilespmem:$0x1EC00] =	vst v63  }
0xa1: {  	_ =	swait.ge [sflag:s16], $0x2800  }
0xa2: {  	[sflag:s16] =	ssyncset.done $0x0  }
0xa3: {  	[sflag:s16] =	ssyncadd.s32 $0xFFFFD800  }
0xa4: {  	[tilespmem:s20], [sflag:$0x2] =	stream.indirect.gather [spmem:s1], $0x80, s21, s18, $0xb8;
	[tilespmem:$0x1EC00] =	vst v63  }
0xa5: {  	_ =	swait.ge [sflag:s16], $0x2800  }
0xa6: {  	[sflag:s16] =	ssyncset.done $0x0  }
0xa7: {  	[sflag:s16] =	ssyncadd.s32 $0xFFFFD800  }
0xa8: {  	[hbm4b:s6+s3] =	stream.linear.scatter [tilespmem:s20], [sflag:$0x2], $0x2800, $0x38;
	[tilespmem:$0x1EC00] =	vst v63  }
0xa9: {  	_ =	swait.ge [sflag:s16], $0x2800  }
0xaa: {  	[sflag:s16] =	ssyncset.done $0x0  }
0xab: {  	[sflag:s16] =	ssyncadd.s32 $0xFFFFD800  }
0xac: {  	[tilespmem:s20], [sflag:$0x2] =	stream.indirect.gather [spmem:s1], $0x80, s22, s18, $0xb8;
	[tilespmem:$0x1EC00] =	vst v63  }
0xad: {  	_ =	swait.ge [sflag:s16], $0x2800  }
0xae: {  	[sflag:s16] =	ssyncset.done $0x0  }
0xaf: {  	[sflag:s16] =	ssyncadd.s32 $0xFFFFD800  }
0xb0: {  	[hbm4b:s7+s3] =	stream.linear.scatter [tilespmem:s20], [sflag:$0x2], $0x2800, $0x38;
	[tilespmem:$0x1EC00] =	vst v63  }
0xb1: {  	_ =	swait.ge [sflag:s16], $0x2800  }
0xb2: {  	[sflag:s16] =	ssyncset.done $0x0  }
0xb3: {  	[sflag:s16] =	ssyncadd.s32 $0xFFFFD800  }
0xb4: {  	[tilespmem:s20], [sflag:$0x2] =	stream.indirect.gather [spmem:s1], $0x80, s23, s18, $0xb8;
	[tilespmem:$0x1EC00] =	vst v63  }
0xb5: {  	_ =	swait.ge [sflag:s16], $0x2800  }
0xb6: {  	[sflag:s16] =	ssyncset.done $0x0  }
0xb7: {  	[sflag:s16] =	ssyncadd.s32 $0xFFFFD800  }
0xb8: {  	[hbm4b:s8+s3] =	stream.linear.scatter [tilespmem:s20], [sflag:$0x2], $0x2800, $0x38;
	[tilespmem:$0x1EC00] =	vst v63  }
0xb9: {  	_ =	swait.ge [sflag:s16], $0x2800  }
0xba: {  	[sflag:s16] =	ssyncset.done $0x0  }
0xbb: {  	[sflag:s16] =	ssyncadd.s32 $0xFFFFD800  }
0xbc: {  	[tilespmem:s20], [sflag:$0x2] =	stream.indirect.gather [spmem:s1], $0x80, s24, s18, $0xb8;
	[tilespmem:$0x1EC00] =	vst v63  }
0xbd: {  	_ =	swait.ge [sflag:s16], $0x2800  }
0xbe: {  	[sflag:s16] =	ssyncset.done $0x0  }
0xbf: {  	[sflag:s16] =	ssyncadd.s32 $0xFFFFD800  }
0xc0: {  	[hbm4b:s9+s3] =	stream.linear.scatter [tilespmem:s20], [sflag:$0x2], $0x2800, $0x38;
	[tilespmem:$0x1EC00] =	vst v63  }
0xc1: {  	_ =	swait.ge [sflag:s16], $0x2800  }
0xc2: {  	[sflag:s16] =	ssyncset.done $0x0  }
0xc3: {  	[sflag:s16] =	ssyncadd.s32 $0xFFFFD800  }
0xc4: {  	[tilespmem:s20], [sflag:$0x2] =	stream.indirect.gather [spmem:s1], $0x80, s25, s18, $0xb8;
	[tilespmem:$0x1EC00] =	vst v63  }
0xc5: {  	_ =	swait.ge [sflag:s16], $0x2800  }
0xc6: {  	[sflag:s16] =	ssyncset.done $0x0  }
0xc7: {  	[sflag:s16] =	ssyncadd.s32 $0xFFFFD800  }
0xc8: {  	[hbm4b:s10+s3] =	stream.linear.scatter [tilespmem:s20], [sflag:$0x2], $0x2800, $0x38;
	[tilespmem:$0x1EC00] =	vst v63  }
0xc9: {  	_ =	swait.ge [sflag:s16], $0x2800  }
0xca: {  	[sflag:s16] =	ssyncset.done $0x0  }
0xcb: {  	[sflag:s16] =	ssyncadd.s32 $0xFFFFD800  }
0xcc: {  	[tilespmem:s20], [sflag:$0x2] =	stream.indirect.gather [spmem:s1], $0x80, s26, s18, $0xb8;
	[tilespmem:$0x1EC00] =	vst v63  }
0xcd: {  	_ =	swait.ge [sflag:s16], $0x2800  }
0xce: {  	[sflag:s16] =	ssyncset.done $0x0  }
0xcf: {  	[sflag:s16] =	ssyncadd.s32 $0xFFFFD800  }
0xd0: {  	[hbm4b:s11+s3] =	stream.linear.scatter [tilespmem:s20], [sflag:$0x2], $0x2800, $0x38;
	[tilespmem:$0x1EC00] =	vst v63  }
0xd1: {  	_ =	swait.ge [sflag:s16], $0x2800  }
0xd2: {  	[sflag:s16] =	ssyncset.done $0x0  }
0xd3: {  	[sflag:s16] =	ssyncadd.s32 $0xFFFFD800  }
0xd4: {  	[tilespmem:s20], [sflag:$0x2] =	stream.indirect.gather [spmem:s1], $0x80, s28, s18, $0xb8;
	[tilespmem:$0x1EC00] =	vst v63  }
0xd5: {  	s30 =	sadd.s32 $0x1, s30;
	_ =	swait.ge [sflag:s16], $0x2800  }
0xd6: {  	p0 =	sne.s32 s30, s15;
	[sflag:s16] =	ssyncset.done $0x0  }
.Ltmp2:
0xd7: {  	[sflag:s16] =	ssyncadd.s32 $0xFFFFD800;
	(pc) =	sbr.rel @p0 .LBB2_1-.Ltmp2, $4  }
0xd8: {  	[hbm4b:s12+s3] =	stream.linear.scatter [tilespmem:s20], [sflag:$0x2], $0x2800, $0x38;
	[tilespmem:$0x1EC00] =	vst v63  }
0xd9: {  	_ =	swait.ge [sflag:s16], $0x2800  }
0xda: {  	[sflag:s16] =	ssyncset.done $0x0  }
0xdb: {  	[sflag:s16] =	ssyncadd.s32 $0xFFFFD800  }
0xdc: {  	_ =	sfence.sel $0x180000  }
0xdd: {  	[bflag:$0x0] =	sbarrier.arrive $0xFFFF  }
0xde: {  	_ =	strace $0x9000004D  }
0xdf: {  	s0 =	stileid.u32;
	[bflag:$0x2] =	sbarrier.arrive $0xFFFF  }
0xe0: {  	p0 =	sne.s32 s0, $0x0;
	s0 =	rddreg [dreg:$0x2]  }
0xe1: {  	s0 =	sadd.s32 @!p0 $0x100000, s0  }
0xe2: {  	[sflag:s0] =	ssyncadd.tile.s32 @!p0 $0x1;
	_ =	shalt  }
.Lfunc_end2:
_tile_overlayer_lowered:
.L_overlay_start_2:
0xe3: {  	(tag) =	ssettag $0x2  }
0xe4: {  	s0 =	rddreg [dreg:$0x0];
	s2 =	stileid.u32  }
0xe5: {  	s1 =	rddreg [dreg:$0x1];
	p0 =	sne.s32 s2, $0x0  }
0xe6: {  	s3 =	rddreg [dreg:$0x2];
	[bflag:$0x3] =	sbarrier.arrive $0xFFFF;
	s2 =	simm.s32 @!p0 $0x1C02  }
0xe7: {  	[timem:s3], [sflag:s2] =	dma.local @!p0 [hbm:s0], s1  }
0xe8: {  	s0 =	simm.s32 @!p0 $0x2  }
0xe9: {  	_ =	swait.ge @!p0 [sflag:s0], s1  }
0xea: {  	s1 =	ssub.s32 @!p0 $0x0, s1;
	[sflag:s0] =	ssyncset.done @!p0 $0x0  }
0xeb: {  	[sflag:s0] =	ssyncadd.s32 @!p0 s1  }
0xec: {  	[bflag:$0x3] =	sbarrier.arrive $0xFFFF  }
0xed: {  	_ =	shalt  }

// kernel: kernel.9.cloned.1.call-start
scs
__scs_entry_jumppad:
0x0: {  	(pc) =	sbr.rel $0x88, $3  }
0x1: {  	(tag) =	ssettag $0x0;
	lr =	simm.s32 $0x1  }
0x2: {  	[smem:$0x3F91] =	sst lr;
	_ =	strace $0xD0000000  }
0x3: {  	_ = 	snop  }
0x4: {  	_ = 	snop  }
0x5: {  	_ = 	snop  }
0x6: {  	_ = 	snop  }
0x7: {  	_ = 	snop  }
__scs_overlays_trampoline_lowered:
0x8: {  	[smem:$0x3FA0] =	sst s0  }
0x9: {  	[smem:$0x3FA1] =	sst s1  }
0xa: {  	[smem:$0x3FA2] =	sst s2  }
0xb: {  	[smem:$0x3FA3] =	sst s3  }
0xc: {  	[smem:$0x3FA4] =	sst s4  }
0xd: {  	[smem:$0x3FA5] =	sst s5  }
0xe: {  	[smem:$0x3FA6] =	sst s6  }
0xf: {  	[smem:$0x3FA7] =	sst s7  }
0x10: {  	[smem:$0x3FA8] =	sst s8  }
0x11: {  	[smem:$0x3FA9] =	sst s9;
	s0 =	simm.s32 @!p0 $0x0  }
0x12: {  	s1 =	sld [smem:$0x3F8F];
	s0 =	simm.s32 @p0 $0x1  }
0x13: {  	[smem:$0x3FAA] =	sst s0;
	s0 =	simm.s32 @!p1 $0x0  }
0x14: {  	s2 =	sld [smem:$0x3F8E];
	s0 =	simm.s32 @p1 $0x1  }
0x15: {  	[smem:$0x3FAB] =	sst s0;
	s0 =	simm.s32 @!p2 $0x0  }
0x16: {  	s3 =	sld [smem:$0x3FDB];
	s0 =	simm.s32 @p2 $0x1  }
0x17: {  	s4 =	simm.s32 $0x1BF5;
	[smem:$0x3FAD] =	sst s0  }
0x18: {  	s0 =	sld [smem:$0x3F90];
	_ =	swait.ge [sflag:s4], $0x0  }
0x19: {  	s7 =	sld [smem:$0x3F91]  }
0x1a: {  	s8 =	sadd.s32 $0xFFFFE003, lr  }
0x1b: {  	s9 =	sadd.s32 $0xFFFFFEF7, lr;
	s5 =	simm.s32 $0xFFFFFFFF;
	p2 =	slt.u32 s8, $0xFFFFF086  }
0x1c: {  	p1 =	slt.u32 s9, $0xF7A;
	s5 =	simm.s32 @!p2 $0x0  }
0x1d: {  	s5 =	simm.s32 @p1 $0x1;
	p0 =	seq.s32 s7, s2  }
0x1e: {  	s7 =	smul.u32 @!p0 $0xF7A, s2;
	p2 =	seq.s32 @!p0 s5, $0x0  }
0x1f: {  	s9 =	smul.u32 $0xF7A, s1;
	s8 =	simm.s32 @!p0 $0x1BF5;
	p2 =	por !p2, p0  }
0x20: {  	[sflag:s8] =	ssyncset.s32 @!p0 $0xFFFFF086;
	s6 =	sadd.s32 @!p0 s3, s7;
	s7 =	simm.s32 @!p0 $0x108  }
0x21: {  	s3 =	sadd.s32 s3, s9;
	s6 =	sadd.s32 @!p0 $0x88, s6;
	s7 =	simm.s32 @p2 $0x1082  }
0x22: {  	[simem:s7], [sflag:s8] =	dma.local @!p0 [hbm:s6], $0xF7A  }
0x23: {  	s9 =	sor.u32 $0xD0000000, s2;
	s6 =	simm.s32 $0x108;
	_ =	swait.ge @!p0 [sflag:s8], $0x0  }
0x24: {  	s3 =	sadd.s32 $0x88, s3;
	s6 =	simm.s32 @!p1 $0x1082;
	[sflag:s4] =	ssyncset.s32 $0xFFFFF086  }
0x25: {  	[simem:s6], [sflag:s4] =	dma.local [hbm:s3], $0xF7A  }
0x26: {  	[smem:$0x3F91] =	sst s1;
	(tag) =	ssettag s2;
	_ =	strace s9  }
0x27: {  	s1 =	sld [smem:$0x3FA1]  }
0x28: {  	s2 =	sld [smem:$0x3FA2]  }
0x29: {  	s4 =	sld [smem:$0x3FA4]  }
0x2a: {  	p0 =	seq.s32 s5, $0x0;
	s5 =	sld [smem:$0x3FA5]  }
0x2b: {  	s6 =	sld [smem:$0x3FA6]  }
0x2c: {  	s7 =	sld [smem:$0x3FA7]  }
0x2d: {  	s3 =	simm.s32 $0x108;
	s8 =	sld [smem:$0x3FA8]  }
0x2e: {  	s3 =	simm.s32 @!p0 $0x1082;
	s9 =	sld [smem:$0x3FA9]  }
0x2f: {  	lr =	sadd.s32 s0, s3;
	s0 =	sld [smem:$0x3FA0]  }
0x30: {  	s3 =	sld [smem:$0x3FA3]  }
0x31: {  	[smem:$0x3FAC] =	sst s10  }
0x32: {  	s10 =	sld [smem:$0x3FAA];
	_ =	sdelay $0x3  }
0x33: {  	p0 =	seq.s32 s10, $0x1;
	s10 =	sld [smem:$0x3FAC];
	_ =	sdelay $0x3  }
0x34: {  	[smem:$0x3FAC] =	sst s10  }
0x35: {  	s10 =	sld [smem:$0x3FAB];
	_ =	sdelay $0x3  }
0x36: {  	p1 =	seq.s32 s10, $0x1;
	s10 =	sld [smem:$0x3FAC];
	_ =	sdelay $0x3  }
0x37: {  	[smem:$0x3FAC] =	sst s10  }
0x38: {  	s10 =	sld [smem:$0x3FAD]  }
0x39: {  	_ = 	snop;
	(pc) =	sbr.ind lr, $3  }
0x3a: {  	_ = 	snop  }
0x3b: {  	_ = 	snop  }
0x3c: {  	p2 =	seq.s32 s10, $0x1;
	s10 =	sld [smem:$0x3FAC]  }
0x3d: {  	_ =	shalt  }
0x3e: {  	_ =	shalt  }
0x3f: {  	_ =	shalt  }
0x40: {  	_ =	shalt  }
0x41: {  	_ =	shalt  }
0x42: {  	_ =	shalt  }
0x43: {  	_ =	shalt  }
0x44: {  	_ =	shalt  }
0x45: {  	_ =	shalt  }
0x46: {  	_ =	shalt  }
0x47: {  	_ =	shalt  }
0x48: {  	_ =	shalt  }
0x49: {  	_ =	shalt  }
0x4a: {  	_ =	shalt  }
0x4b: {  	_ =	shalt  }
0x4c: {  	_ =	shalt  }
0x4d: {  	_ =	shalt  }
0x4e: {  	_ =	shalt  }
0x4f: {  	_ =	shalt  }
0x50: {  	_ =	shalt  }
0x51: {  	_ =	shalt  }
0x52: {  	_ =	shalt  }
0x53: {  	_ =	shalt  }
0x54: {  	_ =	shalt  }
0x55: {  	_ =	shalt  }
0x56: {  	_ =	shalt  }
0x57: {  	_ =	shalt  }
0x58: {  	_ =	shalt  }
0x59: {  	_ =	shalt  }
0x5a: {  	_ =	shalt  }
0x5b: {  	_ =	shalt  }
0x5c: {  	_ =	shalt  }
0x5d: {  	_ =	shalt  }
0x5e: {  	_ =	shalt  }
0x5f: {  	_ =	shalt  }
0x60: {  	_ =	shalt  }
0x61: {  	_ =	shalt  }
0x62: {  	_ =	shalt  }
0x63: {  	_ =	shalt  }
0x64: {  	_ =	shalt  }
0x65: {  	_ =	shalt  }
0x66: {  	_ =	shalt  }
0x67: {  	_ =	shalt  }
0x68: {  	_ =	shalt  }
0x69: {  	_ =	shalt  }
0x6a: {  	_ =	shalt  }
0x6b: {  	_ =	shalt  }
0x6c: {  	_ =	shalt  }
0x6d: {  	_ =	shalt  }
0x6e: {  	_ =	shalt  }
0x6f: {  	_ =	shalt  }
0x70: {  	_ =	shalt  }
0x71: {  	_ =	shalt  }
0x72: {  	_ =	shalt  }
0x73: {  	_ =	shalt  }
0x74: {  	_ =	shalt  }
0x75: {  	_ =	shalt  }
0x76: {  	_ =	shalt  }
0x77: {  	_ =	shalt  }
0x78: {  	_ =	shalt  }
0x79: {  	_ =	shalt  }
0x7a: {  	_ =	shalt  }
0x7b: {  	_ =	shalt  }
0x7c: {  	_ =	shalt  }
0x7d: {  	_ =	shalt  }
0x7e: {  	_ =	shalt  }
0x7f: {  	_ =	shalt  }
0x80: {  	_ =	shalt  }
0x81: {  	_ =	shalt  }
0x82: {  	_ =	shalt  }
0x83: {  	_ =	shalt  }
0x84: {  	_ =	shalt  }
0x85: {  	_ =	shalt  }
0x86: {  	_ =	shalt  }
0x87: {  	_ =	shalt  }
.Lfunc_end0:
.L_simem_size_0:
called_computation_lowered:
.L_overlay_start_0:
0x88: {  	s2 =	sld [smem:$0x3FD9]  }
0x89: {  	s3 =	sld [smem:$0x3FFE];
	_ =	sdelay $0x1  }
0x8a: {  	s1 =	srdreg.scid  }
0x8b: {  	s0 =	sand.u32 $0x1, s1  }
0x8c: {  	s16 =	sshll.u32 s0, $0xA;
	s2 =	sadd.s32 s3, s2  }
0x8d: {  	s2 =	sadd.s32 s2, s16  }
0x8e: {  	[smem:$0x3FB8] =	sst s2  }
0x8f: {  	_ = 	snop  }
0x90: {  	(tm) =	ssettm $0x1  }
0x91: {  	s17 =	sld [smem:$0x3FFB];
	_ =	sdelay $0x3  }
0x92: {  	_ =	strace s17  }
0x93: {  	s2 =	sld [smem:$0x3FFC];
	_ =	sdelay $0x3  }
0x94: {  	_ =	strace s2  }
0x95: {  	s2 =	sld [smem:$0x3FFD];
	_ =	sdelay $0x3  }
0x96: {  	_ =	strace s2  }
0x97: {  	_ =	strace $0x8FFFFFFF  }
0x98: {  	s18 =	sld [smem:$0x3FDB];
	_ =	sdelay $0x1  }
0x99: {  	s19 =	simm.s32 $_scs_section_size  }
0x9a: {  	s4 =	simm.s32 $_size__tile_overlayer_lowered;
	s5 =	simm.s32 $_tile_overlayer_lowered  }
0x9b: {  	s22 =	simm.s32 $0x1BFF;
	s21 =	sshll.u32 s5, $0x1;
	s2 =	sadd.s32 s19, s18  }
0x9c: {  	s6 =	simm.s32 $0x0;
	s20 =	sshll.u32 s4, $0x1;
	s4 =	sadd.s32 s21, s2  }
0x9d: {  	[timem:s6], [sflag:s22] =	dma.local [hbm:s4], s20  }
0x9e: {  	_ =	swait.ge [sflag:s22], s20  }
0x9f: {  	s3 =	ssub.s32 $0x0, s20;
	[sflag:s22] =	ssyncset.done $0x0  }
0xa0: {  	[sflag:s22] =	ssyncadd.s32 s3;
	_ =	sdelay $0x1  }
0xa1: {  	s23 =	simm.s32 $0x1B8B  }
0xa2: {  	_ =	swait.ge [sflag:s23], $0x1  }
0xa3: {  	[sflag:s23] =	ssyncset.done $0x0  }
0xa4: {  	s25 =	simm.s32 $0x1B8E;
	s24 =	sld [smem:$0x3FFE];
	[sflag:s23] =	ssyncadd.s32 $0xFFFFFFFF  }
0xa5: {  	s26 =	simm.s32 $execute0_lowered;
	[smem:$0x3FD2] =	sst s25  }
0xa6: {  	s4 =	sshll.u32 s26, $0x1;
	_ =	strace $0x80000046;
	[dreg:$0x1] =	wrdreg $0xFFFFFFFF  }
0xa7: {  	s28 =	simm.s32 $_size_execute0_lowered;
	s2 =	sadd.s32 s2, s4;
	[dreg:$0x0] =	wrdreg $0x0  }
0xa8: {  	s4 =	sshll.u32 s28, $0x1;
	[dreg:$0x2] =	wrdreg s2  }
0xa9: {  	[dreg:$0x3] =	wrdreg s4  }
0xaa: {  	[dreg:$0x4] =	wrdreg $0xC0  }
0xab: {  	_ =	task [dreg:s6], $0x5FFFF  }
0xac: {  	[dreg:$0x1] =	wrdreg $0xFFFFFFFF  }
0xad: {  	[dreg:$0x0] =	wrdreg $0x60  }
0xae: {  	[dreg:$0x2] =	wrdreg s24  }
0xaf: {  	[dreg:$0x3] =	wrdreg $0x94000  }
0xb0: {  	[dreg:$0x4] =	wrdreg $0x9  }
0xb1: {  	_ =	task.clear_ibuf [dreg:s6], $0x5FFFF;
	_ =	strace $0x90000046  }
0xb2: {  	s29 =	simm.s32 $0x9;
	_ =	strace $0x80000048  }
0xb3: {  	_ =	swait.ge [sflag:s29], $0x1  }
0xb4: {  	[sflag:s29] =	ssyncadd.s32 $0xFFFFFFFF  }
0xb5: {  	_ =	strace $0x90000048  }
0xb6: {  	_ =	sfence  }
0xb7: {  	s30 =	sld [smem:$0x0];
	_ =	sdelay $0x2  }
0xb8: {  	s31 =	sshll.u32 s1, $0xD;
	s1 =	sshrl.u32 s1, $0x2  }
0xb9: {  	s3 =	sand.u32 $0x4000, s31;
	s1 =	sadd.s32 s1, s30  }
0xba: {  	s0 =	sor.u32 s3, s0;
	s1 =	sshll.u32 s1, $0x11  }
0xbb: {  	s0 =	sor.u32 s1, s0  }
0xbc: {  	s0 =	sadd.s32 $0x8F2B, s0  }
0xbd: {  	[sflag:s0] =	ssyncadd.remote.s32 $0x1  }
0xbe: {  	_ =	sfence.sel $0xFFFF  }
0xbf: {  	[dreg:$0x0] =	wrdreg $0xFFFFFFFF;
	(pc) =	sbr.abs _section_cstart, $3  }
0xc0: {  	[dreg:$0x1] =	wrdreg $0xFFFFFFFF  }
0xc1: {  	_ =	task.clear_ibuf [dreg:s6], $0x2FFFF;
	_ =	strace $0x9FFFFFFF  }
0xc2: {  	(tm) =	ssettm $0x7FFFFFFF  }
0xc3: {  	_ =	shalt  }
tec
execute0_lowered:
.L_overlay_start_1:
0x0: {  	(tag) =	ssettag $0x1  }
0x1: {  	s5 =	rddreg [dreg:$0x0]  }
0x2: {  	s1 =	rddreg [dreg:$0x1]  }
0x3: {  	s3 =	simm.s32 $0x0;
	s4 =	srdreg.scid;
	s0 =	stileid.u32  }
0x4: {  	[smem:$0x7FF] =	sst s3;
	s8 =	sand.u32 $0x1, s4;
	s4 =	smul.u32 $0x280, s0  }
0x5: {  	s6 =	sshll.u32 s0, $0xB;
	s12 =	sadd.s32 $0x12E00, s5;
	s11 =	smul.u32 $0x14000, s0  }
0x6: {  	_ =	strace $0x80000047;
	s7 =	ssub.s32 $0x2, s8;
	s9 =	sadd.s32 s6, s5  }
0x7: {  	s14 =	smul.u32 $0x140000, s8;
	s8 =	sshll.u32 s8, $0xF;
	s30 =	sshrl.u32 s7, $0x1  }
0x8: {  	s20 =	sor.u32 $0x10, s4;
	s21 =	sor.u32 $0x20, s4;
	s22 =	sor.u32 $0x50, s4  }
0x9: {  	s5 =	sadd.s32 $0xA0, s4;
	s10 =	sadd.s32 $0xF0, s4;
	s15 =	sadd.s32 $0x140, s4  }
0xa: {  	s23 =	sadd.s32 $0x190, s4;
	s31 =	sadd.s32 $0x1E0, s4;
	s6 =	sadd.s32 s8, s9  }
0xb: {  	s0 =	sor.u32 $0x30, s4;
	s8 =	sadd.s32 $0x100, s4;
	[dreg:$0x5] =	wrdreg s31  }
0xc: {  	s2 =	ssub.s32 s7, s30;
	s7 =	sadd.s32 $0x230, s4;
	[dreg:$0xb] =	wrdreg s6  }
0xd: {  	s9 =	sshll.u32 s22, $0x7;
	s13 =	sadd.s32 s11, s14;
	s17 =	sshll.u32 s5, $0x7  }
0xe: {  	s19 =	sshll.u32 s10, $0x7;
	s24 =	sshll.u32 s15, $0x7;
	s28 =	sshll.u32 s23, $0x7  }
0xf: {  	v39 =	vlaneseq.u32;
	s6 =	sadd.s32 $0xD0, s4;
	s11 =	sadd.s32 $0x120, s4;
	[dreg:$0x3] =	wrdreg s2  }
0x10: {  	v0 =	vor.u32 s20, v39;
	v1 =	vor.u32 s21, v39;
	s20 =	sadd.s32 $0x1B0, s4;
	s21 =	sadd.s32 $0x1C0, s4;
	[dreg:$0x4] =	wrdreg s7  }
0x11: {  	v2 =	vor.u32 s0, v39;
	v4 =	vor.u32 s22, v39;
	s22 =	sadd.s32 $0x1F0, s4;
	s0 =	sadd.s32 $0x260, s4;
	[dreg:$0xe] =	wrdreg s13  }
0x12: {  	s16 =	sadd.s32 s14, s9;
	s18 =	sadd.s32 s14, s17;
	s25 =	sadd.s32 s14, s19  }
0x13: {  	s26 =	sadd.s32 s14, s24;
	s29 =	sadd.s32 s14, s28;
	v13 =	vor.u32 s6, v39;
	s6 =	rddreg [dreg:$0xb]  }
0x14: {  	s28 =	sor.u32 $0x60, s4;
	s24 =	sadd.s32 $0xB0, s4;
	[dreg:$0xd] =	wrdreg s16  }
0x15: {  	s2 =	sadd.s32 $0xC0, s4;
	s9 =	sadd.s32 $0x110, s4;
	[dreg:$0xa] =	wrdreg s18  }
0x16: {  	s13 =	sadd.s32 $0x130, s4;
	s17 =	sadd.s32 $0x150, s4;
	[dreg:$0xc] =	wrdreg s25  }
0x17: {  	s19 =	sadd.s32 $0x1A0, s4;
	v27 =	vor.u32 s20, v39;
	s20 =	simm.s32 $0x6980;
	[dreg:$0x9] =	wrdreg s26  }
0x18: {  	v28 =	vor.u32 s21, v39;
	v31 =	vor.u32 s22, v39;
	s21 =	simm.s32 $0x6A00;
	s22 =	simm.s32 $0x6A80;
	[dreg:$0x7] =	wrdreg s29  }
0x19: {  	v9 =	vor.u32 s5, v39;
	s16 =	sshll.u32 s31, $0x7;
	s25 =	sshll.u32 s7, $0x7;
	s5 =	rddreg [dreg:$0xe]  }
0x1a: {  	v25 =	vor.u32 s23, v39;
	s26 =	sor.u32 $0x40, s4;
	s7 =	sadd.s32 $0xE0, s4;
	s23 =	rddreg [dreg:$0x3]  }
0x1b: {  	s29 =	sor.u32 $0x70, s4;
	s18 =	sadd.s32 $0x180, s4;
	v14 =	vor.u32 s7, v39;
	s7 =	rddreg [dreg:$0xd]  }
0x1c: {  	v16 =	vor.u32 s8, v39;
	v5 =	vor.u32 s28, v39;
	s28 =	sadd.s32 $0x210, s4;
	v10 =	vor.u32 s24, v39;
	s24 =	sadd.s32 $0x270, s4;
	s8 =	rddreg [dreg:$0xa]  }
0x1d: {  	v17 =	vor.u32 s9, v39;
	s30 =	sadd.s32 s14, s16;
	s31 =	sadd.s32 s14, s25;
	s9 =	rddreg [dreg:$0xc]  }
0x1e: {  	v19 =	vor.u32 s13, v39;
	s16 =	sadd.s32 $0x160, s4;
	s14 =	sadd.s32 $0x170, s4;
	s13 =	rddreg [dreg:$0x9]  }
0x1f: {  	v20 =	vor.u32 s15, v39;
	s25 =	sadd.s32 $0x1D0, s4;
	v3 =	vor.u32 s26, v39;
	s26 =	sadd.s32 $0x200, s4;
	s15 =	rddreg [dreg:$0x7]  }
0x20: {  	v6 =	vor.u32 s29, v39;
	s29 =	sadd.s32 $0x220, s4;
	s5 =	sshrl.u32 s5, $0x3;
	[dreg:$0x8] =	wrdreg s30  }
0x21: {  	v24 =	vor.u32 s18, v39;
	s18 =	simm.s32 $0x6880;
	[dreg:$0x6] =	wrdreg s31;
	s30 =	sadd.s32 $0x80, s4  }
0x22: {  	v12 =	vor.u32 s2, v39;
	s31 =	sadd.s32 $0x90, s4;
	s5 =	sadd.s32 s12, s5;
	s2 =	sshrl.u32 s7, $0x3  }
0x23: {  	v15 =	vor.u32 s10, v39;
	s10 =	sshrl.u32 s9, $0x3;
	v23 =	vor.u32 s14, v39;
	v29 =	vor.u32 s25, v39;
	s14 =	simm.s32 $0x1;
	s25 =	rddreg [dreg:$0x5]  }
0x24: {  	v32 =	vor.u32 s26, v39;
	v34 =	vor.u32 s29, v39;
	s29 =	rddreg [dreg:$0x4];
	s26 =	simm.s32 $0x0;
	v7 =	vor.u32 s30, v39;
	s30 =	sadd.s32 $0x240, s4  }
0x25: {  	v11 =	vor.u32 s4, v39;
	v8 =	vor.u32 s31, v39;
	s31 =	sadd.s32 $0x250, s4;
	s4 =	sadd.s32 $0x2E00, s6;
	s6 =	sadd.s32 s12, s2  }
0x26: {  	v18 =	vor.u32 s11, v39;
	v22 =	vor.u32 s16, v39;
	s2 =	sshrl.u32 s8, $0x3;
	s8 =	sadd.s32 s12, s10;
	s16 =	rddreg [dreg:$0x8]  }
0x27: {  	v38 =	vor.u32 s0, v39;
	v26 =	vor.u32 s19, v39;
	s19 =	rddreg [dreg:$0x6];
	v30 =	vor.u32 s25, v39;
	s25 =	simm.s32 $0x4000;
	s7 =	sadd.s32 s12, s2  }
0x28: {  	v21 =	vor.u32 s17, v39;
	v33 =	vor.u32 s28, v39;
	v35 =	vor.u32 s29, v39;
	s2 =	sshrl.u32 s13, $0x3;
	s17 =	sshrl.u32 s16, $0x3;
	s13 =	smax.u32 s23, $0x1  }
0x29: {  	s16 =	simm.s32 $0x6800;
	v36 =	vor.u32 s30, v39;
	v37 =	vor.u32 s31, v39;
	s23 =	simm.s32 $0x6B00;
	v39 =	vor.u32 s24, v39;
	s24 =	simm.s32 $0x6B80  }
0x2a: {  	s9 =	sadd.s32 s12, s2;
	s2 =	sshrl.u32 s15, $0x3;
	s11 =	sadd.s32 s12, s17  }
0x2b: {  	s15 =	simm.s32 $0x50;
	s10 =	sadd.s32 s12, s2;
	s2 =	sshrl.u32 s19, $0x3  }
0x2c: {  	v40 =	vimm.f32 $1.000000000e+00;
	v41 =	vimm.f32 $0.0e+00;
	s17 =	simm.s32 $0x6C00;
	s19 =	simm.s32 $0x6900;
	s12 =	sadd.s32 s12, s2  }
.LBB2_1:
0x2d: {  	s28 =	simm.s32 $0x0  }
.LBB2_2:
0x2e: {  	p0 =	sne.s32 s28, $0x9E00  }
.Ltmp0:
0x2f: {  	_ = 	snop;
	(pc) =	sbr.rel @p0 .LBB2_2-.Ltmp0, $3  }
0x30: {  	_ =	sdelay $0x1  }
0x31: {  	s0 =	sshra.s32 s28, $0x2  }
0x32: {  	s28 =	sadd.s32 $0x200, s28;
	[tilespmem:s0+$0x4000] =	vst v40  }
0x33: {  	s28 =	simm.s32 $0x200;
	s29 =	simm.s32 $0x0  }
.LBB2_4:
0x34: {  	p0 =	sne.s32 s28, $0x9E00;
	[tilespmem:s29+$0x6C00] =	vst v41;
	s0 =	smov.u32 s28;
	s28 =	sadd.s32 $0x200, s28  }
.Ltmp1:
0x35: {  	(pc) =	sbr.rel @p0 .LBB2_4-.Ltmp1, $2  }
0x36: {  	_ =	sdelay $0x2  }
0x37: {  	s29 =	sshra.s32 s0, $0x2  }
0x38: {  	[tilespmem:s29+$0x6C00] =	vst v41  }
0x39: {  	[tilespmem:$0x6800] =	vst v11  }
0x3a: {  	[tilespmem:$0x6810] =	vst v0  }
0x3b: {  	[tilespmem:$0x6820] =	vst v1  }
0x3c: {  	[tilespmem:$0x6830] =	vst v2  }
0x3d: {  	[tilespmem:$0x6840] =	vst v3  }
0x3e: {  	[tilespmem:$0x6880] =	vst v4  }
0x3f: {  	[tilespmem:$0x6890] =	vst v5  }
0x40: {  	[tilespmem:$0x68A0] =	vst v6  }
0x41: {  	[tilespmem:$0x68B0] =	vst v7  }
0x42: {  	[tilespmem:$0x68C0] =	vst v8  }
0x43: {  	[tilespmem:$0x6900] =	vst v9  }
0x44: {  	[tilespmem:$0x6910] =	vst v10  }
0x45: {  	[tilespmem:$0x6920] =	vst v12  }
0x46: {  	[tilespmem:$0x6930] =	vst v13  }
0x47: {  	[tilespmem:$0x6940] =	vst v14  }
0x48: {  	[tilespmem:$0x6980] =	vst v15  }
0x49: {  	[tilespmem:$0x6990] =	vst v16  }
0x4a: {  	[tilespmem:$0x69A0] =	vst v17  }
0x4b: {  	[tilespmem:$0x69B0] =	vst v18  }
0x4c: {  	[tilespmem:$0x69C0] =	vst v19  }
0x4d: {  	[tilespmem:$0x6A00] =	vst v20  }
0x4e: {  	[tilespmem:$0x6A10] =	vst v21  }
0x4f: {  	[tilespmem:$0x6A20] =	vst v22  }
0x50: {  	[tilespmem:$0x6A30] =	vst v23  }
0x51: {  	[tilespmem:$0x6A40] =	vst v24  }
0x52: {  	[tilespmem:$0x6A80] =	vst v25  }
0x53: {  	[tilespmem:$0x6A90] =	vst v26  }
0x54: {  	[tilespmem:$0x6AA0] =	vst v27  }
0x55: {  	[tilespmem:$0x6AB0] =	vst v28  }
0x56: {  	[tilespmem:$0x6AC0] =	vst v29  }
0x57: {  	[tilespmem:$0x6B00] =	vst v30  }
0x58: {  	[tilespmem:$0x6B10] =	vst v31  }
0x59: {  	[tilespmem:$0x6B20] =	vst v32  }
0x5a: {  	[tilespmem:$0x6B30] =	vst v33  }
0x5b: {  	[tilespmem:$0x6B40] =	vst v34  }
0x5c: {  	[tilespmem:$0x6B80] =	vst v35  }
0x5d: {  	[tilespmem:$0x6B90] =	vst v36  }
0x5e: {  	[tilespmem:$0x6BA0] =	vst v37  }
0x5f: {  	[tilespmem:$0x6BB0] =	vst v38  }
0x60: {  	s0 =	simm.s32 $0x0;
	[tilespmem:$0x6BC0] =	vst v39  }
0x61: {  	[tilespmem:s0], [sflag:$0x1] =	stream.linear.gather [hbm4b:s4+s0], $0x3E80, $0x38;
	[tilespmem:$0xBC00] =	vst v63  }
0x62: {  	_ =	swait.ge [sflag:s14], $0x3E80  }
0x63: {  	[sflag:s14] =	ssyncset.done $0x0  }
0x64: {  	[sflag:s14] =	ssyncadd.s32 $0xFFFFC180  }
0x65: {  	[spmem:s1] =	stream.indirect.scatter [tilespmem:s17], [sflag:$0x1], $0x10, s16, s15, $0xb8;
	[tilespmem:$0xBC00] =	vst v63  }
0x66: {  	_ =	swait.ge [sflag:s14], $0x500  }
0x67: {  	[sflag:s14] =	ssyncset.done $0x0  }
0x68: {  	[sflag:s14] =	ssyncadd.s32 $0xFFFFFB00  }
0x69: {  	[spmem:s1] =	stream.indirect.scatter [tilespmem:s17], [sflag:$0x1], $0x10, s18, s15, $0xb8;
	[tilespmem:$0xBC00] =	vst v63  }
0x6a: {  	_ =	swait.ge [sflag:s14], $0x500  }
0x6b: {  	[sflag:s14] =	ssyncset.done $0x0  }
0x6c: {  	[sflag:s14] =	ssyncadd.s32 $0xFFFFFB00  }
0x6d: {  	[spmem:s1] =	stream.indirect.scatter [tilespmem:s17], [sflag:$0x1], $0x10, s19, s15, $0xb8;
	[tilespmem:$0xBC00] =	vst v63  }
0x6e: {  	_ =	swait.ge [sflag:s14], $0x500  }
0x6f: {  	[sflag:s14] =	ssyncset.done $0x0  }
0x70: {  	[sflag:s14] =	ssyncadd.s32 $0xFFFFFB00  }
0x71: {  	[spmem:s1] =	stream.indirect.scatter [tilespmem:s17], [sflag:$0x1], $0x10, s20, s15, $0xb8;
	[tilespmem:$0xBC00] =	vst v63  }
0x72: {  	_ =	swait.ge [sflag:s14], $0x500  }
0x73: {  	[sflag:s14] =	ssyncset.done $0x0  }
0x74: {  	[sflag:s14] =	ssyncadd.s32 $0xFFFFFB00  }
0x75: {  	[spmem:s1] =	stream.indirect.scatter [tilespmem:s17], [sflag:$0x1], $0x10, s21, s15, $0xb8;
	[tilespmem:$0xBC00] =	vst v63  }
0x76: {  	_ =	swait.ge [sflag:s14], $0x500  }
0x77: {  	[sflag:s14] =	ssyncset.done $0x0  }
0x78: {  	[sflag:s14] =	ssyncadd.s32 $0xFFFFFB00  }
0x79: {  	[spmem:s1] =	stream.indirect.scatter [tilespmem:s17], [sflag:$0x1], $0x10, s22, s15, $0xb8;
	[tilespmem:$0xBC00] =	vst v63  }
0x7a: {  	_ =	swait.ge [sflag:s14], $0x500  }
0x7b: {  	[sflag:s14] =	ssyncset.done $0x0  }
0x7c: {  	[sflag:s14] =	ssyncadd.s32 $0xFFFFFB00  }
0x7d: {  	[spmem:s1] =	stream.indirect.scatter [tilespmem:s17], [sflag:$0x1], $0x10, s23, s15, $0xb8;
	[tilespmem:$0xBC00] =	vst v63  }
0x7e: {  	_ =	swait.ge [sflag:s14], $0x500  }
0x7f: {  	[sflag:s14] =	ssyncset.done $0x0  }
0x80: {  	[sflag:s14] =	ssyncadd.s32 $0xFFFFFB00  }
0x81: {  	[spmem:s1] =	stream.indirect.scatter [tilespmem:s17], [sflag:$0x1], $0x10, s24, s15, $0xb8;
	[tilespmem:$0xBC00] =	vst v63  }
0x82: {  	_ =	swait.ge [sflag:s14], $0x500  }
0x83: {  	[sflag:s14] =	ssyncset.done $0x0  }
0x84: {  	[sflag:s14] =	ssyncadd.s32 $0xFFFFFB00  }
0x85: {  	s31 =	simm.s32 $0x0;
	[bflag:$0x0] =	sbarrier.arrive $0xFFFF  }
0x86: {  	[spmem:s1] =	stream.indirect.scatter.add.f32 [tilespmem:s25], [sflag:$0x1], $0x10, s31, s15, $0xb8;
	[tilespmem:$0xBC00] =	vst v63  }
0x87: {  	_ =	swait.ge [sflag:s14], $0x500  }
0x88: {  	s28 =	simm.s32 $0x200;
	[sflag:s14] =	ssyncset.done $0x0  }
.LBB2_6:
0x89: {  	s0 =	sshra.s32 s28, $0x2;
	[sflag:s14] =	ssyncadd.s32 $0xFFFFFB00;
	p0 =	sne.s32 s28, $0xF800  }
0x8a: {  	[spmem:s1] =	stream.indirect.scatter.add.f32 [tilespmem:s25], [sflag:$0x1], $0x10, s0, s15, $0xb8;
	[tilespmem:$0xBC00] =	vst v63  }
.Ltmp2:
0x8b: {  	_ = 	snop;
	(pc) =	sbr.rel @p0 .LBB2_6-.Ltmp2, $4  }
0x8c: {  	_ = 	snop  }
0x8d: {  	s28 =	sadd.s32 $0x200, s28  }
0x8e: {  	_ =	swait.ge [sflag:s14], $0x500  }
0x8f: {  	[sflag:s14] =	ssyncset.done $0x0  }
0x90: {  	[sflag:s14] =	ssyncadd.s32 $0xFFFFFB00  }
0x91: {  	[bflag:$0x0] =	sbarrier.arrive $0xFFFF  }
0x92: {  	[tilespmem:s17], [sflag:$0x1] =	stream.indirect.gather [spmem:s1], $0x10, s16, s15, $0xb8;
	[tilespmem:$0xBC00] =	vst v63  }
0x93: {  	_ =	swait.ge [sflag:s14], $0x500  }
0x94: {  	[sflag:s14] =	ssyncset.done $0x0  }
0x95: {  	[sflag:s14] =	ssyncadd.s32 $0xFFFFFB00  }
0x96: {  	[hbm4b:s5+s3] =	stream.linear.scatter [tilespmem:s17], [sflag:$0x1], $0x2800, $0x38;
	[tilespmem:$0xBC00] =	vst v63  }
0x97: {  	_ =	swait.ge [sflag:s14], $0x2800  }
0x98: {  	[sflag:s14] =	ssyncset.done $0x0  }
0x99: {  	[sflag:s14] =	ssyncadd.s32 $0xFFFFD800  }
0x9a: {  	[tilespmem:s17], [sflag:$0x1] =	stream.indirect.gather [spmem:s1], $0x10, s18, s15, $0xb8;
	[tilespmem:$0xBC00] =	vst v63  }
0x9b: {  	_ =	swait.ge [sflag:s14], $0x500  }
0x9c: {  	[sflag:s14] =	ssyncset.done $0x0  }
0x9d: {  	[sflag:s14] =	ssyncadd.s32 $0xFFFFFB00  }
0x9e: {  	[hbm4b:s6+s3] =	stream.linear.scatter [tilespmem:s17], [sflag:$0x1], $0x2800, $0x38;
	[tilespmem:$0xBC00] =	vst v63  }
0x9f: {  	_ =	swait.ge [sflag:s14], $0x2800  }
0xa0: {  	[sflag:s14] =	ssyncset.done $0x0  }
0xa1: {  	[sflag:s14] =	ssyncadd.s32 $0xFFFFD800  }
0xa2: {  	[tilespmem:s17], [sflag:$0x1] =	stream.indirect.gather [spmem:s1], $0x10, s19, s15, $0xb8;
	[tilespmem:$0xBC00] =	vst v63  }
0xa3: {  	_ =	swait.ge [sflag:s14], $0x500  }
0xa4: {  	[sflag:s14] =	ssyncset.done $0x0  }
0xa5: {  	[sflag:s14] =	ssyncadd.s32 $0xFFFFFB00  }
0xa6: {  	[hbm4b:s7+s3] =	stream.linear.scatter [tilespmem:s17], [sflag:$0x1], $0x2800, $0x38;
	[tilespmem:$0xBC00] =	vst v63  }
0xa7: {  	_ =	swait.ge [sflag:s14], $0x2800  }
0xa8: {  	[sflag:s14] =	ssyncset.done $0x0  }
0xa9: {  	[sflag:s14] =	ssyncadd.s32 $0xFFFFD800  }
0xaa: {  	[tilespmem:s17], [sflag:$0x1] =	stream.indirect.gather [spmem:s1], $0x10, s20, s15, $0xb8;
	[tilespmem:$0xBC00] =	vst v63  }
0xab: {  	_ =	swait.ge [sflag:s14], $0x500  }
0xac: {  	[sflag:s14] =	ssyncset.done $0x0  }
0xad: {  	[sflag:s14] =	ssyncadd.s32 $0xFFFFFB00  }
0xae: {  	[hbm4b:s8+s3] =	stream.linear.scatter [tilespmem:s17], [sflag:$0x1], $0x2800, $0x38;
	[tilespmem:$0xBC00] =	vst v63  }
0xaf: {  	_ =	swait.ge [sflag:s14], $0x2800  }
0xb0: {  	[sflag:s14] =	ssyncset.done $0x0  }
0xb1: {  	[sflag:s14] =	ssyncadd.s32 $0xFFFFD800  }
0xb2: {  	[tilespmem:s17], [sflag:$0x1] =	stream.indirect.gather [spmem:s1], $0x10, s21, s15, $0xb8;
	[tilespmem:$0xBC00] =	vst v63  }
0xb3: {  	_ =	swait.ge [sflag:s14], $0x500  }
0xb4: {  	[sflag:s14] =	ssyncset.done $0x0  }
0xb5: {  	[sflag:s14] =	ssyncadd.s32 $0xFFFFFB00  }
0xb6: {  	[hbm4b:s9+s3] =	stream.linear.scatter [tilespmem:s17], [sflag:$0x1], $0x2800, $0x38;
	[tilespmem:$0xBC00] =	vst v63  }
0xb7: {  	_ =	swait.ge [sflag:s14], $0x2800  }
0xb8: {  	[sflag:s14] =	ssyncset.done $0x0  }
0xb9: {  	[sflag:s14] =	ssyncadd.s32 $0xFFFFD800  }
0xba: {  	[tilespmem:s17], [sflag:$0x1] =	stream.indirect.gather [spmem:s1], $0x10, s22, s15, $0xb8;
	[tilespmem:$0xBC00] =	vst v63  }
0xbb: {  	_ =	swait.ge [sflag:s14], $0x500  }
0xbc: {  	[sflag:s14] =	ssyncset.done $0x0  }
0xbd: {  	[sflag:s14] =	ssyncadd.s32 $0xFFFFFB00  }
0xbe: {  	[hbm4b:s10+s3] =	stream.linear.scatter [tilespmem:s17], [sflag:$0x1], $0x2800, $0x38;
	[tilespmem:$0xBC00] =	vst v63  }
0xbf: {  	_ =	swait.ge [sflag:s14], $0x2800  }
0xc0: {  	[sflag:s14] =	ssyncset.done $0x0  }
0xc1: {  	[sflag:s14] =	ssyncadd.s32 $0xFFFFD800  }
0xc2: {  	[tilespmem:s17], [sflag:$0x1] =	stream.indirect.gather [spmem:s1], $0x10, s23, s15, $0xb8;
	[tilespmem:$0xBC00] =	vst v63  }
0xc3: {  	_ =	swait.ge [sflag:s14], $0x500  }
0xc4: {  	[sflag:s14] =	ssyncset.done $0x0  }
0xc5: {  	[sflag:s14] =	ssyncadd.s32 $0xFFFFFB00  }
0xc6: {  	[hbm4b:s11+s3] =	stream.linear.scatter [tilespmem:s17], [sflag:$0x1], $0x2800, $0x38;
	[tilespmem:$0xBC00] =	vst v63  }
0xc7: {  	_ =	swait.ge [sflag:s14], $0x2800  }
0xc8: {  	[sflag:s14] =	ssyncset.done $0x0  }
0xc9: {  	[sflag:s14] =	ssyncadd.s32 $0xFFFFD800  }
0xca: {  	[tilespmem:s17], [sflag:$0x1] =	stream.indirect.gather [spmem:s1], $0x10, s24, s15, $0xb8;
	[tilespmem:$0xBC00] =	vst v63  }
0xcb: {  	s26 =	sadd.s32 $0x1, s26;
	_ =	swait.ge [sflag:s14], $0x500  }
0xcc: {  	p0 =	sne.s32 s26, s13;
	[sflag:s14] =	ssyncset.done $0x0  }
.Ltmp3:
0xcd: {  	[sflag:s14] =	ssyncadd.s32 $0xFFFFFB00;
	(pc) =	sbr.rel @p0 .LBB2_1-.Ltmp3, $4  }
0xce: {  	[hbm4b:s12+s3] =	stream.linear.scatter [tilespmem:s17], [sflag:$0x1], $0x2800, $0x38;
	[tilespmem:$0xBC00] =	vst v63  }
0xcf: {  	_ =	swait.ge [sflag:s14], $0x2800  }
0xd0: {  	[sflag:s14] =	ssyncset.done $0x0  }
0xd1: {  	[sflag:s14] =	ssyncadd.s32 $0xFFFFD800  }
0xd2: {  	_ =	sfence.sel $0x180000  }
0xd3: {  	[bflag:$0x0] =	sbarrier.arrive $0xFFFF  }
0xd4: {  	_ =	strace $0x90000047  }
0xd5: {  	s0 =	stileid.u32;
	[bflag:$0x2] =	sbarrier.arrive $0xFFFF  }
0xd6: {  	p0 =	sne.s32 s0, $0x0;
	s0 =	rddreg [dreg:$0x2]  }
0xd7: {  	s0 =	sadd.s32 @!p0 $0x100000, s0  }
0xd8: {  	[sflag:s0] =	ssyncadd.tile.s32 @!p0 $0x1;
	_ =	shalt  }
.Lfunc_end2:
_tile_overlayer_lowered:
.L_overlay_start_2:
0xd9: {  	(tag) =	ssettag $0x2  }
0xda: {  	s0 =	rddreg [dreg:$0x0];
	s2 =	stileid.u32  }
0xdb: {  	s1 =	rddreg [dreg:$0x1];
	p0 =	sne.s32 s2, $0x0  }
0xdc: {  	s3 =	rddreg [dreg:$0x2];
	[bflag:$0x3] =	sbarrier.arrive $0xFFFF;
	s2 =	simm.s32 @!p0 $0x1C01  }
0xdd: {  	[timem:s3], [sflag:s2] =	dma.local @!p0 [hbm:s0], s1  }
0xde: {  	s0 =	simm.s32 @!p0 $0x1  }
0xdf: {  	_ =	swait.ge @!p0 [sflag:s0], s1  }
0xe0: {  	s1 =	ssub.s32 @!p0 $0x0, s1;
	[sflag:s0] =	ssyncset.done @!p0 $0x0  }
0xe1: {  	[sflag:s0] =	ssyncadd.s32 @!p0 s1  }
0xe2: {  	[bflag:$0x3] =	sbarrier.arrive $0xFFFF  }
0xe3: {  	_ =	shalt  }

</sc_bundles>
